<compile_context>
chip_gen: v7x
topology: tpu7x:2x2x1
jax: 0.10.2.dev20260603
libtpu: 0.0.44.dev20260713+nightly
codegen_flags: <defaults>
</compile_context>

<pallas_src>
import functools

import jax
import jax.numpy as jnp
import numpy as np
from jax import lax
from jax.experimental import pallas as pl
from jax.experimental.pallas import tpu as pltpu
from jax.experimental.pallas import tpu_sc as plsc

SH_C0 = 0.28209479177387814
SH_C1 = 0.4886025119029199
SH_C2 = [1.0925484305920792, -1.0925484305920792, 0.31539156525252005,
         -1.0925484305920792, 0.5462742152960396]

NUM_CODES = 4096
CODE_DIM = 32
NUM_NEIGHBORS = 16
SH_BASIS_DIM = 9
SH_WIDTH = CODE_DIM * SH_BASIS_DIM
NUM_POINTS = 8192
QBLK = 1024
IDX_MASK = ~4095
INT_MAX = 2147483647
INT_MIN = -2147483648

TW = 384
NW = 32
NQW = NUM_POINTS // NW
OUTW = CODE_DIM + SH_WIDTH


def _tc_topk_body(qT_ref, cpos_ref, idx_ref):
    qT = qT_ref[...]
    cpos = cpos_ref[...]
    mm = jnp.dot(cpos.astype(jnp.bfloat16), qT.astype(jnp.bfloat16),
                 preferred_element_type=jnp.float32)
    qq = jnp.sum(qT * qT, axis=0, keepdims=True)
    cc = jnp.sum(cpos * cpos, axis=1, keepdims=True)
    d2sel = qq + cc - 2.0 * mm
    iota = jax.lax.broadcasted_iota(jnp.int32, (NUM_CODES, QBLK), 0)
    p = jnp.bitwise_or(
        jnp.bitwise_and(jax.lax.bitcast_convert_type(d2sel, jnp.int32),
                        IDX_MASK),
        iota)

    def step(i, m):
        m2 = jnp.min(jnp.where(p > m, p, INT_MAX), axis=0, keepdims=True)
        idx_ref[pl.ds(i, 1), :] = jnp.bitwise_and(m2, 4095)
        return m2

    jax.lax.fori_loop(0, NUM_NEIGHBORS, step,
                      jnp.full((1, QBLK), INT_MIN, jnp.int32))


def _sc_gather(table_hbm, idxq_hbm, qpad_hbm, out_hbm,
               idx_v, qp_v, row_v, o_v, gsem):
    wid = lax.axis_index("s") * 2 + lax.axis_index("c")
    base = wid * NQW
    pltpu.sync_copy(idxq_hbm.at[pl.ds(base, NQW)], idx_v)
    pltpu.sync_copy(qpad_hbm.at[pl.ds(base, NQW)], qp_v)

    lane = lax.iota(jnp.int32, 16)
    ROT1 = jnp.bitwise_and(lane + 1, 15)
    ROT2 = jnp.bitwise_and(lane + 2, 15)
    ZER = jnp.bitwise_and(lane, 0)

    _DN = lax.GatherDimensionNumbers(offset_dims=(), collapsed_slice_dims=(0,),
                                     start_index_map=(0,))

    def take16(v, idx):
        return lax.gather(v, idx[:, None], _DN, (1,),
                          mode=lax.GatherScatterMode.PROMISE_IN_BOUNDS)

    def bcast_d2(sq):
        s = sq + take16(sq, ROT1) + take16(sq, ROT2)
        return take16(s, ZER)

    def body(qi, carry):
        pltpu.async_copy(table_hbm.at[idx_v.at[qi]], row_v, gsem).wait()
        qc = qp_v[qi, pl.ds(0, 16)]
        ws = []
        wsum = None
        for j in range(NUM_NEIGHBORS):
            diff = qc - row_v[j, pl.ds(0, 16)]
            d2 = bcast_d2(diff * diff)
            w = 1.0 / (d2 + 1e-16)
            ws.append(w)
            wsum = w if wsum is None else wsum + w
        inv = 1.0 / wsum
        for k in range(OUTW // 16):
            acc = ws[0] * row_v[0, pl.ds(16 + k * 16, 16)]
            for j in range(1, NUM_NEIGHBORS):
                acc = acc + ws[j] * row_v[j, pl.ds(16 + k * 16, 16)]
            o_v[pl.ds(k * 16, 16)] = acc * inv
        pltpu.sync_copy(o_v, out_hbm.at[base + qi])
        return carry

    jax.lax.fori_loop(0, NQW, body, 0)


def _tc_sh_body(g_ref, vT_ref, sel_ref, out_ref):
    GT = g_ref[...]
    vT = vT_ref[...]
    x = vT[0:1, :]
    y = vT[1:2, :]
    z = vT[2:3, :]
    xx, yy, zz = x * x, y * y, z * z
    shb = [
        jnp.full((1, QBLK), SH_C0, jnp.float32),
        -SH_C1 * y,
        SH_C1 * z,
        -SH_C1 * x,
        SH_C2[0] * (x * y),
        SH_C2[1] * (y * z),
        SH_C2[2] * (2.0 * zz - xx - yy),
        SH_C2[3] * (x * z),
        SH_C2[4] * (xx - yy),
    ]
    bidx = jax.lax.broadcasted_iota(jnp.int32, (SH_WIDTH, QBLK), 0) % SH_BASIS_DIM
    MT = jnp.zeros((SH_WIDTH, QBLK), jnp.float32)
    for b in range(SH_BASIS_DIM):
        MT = jnp.where(bidx == b, shb[b], MT)
    out_ref[...] = jnp.dot(sel_ref[...], GT * MT,
                           preferred_element_type=jnp.float32)


def kernel(codes_position, codes, sh_codes, indices, query_points, viewdirs):
    idx0 = indices[0]
    cpos = codes_position[idx0]
    codes_sel = codes[idx0]
    sh_sel = sh_codes[idx0]
    qT = query_points[0].T
    vT = viewdirs.T

    idx16 = pl.pallas_call(
        _tc_topk_body,
        grid=(NUM_POINTS // QBLK,),
        in_specs=[
            pl.BlockSpec((3, QBLK), lambda i: (0, i)),
            pl.BlockSpec((NUM_CODES, 3), lambda i: (0, 0)),
        ],
        out_specs=pl.BlockSpec((NUM_NEIGHBORS, QBLK), lambda i: (0, i)),
        out_shape=jax.ShapeDtypeStruct((NUM_NEIGHBORS, NUM_POINTS), jnp.int32),
    )(qT, cpos)
    idxq = idx16.T

    table = jnp.concatenate(
        [cpos, jnp.zeros((NUM_CODES, 13), jnp.float32), codes_sel, sh_sel,
         jnp.zeros((NUM_CODES, 48), jnp.float32)],
        axis=1)

    sc_call = functools.partial(
        pl.kernel,
        mesh=plsc.VectorSubcoreMesh(core_axis_name="c", subcore_axis_name="s"),
        out_type=jax.ShapeDtypeStruct((NUM_POINTS, OUTW), jnp.float32),
        scratch_types=[
            pltpu.VMEM((NQW, NUM_NEIGHBORS), jnp.int32),
            pltpu.VMEM((NQW, 16), jnp.float32),
            pltpu.VMEM((NUM_NEIGHBORS, TW), jnp.float32),
            pltpu.VMEM((OUTW,), jnp.float32),
            pltpu.SemaphoreType.DMA,
        ],
    )(_sc_gather)
    qpad = jnp.pad(query_points[0], ((0, 0), (0, 13)))
    G = sc_call(table, idxq, qpad)

    sel_np = np.zeros((CODE_DIM, SH_WIDTH), np.float32)
    sel_np[np.arange(SH_WIDTH) // SH_BASIS_DIM, np.arange(SH_WIDTH)] = 1.0
    sel = jnp.asarray(sel_np)

    out_sT = pl.pallas_call(
        _tc_sh_body,
        grid=(NUM_POINTS // QBLK,),
        in_specs=[
            pl.BlockSpec((SH_WIDTH, QBLK), lambda i: (0, i)),
            pl.BlockSpec((3, QBLK), lambda i: (0, i)),
            pl.BlockSpec((CODE_DIM, SH_WIDTH), lambda i: (0, 0)),
        ],
        out_specs=pl.BlockSpec((CODE_DIM, QBLK), lambda i: (0, i)),
        out_shape=jax.ShapeDtypeStruct((CODE_DIM, NUM_POINTS), jnp.float32),
    )(G[:, CODE_DIM:].T, vT, sel)
    return (G[:, :CODE_DIM], out_sT.T)

# --- scband reference (transcript-rebuilt; emitter-appended) ---
"""Pipeline reference for scband-shcode-cloud-67834713473578 (READ-ONLY COPY).

The authoritative reference and input builder live on the scoring server;
editing this copy changes nothing except your own understanding.
"""

import jax, jax.numpy as jnp
import numpy as np

SH_C0 = 0.28209479177387814
SH_C1 = 0.4886025119029199
SH_C2 = [1.0925484305920792, -1.0925484305920792, 0.31539156525252005, -1.0925484305920792, 0.5462742152960396]

NUM_RECORDS = 10
NUM_CODES = 4096
CODE_DIM = 32
NUM_NEIGHBORS = 16
DIST_SCALE = 2.0
SH_BASIS_DIM = 9
NUM_POINTS = 8192


def eval_sh_bases9(dirs):
    # faithful jnp port of eval_sh_bases for basis_dim=9
    x = dirs[..., 0]
    y = dirs[..., 1]
    z = dirs[..., 2]
    xx, yy, zz = x * x, y * y, z * z
    xy, yz, xz = x * y, y * z, x * z
    return jnp.stack([
        jnp.full_like(x, SH_C0),
        -SH_C1 * y,
        SH_C1 * z,
        -SH_C1 * x,
        SH_C2[0] * xy,
        SH_C2[1] * yz,
        SH_C2[2] * (2.0 * zz - xx - yy),
        SH_C2[3] * xz,
        SH_C2[4] * (xx - yy),
    ], axis=-1)


def setup_inputs(seed: int = 0) -> dict:
    key = jax.random.key(seed)
    k1, k2, k3, k4, k5, k6 = jax.random.split(key, 6)
    # learned parameters (per SHCodeCloud.__init__)
    codes_position = jax.random.uniform(k1, (NUM_RECORDS, NUM_CODES, 3), dtype=jnp.float32)
    codes = jax.random.normal(k2, (NUM_RECORDS, NUM_CODES, CODE_DIM), dtype=jnp.float32) * 0.01
    sh_codes = jax.random.normal(k3, (NUM_RECORDS, NUM_CODES, CODE_DIM * SH_BASIS_DIM), dtype=jnp.float32) * 0.01
    # forward args
    query_points = jax.random.uniform(k4, (1, NUM_POINTS, 3), dtype=jnp.float32)
    vd = jax.random.normal(k5, (NUM_POINTS, 3), dtype=jnp.float32)
    viewdirs = vd / (jnp.linalg.norm(vd, axis=-1, keepdims=True) + 1e-8)
    indices = jax.random.randint(k6, (1,), 0, NUM_RECORDS).astype(jnp.int64)
    return {
        'codes_position': codes_position,
        'codes': codes,
        'sh_codes': sh_codes,
        'indices': indices,
        'query_points': query_points,
        'viewdirs': viewdirs,
    }


def reference(codes_position, codes, sh_codes, indices, query_points, viewdirs):
    # ---- find_knn (faiss GpuIndexFlatL2 -> brute-force L2 + top_k) ----
    batch_codes_position = codes_position[indices]          # (1, K, 3)
    q = query_points[0]                                     # (Q, 3)
    c = batch_codes_position[0]                             # (K, 3)
    d2 = (jnp.sum(q * q, axis=-1, keepdims=True)
          + jnp.sum(c * c, axis=-1)[None, :]
          - 2.0 * q @ c.T)                                  # (Q, K)
    _, knn_idx = jax.lax.top_k(-d2, NUM_NEIGHBORS)          # (Q, nb) sorted ascending distance
    knn_idx = jax.lax.stop_gradient(knn_idx)
    # ---- SH feature gather + aggregation ----
    sh_feat = sh_codes[indices][:, knn_idx, :][0]           # (Q, nb, code_dim*9)
    sh_feat = sh_feat.reshape(NUM_POINTS, NUM_NEIGHBORS, CODE_DIM, SH_BASIS_DIM)
    sh_mult = eval_sh_bases9(viewdirs)[:, None, :]          # (Q, 1, 9)
    sh_mult = jnp.broadcast_to(sh_mult, (NUM_POINTS, NUM_NEIGHBORS, SH_BASIS_DIM))
    agg_sh_feat = jnp.sum(sh_mult[..., None, :] * sh_feat, axis=-1)  # (Q, nb, code_dim)
    # ---- inverse-distance weights ----
    neighbor_pos = codes_position[indices][:, knn_idx, :]   # (1, Q, nb, 3)
    square_dist = jnp.sum((query_points[:, :, None, :] - neighbor_pos) ** 2, axis=-1) + 1e-16
    weight = 1.0 / jnp.sqrt(square_dist) ** DIST_SCALE
    weight = weight / jnp.sum(weight, axis=-1, keepdims=True)  # (1, Q, nb)
    # ---- weighted code interpolation ----
    neighbor_codes = codes[indices][:, knn_idx, :][0]       # (Q, nb, code_dim)
    query_codes = jnp.matmul(weight[0][:, None, :], neighbor_codes)[:, 0, :]
    query_sh_codes = jnp.matmul(weight[0][:, None, :], agg_sh_feat)[:, 0, :]
    return (query_codes, query_sh_codes)

if __name__ == "__main__":
    import jax
    _d = setup_inputs()
    print(jax.jit(kernel)(*tuple(_d.values())))

</pallas_src>

<mosaic_0001>
#map = affine_map<(d0, d1) -> (0, 0)>
module attributes {stable_mosaic.version = 14 : i64} {
  func.func @_sc_gather(%arg0: i32, %arg1: i32, %arg2: memref<4096x384xf32, #tpu.memory_space<hbm>>, %arg3: memref<8192x16xi32, #tpu.memory_space<hbm>>, %arg4: memref<8192x16xf32, #tpu.memory_space<hbm>>, %arg5: memref<8192x320xf32, #tpu.memory_space<hbm>>, %arg6: memref<256x16xi32, #tpu.memory_space<vmem>>, %arg7: memref<256x16xf32, #tpu.memory_space<vmem>>, %arg8: memref<16x384xf32, #tpu.memory_space<vmem>>, %arg9: memref<320xf32, #tpu.memory_space<vmem>>, %arg10: memref<!tpu.dma_semaphore, #tpu.memory_space<semaphore_mem>>) attributes {dimension_semantics = [#tpu.dimension_semantics<core_parallel>, #tpu.dimension_semantics<subcore_parallel>], iteration_bounds = array<i64: 2, 16>, scalar_prefetch = 0 : i64, scratch_operands = 5 : i64, tpu.core_type = #tpu.core_type<sc_vector_subcore>, window_params = [{transform_indices = #map}, {transform_indices = #map}, {transform_indices = #map}, {transform_indices = #map}]} {
    %mul3A = arith.constant 2 : i32
    %mul3A_0 = arith.muli %arg1, %mul3A : i32
    %add3A = arith.addi %mul3A_0, %arg0 : i32
    %mul3A_1 = arith.constant 256 : i32
    %mul3A_2 = arith.muli %add3A, %mul3A_1 : i32
    "tpu.region"() ({
      %run_scoped3A = tpu.sem_alloc : memref<!tpu.dma_semaphore, #tpu.memory_space<semaphore_mem>>
      %dma_start3A = arith.constant 0 : i32
      %dma_start3A_22 = tpu.memref_slice %arg3[%mul3A_2, %dma_start3A] : memref<8192x16xi32, #tpu.memory_space<hbm>> -> memref<256x16xi32, #tpu.memory_space<hbm>>
      %dma_start3A_23 = arith.constant 0 : i32
      %dma_start3A_24 = tpu.memref_slice %arg3[%mul3A_2, %dma_start3A_23] : memref<8192x16xi32, #tpu.memory_space<hbm>> -> memref<256x16xi32, #tpu.memory_space<hbm>>
      tpu.enqueue_dma source(%dma_start3A_24 : memref<256x16xi32, #tpu.memory_space<hbm>>) target(%arg6 : memref<256x16xi32, #tpu.memory_space<vmem>>) target_semaphore(%run_scoped3A : memref<!tpu.dma_semaphore, #tpu.memory_space<semaphore_mem>>)
      %dma_wait3A = arith.constant 0 : i32
      %dma_wait3A_25 = tpu.memref_slice %arg3[%mul3A_2, %dma_wait3A] : memref<8192x16xi32, #tpu.memory_space<hbm>> -> memref<256x16xi32, #tpu.memory_space<hbm>>
      %dma_wait3A_26 = arith.constant 0 : i32
      %dma_wait3A_27 = tpu.memref_slice %arg3[%mul3A_2, %dma_wait3A_26] : memref<8192x16xi32, #tpu.memory_space<hbm>> -> memref<256x16xi32, #tpu.memory_space<hbm>>
      tpu.wait_dma2 semaphore(%run_scoped3A : memref<!tpu.dma_semaphore, #tpu.memory_space<semaphore_mem>>) src(%dma_wait3A_27 : memref<256x16xi32, #tpu.memory_space<hbm>>) dst(%arg6 : memref<256x16xi32, #tpu.memory_space<vmem>>)
      tpu.yield
    }) : () -> ()
    "tpu.region"() ({
      %run_scoped3A = tpu.sem_alloc : memref<!tpu.dma_semaphore, #tpu.memory_space<semaphore_mem>>
      %dma_start3A = arith.constant 0 : i32
      %dma_start3A_22 = tpu.memref_slice %arg4[%mul3A_2, %dma_start3A] : memref<8192x16xf32, #tpu.memory_space<hbm>> -> memref<256x16xf32, #tpu.memory_space<hbm>>
      %dma_start3A_23 = arith.constant 0 : i32
      %dma_start3A_24 = tpu.memref_slice %arg4[%mul3A_2, %dma_start3A_23] : memref<8192x16xf32, #tpu.memory_space<hbm>> -> memref<256x16xf32, #tpu.memory_space<hbm>>
      tpu.enqueue_dma source(%dma_start3A_24 : memref<256x16xf32, #tpu.memory_space<hbm>>) target(%arg7 : memref<256x16xf32, #tpu.memory_space<vmem>>) target_semaphore(%run_scoped3A : memref<!tpu.dma_semaphore, #tpu.memory_space<semaphore_mem>>)
      %dma_wait3A = arith.constant 0 : i32
      %dma_wait3A_25 = tpu.memref_slice %arg4[%mul3A_2, %dma_wait3A] : memref<8192x16xf32, #tpu.memory_space<hbm>> -> memref<256x16xf32, #tpu.memory_space<hbm>>
      %dma_wait3A_26 = arith.constant 0 : i32
      %dma_wait3A_27 = tpu.memref_slice %arg4[%mul3A_2, %dma_wait3A_26] : memref<8192x16xf32, #tpu.memory_space<hbm>> -> memref<256x16xf32, #tpu.memory_space<hbm>>
      tpu.wait_dma2 semaphore(%run_scoped3A : memref<!tpu.dma_semaphore, #tpu.memory_space<semaphore_mem>>) src(%dma_wait3A_27 : memref<256x16xf32, #tpu.memory_space<hbm>>) dst(%arg7 : memref<256x16xf32, #tpu.memory_space<vmem>>)
      tpu.yield
    }) : () -> ()
    %iota3A = tpu.iota {dimensions = array<i32: 0>} : vector<16xi32>
    %add3A_3 = arith.constant 1 : i32
    %add3A_4 = vector.broadcast %add3A_3 : i32 to vector<16xi32>
    %add3A_5 = arith.addi %iota3A, %add3A_4 : vector<16xi32>
    %and3A = arith.constant 15 : i32
    %and3A_6 = vector.broadcast %and3A : i32 to vector<16xi32>
    %and3A_7 = arith.andi %add3A_5, %and3A_6 : vector<16xi32>
    %add3A_8 = arith.constant 2 : i32
    %add3A_9 = vector.broadcast %add3A_8 : i32 to vector<16xi32>
    %add3A_10 = arith.addi %iota3A, %add3A_9 : vector<16xi32>
    %and3A_11 = arith.constant 15 : i32
    %and3A_12 = vector.broadcast %and3A_11 : i32 to vector<16xi32>
    %and3A_13 = arith.andi %add3A_10, %and3A_12 : vector<16xi32>
    %and3A_14 = arith.constant 0 : i32
    %and3A_15 = vector.broadcast %and3A_14 : i32 to vector<16xi32>
    %and3A_16 = arith.andi %iota3A, %and3A_15 : vector<16xi32>
    %scan3A = arith.constant 0 : i32
    %scan3A_17 = arith.constant 0 : i32
    %scan3A_18 = arith.constant 256 : i32
    %scan3A_19 = arith.addi %scan3A_17, %scan3A_18 : i32
    %scan3A_20 = arith.constant 1 : i32
    scf.for %scan3A_22 = %scan3A_17 to %scan3A_19 step %scan3A_20  : i32 {
      %dma_start3A = arith.constant 0 : i32
      %dma_start3A_23 = tpu.memref_slice %arg6[%scan3A_22, %dma_start3A] : memref<256x16xi32, #tpu.memory_space<vmem>> -> memref<1x16xi32, #tpu.memory_space<vmem>>
      %dma_start3A_24 = tpu.memref_squeeze %dma_start3A_23 : memref<1x16xi32, #tpu.memory_space<vmem>> -> memref<16xi32, #tpu.memory_space<vmem>>
      %dma_start3A_25 = arith.constant 0 : i32
      %dma_start3A_26 = arith.constant 0 : i32
      %dma_start3A_27 = tpu.memref_slice %arg2[%dma_start3A_25, %dma_start3A_26] : memref<4096x384xf32, #tpu.memory_space<hbm>> -> memref<4096x384xf32, #tpu.memory_space<hbm>>
      tpu.enqueue_indirect_dma source(%dma_start3A_27 : memref<4096x384xf32, #tpu.memory_space<hbm>>) target(%arg8 : memref<16x384xf32, #tpu.memory_space<vmem>>) offsets(%dma_start3A_24 : memref<16xi32, #tpu.memory_space<vmem>>) semaphore(%arg10 : memref<!tpu.dma_semaphore, #tpu.memory_space<semaphore_mem>>)
      %dma_wait3A = arith.constant 0 : i32
      %dma_wait3A_28 = tpu.memref_slice %arg6[%scan3A_22, %dma_wait3A] : memref<256x16xi32, #tpu.memory_space<vmem>> -> memref<1x16xi32, #tpu.memory_space<vmem>>
      %dma_wait3A_29 = tpu.memref_squeeze %dma_wait3A_28 : memref<1x16xi32, #tpu.memory_space<vmem>> -> memref<16xi32, #tpu.memory_space<vmem>>
      %dma_wait3A_30 = arith.constant 0 : i32
      %dma_wait3A_31 = arith.constant 0 : i32
      %dma_wait3A_32 = tpu.memref_slice %arg2[%dma_wait3A_30, %dma_wait3A_31] : memref<4096x384xf32, #tpu.memory_space<hbm>> -> memref<4096x384xf32, #tpu.memory_space<hbm>>
      tpu.wait_indirect_dma semaphore(%arg10 : memref<!tpu.dma_semaphore, #tpu.memory_space<semaphore_mem>>) src(%dma_wait3A_32 : memref<4096x384xf32, #tpu.memory_space<hbm>>) dst(%arg8 : memref<16x384xf32, #tpu.memory_space<vmem>>)
      %get3A = arith.index_cast %scan3A_22 : i32 to index
      %get3A_33 = arith.constant 0 : index
      %get3A_34 = tpu.vector_load %arg7[%get3A, %get3A_33] {strides = array<i32>} : memref<256x16xf32, #tpu.memory_space<vmem>>, vector<1x16xf32>,
      %get3A_35 = vector.shape_cast %get3A_34 : vector<1x16xf32> to vector<16xf32>
      %get3A_36 = arith.constant 0 : i32
      %get3A_37 = arith.index_cast %get3A_36 : i32 to index
      %get3A_38 = arith.constant 0 : index
      %get3A_39 = tpu.vector_load %arg8[%get3A_37, %get3A_38] {strides = array<i32>} : memref<16x384xf32, #tpu.memory_space<vmem>>, vector<1x16xf32>,
      %get3A_40 = vector.shape_cast %get3A_39 : vector<1x16xf32> to vector<16xf32>
      %sub3A = arith.subf %get3A_35, %get3A_40 : vector<16xf32>
      %mul3A_41 = arith.mulf %sub3A, %sub3A : vector<16xf32>
      %broadcast_in_dim3A = vector.shape_cast %and3A_7 : vector<16xi32> to vector<16x1xi32>
      %gather3A = vector.shape_cast %broadcast_in_dim3A : vector<16x1xi32> to vector<16xi32>
      %gather3A_42 = tpu.dynamic_gather %mul3A_41[%gather3A] in [0] : vector<16xf32>, vector<16xi32> -> vector<16xf32>
      %add3A_43 = arith.addf %mul3A_41, %gather3A_42 : vector<16xf32>
      %broadcast_in_dim3A_44 = vector.shape_cast %and3A_13 : vector<16xi32> to vector<16x1xi32>
      %gather3A_45 = vector.shape_cast %broadcast_in_dim3A_44 : vector<16x1xi32> to vector<16xi32>
      %gather3A_46 = tpu.dynamic_gather %mul3A_41[%gather3A_45] in [0] : vector<16xf32>, vector<16xi32> -> vector<16xf32>
      %add3A_47 = arith.addf %add3A_43, %gather3A_46 : vector<16xf32>
      %broadcast_in_dim3A_48 = vector.shape_cast %and3A_16 : vector<16xi32> to vector<16x1xi32>
      %gather3A_49 = vector.shape_cast %broadcast_in_dim3A_48 : vector<16x1xi32> to vector<16xi32>
      %gather3A_50 = tpu.dynamic_gather %add3A_47[%gather3A_49] in [0] : vector<16xf32>, vector<16xi32> -> vector<16xf32>
      %add3A_51 = arith.constant 1.000000e-16 : f32
      %add3A_52 = vector.broadcast %add3A_51 : f32 to vector<16xf32>
      %add3A_53 = arith.addf %gather3A_50, %add3A_52 : vector<16xf32>
      %div3A = arith.constant 1.000000e+00 : f32
      %div3A_54 = vector.broadcast %div3A : f32 to vector<16xf32>
      %div3A_55 = arith.divf %div3A_54, %add3A_53 : vector<16xf32>
      %get3A_56 = arith.constant 1 : i32
      %get3A_57 = arith.index_cast %get3A_56 : i32 to index
      %get3A_58 = arith.constant 0 : index
      %get3A_59 = tpu.vector_load %arg8[%get3A_57, %get3A_58] {strides = array<i32>} : memref<16x384xf32, #tpu.memory_space<vmem>>, vector<1x16xf32>,
      %get3A_60 = vector.shape_cast %get3A_59 : vector<1x16xf32> to vector<16xf32>
      %sub3A_61 = arith.subf %get3A_35, %get3A_60 : vector<16xf32>
      %mul3A_62 = arith.mulf %sub3A_61, %sub3A_61 : vector<16xf32>
      %broadcast_in_dim3A_63 = vector.shape_cast %and3A_7 : vector<16xi32> to vector<16x1xi32>
      %gather3A_64 = vector.shape_cast %broadcast_in_dim3A_63 : vector<16x1xi32> to vector<16xi32>
      %gather3A_65 = tpu.dynamic_gather %mul3A_62[%gather3A_64] in [0] : vector<16xf32>, vector<16xi32> -> vector<16xf32>
      %add3A_66 = arith.addf %mul3A_62, %gather3A_65 : vector<16xf32>
      %broadcast_in_dim3A_67 = vector.shape_cast %and3A_13 : vector<16xi32> to vector<16x1xi32>
      %gather3A_68 = vector.shape_cast %broadcast_in_dim3A_67 : vector<16x1xi32> to vector<16xi32>
      %gather3A_69 = tpu.dynamic_gather %mul3A_62[%gather3A_68] in [0] : vector<16xf32>, vector<16xi32> -> vector<16xf32>
      %add3A_70 = arith.addf %add3A_66, %gather3A_69 : vector<16xf32>
      %broadcast_in_dim3A_71 = vector.shape_cast %and3A_16 : vector<16xi32> to vector<16x1xi32>
      %gather3A_72 = vector.shape_cast %broadcast_in_dim3A_71 : vector<16x1xi32> to vector<16xi32>
      %gather3A_73 = tpu.dynamic_gather %add3A_70[%gather3A_72] in [0] : vector<16xf32>, vector<16xi32> -> vector<16xf32>
      %add3A_74 = arith.constant 1.000000e-16 : f32
      %add3A_75 = vector.broadcast %add3A_74 : f32 to vector<16xf32>
      %add3A_76 = arith.addf %gather3A_73, %add3A_75 : vector<16xf32>
      %div3A_77 = arith.constant 1.000000e+00 : f32
      %div3A_78 = vector.broadcast %div3A_77 : f32 to vector<16xf32>
      %div3A_79 = arith.divf %div3A_78, %add3A_76 : vector<16xf32>
      %add3A_80 = arith.addf %div3A_55, %div3A_79 : vector<16xf32>
      %get3A_81 = arith.constant 2 : i32
      %get3A_82 = arith.index_cast %get3A_81 : i32 to index
      %get3A_83 = arith.constant 0 : index
      %get3A_84 = tpu.vector_load %arg8[%get3A_82, %get3A_83] {strides = array<i32>} : memref<16x384xf32, #tpu.memory_space<vmem>>, vector<1x16xf32>,
      %get3A_85 = vector.shape_cast %get3A_84 : vector<1x16xf32> to vector<16xf32>
      %sub3A_86 = arith.subf %get3A_35, %get3A_85 : vector<16xf32>
      %mul3A_87 = arith.mulf %sub3A_86, %sub3A_86 : vector<16xf32>
      %broadcast_in_dim3A_88 = vector.shape_cast %and3A_7 : vector<16xi32> to vector<16x1xi32>
      %gather3A_89 = vector.shape_cast %broadcast_in_dim3A_88 : vector<16x1xi32> to vector<16xi32>
      %gather3A_90 = tpu.dynamic_gather %mul3A_87[%gather3A_89] in [0] : vector<16xf32>, vector<16xi32> -> vector<16xf32>
      %add3A_91 = arith.addf %mul3A_87, %gather3A_90 : vector<16xf32>
      %broadcast_in_dim3A_92 = vector.shape_cast %and3A_13 : vector<16xi32> to vector<16x1xi32>
      %gather3A_93 = vector.shape_cast %broadcast_in_dim3A_92 : vector<16x1xi32> to vector<16xi32>
      %gather3A_94 = tpu.dynamic_gather %mul3A_87[%gather3A_93] in [0] : vector<16xf32>, vector<16xi32> -> vector<16xf32>
      %add3A_95 = arith.addf %add3A_91, %gather3A_94 : vector<16xf32>
      %broadcast_in_dim3A_96 = vector.shape_cast %and3A_16 : vector<16xi32> to vector<16x1xi32>
      %gather3A_97 = vector.shape_cast %broadcast_in_dim3A_96 : vector<16x1xi32> to vector<16xi32>
      %gather3A_98 = tpu.dynamic_gather %add3A_95[%gather3A_97] in [0] : vector<16xf32>, vector<16xi32> -> vector<16xf32>
      %add3A_99 = arith.constant 1.000000e-16 : f32
      %add3A_100 = vector.broadcast %add3A_99 : f32 to vector<16xf32>
      %add3A_101 = arith.addf %gather3A_98, %add3A_100 : vector<16xf32>
      %div3A_102 = arith.constant 1.000000e+00 : f32
      %div3A_103 = vector.broadcast %div3A_102 : f32 to vector<16xf32>
      %div3A_104 = arith.divf %div3A_103, %add3A_101 : vector<16xf32>
      %add3A_105 = arith.addf %add3A_80, %div3A_104 : vector<16xf32>
      %get3A_106 = arith.constant 3 : i32
      %get3A_107 = arith.index_cast %get3A_106 : i32 to index
      %get3A_108 = arith.constant 0 : index
      %get3A_109 = tpu.vector_load %arg8[%get3A_107, %get3A_108] {strides = array<i32>} : memref<16x384xf32, #tpu.memory_space<vmem>>, vector<1x16xf32>,
      %get3A_110 = vector.shape_cast %get3A_109 : vector<1x16xf32> to vector<16xf32>
      %sub3A_111 = arith.subf %get3A_35, %get3A_110 : vector<16xf32>
      %mul3A_112 = arith.mulf %sub3A_111, %sub3A_111 : vector<16xf32>
      %broadcast_in_dim3A_113 = vector.shape_cast %and3A_7 : vector<16xi32> to vector<16x1xi32>
      %gather3A_114 = vector.shape_cast %broadcast_in_dim3A_113 : vector<16x1xi32> to vector<16xi32>
      %gather3A_115 = tpu.dynamic_gather %mul3A_112[%gather3A_114] in [0] : vector<16xf32>, vector<16xi32> -> vector<16xf32>
      %add3A_116 = arith.addf %mul3A_112, %gather3A_115 : vector<16xf32>
      %broadcast_in_dim3A_117 = vector.shape_cast %and3A_13 : vector<16xi32> to vector<16x1xi32>
      %gather3A_118 = vector.shape_cast %broadcast_in_dim3A_117 : vector<16x1xi32> to vector<16xi32>
      %gather3A_119 = tpu.dynamic_gather %mul3A_112[%gather3A_118] in [0] : vector<16xf32>, vector<16xi32> -> vector<16xf32>
      %add3A_120 = arith.addf %add3A_116, %gather3A_119 : vector<16xf32>
      %broadcast_in_dim3A_121 = vector.shape_cast %and3A_16 : vector<16xi32> to vector<16x1xi32>
      %gather3A_122 = vector.shape_cast %broadcast_in_dim3A_121 : vector<16x1xi32> to vector<16xi32>
      %gather3A_123 = tpu.dynamic_gather %add3A_120[%gather3A_122] in [0] : vector<16xf32>, vector<16xi32> -> vector<16xf32>
      %add3A_124 = arith.constant 1.000000e-16 : f32
      %add3A_125 = vector.broadcast %add3A_124 : f32 to vector<16xf32>
      %add3A_126 = arith.addf %gather3A_123, %add3A_125 : vector<16xf32>
      %div3A_127 = arith.constant 1.000000e+00 : f32
      %div3A_128 = vector.broadcast %div3A_127 : f32 to vector<16xf32>
      %div3A_129 = arith.divf %div3A_128, %add3A_126 : vector<16xf32>
      %add3A_130 = arith.addf %add3A_105, %div3A_129 : vector<16xf32>
      %get3A_131 = arith.constant 4 : i32
      %get3A_132 = arith.index_cast %get3A_131 : i32 to index
      %get3A_133 = arith.constant 0 : index
      %get3A_134 = tpu.vector_load %arg8[%get3A_132, %get3A_133] {strides = array<i32>} : memref<16x384xf32, #tpu.memory_space<vmem>>, vector<1x16xf32>,
      %get3A_135 = vector.shape_cast %get3A_134 : vector<1x16xf32> to vector<16xf32>
      %sub3A_136 = arith.subf %get3A_35, %get3A_135 : vector<16xf32>
      %mul3A_137 = arith.mulf %sub3A_136, %sub3A_136 : vector<16xf32>
      %broadcast_in_dim3A_138 = vector.shape_cast %and3A_7 : vector<16xi32> to vector<16x1xi32>
      %gather3A_139 = vector.shape_cast %broadcast_in_dim3A_138 : vector<16x1xi32> to vector<16xi32>
      %gather3A_140 = tpu.dynamic_gather %mul3A_137[%gather3A_139] in [0] : vector<16xf32>, vector<16xi32> -> vector<16xf32>
      %add3A_141 = arith.addf %mul3A_137, %gather3A_140 : vector<16xf32>
      %broadcast_in_dim3A_142 = vector.shape_cast %and3A_13 : vector<16xi32> to vector<16x1xi32>
      %gather3A_143 = vector.shape_cast %broadcast_in_dim3A_142 : vector<16x1xi32> to vector<16xi32>
      %gather3A_144 = tpu.dynamic_gather %mul3A_137[%gather3A_143] in [0] : vector<16xf32>, vector<16xi32> -> vector<16xf32>
      %add3A_145 = arith.addf %add3A_141, %gather3A_144 : vector<16xf32>
      %broadcast_in_dim3A_146 = vector.shape_cast %and3A_16 : vector<16xi32> to vector<16x1xi32>
      %gather3A_147 = vector.shape_cast %broadcast_in_dim3A_146 : vector<16x1xi32> to vector<16xi32>
      %gather3A_148 = tpu.dynamic_gather %add3A_145[%gather3A_147] in [0] : vector<16xf32>, vector<16xi32> -> vector<16xf32>
      %add3A_149 = arith.constant 1.000000e-16 : f32
      %add3A_150 = vector.broadcast %add3A_149 : f32 to vector<16xf32>
      %add3A_151 = arith.addf %gather3A_148, %add3A_150 : vector<16xf32>
      %div3A_152 = arith.constant 1.000000e+00 : f32
      %div3A_153 = vector.broadcast %div3A_152 : f32 to vector<16xf32>
      %div3A_154 = arith.divf %div3A_153, %add3A_151 : vector<16xf32>
      %add3A_155 = arith.addf %add3A_130, %div3A_154 : vector<16xf32>
      %get3A_156 = arith.constant 5 : i32
      %get3A_157 = arith.index_cast %get3A_156 : i32 to index
      %get3A_158 = arith.constant 0 : index
      %get3A_159 = tpu.vector_load %arg8[%get3A_157, %get3A_158] {strides = array<i32>} : memref<16x384xf32, #tpu.memory_space<vmem>>, vector<1x16xf32>,
      %get3A_160 = vector.shape_cast %get3A_159 : vector<1x16xf32> to vector<16xf32>
      %sub3A_161 = arith.subf %get3A_35, %get3A_160 : vector<16xf32>
      %mul3A_162 = arith.mulf %sub3A_161, %sub3A_161 : vector<16xf32>
      %broadcast_in_dim3A_163 = vector.shape_cast %and3A_7 : vector<16xi32> to vector<16x1xi32>
      %gather3A_164 = vector.shape_cast %broadcast_in_dim3A_163 : vector<16x1xi32> to vector<16xi32>
      %gather3A_165 = tpu.dynamic_gather %mul3A_162[%gather3A_164] in [0] : vector<16xf32>, vector<16xi32> -> vector<16xf32>
      %add3A_166 = arith.addf %mul3A_162, %gather3A_165 : vector<16xf32>
      %broadcast_in_dim3A_167 = vector.shape_cast %and3A_13 : vector<16xi32> to vector<16x1xi32>
      %gather3A_168 = vector.shape_cast %broadcast_in_dim3A_167 : vector<16x1xi32> to vector<16xi32>
      %gather3A_169 = tpu.dynamic_gather %mul3A_162[%gather3A_168] in [0] : vector<16xf32>, vector<16xi32> -> vector<16xf32>
      %add3A_170 = arith.addf %add3A_166, %gather3A_169 : vector<16xf32>
      %broadcast_in_dim3A_171 = vector.shape_cast %and3A_16 : vector<16xi32> to vector<16x1xi32>
      %gather3A_172 = vector.shape_cast %broadcast_in_dim3A_171 : vector<16x1xi32> to vector<16xi32>
      %gather3A_173 = tpu.dynamic_gather %add3A_170[%gather3A_172] in [0] : vector<16xf32>, vector<16xi32> -> vector<16xf32>
      %add3A_174 = arith.constant 1.000000e-16 : f32
      %add3A_175 = vector.broadcast %add3A_174 : f32 to vector<16xf32>
      %add3A_176 = arith.addf %gather3A_173, %add3A_175 : vector<16xf32>
      %div3A_177 = arith.constant 1.000000e+00 : f32
      %div3A_178 = vector.broadcast %div3A_177 : f32 to vector<16xf32>
      %div3A_179 = arith.divf %div3A_178, %add3A_176 : vector<16xf32>
      %add3A_180 = arith.addf %add3A_155, %div3A_179 : vector<16xf32>
      %get3A_181 = arith.constant 6 : i32
      %get3A_182 = arith.index_cast %get3A_181 : i32 to index
      %get3A_183 = arith.constant 0 : index
      %get3A_184 = tpu.vector_load %arg8[%get3A_182, %get3A_183] {strides = array<i32>} : memref<16x384xf32, #tpu.memory_space<vmem>>, vector<1x16xf32>,
      %get3A_185 = vector.shape_cast %get3A_184 : vector<1x16xf32> to vector<16xf32>
      %sub3A_186 = arith.subf %get3A_35, %get3A_185 : vector<16xf32>
      %mul3A_187 = arith.mulf %sub3A_186, %sub3A_186 : vector<16xf32>
      %broadcast_in_dim3A_188 = vector.shape_cast %and3A_7 : vector<16xi32> to vector<16x1xi32>
      %gather3A_189 = vector.shape_cast %broadcast_in_dim3A_188 : vector<16x1xi32> to vector<16xi32>
      %gather3A_190 = tpu.dynamic_gather %mul3A_187[%gather3A_189] in [0] : vector<16xf32>, vector<16xi32> -> vector<16xf32>
      %add3A_191 = arith.addf %mul3A_187, %gather3A_190 : vector<16xf32>
      %broadcast_in_dim3A_192 = vector.shape_cast %and3A_13 : vector<16xi32> to vector<16x1xi32>
      %gather3A_193 = vector.shape_cast %broadcast_in_dim3A_192 : vector<16x1xi32> to vector<16xi32>
      %gather3A_194 = tpu.dynamic_gather %mul3A_187[%gather3A_193] in [0] : vector<16xf32>, vector<16xi32> -> vector<16xf32>
      %add3A_195 = arith.addf %add3A_191, %gather3A_194 : vector<16xf32>
      %broadcast_in_dim3A_196 = vector.shape_cast %and3A_16 : vector<16xi32> to vector<16x1xi32>
      %gather3A_197 = vector.shape_cast %broadcast_in_dim3A_196 : vector<16x1xi32> to vector<16xi32>
      %gather3A_198 = tpu.dynamic_gather %add3A_195[%gather3A_197] in [0] : vector<16xf32>, vector<16xi32> -> vector<16xf32>
      %add3A_199 = arith.constant 1.000000e-16 : f32
      %add3A_200 = vector.broadcast %add3A_199 : f32 to vector<16xf32>
      %add3A_201 = arith.addf %gather3A_198, %add3A_200 : vector<16xf32>
      %div3A_202 = arith.constant 1.000000e+00 : f32
      %div3A_203 = vector.broadcast %div3A_202 : f32 to vector<16xf32>
      %div3A_204 = arith.divf %div3A_203, %add3A_201 : vector<16xf32>
      %add3A_205 = arith.addf %add3A_180, %div3A_204 : vector<16xf32>
      %get3A_206 = arith.constant 7 : i32
      %get3A_207 = arith.index_cast %get3A_206 : i32 to index
      %get3A_208 = arith.constant 0 : index
      %get3A_209 = tpu.vector_load %arg8[%get3A_207, %get3A_208] {strides = array<i32>} : memref<16x384xf32, #tpu.memory_space<vmem>>, vector<1x16xf32>,
      %get3A_210 = vector.shape_cast %get3A_209 : vector<1x16xf32> to vector<16xf32>
      %sub3A_211 = arith.subf %get3A_35, %get3A_210 : vector<16xf32>
      %mul3A_212 = arith.mulf %sub3A_211, %sub3A_211 : vector<16xf32>
      %broadcast_in_dim3A_213 = vector.shape_cast %and3A_7 : vector<16xi32> to vector<16x1xi32>
      %gather3A_214 = vector.shape_cast %broadcast_in_dim3A_213 : vector<16x1xi32> to vector<16xi32>
      %gather3A_215 = tpu.dynamic_gather %mul3A_212[%gather3A_214] in [0] : vector<16xf32>, vector<16xi32> -> vector<16xf32>
      %add3A_216 = arith.addf %mul3A_212, %gather3A_215 : vector<16xf32>
      %broadcast_in_dim3A_217 = vector.shape_cast %and3A_13 : vector<16xi32> to vector<16x1xi32>
      %gather3A_218 = vector.shape_cast %broadcast_in_dim3A_217 : vector<16x1xi32> to vector<16xi32>
      %gather3A_219 = tpu.dynamic_gather %mul3A_212[%gather3A_218] in [0] : vector<16xf32>, vector<16xi32> -> vector<16xf32>
      %add3A_220 = arith.addf %add3A_216, %gather3A_219 : vector<16xf32>
      %broadcast_in_dim3A_221 = vector.shape_cast %and3A_16 : vector<16xi32> to vector<16x1xi32>
      %gather3A_222 = vector.shape_cast %broadcast_in_dim3A_221 : vector<16x1xi32> to vector<16xi32>
      %gather3A_223 = tpu.dynamic_gather %add3A_220[%gather3A_222] in [0] : vector<16xf32>, vector<16xi32> -> vector<16xf32>
      %add3A_224 = arith.constant 1.000000e-16 : f32
      %add3A_225 = vector.broadcast %add3A_224 : f32 to vector<16xf32>
      %add3A_226 = arith.addf %gather3A_223, %add3A_225 : vector<16xf32>
      %div3A_227 = arith.constant 1.000000e+00 : f32
      %div3A_228 = vector.broadcast %div3A_227 : f32 to vector<16xf32>
      %div3A_229 = arith.divf %div3A_228, %add3A_226 : vector<16xf32>
      %add3A_230 = arith.addf %add3A_205, %div3A_229 : vector<16xf32>
      %get3A_231 = arith.constant 8 : i32
      %get3A_232 = arith.index_cast %get3A_231 : i32 to index
      %get3A_233 = arith.constant 0 : index
      %get3A_234 = tpu.vector_load %arg8[%get3A_232, %get3A_233] {strides = array<i32>} : memref<16x384xf32, #tpu.memory_space<vmem>>, vector<1x16xf32>,
      %get3A_235 = vector.shape_cast %get3A_234 : vector<1x16xf32> to vector<16xf32>
      %sub3A_236 = arith.subf %get3A_35, %get3A_235 : vector<16xf32>
      %mul3A_237 = arith.mulf %sub3A_236, %sub3A_236 : vector<16xf32>
      %broadcast_in_dim3A_238 = vector.shape_cast %and3A_7 : vector<16xi32> to vector<16x1xi32>
      %gather3A_239 = vector.shape_cast %broadcast_in_dim3A_238 : vector<16x1xi32> to vector<16xi32>
      %gather3A_240 = tpu.dynamic_gather %mul3A_237[%gather3A_239] in [0] : vector<16xf32>, vector<16xi32> -> vector<16xf32>
      %add3A_241 = arith.addf %mul3A_237, %gather3A_240 : vector<16xf32>
      %broadcast_in_dim3A_242 = vector.shape_cast %and3A_13 : vector<16xi32> to vector<16x1xi32>
      %gather3A_243 = vector.shape_cast %broadcast_in_dim3A_242 : vector<16x1xi32> to vector<16xi32>
      %gather3A_244 = tpu.dynamic_gather %mul3A_237[%gather3A_243] in [0] : vector<16xf32>, vector<16xi32> -> vector<16xf32>
      %add3A_245 = arith.addf %add3A_241, %gather3A_244 : vector<16xf32>
      %broadcast_in_dim3A_246 = vector.shape_cast %and3A_16 : vector<16xi32> to vector<16x1xi32>
      %gather3A_247 = vector.shape_cast %broadcast_in_dim3A_246 : vector<16x1xi32> to vector<16xi32>
      %gather3A_248 = tpu.dynamic_gather %add3A_245[%gather3A_247] in [0] : vector<16xf32>, vector<16xi32> -> vector<16xf32>
      %add3A_249 = arith.constant 1.000000e-16 : f32
      %add3A_250 = vector.broadcast %add3A_249 : f32 to vector<16xf32>
      %add3A_251 = arith.addf %gather3A_248, %add3A_250 : vector<16xf32>
      %div3A_252 = arith.constant 1.000000e+00 : f32
      %div3A_253 = vector.broadcast %div3A_252 : f32 to vector<16xf32>
      %div3A_254 = arith.divf %div3A_253, %add3A_251 : vector<16xf32>
      %add3A_255 = arith.addf %add3A_230, %div3A_254 : vector<16xf32>
      %get3A_256 = arith.constant 9 : i32
      %get3A_257 = arith.index_cast %get3A_256 : i32 to index
      %get3A_258 = arith.constant 0 : index
      %get3A_259 = tpu.vector_load %arg8[%get3A_257, %get3A_258] {strides = array<i32>} : memref<16x384xf32, #tpu.memory_space<vmem>>, vector<1x16xf32>,
      %get3A_260 = vector.shape_cast %get3A_259 : vector<1x16xf32> to vector<16xf32>
      %sub3A_261 = arith.subf %get3A_35, %get3A_260 : vector<16xf32>
      %mul3A_262 = arith.mulf %sub3A_261, %sub3A_261 : vector<16xf32>
      %broadcast_in_dim3A_263 = vector.shape_cast %and3A_7 : vector<16xi32> to vector<16x1xi32>
      %gather3A_264 = vector.shape_cast %broadcast_in_dim3A_263 : vector<16x1xi32> to vector<16xi32>
      %gather3A_265 = tpu.dynamic_gather %mul3A_262[%gather3A_264] in [0] : vector<16xf32>, vector<16xi32> -> vector<16xf32>
      %add3A_266 = arith.addf %mul3A_262, %gather3A_265 : vector<16xf32>
      %broadcast_in_dim3A_267 = vector.shape_cast %and3A_13 : vector<16xi32> to vector<16x1xi32>
      %gather3A_268 = vector.shape_cast %broadcast_in_dim3A_267 : vector<16x1xi32> to vector<16xi32>
      %gather3A_269 = tpu.dynamic_gather %mul3A_262[%gather3A_268] in [0] : vector<16xf32>, vector<16xi32> -> vector<16xf32>
      %add3A_270 = arith.addf %add3A_266, %gather3A_269 : vector<16xf32>
      %broadcast_in_dim3A_271 = vector.shape_cast %and3A_16 : vector<16xi32> to vector<16x1xi32>
      %gather3A_272 = vector.shape_cast %broadcast_in_dim3A_271 : vector<16x1xi32> to vector<16xi32>
      %gather3A_273 = tpu.dynamic_gather %add3A_270[%gather3A_272] in [0] : vector<16xf32>, vector<16xi32> -> vector<16xf32>
      %add3A_274 = arith.constant 1.000000e-16 : f32
      %add3A_275 = vector.broadcast %add3A_274 : f32 to vector<16xf32>
      %add3A_276 = arith.addf %gather3A_273, %add3A_275 : vector<16xf32>
      %div3A_277 = arith.constant 1.000000e+00 : f32
      %div3A_278 = vector.broadcast %div3A_277 : f32 to vector<16xf32>
      %div3A_279 = arith.divf %div3A_278, %add3A_276 : vector<16xf32>
      %add3A_280 = arith.addf %add3A_255, %div3A_279 : vector<16xf32>
      %get3A_281 = arith.constant 10 : i32
      %get3A_282 = arith.index_cast %get3A_281 : i32 to index
      %get3A_283 = arith.constant 0 : index
      %get3A_284 = tpu.vector_load %arg8[%get3A_282, %get3A_283] {strides = array<i32>} : memref<16x384xf32, #tpu.memory_space<vmem>>, vector<1x16xf32>,
      %get3A_285 = vector.shape_cast %get3A_284 : vector<1x16xf32> to vector<16xf32>
      %sub3A_286 = arith.subf %get3A_35, %get3A_285 : vector<16xf32>
      %mul3A_287 = arith.mulf %sub3A_286, %sub3A_286 : vector<16xf32>
      %broadcast_in_dim3A_288 = vector.shape_cast %and3A_7 : vector<16xi32> to vector<16x1xi32>
      %gather3A_289 = vector.shape_cast %broadcast_in_dim3A_288 : vector<16x1xi32> to vector<16xi32>
      %gather3A_290 = tpu.dynamic_gather %mul3A_287[%gather3A_289] in [0] : vector<16xf32>, vector<16xi32> -> vector<16xf32>
      %add3A_291 = arith.addf %mul3A_287, %gather3A_290 : vector<16xf32>
      %broadcast_in_dim3A_292 = vector.shape_cast %and3A_13 : vector<16xi32> to vector<16x1xi32>
      %gather3A_293 = vector.shape_cast %broadcast_in_dim3A_292 : vector<16x1xi32> to vector<16xi32>
      %gather3A_294 = tpu.dynamic_gather %mul3A_287[%gather3A_293] in [0] : vector<16xf32>, vector<16xi32> -> vector<16xf32>
      %add3A_295 = arith.addf %add3A_291, %gather3A_294 : vector<16xf32>
      %broadcast_in_dim3A_296 = vector.shape_cast %and3A_16 : vector<16xi32> to vector<16x1xi32>
      %gather3A_297 = vector.shape_cast %broadcast_in_dim3A_296 : vector<16x1xi32> to vector<16xi32>
      %gather3A_298 = tpu.dynamic_gather %add3A_295[%gather3A_297] in [0] : vector<16xf32>, vector<16xi32> -> vector<16xf32>
      %add3A_299 = arith.constant 1.000000e-16 : f32
      %add3A_300 = vector.broadcast %add3A_299 : f32 to vector<16xf32>
      %add3A_301 = arith.addf %gather3A_298, %add3A_300 : vector<16xf32>
      %div3A_302 = arith.constant 1.000000e+00 : f32
      %div3A_303 = vector.broadcast %div3A_302 : f32 to vector<16xf32>
      %div3A_304 = arith.divf %div3A_303, %add3A_301 : vector<16xf32>
      %add3A_305 = arith.addf %add3A_280, %div3A_304 : vector<16xf32>
      %get3A_306 = arith.constant 11 : i32
      %get3A_307 = arith.index_cast %get3A_306 : i32 to index
      %get3A_308 = arith.constant 0 : index
      %get3A_309 = tpu.vector_load %arg8[%get3A_307, %get3A_308] {strides = array<i32>} : memref<16x384xf32, #tpu.memory_space<vmem>>, vector<1x16xf32>,
      %get3A_310 = vector.shape_cast %get3A_309 : vector<1x16xf32> to vector<16xf32>
      %sub3A_311 = arith.subf %get3A_35, %get3A_310 : vector<16xf32>
      %mul3A_312 = arith.mulf %sub3A_311, %sub3A_311 : vector<16xf32>
      %broadcast_in_dim3A_313 = vector.shape_cast %and3A_7 : vector<16xi32> to vector<16x1xi32>
      %gather3A_314 = vector.shape_cast %broadcast_in_dim3A_313 : vector<16x1xi32> to vector<16xi32>
      %gather3A_315 = tpu.dynamic_gather %mul3A_312[%gather3A_314] in [0] : vector<16xf32>, vector<16xi32> -> vector<16xf32>
      %add3A_316 = arith.addf %mul3A_312, %gather3A_315 : vector<16xf32>
      %broadcast_in_dim3A_317 = vector.shape_cast %and3A_13 : vector<16xi32> to vector<16x1xi32>
      %gather3A_318 = vector.shape_cast %broadcast_in_dim3A_317 : vector<16x1xi32> to vector<16xi32>
      %gather3A_319 = tpu.dynamic_gather %mul3A_312[%gather3A_318] in [0] : vector<16xf32>, vector<16xi32> -> vector<16xf32>
      %add3A_320 = arith.addf %add3A_316, %gather3A_319 : vector<16xf32>
      %broadcast_in_dim3A_321 = vector.shape_cast %and3A_16 : vector<16xi32> to vector<16x1xi32>
      %gather3A_322 = vector.shape_cast %broadcast_in_dim3A_321 : vector<16x1xi32> to vector<16xi32>
      %gather3A_323 = tpu.dynamic_gather %add3A_320[%gather3A_322] in [0] : vector<16xf32>, vector<16xi32> -> vector<16xf32>
      %add3A_324 = arith.constant 1.000000e-16 : f32
      %add3A_325 = vector.broadcast %add3A_324 : f32 to vector<16xf32>
      %add3A_326 = arith.addf %gather3A_323, %add3A_325 : vector<16xf32>
      %div3A_327 = arith.constant 1.000000e+00 : f32
      %div3A_328 = vector.broadcast %div3A_327 : f32 to vector<16xf32>
      %div3A_329 = arith.divf %div3A_328, %add3A_326 : vector<16xf32>
      %add3A_330 = arith.addf %add3A_305, %div3A_329 : vector<16xf32>
      %get3A_331 = arith.constant 12 : i32
      %get3A_332 = arith.index_cast %get3A_331 : i32 to index
      %get3A_333 = arith.constant 0 : index
      %get3A_334 = tpu.vector_load %arg8[%get3A_332, %get3A_333] {strides = array<i32>} : memref<16x384xf32, #tpu.memory_space<vmem>>, vector<1x16xf32>,
      %get3A_335 = vector.shape_cast %get3A_334 : vector<1x16xf32> to vector<16xf32>
      %sub3A_336 = arith.subf %get3A_35, %get3A_335 : vector<16xf32>
      %mul3A_337 = arith.mulf %sub3A_336, %sub3A_336 : vector<16xf32>
      %broadcast_in_dim3A_338 = vector.shape_cast %and3A_7 : vector<16xi32> to vector<16x1xi32>
      %gather3A_339 = vector.shape_cast %broadcast_in_dim3A_338 : vector<16x1xi32> to vector<16xi32>
      %gather3A_340 = tpu.dynamic_gather %mul3A_337[%gather3A_339] in [0] : vector<16xf32>, vector<16xi32> -> vector<16xf32>
      %add3A_341 = arith.addf %mul3A_337, %gather3A_340 : vector<16xf32>
      %broadcast_in_dim3A_342 = vector.shape_cast %and3A_13 : vector<16xi32> to vector<16x1xi32>
      %gather3A_343 = vector.shape_cast %broadcast_in_dim3A_342 : vector<16x1xi32> to vector<16xi32>
      %gather3A_344 = tpu.dynamic_gather %mul3A_337[%gather3A_343] in [0] : vector<16xf32>, vector<16xi32> -> vector<16xf32>
      %add3A_345 = arith.addf %add3A_341, %gather3A_344 : vector<16xf32>
      %broadcast_in_dim3A_346 = vector.shape_cast %and3A_16 : vector<16xi32> to vector<16x1xi32>
      %gather3A_347 = vector.shape_cast %broadcast_in_dim3A_346 : vector<16x1xi32> to vector<16xi32>
      %gather3A_348 = tpu.dynamic_gather %add3A_345[%gather3A_347] in [0] : vector<16xf32>, vector<16xi32> -> vector<16xf32>
      %add3A_349 = arith.constant 1.000000e-16 : f32
      %add3A_350 = vector.broadcast %add3A_349 : f32 to vector<16xf32>
      %add3A_351 = arith.addf %gather3A_348, %add3A_350 : vector<16xf32>
      %div3A_352 = arith.constant 1.000000e+00 : f32
      %div3A_353 = vector.broadcast %div3A_352 : f32 to vector<16xf32>
      %div3A_354 = arith.divf %div3A_353, %add3A_351 : vector<16xf32>
      %add3A_355 = arith.addf %add3A_330, %div3A_354 : vector<16xf32>
      %get3A_356 = arith.constant 13 : i32
      %get3A_357 = arith.index_cast %get3A_356 : i32 to index
      %get3A_358 = arith.constant 0 : index
      %get3A_359 = tpu.vector_load %arg8[%get3A_357, %get3A_358] {strides = array<i32>} : memref<16x384xf32, #tpu.memory_space<vmem>>, vector<1x16xf32>,
      %get3A_360 = vector.shape_cast %get3A_359 : vector<1x16xf32> to vector<16xf32>
      %sub3A_361 = arith.subf %get3A_35, %get3A_360 : vector<16xf32>
      %mul3A_362 = arith.mulf %sub3A_361, %sub3A_361 : vector<16xf32>
      %broadcast_in_dim3A_363 = vector.shape_cast %and3A_7 : vector<16xi32> to vector<16x1xi32>
      %gather3A_364 = vector.shape_cast %broadcast_in_dim3A_363 : vector<16x1xi32> to vector<16xi32>
      %gather3A_365 = tpu.dynamic_gather %mul3A_362[%gather3A_364] in [0] : vector<16xf32>, vector<16xi32> -> vector<16xf32>
      %add3A_366 = arith.addf %mul3A_362, %gather3A_365 : vector<16xf32>
      %broadcast_in_dim3A_367 = vector.shape_cast %and3A_13 : vector<16xi32> to vector<16x1xi32>
      %gather3A_368 = vector.shape_cast %broadcast_in_dim3A_367 : vector<16x1xi32> to vector<16xi32>
      %gather3A_369 = tpu.dynamic_gather %mul3A_362[%gather3A_368] in [0] : vector<16xf32>, vector<16xi32> -> vector<16xf32>
      %add3A_370 = arith.addf %add3A_366, %gather3A_369 : vector<16xf32>
      %broadcast_in_dim3A_371 = vector.shape_cast %and3A_16 : vector<16xi32> to vector<16x1xi32>
      %gather3A_372 = vector.shape_cast %broadcast_in_dim3A_371 : vector<16x1xi32> to vector<16xi32>
      %gather3A_373 = tpu.dynamic_gather %add3A_370[%gather3A_372] in [0] : vector<16xf32>, vector<16xi32> -> vector<16xf32>
      %add3A_374 = arith.constant 1.000000e-16 : f32
      %add3A_375 = vector.broadcast %add3A_374 : f32 to vector<16xf32>
      %add3A_376 = arith.addf %gather3A_373, %add3A_375 : vector<16xf32>
      %div3A_377 = arith.constant 1.000000e+00 : f32
      %div3A_378 = vector.broadcast %div3A_377 : f32 to vector<16xf32>
      %div3A_379 = arith.divf %div3A_378, %add3A_376 : vector<16xf32>
      %add3A_380 = arith.addf %add3A_355, %div3A_379 : vector<16xf32>
      %get3A_381 = arith.constant 14 : i32
      %get3A_382 = arith.index_cast %get3A_381 : i32 to index
      %get3A_383 = arith.constant 0 : index
      %get3A_384 = tpu.vector_load %arg8[%get3A_382, %get3A_383] {strides = array<i32>} : memref<16x384xf32, #tpu.memory_space<vmem>>, vector<1x16xf32>,
      %get3A_385 = vector.shape_cast %get3A_384 : vector<1x16xf32> to vector<16xf32>
      %sub3A_386 = arith.subf %get3A_35, %get3A_385 : vector<16xf32>
      %mul3A_387 = arith.mulf %sub3A_386, %sub3A_386 : vector<16xf32>
      %broadcast_in_dim3A_388 = vector.shape_cast %and3A_7 : vector<16xi32> to vector<16x1xi32>
      %gather3A_389 = vector.shape_cast %broadcast_in_dim3A_388 : vector<16x1xi32> to vector<16xi32>
      %gather3A_390 = tpu.dynamic_gather %mul3A_387[%gather3A_389] in [0] : vector<16xf32>, vector<16xi32> -> vector<16xf32>
      %add3A_391 = arith.addf %mul3A_387, %gather3A_390 : vector<16xf32>
      %broadcast_in_dim3A_392 = vector.shape_cast %and3A_13 : vector<16xi32> to vector<16x1xi32>
      %gather3A_393 = vector.shape_cast %broadcast_in_dim3A_392 : vector<16x1xi32> to vector<16xi32>
      %gather3A_394 = tpu.dynamic_gather %mul3A_387[%gather3A_393] in [0] : vector<16xf32>, vector<16xi32> -> vector<16xf32>
      %add3A_395 = arith.addf %add3A_391, %gather3A_394 : vector<16xf32>
      %broadcast_in_dim3A_396 = vector.shape_cast %and3A_16 : vector<16xi32> to vector<16x1xi32>
      %gather3A_397 = vector.shape_cast %broadcast_in_dim3A_396 : vector<16x1xi32> to vector<16xi32>
      %gather3A_398 = tpu.dynamic_gather %add3A_395[%gather3A_397] in [0] : vector<16xf32>, vector<16xi32> -> vector<16xf32>
      %add3A_399 = arith.constant 1.000000e-16 : f32
      %add3A_400 = vector.broadcast %add3A_399 : f32 to vector<16xf32>
      %add3A_401 = arith.addf %gather3A_398, %add3A_400 : vector<16xf32>
      %div3A_402 = arith.constant 1.000000e+00 : f32
      %div3A_403 = vector.broadcast %div3A_402 : f32 to vector<16xf32>
      %div3A_404 = arith.divf %div3A_403, %add3A_401 : vector<16xf32>
      %add3A_405 = arith.addf %add3A_380, %div3A_404 : vector<16xf32>
      %get3A_406 = arith.constant 15 : i32
      %get3A_407 = arith.index_cast %get3A_406 : i32 to index
      %get3A_408 = arith.constant 0 : index
      %get3A_409 = tpu.vector_load %arg8[%get3A_407, %get3A_408] {strides = array<i32>} : memref<16x384xf32, #tpu.memory_space<vmem>>, vector<1x16xf32>,
      %get3A_410 = vector.shape_cast %get3A_409 : vector<1x16xf32> to vector<16xf32>
      %sub3A_411 = arith.subf %get3A_35, %get3A_410 : vector<16xf32>
      %mul3A_412 = arith.mulf %sub3A_411, %sub3A_411 : vector<16xf32>
      %broadcast_in_dim3A_413 = vector.shape_cast %and3A_7 : vector<16xi32> to vector<16x1xi32>
      %gather3A_414 = vector.shape_cast %broadcast_in_dim3A_413 : vector<16x1xi32> to vector<16xi32>
      %gather3A_415 = tpu.dynamic_gather %mul3A_412[%gather3A_414] in [0] : vector<16xf32>, vector<16xi32> -> vector<16xf32>
      %add3A_416 = arith.addf %mul3A_412, %gather3A_415 : vector<16xf32>
      %broadcast_in_dim3A_417 = vector.shape_cast %and3A_13 : vector<16xi32> to vector<16x1xi32>
      %gather3A_418 = vector.shape_cast %broadcast_in_dim3A_417 : vector<16x1xi32> to vector<16xi32>
      %gather3A_419 = tpu.dynamic_gather %mul3A_412[%gather3A_418] in [0] : vector<16xf32>, vector<16xi32> -> vector<16xf32>
      %add3A_420 = arith.addf %add3A_416, %gather3A_419 : vector<16xf32>
      %broadcast_in_dim3A_421 = vector.shape_cast %and3A_16 : vector<16xi32> to vector<16x1xi32>
      %gather3A_422 = vector.shape_cast %broadcast_in_dim3A_421 : vector<16x1xi32> to vector<16xi32>
      %gather3A_423 = tpu.dynamic_gather %add3A_420[%gather3A_422] in [0] : vector<16xf32>, vector<16xi32> -> vector<16xf32>
      %add3A_424 = arith.constant 1.000000e-16 : f32
      %add3A_425 = vector.broadcast %add3A_424 : f32 to vector<16xf32>
      %add3A_426 = arith.addf %gather3A_423, %add3A_425 : vector<16xf32>
      %div3A_427 = arith.constant 1.000000e+00 : f32
      %div3A_428 = vector.broadcast %div3A_427 : f32 to vector<16xf32>
      %div3A_429 = arith.divf %div3A_428, %add3A_426 : vector<16xf32>
      %add3A_430 = arith.addf %add3A_405, %div3A_429 : vector<16xf32>
      %div3A_431 = arith.constant 1.000000e+00 : f32
      %div3A_432 = vector.broadcast %div3A_431 : f32 to vector<16xf32>
      %div3A_433 = arith.divf %div3A_432, %add3A_430 : vector<16xf32>
      %get3A_434 = arith.constant 0 : i32
      %get3A_435 = arith.index_cast %get3A_434 : i32 to index
      %get3A_436 = arith.constant 16 : index
      %get3A_437 = tpu.vector_load %arg8[%get3A_435, %get3A_436] {strides = array<i32>} : memref<16x384xf32, #tpu.memory_space<vmem>>, vector<1x16xf32>,
      %get3A_438 = vector.shape_cast %get3A_437 : vector<1x16xf32> to vector<16xf32>
      %mul3A_439 = arith.mulf %div3A_55, %get3A_438 : vector<16xf32>
      %get3A_440 = arith.constant 1 : i32
      %get3A_441 = arith.index_cast %get3A_440 : i32 to index
      %get3A_442 = arith.constant 16 : index
      %get3A_443 = tpu.vector_load %arg8[%get3A_441, %get3A_442] {strides = array<i32>} : memref<16x384xf32, #tpu.memory_space<vmem>>, vector<1x16xf32>,
      %get3A_444 = vector.shape_cast %get3A_443 : vector<1x16xf32> to vector<16xf32>
      %mul3A_445 = arith.mulf %div3A_79, %get3A_444 : vector<16xf32>
      %add3A_446 = arith.addf %mul3A_439, %mul3A_445 : vector<16xf32>
      %get3A_447 = arith.constant 2 : i32
      %get3A_448 = arith.index_cast %get3A_447 : i32 to index
      %get3A_449 = arith.constant 16 : index
      %get3A_450 = tpu.vector_load %arg8[%get3A_448, %get3A_449] {strides = array<i32>} : memref<16x384xf32, #tpu.memory_space<vmem>>, vector<1x16xf32>,
      %get3A_451 = vector.shape_cast %get3A_450 : vector<1x16xf32> to vector<16xf32>
      %mul3A_452 = arith.mulf %div3A_104, %get3A_451 : vector<16xf32>
      %add3A_453 = arith.addf %add3A_446, %mul3A_452 : vector<16xf32>
      %get3A_454 = arith.constant 3 : i32
      %get3A_455 = arith.index_cast %get3A_454 : i32 to index
      %get3A_456 = arith.constant 16 : index
      %get3A_457 = tpu.vector_load %arg8[%get3A_455, %get3A_456] {strides = array<i32>} : memref<16x384xf32, #tpu.memory_space<vmem>>, vector<1x16xf32>,
      %get3A_458 = vector.shape_cast %get3A_457 : vector<1x16xf32> to vector<16xf32>
      %mul3A_459 = arith.mulf %div3A_129, %get3A_458 : vector<16xf32>
      %add3A_460 = arith.addf %add3A_453, %mul3A_459 : vector<16xf32>
      %get3A_461 = arith.constant 4 : i32
      %get3A_462 = arith.index_cast %get3A_461 : i32 to index
      %get3A_463 = arith.constant 16 : index
      %get3A_464 = tpu.vector_load %arg8[%get3A_462, %get3A_463] {strides = array<i32>} : memref<16x384xf32, #tpu.memory_space<vmem>>, vector<1x16xf32>,
      %get3A_465 = vector.shape_cast %get3A_464 : vector<1x16xf32> to vector<16xf32>
      %mul3A_466 = arith.mulf %div3A_154, %get3A_465 : vector<16xf32>
      %add3A_467 = arith.addf %add3A_460, %mul3A_466 : vector<16xf32>
      %get3A_468 = arith.constant 5 : i32
      %get3A_469 = arith.index_cast %get3A_468 : i32 to index
      %get3A_470 = arith.constant 16 : index
      %get3A_471 = tpu.vector_load %arg8[%get3A_469, %get3A_470] {strides = array<i32>} : memref<16x384xf32, #tpu.memory_space<vmem>>, vector<1x16xf32>,
      %get3A_472 = vector.shape_cast %get3A_471 : vector<1x16xf32> to vector<16xf32>
      %mul3A_473 = arith.mulf %div3A_179, %get3A_472 : vector<16xf32>
      %add3A_474 = arith.addf %add3A_467, %mul3A_473 : vector<16xf32>
      %get3A_475 = arith.constant 6 : i32
      %get3A_476 = arith.index_cast %get3A_475 : i32 to index
      %get3A_477 = arith.constant 16 : index
      %get3A_478 = tpu.vector_load %arg8[%get3A_476, %get3A_477] {strides = array<i32>} : memref<16x384xf32, #tpu.memory_space<vmem>>, vector<1x16xf32>,
      %get3A_479 = vector.shape_cast %get3A_478 : vector<1x16xf32> to vector<16xf32>
      %mul3A_480 = arith.mulf %div3A_204, %get3A_479 : vector<16xf32>
      %add3A_481 = arith.addf %add3A_474, %mul3A_480 : vector<16xf32>
      %get3A_482 = arith.constant 7 : i32
      %get3A_483 = arith.index_cast %get3A_482 : i32 to index
      %get3A_484 = arith.constant 16 : index
      %get3A_485 = tpu.vector_load %arg8[%get3A_483, %get3A_484] {strides = array<i32>} : memref<16x384xf32, #tpu.memory_space<vmem>>, vector<1x16xf32>,
      %get3A_486 = vector.shape_cast %get3A_485 : vector<1x16xf32> to vector<16xf32>
      %mul3A_487 = arith.mulf %div3A_229, %get3A_486 : vector<16xf32>
      %add3A_488 = arith.addf %add3A_481, %mul3A_487 : vector<16xf32>
      %get3A_489 = arith.constant 8 : i32
      %get3A_490 = arith.index_cast %get3A_489 : i32 to index
      %get3A_491 = arith.constant 16 : index
      %get3A_492 = tpu.vector_load %arg8[%get3A_490, %get3A_491] {strides = array<i32>} : memref<16x384xf32, #tpu.memory_space<vmem>>, vector<1x16xf32>,
      %get3A_493 = vector.shape_cast %get3A_492 : vector<1x16xf32> to vector<16xf32>
      %mul3A_494 = arith.mulf %div3A_254, %get3A_493 : vector<16xf32>
      %add3A_495 = arith.addf %add3A_488, %mul3A_494 : vector<16xf32>
      %get3A_496 = arith.constant 9 : i32
      %get3A_497 = arith.index_cast %get3A_496 : i32 to index
      %get3A_498 = arith.constant 16 : index
      %get3A_499 = tpu.vector_load %arg8[%get3A_497, %get3A_498] {strides = array<i32>} : memref<16x384xf32, #tpu.memory_space<vmem>>, vector<1x16xf32>,
      %get3A_500 = vector.shape_cast %get3A_499 : vector<1x16xf32> to vector<16xf32>
      %mul3A_501 = arith.mulf %div3A_279, %get3A_500 : vector<16xf32>
      %add3A_502 = arith.addf %add3A_495, %mul3A_501 : vector<16xf32>
      %get3A_503 = arith.constant 10 : i32
      %get3A_504 = arith.index_cast %get3A_503 : i32 to index
      %get3A_505 = arith.constant 16 : index
      %get3A_506 = tpu.vector_load %arg8[%get3A_504, %get3A_505] {strides = array<i32>} : memref<16x384xf32, #tpu.memory_space<vmem>>, vector<1x16xf32>,
      %get3A_507 = vector.shape_cast %get3A_506 : vector<1x16xf32> to vector<16xf32>
      %mul3A_508 = arith.mulf %div3A_304, %get3A_507 : vector<16xf32>
      %add3A_509 = arith.addf %add3A_502, %mul3A_508 : vector<16xf32>
      %get3A_510 = arith.constant 11 : i32
      %get3A_511 = arith.index_cast %get3A_510 : i32 to index
      %get3A_512 = arith.constant 16 : index
      %get3A_513 = tpu.vector_load %arg8[%get3A_511, %get3A_512] {strides = array<i32>} : memref<16x384xf32, #tpu.memory_space<vmem>>, vector<1x16xf32>,
      %get3A_514 = vector.shape_cast %get3A_513 : vector<1x16xf32> to vector<16xf32>
      %mul3A_515 = arith.mulf %div3A_329, %get3A_514 : vector<16xf32>
      %add3A_516 = arith.addf %add3A_509, %mul3A_515 : vector<16xf32>
      %get3A_517 = arith.constant 12 : i32
      %get3A_518 = arith.index_cast %get3A_517 : i32 to index
      %get3A_519 = arith.constant 16 : index
      %get3A_520 = tpu.vector_load %arg8[%get3A_518, %get3A_519] {strides = array<i32>} : memref<16x384xf32, #tpu.memory_space<vmem>>, vector<1x16xf32>,
      %get3A_521 = vector.shape_cast %get3A_520 : vector<1x16xf32> to vector<16xf32>
      %mul3A_522 = arith.mulf %div3A_354, %get3A_521 : vector<16xf32>
      %add3A_523 = arith.addf %add3A_516, %mul3A_522 : vector<16xf32>
      %get3A_524 = arith.constant 13 : i32
      %get3A_525 = arith.index_cast %get3A_524 : i32 to index
      %get3A_526 = arith.constant 16 : index
      %get3A_527 = tpu.vector_load %arg8[%get3A_525, %get3A_526] {strides = array<i32>} : memref<16x384xf32, #tpu.memory_space<vmem>>, vector<1x16xf32>,
      %get3A_528 = vector.shape_cast %get3A_527 : vector<1x16xf32> to vector<16xf32>
      %mul3A_529 = arith.mulf %div3A_379, %get3A_528 : vector<16xf32>
      %add3A_530 = arith.addf %add3A_523, %mul3A_529 : vector<16xf32>
      %get3A_531 = arith.constant 14 : i32
      %get3A_532 = arith.index_cast %get3A_531 : i32 to index
      %get3A_533 = arith.constant 16 : index
      %get3A_534 = tpu.vector_load %arg8[%get3A_532, %get3A_533] {strides = array<i32>} : memref<16x384xf32, #tpu.memory_space<vmem>>, vector<1x16xf32>,
      %get3A_535 = vector.shape_cast %get3A_534 : vector<1x16xf32> to vector<16xf32>
      %mul3A_536 = arith.mulf %div3A_404, %get3A_535 : vector<16xf32>
      %add3A_537 = arith.addf %add3A_530, %mul3A_536 : vector<16xf32>
      %get3A_538 = arith.constant 15 : i32
      %get3A_539 = arith.index_cast %get3A_538 : i32 to index
      %get3A_540 = arith.constant 16 : index
      %get3A_541 = tpu.vector_load %arg8[%get3A_539, %get3A_540] {strides = array<i32>} : memref<16x384xf32, #tpu.memory_space<vmem>>, vector<1x16xf32>,
      %get3A_542 = vector.shape_cast %get3A_541 : vector<1x16xf32> to vector<16xf32>
      %mul3A_543 = arith.mulf %div3A_429, %get3A_542 : vector<16xf32>
      %add3A_544 = arith.addf %add3A_537, %mul3A_543 : vector<16xf32>
      %mul3A_545 = arith.mulf %add3A_544, %div3A_433 : vector<16xf32>
      %swap3A = arith.constant 0 : index
      %swap3A_546 = tpu.vector_load %arg9[%swap3A] {strides = array<i32>} : memref<320xf32, #tpu.memory_space<vmem>>, vector<16xf32>,
      %swap3A_547 = vector.shape_cast %swap3A_546 : vector<16xf32> to vector<16xf32>
      %swap3A_548 = vector.shape_cast %mul3A_545 : vector<16xf32> to vector<16xf32>
      tpu.vector_store %arg9[%swap3A], %swap3A_548 {strides = array<i32>} : memref<320xf32, #tpu.memory_space<vmem>>, vector<16xf32>,
      %get3A_549 = arith.constant 0 : i32
      %get3A_550 = arith.index_cast %get3A_549 : i32 to index
      %get3A_551 = arith.constant 32 : index
      %get3A_552 = tpu.vector_load %arg8[%get3A_550, %get3A_551] {strides = array<i32>} : memref<16x384xf32, #tpu.memory_space<vmem>>, vector<1x16xf32>,
      %get3A_553 = vector.shape_cast %get3A_552 : vector<1x16xf32> to vector<16xf32>
      %mul3A_554 = arith.mulf %div3A_55, %get3A_553 : vector<16xf32>
      %get3A_555 = arith.constant 1 : i32
      %get3A_556 = arith.index_cast %get3A_555 : i32 to index
      %get3A_557 = arith.constant 32 : index
      %get3A_558 = tpu.vector_load %arg8[%get3A_556, %get3A_557] {strides = array<i32>} : memref<16x384xf32, #tpu.memory_space<vmem>>, vector<1x16xf32>,
      %get3A_559 = vector.shape_cast %get3A_558 : vector<1x16xf32> to vector<16xf32>
      %mul3A_560 = arith.mulf %div3A_79, %get3A_559 : vector<16xf32>
      %add3A_561 = arith.addf %mul3A_554, %mul3A_560 : vector<16xf32>
      %get3A_562 = arith.constant 2 : i32
      %get3A_563 = arith.index_cast %get3A_562 : i32 to index
      %get3A_564 = arith.constant 32 : index
      %get3A_565 = tpu.vector_load %arg8[%get3A_563, %get3A_564] {strides = array<i32>} : memref<16x384xf32, #tpu.memory_space<vmem>>, vector<1x16xf32>,
      %get3A_566 = vector.shape_cast %get3A_565 : vector<1x16xf32> to vector<16xf32>
      %mul3A_567 = arith.mulf %div3A_104, %get3A_566 : vector<16xf32>
      %add3A_568 = arith.addf %add3A_561, %mul3A_567 : vector<16xf32>
      %get3A_569 = arith.constant 3 : i32
      %get3A_570 = arith.index_cast %get3A_569 : i32 to index
      %get3A_571 = arith.constant 32 : index
      %get3A_572 = tpu.vector_load %arg8[%get3A_570, %get3A_571] {strides = array<i32>} : memref<16x384xf32, #tpu.memory_space<vmem>>, vector<1x16xf32>,
      %get3A_573 = vector.shape_cast %get3A_572 : vector<1x16xf32> to vector<16xf32>
      %mul3A_574 = arith.mulf %div3A_129, %get3A_573 : vector<16xf32>
      %add3A_575 = arith.addf %add3A_568, %mul3A_574 : vector<16xf32>
      %get3A_576 = arith.constant 4 : i32
      %get3A_577 = arith.index_cast %get3A_576 : i32 to index
      %get3A_578 = arith.constant 32 : index
      %get3A_579 = tpu.vector_load %arg8[%get3A_577, %get3A_578] {strides = array<i32>} : memref<16x384xf32, #tpu.memory_space<vmem>>, vector<1x16xf32>,
      %get3A_580 = vector.shape_cast %get3A_579 : vector<1x16xf32> to vector<16xf32>
      %mul3A_581 = arith.mulf %div3A_154, %get3A_580 : vector<16xf32>
      %add3A_582 = arith.addf %add3A_575, %mul3A_581 : vector<16xf32>
      %get3A_583 = arith.constant 5 : i32
      %get3A_584 = arith.index_cast %get3A_583 : i32 to index
      %get3A_585 = arith.constant 32 : index
      %get3A_586 = tpu.vector_load %arg8[%get3A_584, %get3A_585] {strides = array<i32>} : memref<16x384xf32, #tpu.memory_space<vmem>>, vector<1x16xf32>,
      %get3A_587 = vector.shape_cast %get3A_586 : vector<1x16xf32> to vector<16xf32>
      %mul3A_588 = arith.mulf %div3A_179, %get3A_587 : vector<16xf32>
      %add3A_589 = arith.addf %add3A_582, %mul3A_588 : vector<16xf32>
      %get3A_590 = arith.constant 6 : i32
      %get3A_591 = arith.index_cast %get3A_590 : i32 to index
      %get3A_592 = arith.constant 32 : index
      %get3A_593 = tpu.vector_load %arg8[%get3A_591, %get3A_592] {strides = array<i32>} : memref<16x384xf32, #tpu.memory_space<vmem>>, vector<1x16xf32>,
      %get3A_594 = vector.shape_cast %get3A_593 : vector<1x16xf32> to vector<16xf32>
      %mul3A_595 = arith.mulf %div3A_204, %get3A_594 : vector<16xf32>
      %add3A_596 = arith.addf %add3A_589, %mul3A_595 : vector<16xf32>
      %get3A_597 = arith.constant 7 : i32
      %get3A_598 = arith.index_cast %get3A_597 : i32 to index
      %get3A_599 = arith.constant 32 : index
      %get3A_600 = tpu.vector_load %arg8[%get3A_598, %get3A_599] {strides = array<i32>} : memref<16x384xf32, #tpu.memory_space<vmem>>, vector<1x16xf32>,
      %get3A_601 = vector.shape_cast %get3A_600 : vector<1x16xf32> to vector<16xf32>
      %mul3A_602 = arith.mulf %div3A_229, %get3A_601 : vector<16xf32>
      %add3A_603 = arith.addf %add3A_596, %mul3A_602 : vector<16xf32>
      %get3A_604 = arith.constant 8 : i32
      %get3A_605 = arith.index_cast %get3A_604 : i32 to index
      %get3A_606 = arith.constant 32 : index
      %get3A_607 = tpu.vector_load %arg8[%get3A_605, %get3A_606] {strides = array<i32>} : memref<16x384xf32, #tpu.memory_space<vmem>>, vector<1x16xf32>,
      %get3A_608 = vector.shape_cast %get3A_607 : vector<1x16xf32> to vector<16xf32>
      %mul3A_609 = arith.mulf %div3A_254, %get3A_608 : vector<16xf32>
      %add3A_610 = arith.addf %add3A_603, %mul3A_609 : vector<16xf32>
      %get3A_611 = arith.constant 9 : i32
      %get3A_612 = arith.index_cast %get3A_611 : i32 to index
      %get3A_613 = arith.constant 32 : index
      %get3A_614 = tpu.vector_load %arg8[%get3A_612, %get3A_613] {strides = array<i32>} : memref<16x384xf32, #tpu.memory_space<vmem>>, vector<1x16xf32>,
      %get3A_615 = vector.shape_cast %get3A_614 : vector<1x16xf32> to vector<16xf32>
      %mul3A_616 = arith.mulf %div3A_279, %get3A_615 : vector<16xf32>
      %add3A_617 = arith.addf %add3A_610, %mul3A_616 : vector<16xf32>
      %get3A_618 = arith.constant 10 : i32
      %get3A_619 = arith.index_cast %get3A_618 : i32 to index
      %get3A_620 = arith.constant 32 : index
      %get3A_621 = tpu.vector_load %arg8[%get3A_619, %get3A_620] {strides = array<i32>} : memref<16x384xf32, #tpu.memory_space<vmem>>, vector<1x16xf32>,
      %get3A_622 = vector.shape_cast %get3A_621 : vector<1x16xf32> to vector<16xf32>
      %mul3A_623 = arith.mulf %div3A_304, %get3A_622 : vector<16xf32>
      %add3A_624 = arith.addf %add3A_617, %mul3A_623 : vector<16xf32>
      %get3A_625 = arith.constant 11 : i32
      %get3A_626 = arith.index_cast %get3A_625 : i32 to index
      %get3A_627 = arith.constant 32 : index
      %get3A_628 = tpu.vector_load %arg8[%get3A_626, %get3A_627] {strides = array<i32>} : memref<16x384xf32, #tpu.memory_space<vmem>>, vector<1x16xf32>,
      %get3A_629 = vector.shape_cast %get3A_628 : vector<1x16xf32> to vector<16xf32>
      %mul3A_630 = arith.mulf %div3A_329, %get3A_629 : vector<16xf32>
      %add3A_631 = arith.addf %add3A_624, %mul3A_630 : vector<16xf32>
      %get3A_632 = arith.constant 12 : i32
      %get3A_633 = arith.index_cast %get3A_632 : i32 to index
      %get3A_634 = arith.constant 32 : index
      %get3A_635 = tpu.vector_load %arg8[%get3A_633, %get3A_634] {strides = array<i32>} : memref<16x384xf32, #tpu.memory_space<vmem>>, vector<1x16xf32>,
      %get3A_636 = vector.shape_cast %get3A_635 : vector<1x16xf32> to vector<16xf32>
      %mul3A_637 = arith.mulf %div3A_354, %get3A_636 : vector<16xf32>
      %add3A_638 = arith.addf %add3A_631, %mul3A_637 : vector<16xf32>
      %get3A_639 = arith.constant 13 : i32
      %get3A_640 = arith.index_cast %get3A_639 : i32 to index
      %get3A_641 = arith.constant 32 : index
      %get3A_642 = tpu.vector_load %arg8[%get3A_640, %get3A_641] {strides = array<i32>} : memref<16x384xf32, #tpu.memory_space<vmem>>, vector<1x16xf32>,
      %get3A_643 = vector.shape_cast %get3A_642 : vector<1x16xf32> to vector<16xf32>
      %mul3A_644 = arith.mulf %div3A_379, %get3A_643 : vector<16xf32>
      %add3A_645 = arith.addf %add3A_638, %mul3A_644 : vector<16xf32>
      %get3A_646 = arith.constant 14 : i32
      %get3A_647 = arith.index_cast %get3A_646 : i32 to index
      %get3A_648 = arith.constant 32 : index
      %get3A_649 = tpu.vector_load %arg8[%get3A_647, %get3A_648] {strides = array<i32>} : memref<16x384xf32, #tpu.memory_space<vmem>>, vector<1x16xf32>,
      %get3A_650 = vector.shape_cast %get3A_649 : vector<1x16xf32> to vector<16xf32>
      %mul3A_651 = arith.mulf %div3A_404, %get3A_650 : vector<16xf32>
      %add3A_652 = arith.addf %add3A_645, %mul3A_651 : vector<16xf32>
      %get3A_653 = arith.constant 15 : i32
      %get3A_654 = arith.index_cast %get3A_653 : i32 to index
      %get3A_655 = arith.constant 32 : index
      %get3A_656 = tpu.vector_load %arg8[%get3A_654, %get3A_655] {strides = array<i32>} : memref<16x384xf32, #tpu.memory_space<vmem>>, vector<1x16xf32>,
      %get3A_657 = vector.shape_cast %get3A_656 : vector<1x16xf32> to vector<16xf32>
      %mul3A_658 = arith.mulf %div3A_429, %get3A_657 : vector<16xf32>
      %add3A_659 = arith.addf %add3A_652, %mul3A_658 : vector<16xf32>
      %mul3A_660 = arith.mulf %add3A_659, %div3A_433 : vector<16xf32>
      %swap3A_661 = arith.constant 16 : index
      %swap3A_662 = tpu.vector_load %arg9[%swap3A_661] {strides = array<i32>} : memref<320xf32, #tpu.memory_space<vmem>>, vector<16xf32>,
      %swap3A_663 = vector.shape_cast %swap3A_662 : vector<16xf32> to vector<16xf32>
      %swap3A_664 = vector.shape_cast %mul3A_660 : vector<16xf32> to vector<16xf32>
      tpu.vector_store %arg9[%swap3A_661], %swap3A_664 {strides = array<i32>} : memref<320xf32, #tpu.memory_space<vmem>>, vector<16xf32>,
      %get3A_665 = arith.constant 0 : i32
      %get3A_666 = arith.index_cast %get3A_665 : i32 to index
      %get3A_667 = arith.constant 48 : index
      %get3A_668 = tpu.vector_load %arg8[%get3A_666, %get3A_667] {strides = array<i32>} : memref<16x384xf32, #tpu.memory_space<vmem>>, vector<1x16xf32>,
      %get3A_669 = vector.shape_cast %get3A_668 : vector<1x16xf32> to vector<16xf32>
      %mul3A_670 = arith.mulf %div3A_55, %get3A_669 : vector<16xf32>
      %get3A_671 = arith.constant 1 : i32
      %get3A_672 = arith.index_cast %get3A_671 : i32 to index
      %get3A_673 = arith.constant 48 : index
      %get3A_674 = tpu.vector_load %arg8[%get3A_672, %get3A_673] {strides = array<i32>} : memref<16x384xf32, #tpu.memory_space<vmem>>, vector<1x16xf32>,
      %get3A_675 = vector.shape_cast %get3A_674 : vector<1x16xf32> to vector<16xf32>
      %mul3A_676 = arith.mulf %div3A_79, %get3A_675 : vector<16xf32>
      %add3A_677 = arith.addf %mul3A_670, %mul3A_676 : vector<16xf32>
      %get3A_678 = arith.constant 2 : i32
      %get3A_679 = arith.index_cast %get3A_678 : i32 to index
      %get3A_680 = arith.constant 48 : index
      %get3A_681 = tpu.vector_load %arg8[%get3A_679, %get3A_680] {strides = array<i32>} : memref<16x384xf32, #tpu.memory_space<vmem>>, vector<1x16xf32>,
      %get3A_682 = vector.shape_cast %get3A_681 : vector<1x16xf32> to vector<16xf32>
      %mul3A_683 = arith.mulf %div3A_104, %get3A_682 : vector<16xf32>
      %add3A_684 = arith.addf %add3A_677, %mul3A_683 : vector<16xf32>
      %get3A_685 = arith.constant 3 : i32
      %get3A_686 = arith.index_cast %get3A_685 : i32 to index
      %get3A_687 = arith.constant 48 : index
      %get3A_688 = tpu.vector_load %arg8[%get3A_686, %get3A_687] {strides = array<i32>} : memref<16x384xf32, #tpu.memory_space<vmem>>, vector<1x16xf32>,
      %get3A_689 = vector.shape_cast %get3A_688 : vector<1x16xf32> to vector<16xf32>
      %mul3A_690 = arith.mulf %div3A_129, %get3A_689 : vector<16xf32>
      %add3A_691 = arith.addf %add3A_684, %mul3A_690 : vector<16xf32>
      %get3A_692 = arith.constant 4 : i32
      %get3A_693 = arith.index_cast %get3A_692 : i32 to index
      %get3A_694 = arith.constant 48 : index
      %get3A_695 = tpu.vector_load %arg8[%get3A_693, %get3A_694] {strides = array<i32>} : memref<16x384xf32, #tpu.memory_space<vmem>>, vector<1x16xf32>,
      %get3A_696 = vector.shape_cast %get3A_695 : vector<1x16xf32> to vector<16xf32>
      %mul3A_697 = arith.mulf %div3A_154, %get3A_696 : vector<16xf32>
      %add3A_698 = arith.addf %add3A_691, %mul3A_697 : vector<16xf32>
      %get3A_699 = arith.constant 5 : i32
      %get3A_700 = arith.index_cast %get3A_699 : i32 to index
      %get3A_701 = arith.constant 48 : index
      %get3A_702 = tpu.vector_load %arg8[%get3A_700, %get3A_701] {strides = array<i32>} : memref<16x384xf32, #tpu.memory_space<vmem>>, vector<1x16xf32>,
      %get3A_703 = vector.shape_cast %get3A_702 : vector<1x16xf32> to vector<16xf32>
      %mul3A_704 = arith.mulf %div3A_179, %get3A_703 : vector<16xf32>
      %add3A_705 = arith.addf %add3A_698, %mul3A_704 : vector<16xf32>
      %get3A_706 = arith.constant 6 : i32
      %get3A_707 = arith.index_cast %get3A_706 : i32 to index
      %get3A_708 = arith.constant 48 : index
      %get3A_709 = tpu.vector_load %arg8[%get3A_707, %get3A_708] {strides = array<i32>} : memref<16x384xf32, #tpu.memory_space<vmem>>, vector<1x16xf32>,
      %get3A_710 = vector.shape_cast %get3A_709 : vector<1x16xf32> to vector<16xf32>
      %mul3A_711 = arith.mulf %div3A_204, %get3A_710 : vector<16xf32>
      %add3A_712 = arith.addf %add3A_705, %mul3A_711 : vector<16xf32>
      %get3A_713 = arith.constant 7 : i32
      %get3A_714 = arith.index_cast %get3A_713 : i32 to index
      %get3A_715 = arith.constant 48 : index
      %get3A_716 = tpu.vector_load %arg8[%get3A_714, %get3A_715] {strides = array<i32>} : memref<16x384xf32, #tpu.memory_space<vmem>>, vector<1x16xf32>,
      %get3A_717 = vector.shape_cast %get3A_716 : vector<1x16xf32> to vector<16xf32>
      %mul3A_718 = arith.mulf %div3A_229, %get3A_717 : vector<16xf32>
      %add3A_719 = arith.addf %add3A_712, %mul3A_718 : vector<16xf32>
      %get3A_720 = arith.constant 8 : i32
      %get3A_721 = arith.index_cast %get3A_720 : i32 to index
      %get3A_722 = arith.constant 48 : index
      %get3A_723 = tpu.vector_load %arg8[%get3A_721, %get3A_722] {strides = array<i32>} : memref<16x384xf32, #tpu.memory_space<vmem>>, vector<1x16xf32>,
      %get3A_724 = vector.shape_cast %get3A_723 : vector<1x16xf32> to vector<16xf32>
      %mul3A_725 = arith.mulf %div3A_254, %get3A_724 : vector<16xf32>
      %add3A_726 = arith.addf %add3A_719, %mul3A_725 : vector<16xf32>
      %get3A_727 = arith.constant 9 : i32
      %get3A_728 = arith.index_cast %get3A_727 : i32 to index
      %get3A_729 = arith.constant 48 : index
      %get3A_730 = tpu.vector_load %arg8[%get3A_728, %get3A_729] {strides = array<i32>} : memref<16x384xf32, #tpu.memory_space<vmem>>, vector<1x16xf32>,
      %get3A_731 = vector.shape_cast %get3A_730 : vector<1x16xf32> to vector<16xf32>
      %mul3A_732 = arith.mulf %div3A_279, %get3A_731 : vector<16xf32>
      %add3A_733 = arith.addf %add3A_726, %mul3A_732 : vector<16xf32>
      %get3A_734 = arith.constant 10 : i32
      %get3A_735 = arith.index_cast %get3A_734 : i32 to index
      %get3A_736 = arith.constant 48 : index
      %get3A_737 = tpu.vector_load %arg8[%get3A_735, %get3A_736] {strides = array<i32>} : memref<16x384xf32, #tpu.memory_space<vmem>>, vector<1x16xf32>,
      %get3A_738 = vector.shape_cast %get3A_737 : vector<1x16xf32> to vector<16xf32>
      %mul3A_739 = arith.mulf %div3A_304, %get3A_738 : vector<16xf32>
      %add3A_740 = arith.addf %add3A_733, %mul3A_739 : vector<16xf32>
      %get3A_741 = arith.constant 11 : i32
      %get3A_742 = arith.index_cast %get3A_741 : i32 to index
      %get3A_743 = arith.constant 48 : index
      %get3A_744 = tpu.vector_load %arg8[%get3A_742, %get3A_743] {strides = array<i32>} : memref<16x384xf32, #tpu.memory_space<vmem>>, vector<1x16xf32>,
      %get3A_745 = vector.shape_cast %get3A_744 : vector<1x16xf32> to vector<16xf32>
      %mul3A_746 = arith.mulf %div3A_329, %get3A_745 : vector<16xf32>
      %add3A_747 = arith.addf %add3A_740, %mul3A_746 : vector<16xf32>
      %get3A_748 = arith.constant 12 : i32
      %get3A_749 = arith.index_cast %get3A_748 : i32 to index
      %get3A_750 = arith.constant 48 : index
      %get3A_751 = tpu.vector_load %arg8[%get3A_749, %get3A_750] {strides = array<i32>} : memref<16x384xf32, #tpu.memory_space<vmem>>, vector<1x16xf32>,
      %get3A_752 = vector.shape_cast %get3A_751 : vector<1x16xf32> to vector<16xf32>
      %mul3A_753 = arith.mulf %div3A_354, %get3A_752 : vector<16xf32>
      %add3A_754 = arith.addf %add3A_747, %mul3A_753 : vector<16xf32>
      %get3A_755 = arith.constant 13 : i32
      %get3A_756 = arith.index_cast %get3A_755 : i32 to index
      %get3A_757 = arith.constant 48 : index
      %get3A_758 = tpu.vector_load %arg8[%get3A_756, %get3A_757] {strides = array<i32>} : memref<16x384xf32, #tpu.memory_space<vmem>>, vector<1x16xf32>,
      %get3A_759 = vector.shape_cast %get3A_758 : vector<1x16xf32> to vector<16xf32>
      %mul3A_760 = arith.mulf %div3A_379, %get3A_759 : vector<16xf32>
      %add3A_761 = arith.addf %add3A_754, %mul3A_760 : vector<16xf32>
      %get3A_762 = arith.constant 14 : i32
      %get3A_763 = arith.index_cast %get3A_762 : i32 to index
      %get3A_764 = arith.constant 48 : index
      %get3A_765 = tpu.vector_load %arg8[%get3A_763, %get3A_764] {strides = array<i32>} : memref<16x384xf32, #tpu.memory_space<vmem>>, vector<1x16xf32>,
      %get3A_766 = vector.shape_cast %get3A_765 : vector<1x16xf32> to vector<16xf32>
      %mul3A_767 = arith.mulf %div3A_404, %get3A_766 : vector<16xf32>
      %add3A_768 = arith.addf %add3A_761, %mul3A_767 : vector<16xf32>
      %get3A_769 = arith.constant 15 : i32
      %get3A_770 = arith.index_cast %get3A_769 : i32 to index
      %get3A_771 = arith.constant 48 : index
      %get3A_772 = tpu.vector_load %arg8[%get3A_770, %get3A_771] {strides = array<i32>} : memref<16x384xf32, #tpu.memory_space<vmem>>, vector<1x16xf32>,
      %get3A_773 = vector.shape_cast %get3A_772 : vector<1x16xf32> to vector<16xf32>
      %mul3A_774 = arith.mulf %div3A_429, %get3A_773 : vector<16xf32>
      %add3A_775 = arith.addf %add3A_768, %mul3A_774 : vector<16xf32>
      %mul3A_776 = arith.mulf %add3A_775, %div3A_433 : vector<16xf32>
      %swap3A_777 = arith.constant 32 : index
      %swap3A_778 = tpu.vector_load %arg9[%swap3A_777] {strides = array<i32>} : memref<320xf32, #tpu.memory_space<vmem>>, vector<16xf32>,
      %swap3A_779 = vector.shape_cast %swap3A_778 : vector<16xf32> to vector<16xf32>
      %swap3A_780 = vector.shape_cast %mul3A_776 : vector<16xf32> to vector<16xf32>
      tpu.vector_store %arg9[%swap3A_777], %swap3A_780 {strides = array<i32>} : memref<320xf32, #tpu.memory_space<vmem>>, vector<16xf32>,
      %get3A_781 = arith.constant 0 : i32
      %get3A_782 = arith.index_cast %get3A_781 : i32 to index
      %get3A_783 = arith.constant 64 : index
      %get3A_784 = tpu.vector_load %arg8[%get3A_782, %get3A_783] {strides = array<i32>} : memref<16x384xf32, #tpu.memory_space<vmem>>, vector<1x16xf32>,
      %get3A_785 = vector.shape_cast %get3A_784 : vector<1x16xf32> to vector<16xf32>
      %mul3A_786 = arith.mulf %div3A_55, %get3A_785 : vector<16xf32>
      %get3A_787 = arith.constant 1 : i32
      %get3A_788 = arith.index_cast %get3A_787 : i32 to index
      %get3A_789 = arith.constant 64 : index
      %get3A_790 = tpu.vector_load %arg8[%get3A_788, %get3A_789] {strides = array<i32>} : memref<16x384xf32, #tpu.memory_space<vmem>>, vector<1x16xf32>,
      %get3A_791 = vector.shape_cast %get3A_790 : vector<1x16xf32> to vector<16xf32>
      %mul3A_792 = arith.mulf %div3A_79, %get3A_791 : vector<16xf32>
      %add3A_793 = arith.addf %mul3A_786, %mul3A_792 : vector<16xf32>
      %get3A_794 = arith.constant 2 : i32
      %get3A_795 = arith.index_cast %get3A_794 : i32 to index
      %get3A_796 = arith.constant 64 : index
      %get3A_797 = tpu.vector_load %arg8[%get3A_795, %get3A_796] {strides = array<i32>} : memref<16x384xf32, #tpu.memory_space<vmem>>, vector<1x16xf32>,
      %get3A_798 = vector.shape_cast %get3A_797 : vector<1x16xf32> to vector<16xf32>
      %mul3A_799 = arith.mulf %div3A_104, %get3A_798 : vector<16xf32>
      %add3A_800 = arith.addf %add3A_793, %mul3A_799 : vector<16xf32>
      %get3A_801 = arith.constant 3 : i32
      %get3A_802 = arith.index_cast %get3A_801 : i32 to index
      %get3A_803 = arith.constant 64 : index
      %get3A_804 = tpu.vector_load %arg8[%get3A_802, %get3A_803] {strides = array<i32>} : memref<16x384xf32, #tpu.memory_space<vmem>>, vector<1x16xf32>,
      %get3A_805 = vector.shape_cast %get3A_804 : vector<1x16xf32> to vector<16xf32>
      %mul3A_806 = arith.mulf %div3A_129, %get3A_805 : vector<16xf32>
      %add3A_807 = arith.addf %add3A_800, %mul3A_806 : vector<16xf32>
      %get3A_808 = arith.constant 4 : i32
      %get3A_809 = arith.index_cast %get3A_808 : i32 to index
      %get3A_810 = arith.constant 64 : index
      %get3A_811 = tpu.vector_load %arg8[%get3A_809, %get3A_810] {strides = array<i32>} : memref<16x384xf32, #tpu.memory_space<vmem>>, vector<1x16xf32>,
      %get3A_812 = vector.shape_cast %get3A_811 : vector<1x16xf32> to vector<16xf32>
      %mul3A_813 = arith.mulf %div3A_154, %get3A_812 : vector<16xf32>
      %add3A_814 = arith.addf %add3A_807, %mul3A_813 : vector<16xf32>
      %get3A_815 = arith.constant 5 : i32
      %get3A_816 = arith.index_cast %get3A_815 : i32 to index
      %get3A_817 = arith.constant 64 : index
      %get3A_818 = tpu.vector_load %arg8[%get3A_816, %get3A_817] {strides = array<i32>} : memref<16x384xf32, #tpu.memory_space<vmem>>, vector<1x16xf32>,
      %get3A_819 = vector.shape_cast %get3A_818 : vector<1x16xf32> to vector<16xf32>
      %mul3A_820 = arith.mulf %div3A_179, %get3A_819 : vector<16xf32>
      %add3A_821 = arith.addf %add3A_814, %mul3A_820 : vector<16xf32>
      %get3A_822 = arith.constant 6 : i32
      %get3A_823 = arith.index_cast %get3A_822 : i32 to index
      %get3A_824 = arith.constant 64 : index
      %get3A_825 = tpu.vector_load %arg8[%get3A_823, %get3A_824] {strides = array<i32>} : memref<16x384xf32, #tpu.memory_space<vmem>>, vector<1x16xf32>,
      %get3A_826 = vector.shape_cast %get3A_825 : vector<1x16xf32> to vector<16xf32>
      %mul3A_827 = arith.mulf %div3A_204, %get3A_826 : vector<16xf32>
      %add3A_828 = arith.addf %add3A_821, %mul3A_827 : vector<16xf32>
      %get3A_829 = arith.constant 7 : i32
      %get3A_830 = arith.index_cast %get3A_829 : i32 to index
      %get3A_831 = arith.constant 64 : index
      %get3A_832 = tpu.vector_load %arg8[%get3A_830, %get3A_831] {strides = array<i32>} : memref<16x384xf32, #tpu.memory_space<vmem>>, vector<1x16xf32>,
      %get3A_833 = vector.shape_cast %get3A_832 : vector<1x16xf32> to vector<16xf32>
      %mul3A_834 = arith.mulf %div3A_229, %get3A_833 : vector<16xf32>
      %add3A_835 = arith.addf %add3A_828, %mul3A_834 : vector<16xf32>
      %get3A_836 = arith.constant 8 : i32
      %get3A_837 = arith.index_cast %get3A_836 : i32 to index
      %get3A_838 = arith.constant 64 : index
      %get3A_839 = tpu.vector_load %arg8[%get3A_837, %get3A_838] {strides = array<i32>} : memref<16x384xf32, #tpu.memory_space<vmem>>, vector<1x16xf32>,
      %get3A_840 = vector.shape_cast %get3A_839 : vector<1x16xf32> to vector<16xf32>
      %mul3A_841 = arith.mulf %div3A_254, %get3A_840 : vector<16xf32>
      %add3A_842 = arith.addf %add3A_835, %mul3A_841 : vector<16xf32>
      %get3A_843 = arith.constant 9 : i32
      %get3A_844 = arith.index_cast %get3A_843 : i32 to index
      %get3A_845 = arith.constant 64 : index
      %get3A_846 = tpu.vector_load %arg8[%get3A_844, %get3A_845] {strides = array<i32>} : memref<16x384xf32, #tpu.memory_space<vmem>>, vector<1x16xf32>,
      %get3A_847 = vector.shape_cast %get3A_846 : vector<1x16xf32> to vector<16xf32>
      %mul3A_848 = arith.mulf %div3A_279, %get3A_847 : vector<16xf32>
      %add3A_849 = arith.addf %add3A_842, %mul3A_848 : vector<16xf32>
      %get3A_850 = arith.constant 10 : i32
      %get3A_851 = arith.index_cast %get3A_850 : i32 to index
      %get3A_852 = arith.constant 64 : index
      %get3A_853 = tpu.vector_load %arg8[%get3A_851, %get3A_852] {strides = array<i32>} : memref<16x384xf32, #tpu.memory_space<vmem>>, vector<1x16xf32>,
      %get3A_854 = vector.shape_cast %get3A_853 : vector<1x16xf32> to vector<16xf32>
      %mul3A_855 = arith.mulf %div3A_304, %get3A_854 : vector<16xf32>
      %add3A_856 = arith.addf %add3A_849, %mul3A_855 : vector<16xf32>
      %get3A_857 = arith.constant 11 : i32
      %get3A_858 = arith.index_cast %get3A_857 : i32 to index
      %get3A_859 = arith.constant 64 : index
      %get3A_860 = tpu.vector_load %arg8[%get3A_858, %get3A_859] {strides = array<i32>} : memref<16x384xf32, #tpu.memory_space<vmem>>, vector<1x16xf32>,
      %get3A_861 = vector.shape_cast %get3A_860 : vector<1x16xf32> to vector<16xf32>
      %mul3A_862 = arith.mulf %div3A_329, %get3A_861 : vector<16xf32>
      %add3A_863 = arith.addf %add3A_856, %mul3A_862 : vector<16xf32>
      %get3A_864 = arith.constant 12 : i32
      %get3A_865 = arith.index_cast %get3A_864 : i32 to index
      %get3A_866 = arith.constant 64 : index
      %get3A_867 = tpu.vector_load %arg8[%get3A_865, %get3A_866] {strides = array<i32>} : memref<16x384xf32, #tpu.memory_space<vmem>>, vector<1x16xf32>,
      %get3A_868 = vector.shape_cast %get3A_867 : vector<1x16xf32> to vector<16xf32>
      %mul3A_869 = arith.mulf %div3A_354, %get3A_868 : vector<16xf32>
      %add3A_870 = arith.addf %add3A_863, %mul3A_869 : vector<16xf32>
      %get3A_871 = arith.constant 13 : i32
      %get3A_872 = arith.index_cast %get3A_871 : i32 to index
      %get3A_873 = arith.constant 64 : index
      %get3A_874 = tpu.vector_load %arg8[%get3A_872, %get3A_873] {strides = array<i32>} : memref<16x384xf32, #tpu.memory_space<vmem>>, vector<1x16xf32>,
      %get3A_875 = vector.shape_cast %get3A_874 : vector<1x16xf32> to vector<16xf32>
      %mul3A_876 = arith.mulf %div3A_379, %get3A_875 : vector<16xf32>
      %add3A_877 = arith.addf %add3A_870, %mul3A_876 : vector<16xf32>
      %get3A_878 = arith.constant 14 : i32
      %get3A_879 = arith.index_cast %get3A_878 : i32 to index
      %get3A_880 = arith.constant 64 : index
      %get3A_881 = tpu.vector_load %arg8[%get3A_879, %get3A_880] {strides = array<i32>} : memref<16x384xf32, #tpu.memory_space<vmem>>, vector<1x16xf32>,
      %get3A_882 = vector.shape_cast %get3A_881 : vector<1x16xf32> to vector<16xf32>
      %mul3A_883 = arith.mulf %div3A_404, %get3A_882 : vector<16xf32>
      %add3A_884 = arith.addf %add3A_877, %mul3A_883 : vector<16xf32>
      %get3A_885 = arith.constant 15 : i32
      %get3A_886 = arith.index_cast %get3A_885 : i32 to index
      %get3A_887 = arith.constant 64 : index
      %get3A_888 = tpu.vector_load %arg8[%get3A_886, %get3A_887] {strides = array<i32>} : memref<16x384xf32, #tpu.memory_space<vmem>>, vector<1x16xf32>,
      %get3A_889 = vector.shape_cast %get3A_888 : vector<1x16xf32> to vector<16xf32>
      %mul3A_890 = arith.mulf %div3A_429, %get3A_889 : vector<16xf32>
      %add3A_891 = arith.addf %add3A_884, %mul3A_890 : vector<16xf32>
      %mul3A_892 = arith.mulf %add3A_891, %div3A_433 : vector<16xf32>
      %swap3A_893 = arith.constant 48 : index
      %swap3A_894 = tpu.vector_load %arg9[%swap3A_893] {strides = array<i32>} : memref<320xf32, #tpu.memory_space<vmem>>, vector<16xf32>,
      %swap3A_895 = vector.shape_cast %swap3A_894 : vector<16xf32> to vector<16xf32>
      %swap3A_896 = vector.shape_cast %mul3A_892 : vector<16xf32> to vector<16xf32>
      tpu.vector_store %arg9[%swap3A_893], %swap3A_896 {strides = array<i32>} : memref<320xf32, #tpu.memory_space<vmem>>, vector<16xf32>,
      %get3A_897 = arith.constant 0 : i32
      %get3A_898 = arith.index_cast %get3A_897 : i32 to index
      %get3A_899 = arith.constant 80 : index
      %get3A_900 = tpu.vector_load %arg8[%get3A_898, %get3A_899] {strides = array<i32>} : memref<16x384xf32, #tpu.memory_space<vmem>>, vector<1x16xf32>,
      %get3A_901 = vector.shape_cast %get3A_900 : vector<1x16xf32> to vector<16xf32>
      %mul3A_902 = arith.mulf %div3A_55, %get3A_901 : vector<16xf32>
      %get3A_903 = arith.constant 1 : i32
      %get3A_904 = arith.index_cast %get3A_903 : i32 to index
      %get3A_905 = arith.constant 80 : index
      %get3A_906 = tpu.vector_load %arg8[%get3A_904, %get3A_905] {strides = array<i32>} : memref<16x384xf32, #tpu.memory_space<vmem>>, vector<1x16xf32>,
      %get3A_907 = vector.shape_cast %get3A_906 : vector<1x16xf32> to vector<16xf32>
      %mul3A_908 = arith.mulf %div3A_79, %get3A_907 : vector<16xf32>
      %add3A_909 = arith.addf %mul3A_902, %mul3A_908 : vector<16xf32>
      %get3A_910 = arith.constant 2 : i32
      %get3A_911 = arith.index_cast %get3A_910 : i32 to index
      %get3A_912 = arith.constant 80 : index
      %get3A_913 = tpu.vector_load %arg8[%get3A_911, %get3A_912] {strides = array<i32>} : memref<16x384xf32, #tpu.memory_space<vmem>>, vector<1x16xf32>,
      %get3A_914 = vector.shape_cast %get3A_913 : vector<1x16xf32> to vector<16xf32>
      %mul3A_915 = arith.mulf %div3A_104, %get3A_914 : vector<16xf32>
      %add3A_916 = arith.addf %add3A_909, %mul3A_915 : vector<16xf32>
      %get3A_917 = arith.constant 3 : i32
      %get3A_918 = arith.index_cast %get3A_917 : i32 to index
      %get3A_919 = arith.constant 80 : index
      %get3A_920 = tpu.vector_load %arg8[%get3A_918, %get3A_919] {strides = array<i32>} : memref<16x384xf32, #tpu.memory_space<vmem>>, vector<1x16xf32>,
      %get3A_921 = vector.shape_cast %get3A_920 : vector<1x16xf32> to vector<16xf32>
      %mul3A_922 = arith.mulf %div3A_129, %get3A_921 : vector<16xf32>
      %add3A_923 = arith.addf %add3A_916, %mul3A_922 : vector<16xf32>
      %get3A_924 = arith.constant 4 : i32
      %get3A_925 = arith.index_cast %get3A_924 : i32 to index
      %get3A_926 = arith.constant 80 : index
      %get3A_927 = tpu.vector_load %arg8[%get3A_925, %get3A_926] {strides = array<i32>} : memref<16x384xf32, #tpu.memory_space<vmem>>, vector<1x16xf32>,
      %get3A_928 = vector.shape_cast %get3A_927 : vector<1x16xf32> to vector<16xf32>
      %mul3A_929 = arith.mulf %div3A_154, %get3A_928 : vector<16xf32>
      %add3A_930 = arith.addf %add3A_923, %mul3A_929 : vector<16xf32>
      %get3A_931 = arith.constant 5 : i32
      %get3A_932 = arith.index_cast %get3A_931 : i32 to index
      %get3A_933 = arith.constant 80 : index
      %get3A_934 = tpu.vector_load %arg8[%get3A_932, %get3A_933] {strides = array<i32>} : memref<16x384xf32, #tpu.memory_space<vmem>>, vector<1x16xf32>,
      %get3A_935 = vector.shape_cast %get3A_934 : vector<1x16xf32> to vector<16xf32>
      %mul3A_936 = arith.mulf %div3A_179, %get3A_935 : vector<16xf32>
      %add3A_937 = arith.addf %add3A_930, %mul3A_936 : vector<16xf32>
      %get3A_938 = arith.constant 6 : i32
      %get3A_939 = arith.index_cast %get3A_938 : i32 to index
      %get3A_940 = arith.constant 80 : index
      %get3A_941 = tpu.vector_load %arg8[%get3A_939, %get3A_940] {strides = array<i32>} : memref<16x384xf32, #tpu.memory_space<vmem>>, vector<1x16xf32>,
      %get3A_942 = vector.shape_cast %get3A_941 : vector<1x16xf32> to vector<16xf32>
      %mul3A_943 = arith.mulf %div3A_204, %get3A_942 : vector<16xf32>
      %add3A_944 = arith.addf %add3A_937, %mul3A_943 : vector<16xf32>
      %get3A_945 = arith.constant 7 : i32
      %get3A_946 = arith.index_cast %get3A_945 : i32 to index
      %get3A_947 = arith.constant 80 : index
      %get3A_948 = tpu.vector_load %arg8[%get3A_946, %get3A_947] {strides = array<i32>} : memref<16x384xf32, #tpu.memory_space<vmem>>, vector<1x16xf32>,
      %get3A_949 = vector.shape_cast %get3A_948 : vector<1x16xf32> to vector<16xf32>
      %mul3A_950 = arith.mulf %div3A_229, %get3A_949 : vector<16xf32>
      %add3A_951 = arith.addf %add3A_944, %mul3A_950 : vector<16xf32>
      %get3A_952 = arith.constant 8 : i32
      %get3A_953 = arith.index_cast %get3A_952 : i32 to index
      %get3A_954 = arith.constant 80 : index
      %get3A_955 = tpu.vector_load %arg8[%get3A_953, %get3A_954] {strides = array<i32>} : memref<16x384xf32, #tpu.memory_space<vmem>>, vector<1x16xf32>,
      %get3A_956 = vector.shape_cast %get3A_955 : vector<1x16xf32> to vector<16xf32>
      %mul3A_957 = arith.mulf %div3A_254, %get3A_956 : vector<16xf32>
      %add3A_958 = arith.addf %add3A_951, %mul3A_957 : vector<16xf32>
      %get3A_959 = arith.constant 9 : i32
      %get3A_960 = arith.index_cast %get3A_959 : i32 to index
      %get3A_961 = arith.constant 80 : index
      %get3A_962 = tpu.vector_load %arg8[%get3A_960, %get3A_961] {strides = array<i32>} : memref<16x384xf32, #tpu.memory_space<vmem>>, vector<1x16xf32>,
      %get3A_963 = vector.shape_cast %get3A_962 : vector<1x16xf32> to vector<16xf32>
      %mul3A_964 = arith.mulf %div3A_279, %get3A_963 : vector<16xf32>
      %add3A_965 = arith.addf %add3A_958, %mul3A_964 : vector<16xf32>
      %get3A_966 = arith.constant 10 : i32
      %get3A_967 = arith.index_cast %get3A_966 : i32 to index
      %get3A_968 = arith.constant 80 : index
      %get3A_969 = tpu.vector_load %arg8[%get3A_967, %get3A_968] {strides = array<i32>} : memref<16x384xf32, #tpu.memory_space<vmem>>, vector<1x16xf32>,
      %get3A_970 = vector.shape_cast %get3A_969 : vector<1x16xf32> to vector<16xf32>
      %mul3A_971 = arith.mulf %div3A_304, %get3A_970 : vector<16xf32>
      %add3A_972 = arith.addf %add3A_965, %mul3A_971 : vector<16xf32>
      %get3A_973 = arith.constant 11 : i32
      %get3A_974 = arith.index_cast %get3A_973 : i32 to index
      %get3A_975 = arith.constant 80 : index
      %get3A_976 = tpu.vector_load %arg8[%get3A_974, %get3A_975] {strides = array<i32>} : memref<16x384xf32, #tpu.memory_space<vmem>>, vector<1x16xf32>,
      %get3A_977 = vector.shape_cast %get3A_976 : vector<1x16xf32> to vector<16xf32>
      %mul3A_978 = arith.mulf %div3A_329, %get3A_977 : vector<16xf32>
      %add3A_979 = arith.addf %add3A_972, %mul3A_978 : vector<16xf32>
      %get3A_980 = arith.constant 12 : i32
      %get3A_981 = arith.index_cast %get3A_980 : i32 to index
      %get3A_982 = arith.constant 80 : index
      %get3A_983 = tpu.vector_load %arg8[%get3A_981, %get3A_982] {strides = array<i32>} : memref<16x384xf32, #tpu.memory_space<vmem>>, vector<1x16xf32>,
      %get3A_984 = vector.shape_cast %get3A_983 : vector<1x16xf32> to vector<16xf32>
      %mul3A_985 = arith.mulf %div3A_354, %get3A_984 : vector<16xf32>
      %add3A_986 = arith.addf %add3A_979, %mul3A_985 : vector<16xf32>
      %get3A_987 = arith.constant 13 : i32
      %get3A_988 = arith.index_cast %get3A_987 : i32 to index
      %get3A_989 = arith.constant 80 : index
      %get3A_990 = tpu.vector_load %arg8[%get3A_988, %get3A_989] {strides = array<i32>} : memref<16x384xf32, #tpu.memory_space<vmem>>, vector<1x16xf32>,
      %get3A_991 = vector.shape_cast %get3A_990 : vector<1x16xf32> to vector<16xf32>
      %mul3A_992 = arith.mulf %div3A_379, %get3A_991 : vector<16xf32>
      %add3A_993 = arith.addf %add3A_986, %mul3A_992 : vector<16xf32>
      %get3A_994 = arith.constant 14 : i32
      %get3A_995 = arith.index_cast %get3A_994 : i32 to index
      %get3A_996 = arith.constant 80 : index
      %get3A_997 = tpu.vector_load %arg8[%get3A_995, %get3A_996] {strides = array<i32>} : memref<16x384xf32, #tpu.memory_space<vmem>>, vector<1x16xf32>,
      %get3A_998 = vector.shape_cast %get3A_997 : vector<1x16xf32> to vector<16xf32>
      %mul3A_999 = arith.mulf %div3A_404, %get3A_998 : vector<16xf32>
      %add3A_1000 = arith.addf %add3A_993, %mul3A_999 : vector<16xf32>
      %get3A_1001 = arith.constant 15 : i32
      %get3A_1002 = arith.index_cast %get3A_1001 : i32 to index
      %get3A_1003 = arith.constant 80 : index
      %get3A_1004 = tpu.vector_load %arg8[%get3A_1002, %get3A_1003] {strides = array<i32>} : memref<16x384xf32, #tpu.memory_space<vmem>>, vector<1x16xf32>,
      %get3A_1005 = vector.shape_cast %get3A_1004 : vector<1x16xf32> to vector<16xf32>
      %mul3A_1006 = arith.mulf %div3A_429, %get3A_1005 : vector<16xf32>
      %add3A_1007 = arith.addf %add3A_1000, %mul3A_1006 : vector<16xf32>
      %mul3A_1008 = arith.mulf %add3A_1007, %div3A_433 : vector<16xf32>
      %swap3A_1009 = arith.constant 64 : index
      %swap3A_1010 = tpu.vector_load %arg9[%swap3A_1009] {strides = array<i32>} : memref<320xf32, #tpu.memory_space<vmem>>, vector<16xf32>,
      %swap3A_1011 = vector.shape_cast %swap3A_1010 : vector<16xf32> to vector<16xf32>
      %swap3A_1012 = vector.shape_cast %mul3A_1008 : vector<16xf32> to vector<16xf32>
      tpu.vector_store %arg9[%swap3A_1009], %swap3A_1012 {strides = array<i32>} : memref<320xf32, #tpu.memory_space<vmem>>, vector<16xf32>,
      %get3A_1013 = arith.constant 0 : i32
      %get3A_1014 = arith.index_cast %get3A_1013 : i32 to index
      %get3A_1015 = arith.constant 96 : index
      %get3A_1016 = tpu.vector_load %arg8[%get3A_1014, %get3A_1015] {strides = array<i32>} : memref<16x384xf32, #tpu.memory_space<vmem>>, vector<1x16xf32>,
      %get3A_1017 = vector.shape_cast %get3A_1016 : vector<1x16xf32> to vector<16xf32>
      %mul3A_1018 = arith.mulf %div3A_55, %get3A_1017 : vector<16xf32>
      %get3A_1019 = arith.constant 1 : i32
      %get3A_1020 = arith.index_cast %get3A_1019 : i32 to index
      %get3A_1021 = arith.constant 96 : index
      %get3A_1022 = tpu.vector_load %arg8[%get3A_1020, %get3A_1021] {strides = array<i32>} : memref<16x384xf32, #tpu.memory_space<vmem>>, vector<1x16xf32>,
      %get3A_1023 = vector.shape_cast %get3A_1022 : vector<1x16xf32> to vector<16xf32>
      %mul3A_1024 = arith.mulf %div3A_79, %get3A_1023 : vector<16xf32>
      %add3A_1025 = arith.addf %mul3A_1018, %mul3A_1024 : vector<16xf32>
      %get3A_1026 = arith.constant 2 : i32
      %get3A_1027 = arith.index_cast %get3A_1026 : i32 to index
      %get3A_1028 = arith.constant 96 : index
      %get3A_1029 = tpu.vector_load %arg8[%get3A_1027, %get3A_1028] {strides = array<i32>} : memref<16x384xf32, #tpu.memory_space<vmem>>, vector<1x16xf32>,
      %get3A_1030 = vector.shape_cast %get3A_1029 : vector<1x16xf32> to vector<16xf32>
      %mul3A_1031 = arith.mulf %div3A_104, %get3A_1030 : vector<16xf32>
      %add3A_1032 = arith.addf %add3A_1025, %mul3A_1031 : vector<16xf32>
      %get3A_1033 = arith.constant 3 : i32
      %get3A_1034 = arith.index_cast %get3A_1033 : i32 to index
      %get3A_1035 = arith.constant 96 : index
      %get3A_1036 = tpu.vector_load %arg8[%get3A_1034, %get3A_1035] {strides = array<i32>} : memref<16x384xf32, #tpu.memory_space<vmem>>, vector<1x16xf32>,
      %get3A_1037 = vector.shape_cast %get3A_1036 : vector<1x16xf32> to vector<16xf32>
      %mul3A_1038 = arith.mulf %div3A_129, %get3A_1037 : vector<16xf32>
      %add3A_1039 = arith.addf %add3A_1032, %mul3A_1038 : vector<16xf32>
      %get3A_1040 = arith.constant 4 : i32
      %get3A_1041 = arith.index_cast %get3A_1040 : i32 to index
      %get3A_1042 = arith.constant 96 : index
      %get3A_1043 = tpu.vector_load %arg8[%get3A_1041, %get3A_1042] {strides = array<i32>} : memref<16x384xf32, #tpu.memory_space<vmem>>, vector<1x16xf32>,
      %get3A_1044 = vector.shape_cast %get3A_1043 : vector<1x16xf32> to vector<16xf32>
      %mul3A_1045 = arith.mulf %div3A_154, %get3A_1044 : vector<16xf32>
      %add3A_1046 = arith.addf %add3A_1039, %mul3A_1045 : vector<16xf32>
      %get3A_1047 = arith.constant 5 : i32
      %get3A_1048 = arith.index_cast %get3A_1047 : i32 to index
      %get3A_1049 = arith.constant 96 : index
      %get3A_1050 = tpu.vector_load %arg8[%get3A_1048, %get3A_1049] {strides = array<i32>} : memref<16x384xf32, #tpu.memory_space<vmem>>, vector<1x16xf32>,
      %get3A_1051 = vector.shape_cast %get3A_1050 : vector<1x16xf32> to vector<16xf32>
      %mul3A_1052 = arith.mulf %div3A_179, %get3A_1051 : vector<16xf32>
      %add3A_1053 = arith.addf %add3A_1046, %mul3A_1052 : vector<16xf32>
      %get3A_1054 = arith.constant 6 : i32
      %get3A_1055 = arith.index_cast %get3A_1054 : i32 to index
      %get3A_1056 = arith.constant 96 : index
      %get3A_1057 = tpu.vector_load %arg8[%get3A_1055, %get3A_1056] {strides = array<i32>} : memref<16x384xf32, #tpu.memory_space<vmem>>, vector<1x16xf32>,
      %get3A_1058 = vector.shape_cast %get3A_1057 : vector<1x16xf32> to vector<16xf32>
      %mul3A_1059 = arith.mulf %div3A_204, %get3A_1058 : vector<16xf32>
      %add3A_1060 = arith.addf %add3A_1053, %mul3A_1059 : vector<16xf32>
      %get3A_1061 = arith.constant 7 : i32
      %get3A_1062 = arith.index_cast %get3A_1061 : i32 to index
      %get3A_1063 = arith.constant 96 : index
      %get3A_1064 = tpu.vector_load %arg8[%get3A_1062, %get3A_1063] {strides = array<i32>} : memref<16x384xf32, #tpu.memory_space<vmem>>, vector<1x16xf32>,
      %get3A_1065 = vector.shape_cast %get3A_1064 : vector<1x16xf32> to vector<16xf32>
      %mul3A_1066 = arith.mulf %div3A_229, %get3A_1065 : vector<16xf32>
      %add3A_1067 = arith.addf %add3A_1060, %mul3A_1066 : vector<16xf32>
      %get3A_1068 = arith.constant 8 : i32
      %get3A_1069 = arith.index_cast %get3A_1068 : i32 to index
      %get3A_1070 = arith.constant 96 : index
      %get3A_1071 = tpu.vector_load %arg8[%get3A_1069, %get3A_1070] {strides = array<i32>} : memref<16x384xf32, #tpu.memory_space<vmem>>, vector<1x16xf32>,
      %get3A_1072 = vector.shape_cast %get3A_1071 : vector<1x16xf32> to vector<16xf32>
      %mul3A_1073 = arith.mulf %div3A_254, %get3A_1072 : vector<16xf32>
      %add3A_1074 = arith.addf %add3A_1067, %mul3A_1073 : vector<16xf32>
      %get3A_1075 = arith.constant 9 : i32
      %get3A_1076 = arith.index_cast %get3A_1075 : i32 to index
      %get3A_1077 = arith.constant 96 : index
      %get3A_1078 = tpu.vector_load %arg8[%get3A_1076, %get3A_1077] {strides = array<i32>} : memref<16x384xf32, #tpu.memory_space<vmem>>, vector<1x16xf32>,
      %get3A_1079 = vector.shape_cast %get3A_1078 : vector<1x16xf32> to vector<16xf32>
      %mul3A_1080 = arith.mulf %div3A_279, %get3A_1079 : vector<16xf32>
      %add3A_1081 = arith.addf %add3A_1074, %mul3A_1080 : vector<16xf32>
      %get3A_1082 = arith.constant 10 : i32
      %get3A_1083 = arith.index_cast %get3A_1082 : i32 to index
      %get3A_1084 = arith.constant 96 : index
      %get3A_1085 = tpu.vector_load %arg8[%get3A_1083, %get3A_1084] {strides = array<i32>} : memref<16x384xf32, #tpu.memory_space<vmem>>, vector<1x16xf32>,
      %get3A_1086 = vector.shape_cast %get3A_1085 : vector<1x16xf32> to vector<16xf32>
      %mul3A_1087 = arith.mulf %div3A_304, %get3A_1086 : vector<16xf32>
      %add3A_1088 = arith.addf %add3A_1081, %mul3A_1087 : vector<16xf32>
      %get3A_1089 = arith.constant 11 : i32
      %get3A_1090 = arith.index_cast %get3A_1089 : i32 to index
      %get3A_1091 = arith.constant 96 : index
      %get3A_1092 = tpu.vector_load %arg8[%get3A_1090, %get3A_1091] {strides = array<i32>} : memref<16x384xf32, #tpu.memory_space<vmem>>, vector<1x16xf32>,
      %get3A_1093 = vector.shape_cast %get3A_1092 : vector<1x16xf32> to vector<16xf32>
      %mul3A_1094 = arith.mulf %div3A_329, %get3A_1093 : vector<16xf32>
      %add3A_1095 = arith.addf %add3A_1088, %mul3A_1094 : vector<16xf32>
      %get3A_1096 = arith.constant 12 : i32
      %get3A_1097 = arith.index_cast %get3A_1096 : i32 to index
      %get3A_1098 = arith.constant 96 : index
      %get3A_1099 = tpu.vector_load %arg8[%get3A_1097, %get3A_1098] {strides = array<i32>} : memref<16x384xf32, #tpu.memory_space<vmem>>, vector<1x16xf32>,
      %get3A_1100 = vector.shape_cast %get3A_1099 : vector<1x16xf32> to vector<16xf32>
      %mul3A_1101 = arith.mulf %div3A_354, %get3A_1100 : vector<16xf32>
      %add3A_1102 = arith.addf %add3A_1095, %mul3A_1101 : vector<16xf32>
      %get3A_1103 = arith.constant 13 : i32
      %get3A_1104 = arith.index_cast %get3A_1103 : i32 to index
      %get3A_1105 = arith.constant 96 : index
      %get3A_1106 = tpu.vector_load %arg8[%get3A_1104, %get3A_1105] {strides = array<i32>} : memref<16x384xf32, #tpu.memory_space<vmem>>, vector<1x16xf32>,
      %get3A_1107 = vector.shape_cast %get3A_1106 : vector<1x16xf32> to vector<16xf32>
      %mul3A_1108 = arith.mulf %div3A_379, %get3A_1107 : vector<16xf32>
      %add3A_1109 = arith.addf %add3A_1102, %mul3A_1108 : vector<16xf32>
      %get3A_1110 = arith.constant 14 : i32
      %get3A_1111 = arith.index_cast %get3A_1110 : i32 to index
      %get3A_1112 = arith.constant 96 : index
      %get3A_1113 = tpu.vector_load %arg8[%get3A_1111, %get3A_1112] {strides = array<i32>} : memref<16x384xf32, #tpu.memory_space<vmem>>, vector<1x16xf32>,
      %get3A_1114 = vector.shape_cast %get3A_1113 : vector<1x16xf32> to vector<16xf32>
      %mul3A_1115 = arith.mulf %div3A_404, %get3A_1114 : vector<16xf32>
      %add3A_1116 = arith.addf %add3A_1109, %mul3A_1115 : vector<16xf32>
      %get3A_1117 = arith.constant 15 : i32
      %get3A_1118 = arith.index_cast %get3A_1117 : i32 to index
      %get3A_1119 = arith.constant 96 : index
      %get3A_1120 = tpu.vector_load %arg8[%get3A_1118, %get3A_1119] {strides = array<i32>} : memref<16x384xf32, #tpu.memory_space<vmem>>, vector<1x16xf32>,
      %get3A_1121 = vector.shape_cast %get3A_1120 : vector<1x16xf32> to vector<16xf32>
      %mul3A_1122 = arith.mulf %div3A_429, %get3A_1121 : vector<16xf32>
      %add3A_1123 = arith.addf %add3A_1116, %mul3A_1122 : vector<16xf32>
      %mul3A_1124 = arith.mulf %add3A_1123, %div3A_433 : vector<16xf32>
      %swap3A_1125 = arith.constant 80 : index
      %swap3A_1126 = tpu.vector_load %arg9[%swap3A_1125] {strides = array<i32>} : memref<320xf32, #tpu.memory_space<vmem>>, vector<16xf32>,
      %swap3A_1127 = vector.shape_cast %swap3A_1126 : vector<16xf32> to vector<16xf32>
      %swap3A_1128 = vector.shape_cast %mul3A_1124 : vector<16xf32> to vector<16xf32>
      tpu.vector_store %arg9[%swap3A_1125], %swap3A_1128 {strides = array<i32>} : memref<320xf32, #tpu.memory_space<vmem>>, vector<16xf32>,
      %get3A_1129 = arith.constant 0 : i32
      %get3A_1130 = arith.index_cast %get3A_1129 : i32 to index
      %get3A_1131 = arith.constant 112 : index
      %get3A_1132 = tpu.vector_load %arg8[%get3A_1130, %get3A_1131] {strides = array<i32>} : memref<16x384xf32, #tpu.memory_space<vmem>>, vector<1x16xf32>,
      %get3A_1133 = vector.shape_cast %get3A_1132 : vector<1x16xf32> to vector<16xf32>
      %mul3A_1134 = arith.mulf %div3A_55, %get3A_1133 : vector<16xf32>
      %get3A_1135 = arith.constant 1 : i32
      %get3A_1136 = arith.index_cast %get3A_1135 : i32 to index
      %get3A_1137 = arith.constant 112 : index
      %get3A_1138 = tpu.vector_load %arg8[%get3A_1136, %get3A_1137] {strides = array<i32>} : memref<16x384xf32, #tpu.memory_space<vmem>>, vector<1x16xf32>,
      %get3A_1139 = vector.shape_cast %get3A_1138 : vector<1x16xf32> to vector<16xf32>
      %mul3A_1140 = arith.mulf %div3A_79, %get3A_1139 : vector<16xf32>
      %add3A_1141 = arith.addf %mul3A_1134, %mul3A_1140 : vector<16xf32>
      %get3A_1142 = arith.constant 2 : i32
      %get3A_1143 = arith.index_cast %get3A_1142 : i32 to index
      %get3A_1144 = arith.constant 112 : index
      %get3A_1145 = tpu.vector_load %arg8[%get3A_1143, %get3A_1144] {strides = array<i32>} : memref<16x384xf32, #tpu.memory_space<vmem>>, vector<1x16xf32>,
      %get3A_1146 = vector.shape_cast %get3A_1145 : vector<1x16xf32> to vector<16xf32>
      %mul3A_1147 = arith.mulf %div3A_104, %get3A_1146 : vector<16xf32>
      %add3A_1148 = arith.addf %add3A_1141, %mul3A_1147 : vector<16xf32>
      %get3A_1149 = arith.constant 3 : i32
      %get3A_1150 = arith.index_cast %get3A_1149 : i32 to index
      %get3A_1151 = arith.constant 112 : index
      %get3A_1152 = tpu.vector_load %arg8[%get3A_1150, %get3A_1151] {strides = array<i32>} : memref<16x384xf32, #tpu.memory_space<vmem>>, vector<1x16xf32>,
      %get3A_1153 = vector.shape_cast %get3A_1152 : vector<1x16xf32> to vector<16xf32>
      %mul3A_1154 = arith.mulf %div3A_129, %get3A_1153 : vector<16xf32>
      %add3A_1155 = arith.addf %add3A_1148, %mul3A_1154 : vector<16xf32>
      %get3A_1156 = arith.constant 4 : i32
      %get3A_1157 = arith.index_cast %get3A_1156 : i32 to index
      %get3A_1158 = arith.constant 112 : index
      %get3A_1159 = tpu.vector_load %arg8[%get3A_1157, %get3A_1158] {strides = array<i32>} : memref<16x384xf32, #tpu.memory_space<vmem>>, vector<1x16xf32>,
      %get3A_1160 = vector.shape_cast %get3A_1159 : vector<1x16xf32> to vector<16xf32>
      %mul3A_1161 = arith.mulf %div3A_154, %get3A_1160 : vector<16xf32>
      %add3A_1162 = arith.addf %add3A_1155, %mul3A_1161 : vector<16xf32>
      %get3A_1163 = arith.constant 5 : i32
      %get3A_1164 = arith.index_cast %get3A_1163 : i32 to index
      %get3A_1165 = arith.constant 112 : index
      %get3A_1166 = tpu.vector_load %arg8[%get3A_1164, %get3A_1165] {strides = array<i32>} : memref<16x384xf32, #tpu.memory_space<vmem>>, vector<1x16xf32>,
      %get3A_1167 = vector.shape_cast %get3A_1166 : vector<1x16xf32> to vector<16xf32>
      %mul3A_1168 = arith.mulf %div3A_179, %get3A_1167 : vector<16xf32>
      %add3A_1169 = arith.addf %add3A_1162, %mul3A_1168 : vector<16xf32>
      %get3A_1170 = arith.constant 6 : i32
      %get3A_1171 = arith.index_cast %get3A_1170 : i32 to index
      %get3A_1172 = arith.constant 112 : index
      %get3A_1173 = tpu.vector_load %arg8[%get3A_1171, %get3A_1172] {strides = array<i32>} : memref<16x384xf32, #tpu.memory_space<vmem>>, vector<1x16xf32>,
      %get3A_1174 = vector.shape_cast %get3A_1173 : vector<1x16xf32> to vector<16xf32>
      %mul3A_1175 = arith.mulf %div3A_204, %get3A_1174 : vector<16xf32>
      %add3A_1176 = arith.addf %add3A_1169, %mul3A_1175 : vector<16xf32>
      %get3A_1177 = arith.constant 7 : i32
      %get3A_1178 = arith.index_cast %get3A_1177 : i32 to index
      %get3A_1179 = arith.constant 112 : index
      %get3A_1180 = tpu.vector_load %arg8[%get3A_1178, %get3A_1179] {strides = array<i32>} : memref<16x384xf32, #tpu.memory_space<vmem>>, vector<1x16xf32>,
      %get3A_1181 = vector.shape_cast %get3A_1180 : vector<1x16xf32> to vector<16xf32>
      %mul3A_1182 = arith.mulf %div3A_229, %get3A_1181 : vector<16xf32>
      %add3A_1183 = arith.addf %add3A_1176, %mul3A_1182 : vector<16xf32>
      %get3A_1184 = arith.constant 8 : i32
      %get3A_1185 = arith.index_cast %get3A_1184 : i32 to index
      %get3A_1186 = arith.constant 112 : index
      %get3A_1187 = tpu.vector_load %arg8[%get3A_1185, %get3A_1186] {strides = array<i32>} : memref<16x384xf32, #tpu.memory_space<vmem>>, vector<1x16xf32>,
      %get3A_1188 = vector.shape_cast %get3A_1187 : vector<1x16xf32> to vector<16xf32>
      %mul3A_1189 = arith.mulf %div3A_254, %get3A_1188 : vector<16xf32>
      %add3A_1190 = arith.addf %add3A_1183, %mul3A_1189 : vector<16xf32>
      %get3A_1191 = arith.constant 9 : i32
      %get3A_1192 = arith.index_cast %get3A_1191 : i32 to index
      %get3A_1193 = arith.constant 112 : index
      %get3A_1194 = tpu.vector_load %arg8[%get3A_1192, %get3A_1193] {strides = array<i32>} : memref<16x384xf32, #tpu.memory_space<vmem>>, vector<1x16xf32>,
      %get3A_1195 = vector.shape_cast %get3A_1194 : vector<1x16xf32> to vector<16xf32>
      %mul3A_1196 = arith.mulf %div3A_279, %get3A_1195 : vector<16xf32>
      %add3A_1197 = arith.addf %add3A_1190, %mul3A_1196 : vector<16xf32>
      %get3A_1198 = arith.constant 10 : i32
      %get3A_1199 = arith.index_cast %get3A_1198 : i32 to index
      %get3A_1200 = arith.constant 112 : index
      %get3A_1201 = tpu.vector_load %arg8[%get3A_1199, %get3A_1200] {strides = array<i32>} : memref<16x384xf32, #tpu.memory_space<vmem>>, vector<1x16xf32>,
      %get3A_1202 = vector.shape_cast %get3A_1201 : vector<1x16xf32> to vector<16xf32>
      %mul3A_1203 = arith.mulf %div3A_304, %get3A_1202 : vector<16xf32>
      %add3A_1204 = arith.addf %add3A_1197, %mul3A_1203 : vector<16xf32>
      %get3A_1205 = arith.constant 11 : i32
      %get3A_1206 = arith.index_cast %get3A_1205 : i32 to index
      %get3A_1207 = arith.constant 112 : index
      %get3A_1208 = tpu.vector_load %arg8[%get3A_1206, %get3A_1207] {strides = array<i32>} : memref<16x384xf32, #tpu.memory_space<vmem>>, vector<1x16xf32>,
      %get3A_1209 = vector.shape_cast %get3A_1208 : vector<1x16xf32> to vector<16xf32>
      %mul3A_1210 = arith.mulf %div3A_329, %get3A_1209 : vector<16xf32>
      %add3A_1211 = arith.addf %add3A_1204, %mul3A_1210 : vector<16xf32>
      %get3A_1212 = arith.constant 12 : i32
      %get3A_1213 = arith.index_cast %get3A_1212 : i32 to index
      %get3A_1214 = arith.constant 112 : index
      %get3A_1215 = tpu.vector_load %arg8[%get3A_1213, %get3A_1214] {strides = array<i32>} : memref<16x384xf32, #tpu.memory_space<vmem>>, vector<1x16xf32>,
      %get3A_1216 = vector.shape_cast %get3A_1215 : vector<1x16xf32> to vector<16xf32>
      %mul3A_1217 = arith.mulf %div3A_354, %get3A_1216 : vector<16xf32>
      %add3A_1218 = arith.addf %add3A_1211, %mul3A_1217 : vector<16xf32>
      %get3A_1219 = arith.constant 13 : i32
      %get3A_1220 = arith.index_cast %get3A_1219 : i32 to index
      %get3A_1221 = arith.constant 112 : index
      %get3A_1222 = tpu.vector_load %arg8[%get3A_1220, %get3A_1221] {strides = array<i32>} : memref<16x384xf32, #tpu.memory_space<vmem>>, vector<1x16xf32>,
      %get3A_1223 = vector.shape_cast %get3A_1222 : vector<1x16xf32> to vector<16xf32>
      %mul3A_1224 = arith.mulf %div3A_379, %get3A_1223 : vector<16xf32>
      %add3A_1225 = arith.addf %add3A_1218, %mul3A_1224 : vector<16xf32>
      %get3A_1226 = arith.constant 14 : i32
      %get3A_1227 = arith.index_cast %get3A_1226 : i32 to index
      %get3A_1228 = arith.constant 112 : index
      %get3A_1229 = tpu.vector_load %arg8[%get3A_1227, %get3A_1228] {strides = array<i32>} : memref<16x384xf32, #tpu.memory_space<vmem>>, vector<1x16xf32>,
      %get3A_1230 = vector.shape_cast %get3A_1229 : vector<1x16xf32> to vector<16xf32>
      %mul3A_1231 = arith.mulf %div3A_404, %get3A_1230 : vector<16xf32>
      %add3A_1232 = arith.addf %add3A_1225, %mul3A_1231 : vector<16xf32>
      %get3A_1233 = arith.constant 15 : i32
      %get3A_1234 = arith.index_cast %get3A_1233 : i32 to index
      %get3A_1235 = arith.constant 112 : index
      %get3A_1236 = tpu.vector_load %arg8[%get3A_1234, %get3A_1235] {strides = array<i32>} : memref<16x384xf32, #tpu.memory_space<vmem>>, vector<1x16xf32>,
      %get3A_1237 = vector.shape_cast %get3A_1236 : vector<1x16xf32> to vector<16xf32>
      %mul3A_1238 = arith.mulf %div3A_429, %get3A_1237 : vector<16xf32>
      %add3A_1239 = arith.addf %add3A_1232, %mul3A_1238 : vector<16xf32>
      %mul3A_1240 = arith.mulf %add3A_1239, %div3A_433 : vector<16xf32>
      %swap3A_1241 = arith.constant 96 : index
      %swap3A_1242 = tpu.vector_load %arg9[%swap3A_1241] {strides = array<i32>} : memref<320xf32, #tpu.memory_space<vmem>>, vector<16xf32>,
      %swap3A_1243 = vector.shape_cast %swap3A_1242 : vector<16xf32> to vector<16xf32>
      %swap3A_1244 = vector.shape_cast %mul3A_1240 : vector<16xf32> to vector<16xf32>
      tpu.vector_store %arg9[%swap3A_1241], %swap3A_1244 {strides = array<i32>} : memref<320xf32, #tpu.memory_space<vmem>>, vector<16xf32>,
      %get3A_1245 = arith.constant 0 : i32
      %get3A_1246 = arith.index_cast %get3A_1245 : i32 to index
      %get3A_1247 = arith.constant 128 : index
      %get3A_1248 = tpu.vector_load %arg8[%get3A_1246, %get3A_1247] {strides = array<i32>} : memref<16x384xf32, #tpu.memory_space<vmem>>, vector<1x16xf32>,
      %get3A_1249 = vector.shape_cast %get3A_1248 : vector<1x16xf32> to vector<16xf32>
      %mul3A_1250 = arith.mulf %div3A_55, %get3A_1249 : vector<16xf32>
      %get3A_1251 = arith.constant 1 : i32
      %get3A_1252 = arith.index_cast %get3A_1251 : i32 to index
      %get3A_1253 = arith.constant 128 : index
      %get3A_1254 = tpu.vector_load %arg8[%get3A_1252, %get3A_1253] {strides = array<i32>} : memref<16x384xf32, #tpu.memory_space<vmem>>, vector<1x16xf32>,
      %get3A_1255 = vector.shape_cast %get3A_1254 : vector<1x16xf32> to vector<16xf32>
      %mul3A_1256 = arith.mulf %div3A_79, %get3A_1255 : vector<16xf32>
      %add3A_1257 = arith.addf %mul3A_1250, %mul3A_1256 : vector<16xf32>
      %get3A_1258 = arith.constant 2 : i32
      %get3A_1259 = arith.index_cast %get3A_1258 : i32 to index
      %get3A_1260 = arith.constant 128 : index
      %get3A_1261 = tpu.vector_load %arg8[%get3A_1259, %get3A_1260] {strides = array<i32>} : memref<16x384xf32, #tpu.memory_space<vmem>>, vector<1x16xf32>,
      %get3A_1262 = vector.shape_cast %get3A_1261 : vector<1x16xf32> to vector<16xf32>
      %mul3A_1263 = arith.mulf %div3A_104, %get3A_1262 : vector<16xf32>
      %add3A_1264 = arith.addf %add3A_1257, %mul3A_1263 : vector<16xf32>
      %get3A_1265 = arith.constant 3 : i32
      %get3A_1266 = arith.index_cast %get3A_1265 : i32 to index
      %get3A_1267 = arith.constant 128 : index
      %get3A_1268 = tpu.vector_load %arg8[%get3A_1266, %get3A_1267] {strides = array<i32>} : memref<16x384xf32, #tpu.memory_space<vmem>>, vector<1x16xf32>,
      %get3A_1269 = vector.shape_cast %get3A_1268 : vector<1x16xf32> to vector<16xf32>
      %mul3A_1270 = arith.mulf %div3A_129, %get3A_1269 : vector<16xf32>
      %add3A_1271 = arith.addf %add3A_1264, %mul3A_1270 : vector<16xf32>
      %get3A_1272 = arith.constant 4 : i32
      %get3A_1273 = arith.index_cast %get3A_1272 : i32 to index
      %get3A_1274 = arith.constant 128 : index
      %get3A_1275 = tpu.vector_load %arg8[%get3A_1273, %get3A_1274] {strides = array<i32>} : memref<16x384xf32, #tpu.memory_space<vmem>>, vector<1x16xf32>,
      %get3A_1276 = vector.shape_cast %get3A_1275 : vector<1x16xf32> to vector<16xf32>
      %mul3A_1277 = arith.mulf %div3A_154, %get3A_1276 : vector<16xf32>
      %add3A_1278 = arith.addf %add3A_1271, %mul3A_1277 : vector<16xf32>
      %get3A_1279 = arith.constant 5 : i32
      %get3A_1280 = arith.index_cast %get3A_1279 : i32 to index
      %get3A_1281 = arith.constant 128 : index
      %get3A_1282 = tpu.vector_load %arg8[%get3A_1280, %get3A_1281] {strides = array<i32>} : memref<16x384xf32, #tpu.memory_space<vmem>>, vector<1x16xf32>,
      %get3A_1283 = vector.shape_cast %get3A_1282 : vector<1x16xf32> to vector<16xf32>
      %mul3A_1284 = arith.mulf %div3A_179, %get3A_1283 : vector<16xf32>
      %add3A_1285 = arith.addf %add3A_1278, %mul3A_1284 : vector<16xf32>
      %get3A_1286 = arith.constant 6 : i32
      %get3A_1287 = arith.index_cast %get3A_1286 : i32 to index
      %get3A_1288 = arith.constant 128 : index
      %get3A_1289 = tpu.vector_load %arg8[%get3A_1287, %get3A_1288] {strides = array<i32>} : memref<16x384xf32, #tpu.memory_space<vmem>>, vector<1x16xf32>,
      %get3A_1290 = vector.shape_cast %get3A_1289 : vector<1x16xf32> to vector<16xf32>
      %mul3A_1291 = arith.mulf %div3A_204, %get3A_1290 : vector<16xf32>
      %add3A_1292 = arith.addf %add3A_1285, %mul3A_1291 : vector<16xf32>
      %get3A_1293 = arith.constant 7 : i32
      %get3A_1294 = arith.index_cast %get3A_1293 : i32 to index
      %get3A_1295 = arith.constant 128 : index
      %get3A_1296 = tpu.vector_load %arg8[%get3A_1294, %get3A_1295] {strides = array<i32>} : memref<16x384xf32, #tpu.memory_space<vmem>>, vector<1x16xf32>,
      %get3A_1297 = vector.shape_cast %get3A_1296 : vector<1x16xf32> to vector<16xf32>
      %mul3A_1298 = arith.mulf %div3A_229, %get3A_1297 : vector<16xf32>
      %add3A_1299 = arith.addf %add3A_1292, %mul3A_1298 : vector<16xf32>
      %get3A_1300 = arith.constant 8 : i32
      %get3A_1301 = arith.index_cast %get3A_1300 : i32 to index
      %get3A_1302 = arith.constant 128 : index
      %get3A_1303 = tpu.vector_load %arg8[%get3A_1301, %get3A_1302] {strides = array<i32>} : memref<16x384xf32, #tpu.memory_space<vmem>>, vector<1x16xf32>,
      %get3A_1304 = vector.shape_cast %get3A_1303 : vector<1x16xf32> to vector<16xf32>
      %mul3A_1305 = arith.mulf %div3A_254, %get3A_1304 : vector<16xf32>
      %add3A_1306 = arith.addf %add3A_1299, %mul3A_1305 : vector<16xf32>
      %get3A_1307 = arith.constant 9 : i32
      %get3A_1308 = arith.index_cast %get3A_1307 : i32 to index
      %get3A_1309 = arith.constant 128 : index
      %get3A_1310 = tpu.vector_load %arg8[%get3A_1308, %get3A_1309] {strides = array<i32>} : memref<16x384xf32, #tpu.memory_space<vmem>>, vector<1x16xf32>,
      %get3A_1311 = vector.shape_cast %get3A_1310 : vector<1x16xf32> to vector<16xf32>
      %mul3A_1312 = arith.mulf %div3A_279, %get3A_1311 : vector<16xf32>
      %add3A_1313 = arith.addf %add3A_1306, %mul3A_1312 : vector<16xf32>
      %get3A_1314 = arith.constant 10 : i32
      %get3A_1315 = arith.index_cast %get3A_1314 : i32 to index
      %get3A_1316 = arith.constant 128 : index
      %get3A_1317 = tpu.vector_load %arg8[%get3A_1315, %get3A_1316] {strides = array<i32>} : memref<16x384xf32, #tpu.memory_space<vmem>>, vector<1x16xf32>,
      %get3A_1318 = vector.shape_cast %get3A_1317 : vector<1x16xf32> to vector<16xf32>
      %mul3A_1319 = arith.mulf %div3A_304, %get3A_1318 : vector<16xf32>
      %add3A_1320 = arith.addf %add3A_1313, %mul3A_1319 : vector<16xf32>
      %get3A_1321 = arith.constant 11 : i32
      %get3A_1322 = arith.index_cast %get3A_1321 : i32 to index
      %get3A_1323 = arith.constant 128 : index
      %get3A_1324 = tpu.vector_load %arg8[%get3A_1322, %get3A_1323] {strides = array<i32>} : memref<16x384xf32, #tpu.memory_space<vmem>>, vector<1x16xf32>,
      %get3A_1325 = vector.shape_cast %get3A_1324 : vector<1x16xf32> to vector<16xf32>
      %mul3A_1326 = arith.mulf %div3A_329, %get3A_1325 : vector<16xf32>
      %add3A_1327 = arith.addf %add3A_1320, %mul3A_1326 : vector<16xf32>
      %get3A_1328 = arith.constant 12 : i32
      %get3A_1329 = arith.index_cast %get3A_1328 : i32 to index
      %get3A_1330 = arith.constant 128 : index
      %get3A_1331 = tpu.vector_load %arg8[%get3A_1329, %get3A_1330] {strides = array<i32>} : memref<16x384xf32, #tpu.memory_space<vmem>>, vector<1x16xf32>,
      %get3A_1332 = vector.shape_cast %get3A_1331 : vector<1x16xf32> to vector<16xf32>
      %mul3A_1333 = arith.mulf %div3A_354, %get3A_1332 : vector<16xf32>
      %add3A_1334 = arith.addf %add3A_1327, %mul3A_1333 : vector<16xf32>
      %get3A_1335 = arith.constant 13 : i32
      %get3A_1336 = arith.index_cast %get3A_1335 : i32 to index
      %get3A_1337 = arith.constant 128 : index
      %get3A_1338 = tpu.vector_load %arg8[%get3A_1336, %get3A_1337] {strides = array<i32>} : memref<16x384xf32, #tpu.memory_space<vmem>>, vector<1x16xf32>,
      %get3A_1339 = vector.shape_cast %get3A_1338 : vector<1x16xf32> to vector<16xf32>
      %mul3A_1340 = arith.mulf %div3A_379, %get3A_1339 : vector<16xf32>
      %add3A_1341 = arith.addf %add3A_1334, %mul3A_1340 : vector<16xf32>
      %get3A_1342 = arith.constant 14 : i32
      %get3A_1343 = arith.index_cast %get3A_1342 : i32 to index
      %get3A_1344 = arith.constant 128 : index
      %get3A_1345 = tpu.vector_load %arg8[%get3A_1343, %get3A_1344] {strides = array<i32>} : memref<16x384xf32, #tpu.memory_space<vmem>>, vector<1x16xf32>,
      %get3A_1346 = vector.shape_cast %get3A_1345 : vector<1x16xf32> to vector<16xf32>
      %mul3A_1347 = arith.mulf %div3A_404, %get3A_1346 : vector<16xf32>
      %add3A_1348 = arith.addf %add3A_1341, %mul3A_1347 : vector<16xf32>
      %get3A_1349 = arith.constant 15 : i32
      %get3A_1350 = arith.index_cast %get3A_1349 : i32 to index
      %get3A_1351 = arith.constant 128 : index
      %get3A_1352 = tpu.vector_load %arg8[%get3A_1350, %get3A_1351] {strides = array<i32>} : memref<16x384xf32, #tpu.memory_space<vmem>>, vector<1x16xf32>,
      %get3A_1353 = vector.shape_cast %get3A_1352 : vector<1x16xf32> to vector<16xf32>
      %mul3A_1354 = arith.mulf %div3A_429, %get3A_1353 : vector<16xf32>
      %add3A_1355 = arith.addf %add3A_1348, %mul3A_1354 : vector<16xf32>
      %mul3A_1356 = arith.mulf %add3A_1355, %div3A_433 : vector<16xf32>
      %swap3A_1357 = arith.constant 112 : index
      %swap3A_1358 = tpu.vector_load %arg9[%swap3A_1357] {strides = array<i32>} : memref<320xf32, #tpu.memory_space<vmem>>, vector<16xf32>,
      %swap3A_1359 = vector.shape_cast %swap3A_1358 : vector<16xf32> to vector<16xf32>
      %swap3A_1360 = vector.shape_cast %mul3A_1356 : vector<16xf32> to vector<16xf32>
      tpu.vector_store %arg9[%swap3A_1357], %swap3A_1360 {strides = array<i32>} : memref<320xf32, #tpu.memory_space<vmem>>, vector<16xf32>,
      %get3A_1361 = arith.constant 0 : i32
      %get3A_1362 = arith.index_cast %get3A_1361 : i32 to index
      %get3A_1363 = arith.constant 144 : index
      %get3A_1364 = tpu.vector_load %arg8[%get3A_1362, %get3A_1363] {strides = array<i32>} : memref<16x384xf32, #tpu.memory_space<vmem>>, vector<1x16xf32>,
      %get3A_1365 = vector.shape_cast %get3A_1364 : vector<1x16xf32> to vector<16xf32>
      %mul3A_1366 = arith.mulf %div3A_55, %get3A_1365 : vector<16xf32>
      %get3A_1367 = arith.constant 1 : i32
      %get3A_1368 = arith.index_cast %get3A_1367 : i32 to index
      %get3A_1369 = arith.constant 144 : index
      %get3A_1370 = tpu.vector_load %arg8[%get3A_1368, %get3A_1369] {strides = array<i32>} : memref<16x384xf32, #tpu.memory_space<vmem>>, vector<1x16xf32>,
      %get3A_1371 = vector.shape_cast %get3A_1370 : vector<1x16xf32> to vector<16xf32>
      %mul3A_1372 = arith.mulf %div3A_79, %get3A_1371 : vector<16xf32>
      %add3A_1373 = arith.addf %mul3A_1366, %mul3A_1372 : vector<16xf32>
      %get3A_1374 = arith.constant 2 : i32
      %get3A_1375 = arith.index_cast %get3A_1374 : i32 to index
      %get3A_1376 = arith.constant 144 : index
      %get3A_1377 = tpu.vector_load %arg8[%get3A_1375, %get3A_1376] {strides = array<i32>} : memref<16x384xf32, #tpu.memory_space<vmem>>, vector<1x16xf32>,
      %get3A_1378 = vector.shape_cast %get3A_1377 : vector<1x16xf32> to vector<16xf32>
      %mul3A_1379 = arith.mulf %div3A_104, %get3A_1378 : vector<16xf32>
      %add3A_1380 = arith.addf %add3A_1373, %mul3A_1379 : vector<16xf32>
      %get3A_1381 = arith.constant 3 : i32
      %get3A_1382 = arith.index_cast %get3A_1381 : i32 to index
      %get3A_1383 = arith.constant 144 : index
      %get3A_1384 = tpu.vector_load %arg8[%get3A_1382, %get3A_1383] {strides = array<i32>} : memref<16x384xf32, #tpu.memory_space<vmem>>, vector<1x16xf32>,
      %get3A_1385 = vector.shape_cast %get3A_1384 : vector<1x16xf32> to vector<16xf32>
      %mul3A_1386 = arith.mulf %div3A_129, %get3A_1385 : vector<16xf32>
      %add3A_1387 = arith.addf %add3A_1380, %mul3A_1386 : vector<16xf32>
      %get3A_1388 = arith.constant 4 : i32
      %get3A_1389 = arith.index_cast %get3A_1388 : i32 to index
      %get3A_1390 = arith.constant 144 : index
      %get3A_1391 = tpu.vector_load %arg8[%get3A_1389, %get3A_1390] {strides = array<i32>} : memref<16x384xf32, #tpu.memory_space<vmem>>, vector<1x16xf32>,
      %get3A_1392 = vector.shape_cast %get3A_1391 : vector<1x16xf32> to vector<16xf32>
      %mul3A_1393 = arith.mulf %div3A_154, %get3A_1392 : vector<16xf32>
      %add3A_1394 = arith.addf %add3A_1387, %mul3A_1393 : vector<16xf32>
      %get3A_1395 = arith.constant 5 : i32
      %get3A_1396 = arith.index_cast %get3A_1395 : i32 to index
      %get3A_1397 = arith.constant 144 : index
      %get3A_1398 = tpu.vector_load %arg8[%get3A_1396, %get3A_1397] {strides = array<i32>} : memref<16x384xf32, #tpu.memory_space<vmem>>, vector<1x16xf32>,
      %get3A_1399 = vector.shape_cast %get3A_1398 : vector<1x16xf32> to vector<16xf32>
      %mul3A_1400 = arith.mulf %div3A_179, %get3A_1399 : vector<16xf32>
      %add3A_1401 = arith.addf %add3A_1394, %mul3A_1400 : vector<16xf32>
      %get3A_1402 = arith.constant 6 : i32
      %get3A_1403 = arith.index_cast %get3A_1402 : i32 to index
      %get3A_1404 = arith.constant 144 : index
      %get3A_1405 = tpu.vector_load %arg8[%get3A_1403, %get3A_1404] {strides = array<i32>} : memref<16x384xf32, #tpu.memory_space<vmem>>, vector<1x16xf32>,
      %get3A_1406 = vector.shape_cast %get3A_1405 : vector<1x16xf32> to vector<16xf32>
      %mul3A_1407 = arith.mulf %div3A_204, %get3A_1406 : vector<16xf32>
      %add3A_1408 = arith.addf %add3A_1401, %mul3A_1407 : vector<16xf32>
      %get3A_1409 = arith.constant 7 : i32
      %get3A_1410 = arith.index_cast %get3A_1409 : i32 to index
      %get3A_1411 = arith.constant 144 : index
      %get3A_1412 = tpu.vector_load %arg8[%get3A_1410, %get3A_1411] {strides = array<i32>} : memref<16x384xf32, #tpu.memory_space<vmem>>, vector<1x16xf32>,
      %get3A_1413 = vector.shape_cast %get3A_1412 : vector<1x16xf32> to vector<16xf32>
      %mul3A_1414 = arith.mulf %div3A_229, %get3A_1413 : vector<16xf32>
      %add3A_1415 = arith.addf %add3A_1408, %mul3A_1414 : vector<16xf32>
      %get3A_1416 = arith.constant 8 : i32
      %get3A_1417 = arith.index_cast %get3A_1416 : i32 to index
      %get3A_1418 = arith.constant 144 : index
      %get3A_1419 = tpu.vector_load %arg8[%get3A_1417, %get3A_1418] {strides = array<i32>} : memref<16x384xf32, #tpu.memory_space<vmem>>, vector<1x16xf32>,
      %get3A_1420 = vector.shape_cast %get3A_1419 : vector<1x16xf32> to vector<16xf32>
      %mul3A_1421 = arith.mulf %div3A_254, %get3A_1420 : vector<16xf32>
      %add3A_1422 = arith.addf %add3A_1415, %mul3A_1421 : vector<16xf32>
      %get3A_1423 = arith.constant 9 : i32
      %get3A_1424 = arith.index_cast %get3A_1423 : i32 to index
      %get3A_1425 = arith.constant 144 : index
      %get3A_1426 = tpu.vector_load %arg8[%get3A_1424, %get3A_1425] {strides = array<i32>} : memref<16x384xf32, #tpu.memory_space<vmem>>, vector<1x16xf32>,
      %get3A_1427 = vector.shape_cast %get3A_1426 : vector<1x16xf32> to vector<16xf32>
      %mul3A_1428 = arith.mulf %div3A_279, %get3A_1427 : vector<16xf32>
      %add3A_1429 = arith.addf %add3A_1422, %mul3A_1428 : vector<16xf32>
      %get3A_1430 = arith.constant 10 : i32
      %get3A_1431 = arith.index_cast %get3A_1430 : i32 to index
      %get3A_1432 = arith.constant 144 : index
      %get3A_1433 = tpu.vector_load %arg8[%get3A_1431, %get3A_1432] {strides = array<i32>} : memref<16x384xf32, #tpu.memory_space<vmem>>, vector<1x16xf32>,
      %get3A_1434 = vector.shape_cast %get3A_1433 : vector<1x16xf32> to vector<16xf32>
      %mul3A_1435 = arith.mulf %div3A_304, %get3A_1434 : vector<16xf32>
      %add3A_1436 = arith.addf %add3A_1429, %mul3A_1435 : vector<16xf32>
      %get3A_1437 = arith.constant 11 : i32
      %get3A_1438 = arith.index_cast %get3A_1437 : i32 to index
      %get3A_1439 = arith.constant 144 : index
      %get3A_1440 = tpu.vector_load %arg8[%get3A_1438, %get3A_1439] {strides = array<i32>} : memref<16x384xf32, #tpu.memory_space<vmem>>, vector<1x16xf32>,
      %get3A_1441 = vector.shape_cast %get3A_1440 : vector<1x16xf32> to vector<16xf32>
      %mul3A_1442 = arith.mulf %div3A_329, %get3A_1441 : vector<16xf32>
      %add3A_1443 = arith.addf %add3A_1436, %mul3A_1442 : vector<16xf32>
      %get3A_1444 = arith.constant 12 : i32
      %get3A_1445 = arith.index_cast %get3A_1444 : i32 to index
      %get3A_1446 = arith.constant 144 : index
      %get3A_1447 = tpu.vector_load %arg8[%get3A_1445, %get3A_1446] {strides = array<i32>} : memref<16x384xf32, #tpu.memory_space<vmem>>, vector<1x16xf32>,
      %get3A_1448 = vector.shape_cast %get3A_1447 : vector<1x16xf32> to vector<16xf32>
      %mul3A_1449 = arith.mulf %div3A_354, %get3A_1448 : vector<16xf32>
      %add3A_1450 = arith.addf %add3A_1443, %mul3A_1449 : vector<16xf32>
      %get3A_1451 = arith.constant 13 : i32
      %get3A_1452 = arith.index_cast %get3A_1451 : i32 to index
      %get3A_1453 = arith.constant 144 : index
      %get3A_1454 = tpu.vector_load %arg8[%get3A_1452, %get3A_1453] {strides = array<i32>} : memref<16x384xf32, #tpu.memory_space<vmem>>, vector<1x16xf32>,
      %get3A_1455 = vector.shape_cast %get3A_1454 : vector<1x16xf32> to vector<16xf32>
      %mul3A_1456 = arith.mulf %div3A_379, %get3A_1455 : vector<16xf32>
      %add3A_1457 = arith.addf %add3A_1450, %mul3A_1456 : vector<16xf32>
      %get3A_1458 = arith.constant 14 : i32
      %get3A_1459 = arith.index_cast %get3A_1458 : i32 to index
      %get3A_1460 = arith.constant 144 : index
      %get3A_1461 = tpu.vector_load %arg8[%get3A_1459, %get3A_1460] {strides = array<i32>} : memref<16x384xf32, #tpu.memory_space<vmem>>, vector<1x16xf32>,
      %get3A_1462 = vector.shape_cast %get3A_1461 : vector<1x16xf32> to vector<16xf32>
      %mul3A_1463 = arith.mulf %div3A_404, %get3A_1462 : vector<16xf32>
      %add3A_1464 = arith.addf %add3A_1457, %mul3A_1463 : vector<16xf32>
      %get3A_1465 = arith.constant 15 : i32
      %get3A_1466 = arith.index_cast %get3A_1465 : i32 to index
      %get3A_1467 = arith.constant 144 : index
      %get3A_1468 = tpu.vector_load %arg8[%get3A_1466, %get3A_1467] {strides = array<i32>} : memref<16x384xf32, #tpu.memory_space<vmem>>, vector<1x16xf32>,
      %get3A_1469 = vector.shape_cast %get3A_1468 : vector<1x16xf32> to vector<16xf32>
      %mul3A_1470 = arith.mulf %div3A_429, %get3A_1469 : vector<16xf32>
      %add3A_1471 = arith.addf %add3A_1464, %mul3A_1470 : vector<16xf32>
      %mul3A_1472 = arith.mulf %add3A_1471, %div3A_433 : vector<16xf32>
      %swap3A_1473 = arith.constant 128 : index
      %swap3A_1474 = tpu.vector_load %arg9[%swap3A_1473] {strides = array<i32>} : memref<320xf32, #tpu.memory_space<vmem>>, vector<16xf32>,
      %swap3A_1475 = vector.shape_cast %swap3A_1474 : vector<16xf32> to vector<16xf32>
      %swap3A_1476 = vector.shape_cast %mul3A_1472 : vector<16xf32> to vector<16xf32>
      tpu.vector_store %arg9[%swap3A_1473], %swap3A_1476 {strides = array<i32>} : memref<320xf32, #tpu.memory_space<vmem>>, vector<16xf32>,
      %get3A_1477 = arith.constant 0 : i32
      %get3A_1478 = arith.index_cast %get3A_1477 : i32 to index
      %get3A_1479 = arith.constant 160 : index
      %get3A_1480 = tpu.vector_load %arg8[%get3A_1478, %get3A_1479] {strides = array<i32>} : memref<16x384xf32, #tpu.memory_space<vmem>>, vector<1x16xf32>,
      %get3A_1481 = vector.shape_cast %get3A_1480 : vector<1x16xf32> to vector<16xf32>
      %mul3A_1482 = arith.mulf %div3A_55, %get3A_1481 : vector<16xf32>
      %get3A_1483 = arith.constant 1 : i32
      %get3A_1484 = arith.index_cast %get3A_1483 : i32 to index
      %get3A_1485 = arith.constant 160 : index
      %get3A_1486 = tpu.vector_load %arg8[%get3A_1484, %get3A_1485] {strides = array<i32>} : memref<16x384xf32, #tpu.memory_space<vmem>>, vector<1x16xf32>,
      %get3A_1487 = vector.shape_cast %get3A_1486 : vector<1x16xf32> to vector<16xf32>
      %mul3A_1488 = arith.mulf %div3A_79, %get3A_1487 : vector<16xf32>
      %add3A_1489 = arith.addf %mul3A_1482, %mul3A_1488 : vector<16xf32>
      %get3A_1490 = arith.constant 2 : i32
      %get3A_1491 = arith.index_cast %get3A_1490 : i32 to index
      %get3A_1492 = arith.constant 160 : index
      %get3A_1493 = tpu.vector_load %arg8[%get3A_1491, %get3A_1492] {strides = array<i32>} : memref<16x384xf32, #tpu.memory_space<vmem>>, vector<1x16xf32>,
      %get3A_1494 = vector.shape_cast %get3A_1493 : vector<1x16xf32> to vector<16xf32>
      %mul3A_1495 = arith.mulf %div3A_104, %get3A_1494 : vector<16xf32>
      %add3A_1496 = arith.addf %add3A_1489, %mul3A_1495 : vector<16xf32>
      %get3A_1497 = arith.constant 3 : i32
      %get3A_1498 = arith.index_cast %get3A_1497 : i32 to index
      %get3A_1499 = arith.constant 160 : index
      %get3A_1500 = tpu.vector_load %arg8[%get3A_1498, %get3A_1499] {strides = array<i32>} : memref<16x384xf32, #tpu.memory_space<vmem>>, vector<1x16xf32>,
      %get3A_1501 = vector.shape_cast %get3A_1500 : vector<1x16xf32> to vector<16xf32>
      %mul3A_1502 = arith.mulf %div3A_129, %get3A_1501 : vector<16xf32>
      %add3A_1503 = arith.addf %add3A_1496, %mul3A_1502 : vector<16xf32>
      %get3A_1504 = arith.constant 4 : i32
      %get3A_1505 = arith.index_cast %get3A_1504 : i32 to index
      %get3A_1506 = arith.constant 160 : index
      %get3A_1507 = tpu.vector_load %arg8[%get3A_1505, %get3A_1506] {strides = array<i32>} : memref<16x384xf32, #tpu.memory_space<vmem>>, vector<1x16xf32>,
      %get3A_1508 = vector.shape_cast %get3A_1507 : vector<1x16xf32> to vector<16xf32>
      %mul3A_1509 = arith.mulf %div3A_154, %get3A_1508 : vector<16xf32>
      %add3A_1510 = arith.addf %add3A_1503, %mul3A_1509 : vector<16xf32>
      %get3A_1511 = arith.constant 5 : i32
      %get3A_1512 = arith.index_cast %get3A_1511 : i32 to index
      %get3A_1513 = arith.constant 160 : index
      %get3A_1514 = tpu.vector_load %arg8[%get3A_1512, %get3A_1513] {strides = array<i32>} : memref<16x384xf32, #tpu.memory_space<vmem>>, vector<1x16xf32>,
      %get3A_1515 = vector.shape_cast %get3A_1514 : vector<1x16xf32> to vector<16xf32>
      %mul3A_1516 = arith.mulf %div3A_179, %get3A_1515 : vector<16xf32>
      %add3A_1517 = arith.addf %add3A_1510, %mul3A_1516 : vector<16xf32>
      %get3A_1518 = arith.constant 6 : i32
      %get3A_1519 = arith.index_cast %get3A_1518 : i32 to index
      %get3A_1520 = arith.constant 160 : index
      %get3A_1521 = tpu.vector_load %arg8[%get3A_1519, %get3A_1520] {strides = array<i32>} : memref<16x384xf32, #tpu.memory_space<vmem>>, vector<1x16xf32>,
      %get3A_1522 = vector.shape_cast %get3A_1521 : vector<1x16xf32> to vector<16xf32>
      %mul3A_1523 = arith.mulf %div3A_204, %get3A_1522 : vector<16xf32>
      %add3A_1524 = arith.addf %add3A_1517, %mul3A_1523 : vector<16xf32>
      %get3A_1525 = arith.constant 7 : i32
      %get3A_1526 = arith.index_cast %get3A_1525 : i32 to index
      %get3A_1527 = arith.constant 160 : index
      %get3A_1528 = tpu.vector_load %arg8[%get3A_1526, %get3A_1527] {strides = array<i32>} : memref<16x384xf32, #tpu.memory_space<vmem>>, vector<1x16xf32>,
      %get3A_1529 = vector.shape_cast %get3A_1528 : vector<1x16xf32> to vector<16xf32>
      %mul3A_1530 = arith.mulf %div3A_229, %get3A_1529 : vector<16xf32>
      %add3A_1531 = arith.addf %add3A_1524, %mul3A_1530 : vector<16xf32>
      %get3A_1532 = arith.constant 8 : i32
      %get3A_1533 = arith.index_cast %get3A_1532 : i32 to index
      %get3A_1534 = arith.constant 160 : index
      %get3A_1535 = tpu.vector_load %arg8[%get3A_1533, %get3A_1534] {strides = array<i32>} : memref<16x384xf32, #tpu.memory_space<vmem>>, vector<1x16xf32>,
      %get3A_1536 = vector.shape_cast %get3A_1535 : vector<1x16xf32> to vector<16xf32>
      %mul3A_1537 = arith.mulf %div3A_254, %get3A_1536 : vector<16xf32>
      %add3A_1538 = arith.addf %add3A_1531, %mul3A_1537 : vector<16xf32>
      %get3A_1539 = arith.constant 9 : i32
      %get3A_1540 = arith.index_cast %get3A_1539 : i32 to index
      %get3A_1541 = arith.constant 160 : index
      %get3A_1542 = tpu.vector_load %arg8[%get3A_1540, %get3A_1541] {strides = array<i32>} : memref<16x384xf32, #tpu.memory_space<vmem>>, vector<1x16xf32>,
      %get3A_1543 = vector.shape_cast %get3A_1542 : vector<1x16xf32> to vector<16xf32>
      %mul3A_1544 = arith.mulf %div3A_279, %get3A_1543 : vector<16xf32>
      %add3A_1545 = arith.addf %add3A_1538, %mul3A_1544 : vector<16xf32>
      %get3A_1546 = arith.constant 10 : i32
      %get3A_1547 = arith.index_cast %get3A_1546 : i32 to index
      %get3A_1548 = arith.constant 160 : index
      %get3A_1549 = tpu.vector_load %arg8[%get3A_1547, %get3A_1548] {strides = array<i32>} : memref<16x384xf32, #tpu.memory_space<vmem>>, vector<1x16xf32>,
      %get3A_1550 = vector.shape_cast %get3A_1549 : vector<1x16xf32> to vector<16xf32>
      %mul3A_1551 = arith.mulf %div3A_304, %get3A_1550 : vector<16xf32>
      %add3A_1552 = arith.addf %add3A_1545, %mul3A_1551 : vector<16xf32>
      %get3A_1553 = arith.constant 11 : i32
      %get3A_1554 = arith.index_cast %get3A_1553 : i32 to index
      %get3A_1555 = arith.constant 160 : index
      %get3A_1556 = tpu.vector_load %arg8[%get3A_1554, %get3A_1555] {strides = array<i32>} : memref<16x384xf32, #tpu.memory_space<vmem>>, vector<1x16xf32>,
      %get3A_1557 = vector.shape_cast %get3A_1556 : vector<1x16xf32> to vector<16xf32>
      %mul3A_1558 = arith.mulf %div3A_329, %get3A_1557 : vector<16xf32>
      %add3A_1559 = arith.addf %add3A_1552, %mul3A_1558 : vector<16xf32>
      %get3A_1560 = arith.constant 12 : i32
      %get3A_1561 = arith.index_cast %get3A_1560 : i32 to index
      %get3A_1562 = arith.constant 160 : index
      %get3A_1563 = tpu.vector_load %arg8[%get3A_1561, %get3A_1562] {strides = array<i32>} : memref<16x384xf32, #tpu.memory_space<vmem>>, vector<1x16xf32>,
      %get3A_1564 = vector.shape_cast %get3A_1563 : vector<1x16xf32> to vector<16xf32>
      %mul3A_1565 = arith.mulf %div3A_354, %get3A_1564 : vector<16xf32>
      %add3A_1566 = arith.addf %add3A_1559, %mul3A_1565 : vector<16xf32>
      %get3A_1567 = arith.constant 13 : i32
      %get3A_1568 = arith.index_cast %get3A_1567 : i32 to index
      %get3A_1569 = arith.constant 160 : index
      %get3A_1570 = tpu.vector_load %arg8[%get3A_1568, %get3A_1569] {strides = array<i32>} : memref<16x384xf32, #tpu.memory_space<vmem>>, vector<1x16xf32>,
      %get3A_1571 = vector.shape_cast %get3A_1570 : vector<1x16xf32> to vector<16xf32>
      %mul3A_1572 = arith.mulf %div3A_379, %get3A_1571 : vector<16xf32>
      %add3A_1573 = arith.addf %add3A_1566, %mul3A_1572 : vector<16xf32>
      %get3A_1574 = arith.constant 14 : i32
      %get3A_1575 = arith.index_cast %get3A_1574 : i32 to index
      %get3A_1576 = arith.constant 160 : index
      %get3A_1577 = tpu.vector_load %arg8[%get3A_1575, %get3A_1576] {strides = array<i32>} : memref<16x384xf32, #tpu.memory_space<vmem>>, vector<1x16xf32>,
      %get3A_1578 = vector.shape_cast %get3A_1577 : vector<1x16xf32> to vector<16xf32>
      %mul3A_1579 = arith.mulf %div3A_404, %get3A_1578 : vector<16xf32>
      %add3A_1580 = arith.addf %add3A_1573, %mul3A_1579 : vector<16xf32>
      %get3A_1581 = arith.constant 15 : i32
      %get3A_1582 = arith.index_cast %get3A_1581 : i32 to index
      %get3A_1583 = arith.constant 160 : index
      %get3A_1584 = tpu.vector_load %arg8[%get3A_1582, %get3A_1583] {strides = array<i32>} : memref<16x384xf32, #tpu.memory_space<vmem>>, vector<1x16xf32>,
      %get3A_1585 = vector.shape_cast %get3A_1584 : vector<1x16xf32> to vector<16xf32>
      %mul3A_1586 = arith.mulf %div3A_429, %get3A_1585 : vector<16xf32>
      %add3A_1587 = arith.addf %add3A_1580, %mul3A_1586 : vector<16xf32>
      %mul3A_1588 = arith.mulf %add3A_1587, %div3A_433 : vector<16xf32>
      %swap3A_1589 = arith.constant 144 : index
      %swap3A_1590 = tpu.vector_load %arg9[%swap3A_1589] {strides = array<i32>} : memref<320xf32, #tpu.memory_space<vmem>>, vector<16xf32>,
      %swap3A_1591 = vector.shape_cast %swap3A_1590 : vector<16xf32> to vector<16xf32>
      %swap3A_1592 = vector.shape_cast %mul3A_1588 : vector<16xf32> to vector<16xf32>
      tpu.vector_store %arg9[%swap3A_1589], %swap3A_1592 {strides = array<i32>} : memref<320xf32, #tpu.memory_space<vmem>>, vector<16xf32>,
      %get3A_1593 = arith.constant 0 : i32
      %get3A_1594 = arith.index_cast %get3A_1593 : i32 to index
      %get3A_1595 = arith.constant 176 : index
      %get3A_1596 = tpu.vector_load %arg8[%get3A_1594, %get3A_1595] {strides = array<i32>} : memref<16x384xf32, #tpu.memory_space<vmem>>, vector<1x16xf32>,
      %get3A_1597 = vector.shape_cast %get3A_1596 : vector<1x16xf32> to vector<16xf32>
      %mul3A_1598 = arith.mulf %div3A_55, %get3A_1597 : vector<16xf32>
      %get3A_1599 = arith.constant 1 : i32
      %get3A_1600 = arith.index_cast %get3A_1599 : i32 to index
      %get3A_1601 = arith.constant 176 : index
      %get3A_1602 = tpu.vector_load %arg8[%get3A_1600, %get3A_1601] {strides = array<i32>} : memref<16x384xf32, #tpu.memory_space<vmem>>, vector<1x16xf32>,
      %get3A_1603 = vector.shape_cast %get3A_1602 : vector<1x16xf32> to vector<16xf32>
      %mul3A_1604 = arith.mulf %div3A_79, %get3A_1603 : vector<16xf32>
      %add3A_1605 = arith.addf %mul3A_1598, %mul3A_1604 : vector<16xf32>
      %get3A_1606 = arith.constant 2 : i32
      %get3A_1607 = arith.index_cast %get3A_1606 : i32 to index
      %get3A_1608 = arith.constant 176 : index
      %get3A_1609 = tpu.vector_load %arg8[%get3A_1607, %get3A_1608] {strides = array<i32>} : memref<16x384xf32, #tpu.memory_space<vmem>>, vector<1x16xf32>,
      %get3A_1610 = vector.shape_cast %get3A_1609 : vector<1x16xf32> to vector<16xf32>
      %mul3A_1611 = arith.mulf %div3A_104, %get3A_1610 : vector<16xf32>
      %add3A_1612 = arith.addf %add3A_1605, %mul3A_1611 : vector<16xf32>
      %get3A_1613 = arith.constant 3 : i32
      %get3A_1614 = arith.index_cast %get3A_1613 : i32 to index
      %get3A_1615 = arith.constant 176 : index
      %get3A_1616 = tpu.vector_load %arg8[%get3A_1614, %get3A_1615] {strides = array<i32>} : memref<16x384xf32, #tpu.memory_space<vmem>>, vector<1x16xf32>,
      %get3A_1617 = vector.shape_cast %get3A_1616 : vector<1x16xf32> to vector<16xf32>
      %mul3A_1618 = arith.mulf %div3A_129, %get3A_1617 : vector<16xf32>
      %add3A_1619 = arith.addf %add3A_1612, %mul3A_1618 : vector<16xf32>
      %get3A_1620 = arith.constant 4 : i32
      %get3A_1621 = arith.index_cast %get3A_1620 : i32 to index
      %get3A_1622 = arith.constant 176 : index
      %get3A_1623 = tpu.vector_load %arg8[%get3A_1621, %get3A_1622] {strides = array<i32>} : memref<16x384xf32, #tpu.memory_space<vmem>>, vector<1x16xf32>,
      %get3A_1624 = vector.shape_cast %get3A_1623 : vector<1x16xf32> to vector<16xf32>
      %mul3A_1625 = arith.mulf %div3A_154, %get3A_1624 : vector<16xf32>
      %add3A_1626 = arith.addf %add3A_1619, %mul3A_1625 : vector<16xf32>
      %get3A_1627 = arith.constant 5 : i32
      %get3A_1628 = arith.index_cast %get3A_1627 : i32 to index
      %get3A_1629 = arith.constant 176 : index
      %get3A_1630 = tpu.vector_load %arg8[%get3A_1628, %get3A_1629] {strides = array<i32>} : memref<16x384xf32, #tpu.memory_space<vmem>>, vector<1x16xf32>,
      %get3A_1631 = vector.shape_cast %get3A_1630 : vector<1x16xf32> to vector<16xf32>
      %mul3A_1632 = arith.mulf %div3A_179, %get3A_1631 : vector<16xf32>
      %add3A_1633 = arith.addf %add3A_1626, %mul3A_1632 : vector<16xf32>
      %get3A_1634 = arith.constant 6 : i32
      %get3A_1635 = arith.index_cast %get3A_1634 : i32 to index
      %get3A_1636 = arith.constant 176 : index
      %get3A_1637 = tpu.vector_load %arg8[%get3A_1635, %get3A_1636] {strides = array<i32>} : memref<16x384xf32, #tpu.memory_space<vmem>>, vector<1x16xf32>,
      %get3A_1638 = vector.shape_cast %get3A_1637 : vector<1x16xf32> to vector<16xf32>
      %mul3A_1639 = arith.mulf %div3A_204, %get3A_1638 : vector<16xf32>
      %add3A_1640 = arith.addf %add3A_1633, %mul3A_1639 : vector<16xf32>
      %get3A_1641 = arith.constant 7 : i32
      %get3A_1642 = arith.index_cast %get3A_1641 : i32 to index
      %get3A_1643 = arith.constant 176 : index
      %get3A_1644 = tpu.vector_load %arg8[%get3A_1642, %get3A_1643] {strides = array<i32>} : memref<16x384xf32, #tpu.memory_space<vmem>>, vector<1x16xf32>,
      %get3A_1645 = vector.shape_cast %get3A_1644 : vector<1x16xf32> to vector<16xf32>
      %mul3A_1646 = arith.mulf %div3A_229, %get3A_1645 : vector<16xf32>
      %add3A_1647 = arith.addf %add3A_1640, %mul3A_1646 : vector<16xf32>
      %get3A_1648 = arith.constant 8 : i32
      %get3A_1649 = arith.index_cast %get3A_1648 : i32 to index
      %get3A_1650 = arith.constant 176 : index
      %get3A_1651 = tpu.vector_load %arg8[%get3A_1649, %get3A_1650] {strides = array<i32>} : memref<16x384xf32, #tpu.memory_space<vmem>>, vector<1x16xf32>,
      %get3A_1652 = vector.shape_cast %get3A_1651 : vector<1x16xf32> to vector<16xf32>
      %mul3A_1653 = arith.mulf %div3A_254, %get3A_1652 : vector<16xf32>
      %add3A_1654 = arith.addf %add3A_1647, %mul3A_1653 : vector<16xf32>
      %get3A_1655 = arith.constant 9 : i32
      %get3A_1656 = arith.index_cast %get3A_1655 : i32 to index
      %get3A_1657 = arith.constant 176 : index
      %get3A_1658 = tpu.vector_load %arg8[%get3A_1656, %get3A_1657] {strides = array<i32>} : memref<16x384xf32, #tpu.memory_space<vmem>>, vector<1x16xf32>,
      %get3A_1659 = vector.shape_cast %get3A_1658 : vector<1x16xf32> to vector<16xf32>
      %mul3A_1660 = arith.mulf %div3A_279, %get3A_1659 : vector<16xf32>
      %add3A_1661 = arith.addf %add3A_1654, %mul3A_1660 : vector<16xf32>
      %get3A_1662 = arith.constant 10 : i32
      %get3A_1663 = arith.index_cast %get3A_1662 : i32 to index
      %get3A_1664 = arith.constant 176 : index
      %get3A_1665 = tpu.vector_load %arg8[%get3A_1663, %get3A_1664] {strides = array<i32>} : memref<16x384xf32, #tpu.memory_space<vmem>>, vector<1x16xf32>,
      %get3A_1666 = vector.shape_cast %get3A_1665 : vector<1x16xf32> to vector<16xf32>
      %mul3A_1667 = arith.mulf %div3A_304, %get3A_1666 : vector<16xf32>
      %add3A_1668 = arith.addf %add3A_1661, %mul3A_1667 : vector<16xf32>
      %get3A_1669 = arith.constant 11 : i32
      %get3A_1670 = arith.index_cast %get3A_1669 : i32 to index
      %get3A_1671 = arith.constant 176 : index
      %get3A_1672 = tpu.vector_load %arg8[%get3A_1670, %get3A_1671] {strides = array<i32>} : memref<16x384xf32, #tpu.memory_space<vmem>>, vector<1x16xf32>,
      %get3A_1673 = vector.shape_cast %get3A_1672 : vector<1x16xf32> to vector<16xf32>
      %mul3A_1674 = arith.mulf %div3A_329, %get3A_1673 : vector<16xf32>
      %add3A_1675 = arith.addf %add3A_1668, %mul3A_1674 : vector<16xf32>
      %get3A_1676 = arith.constant 12 : i32
      %get3A_1677 = arith.index_cast %get3A_1676 : i32 to index
      %get3A_1678 = arith.constant 176 : index
      %get3A_1679 = tpu.vector_load %arg8[%get3A_1677, %get3A_1678] {strides = array<i32>} : memref<16x384xf32, #tpu.memory_space<vmem>>, vector<1x16xf32>,
      %get3A_1680 = vector.shape_cast %get3A_1679 : vector<1x16xf32> to vector<16xf32>
      %mul3A_1681 = arith.mulf %div3A_354, %get3A_1680 : vector<16xf32>
      %add3A_1682 = arith.addf %add3A_1675, %mul3A_1681 : vector<16xf32>
      %get3A_1683 = arith.constant 13 : i32
      %get3A_1684 = arith.index_cast %get3A_1683 : i32 to index
      %get3A_1685 = arith.constant 176 : index
      %get3A_1686 = tpu.vector_load %arg8[%get3A_1684, %get3A_1685] {strides = array<i32>} : memref<16x384xf32, #tpu.memory_space<vmem>>, vector<1x16xf32>,
      %get3A_1687 = vector.shape_cast %get3A_1686 : vector<1x16xf32> to vector<16xf32>
      %mul3A_1688 = arith.mulf %div3A_379, %get3A_1687 : vector<16xf32>
      %add3A_1689 = arith.addf %add3A_1682, %mul3A_1688 : vector<16xf32>
      %get3A_1690 = arith.constant 14 : i32
      %get3A_1691 = arith.index_cast %get3A_1690 : i32 to index
      %get3A_1692 = arith.constant 176 : index
      %get3A_1693 = tpu.vector_load %arg8[%get3A_1691, %get3A_1692] {strides = array<i32>} : memref<16x384xf32, #tpu.memory_space<vmem>>, vector<1x16xf32>,
      %get3A_1694 = vector.shape_cast %get3A_1693 : vector<1x16xf32> to vector<16xf32>
      %mul3A_1695 = arith.mulf %div3A_404, %get3A_1694 : vector<16xf32>
      %add3A_1696 = arith.addf %add3A_1689, %mul3A_1695 : vector<16xf32>
      %get3A_1697 = arith.constant 15 : i32
      %get3A_1698 = arith.index_cast %get3A_1697 : i32 to index
      %get3A_1699 = arith.constant 176 : index
      %get3A_1700 = tpu.vector_load %arg8[%get3A_1698, %get3A_1699] {strides = array<i32>} : memref<16x384xf32, #tpu.memory_space<vmem>>, vector<1x16xf32>,
      %get3A_1701 = vector.shape_cast %get3A_1700 : vector<1x16xf32> to vector<16xf32>
      %mul3A_1702 = arith.mulf %div3A_429, %get3A_1701 : vector<16xf32>
      %add3A_1703 = arith.addf %add3A_1696, %mul3A_1702 : vector<16xf32>
      %mul3A_1704 = arith.mulf %add3A_1703, %div3A_433 : vector<16xf32>
      %swap3A_1705 = arith.constant 160 : index
      %swap3A_1706 = tpu.vector_load %arg9[%swap3A_1705] {strides = array<i32>} : memref<320xf32, #tpu.memory_space<vmem>>, vector<16xf32>,
      %swap3A_1707 = vector.shape_cast %swap3A_1706 : vector<16xf32> to vector<16xf32>
      %swap3A_1708 = vector.shape_cast %mul3A_1704 : vector<16xf32> to vector<16xf32>
      tpu.vector_store %arg9[%swap3A_1705], %swap3A_1708 {strides = array<i32>} : memref<320xf32, #tpu.memory_space<vmem>>, vector<16xf32>,
      %get3A_1709 = arith.constant 0 : i32
      %get3A_1710 = arith.index_cast %get3A_1709 : i32 to index
      %get3A_1711 = arith.constant 192 : index
      %get3A_1712 = tpu.vector_load %arg8[%get3A_1710, %get3A_1711] {strides = array<i32>} : memref<16x384xf32, #tpu.memory_space<vmem>>, vector<1x16xf32>,
      %get3A_1713 = vector.shape_cast %get3A_1712 : vector<1x16xf32> to vector<16xf32>
      %mul3A_1714 = arith.mulf %div3A_55, %get3A_1713 : vector<16xf32>
      %get3A_1715 = arith.constant 1 : i32
      %get3A_1716 = arith.index_cast %get3A_1715 : i32 to index
      %get3A_1717 = arith.constant 192 : index
      %get3A_1718 = tpu.vector_load %arg8[%get3A_1716, %get3A_1717] {strides = array<i32>} : memref<16x384xf32, #tpu.memory_space<vmem>>, vector<1x16xf32>,
      %get3A_1719 = vector.shape_cast %get3A_1718 : vector<1x16xf32> to vector<16xf32>
      %mul3A_1720 = arith.mulf %div3A_79, %get3A_1719 : vector<16xf32>
      %add3A_1721 = arith.addf %mul3A_1714, %mul3A_1720 : vector<16xf32>
      %get3A_1722 = arith.constant 2 : i32
      %get3A_1723 = arith.index_cast %get3A_1722 : i32 to index
      %get3A_1724 = arith.constant 192 : index
      %get3A_1725 = tpu.vector_load %arg8[%get3A_1723, %get3A_1724] {strides = array<i32>} : memref<16x384xf32, #tpu.memory_space<vmem>>, vector<1x16xf32>,
      %get3A_1726 = vector.shape_cast %get3A_1725 : vector<1x16xf32> to vector<16xf32>
      %mul3A_1727 = arith.mulf %div3A_104, %get3A_1726 : vector<16xf32>
      %add3A_1728 = arith.addf %add3A_1721, %mul3A_1727 : vector<16xf32>
      %get3A_1729 = arith.constant 3 : i32
      %get3A_1730 = arith.index_cast %get3A_1729 : i32 to index
      %get3A_1731 = arith.constant 192 : index
      %get3A_1732 = tpu.vector_load %arg8[%get3A_1730, %get3A_1731] {strides = array<i32>} : memref<16x384xf32, #tpu.memory_space<vmem>>, vector<1x16xf32>,
      %get3A_1733 = vector.shape_cast %get3A_1732 : vector<1x16xf32> to vector<16xf32>
      %mul3A_1734 = arith.mulf %div3A_129, %get3A_1733 : vector<16xf32>
      %add3A_1735 = arith.addf %add3A_1728, %mul3A_1734 : vector<16xf32>
      %get3A_1736 = arith.constant 4 : i32
      %get3A_1737 = arith.index_cast %get3A_1736 : i32 to index
      %get3A_1738 = arith.constant 192 : index
      %get3A_1739 = tpu.vector_load %arg8[%get3A_1737, %get3A_1738] {strides = array<i32>} : memref<16x384xf32, #tpu.memory_space<vmem>>, vector<1x16xf32>,
      %get3A_1740 = vector.shape_cast %get3A_1739 : vector<1x16xf32> to vector<16xf32>
      %mul3A_1741 = arith.mulf %div3A_154, %get3A_1740 : vector<16xf32>
      %add3A_1742 = arith.addf %add3A_1735, %mul3A_1741 : vector<16xf32>
      %get3A_1743 = arith.constant 5 : i32
      %get3A_1744 = arith.index_cast %get3A_1743 : i32 to index
      %get3A_1745 = arith.constant 192 : index
      %get3A_1746 = tpu.vector_load %arg8[%get3A_1744, %get3A_1745] {strides = array<i32>} : memref<16x384xf32, #tpu.memory_space<vmem>>, vector<1x16xf32>,
      %get3A_1747 = vector.shape_cast %get3A_1746 : vector<1x16xf32> to vector<16xf32>
      %mul3A_1748 = arith.mulf %div3A_179, %get3A_1747 : vector<16xf32>
      %add3A_1749 = arith.addf %add3A_1742, %mul3A_1748 : vector<16xf32>
      %get3A_1750 = arith.constant 6 : i32
      %get3A_1751 = arith.index_cast %get3A_1750 : i32 to index
      %get3A_1752 = arith.constant 192 : index
      %get3A_1753 = tpu.vector_load %arg8[%get3A_1751, %get3A_1752] {strides = array<i32>} : memref<16x384xf32, #tpu.memory_space<vmem>>, vector<1x16xf32>,
      %get3A_1754 = vector.shape_cast %get3A_1753 : vector<1x16xf32> to vector<16xf32>
      %mul3A_1755 = arith.mulf %div3A_204, %get3A_1754 : vector<16xf32>
      %add3A_1756 = arith.addf %add3A_1749, %mul3A_1755 : vector<16xf32>
      %get3A_1757 = arith.constant 7 : i32
      %get3A_1758 = arith.index_cast %get3A_1757 : i32 to index
      %get3A_1759 = arith.constant 192 : index
      %get3A_1760 = tpu.vector_load %arg8[%get3A_1758, %get3A_1759] {strides = array<i32>} : memref<16x384xf32, #tpu.memory_space<vmem>>, vector<1x16xf32>,
      %get3A_1761 = vector.shape_cast %get3A_1760 : vector<1x16xf32> to vector<16xf32>
      %mul3A_1762 = arith.mulf %div3A_229, %get3A_1761 : vector<16xf32>
      %add3A_1763 = arith.addf %add3A_1756, %mul3A_1762 : vector<16xf32>
      %get3A_1764 = arith.constant 8 : i32
      %get3A_1765 = arith.index_cast %get3A_1764 : i32 to index
      %get3A_1766 = arith.constant 192 : index
      %get3A_1767 = tpu.vector_load %arg8[%get3A_1765, %get3A_1766] {strides = array<i32>} : memref<16x384xf32, #tpu.memory_space<vmem>>, vector<1x16xf32>,
      %get3A_1768 = vector.shape_cast %get3A_1767 : vector<1x16xf32> to vector<16xf32>
      %mul3A_1769 = arith.mulf %div3A_254, %get3A_1768 : vector<16xf32>
      %add3A_1770 = arith.addf %add3A_1763, %mul3A_1769 : vector<16xf32>
      %get3A_1771 = arith.constant 9 : i32
      %get3A_1772 = arith.index_cast %get3A_1771 : i32 to index
      %get3A_1773 = arith.constant 192 : index
      %get3A_1774 = tpu.vector_load %arg8[%get3A_1772, %get3A_1773] {strides = array<i32>} : memref<16x384xf32, #tpu.memory_space<vmem>>, vector<1x16xf32>,
      %get3A_1775 = vector.shape_cast %get3A_1774 : vector<1x16xf32> to vector<16xf32>
      %mul3A_1776 = arith.mulf %div3A_279, %get3A_1775 : vector<16xf32>
      %add3A_1777 = arith.addf %add3A_1770, %mul3A_1776 : vector<16xf32>
      %get3A_1778 = arith.constant 10 : i32
      %get3A_1779 = arith.index_cast %get3A_1778 : i32 to index
      %get3A_1780 = arith.constant 192 : index
      %get3A_1781 = tpu.vector_load %arg8[%get3A_1779, %get3A_1780] {strides = array<i32>} : memref<16x384xf32, #tpu.memory_space<vmem>>, vector<1x16xf32>,
      %get3A_1782 = vector.shape_cast %get3A_1781 : vector<1x16xf32> to vector<16xf32>
      %mul3A_1783 = arith.mulf %div3A_304, %get3A_1782 : vector<16xf32>
      %add3A_1784 = arith.addf %add3A_1777, %mul3A_1783 : vector<16xf32>
      %get3A_1785 = arith.constant 11 : i32
      %get3A_1786 = arith.index_cast %get3A_1785 : i32 to index
      %get3A_1787 = arith.constant 192 : index
      %get3A_1788 = tpu.vector_load %arg8[%get3A_1786, %get3A_1787] {strides = array<i32>} : memref<16x384xf32, #tpu.memory_space<vmem>>, vector<1x16xf32>,
      %get3A_1789 = vector.shape_cast %get3A_1788 : vector<1x16xf32> to vector<16xf32>
      %mul3A_1790 = arith.mulf %div3A_329, %get3A_1789 : vector<16xf32>
      %add3A_1791 = arith.addf %add3A_1784, %mul3A_1790 : vector<16xf32>
      %get3A_1792 = arith.constant 12 : i32
      %get3A_1793 = arith.index_cast %get3A_1792 : i32 to index
      %get3A_1794 = arith.constant 192 : index
      %get3A_1795 = tpu.vector_load %arg8[%get3A_1793, %get3A_1794] {strides = array<i32>} : memref<16x384xf32, #tpu.memory_space<vmem>>, vector<1x16xf32>,
      %get3A_1796 = vector.shape_cast %get3A_1795 : vector<1x16xf32> to vector<16xf32>
      %mul3A_1797 = arith.mulf %div3A_354, %get3A_1796 : vector<16xf32>
      %add3A_1798 = arith.addf %add3A_1791, %mul3A_1797 : vector<16xf32>
      %get3A_1799 = arith.constant 13 : i32
      %get3A_1800 = arith.index_cast %get3A_1799 : i32 to index
      %get3A_1801 = arith.constant 192 : index
      %get3A_1802 = tpu.vector_load %arg8[%get3A_1800, %get3A_1801] {strides = array<i32>} : memref<16x384xf32, #tpu.memory_space<vmem>>, vector<1x16xf32>,
      %get3A_1803 = vector.shape_cast %get3A_1802 : vector<1x16xf32> to vector<16xf32>
      %mul3A_1804 = arith.mulf %div3A_379, %get3A_1803 : vector<16xf32>
      %add3A_1805 = arith.addf %add3A_1798, %mul3A_1804 : vector<16xf32>
      %get3A_1806 = arith.constant 14 : i32
      %get3A_1807 = arith.index_cast %get3A_1806 : i32 to index
      %get3A_1808 = arith.constant 192 : index
      %get3A_1809 = tpu.vector_load %arg8[%get3A_1807, %get3A_1808] {strides = array<i32>} : memref<16x384xf32, #tpu.memory_space<vmem>>, vector<1x16xf32>,
      %get3A_1810 = vector.shape_cast %get3A_1809 : vector<1x16xf32> to vector<16xf32>
      %mul3A_1811 = arith.mulf %div3A_404, %get3A_1810 : vector<16xf32>
      %add3A_1812 = arith.addf %add3A_1805, %mul3A_1811 : vector<16xf32>
      %get3A_1813 = arith.constant 15 : i32
      %get3A_1814 = arith.index_cast %get3A_1813 : i32 to index
      %get3A_1815 = arith.constant 192 : index
      %get3A_1816 = tpu.vector_load %arg8[%get3A_1814, %get3A_1815] {strides = array<i32>} : memref<16x384xf32, #tpu.memory_space<vmem>>, vector<1x16xf32>,
      %get3A_1817 = vector.shape_cast %get3A_1816 : vector<1x16xf32> to vector<16xf32>
      %mul3A_1818 = arith.mulf %div3A_429, %get3A_1817 : vector<16xf32>
      %add3A_1819 = arith.addf %add3A_1812, %mul3A_1818 : vector<16xf32>
      %mul3A_1820 = arith.mulf %add3A_1819, %div3A_433 : vector<16xf32>
      %swap3A_1821 = arith.constant 176 : index
      %swap3A_1822 = tpu.vector_load %arg9[%swap3A_1821] {strides = array<i32>} : memref<320xf32, #tpu.memory_space<vmem>>, vector<16xf32>,
      %swap3A_1823 = vector.shape_cast %swap3A_1822 : vector<16xf32> to vector<16xf32>
      %swap3A_1824 = vector.shape_cast %mul3A_1820 : vector<16xf32> to vector<16xf32>
      tpu.vector_store %arg9[%swap3A_1821], %swap3A_1824 {strides = array<i32>} : memref<320xf32, #tpu.memory_space<vmem>>, vector<16xf32>,
      %get3A_1825 = arith.constant 0 : i32
      %get3A_1826 = arith.index_cast %get3A_1825 : i32 to index
      %get3A_1827 = arith.constant 208 : index
      %get3A_1828 = tpu.vector_load %arg8[%get3A_1826, %get3A_1827] {strides = array<i32>} : memref<16x384xf32, #tpu.memory_space<vmem>>, vector<1x16xf32>,
      %get3A_1829 = vector.shape_cast %get3A_1828 : vector<1x16xf32> to vector<16xf32>
      %mul3A_1830 = arith.mulf %div3A_55, %get3A_1829 : vector<16xf32>
      %get3A_1831 = arith.constant 1 : i32
      %get3A_1832 = arith.index_cast %get3A_1831 : i32 to index
      %get3A_1833 = arith.constant 208 : index
      %get3A_1834 = tpu.vector_load %arg8[%get3A_1832, %get3A_1833] {strides = array<i32>} : memref<16x384xf32, #tpu.memory_space<vmem>>, vector<1x16xf32>,
      %get3A_1835 = vector.shape_cast %get3A_1834 : vector<1x16xf32> to vector<16xf32>
      %mul3A_1836 = arith.mulf %div3A_79, %get3A_1835 : vector<16xf32>
      %add3A_1837 = arith.addf %mul3A_1830, %mul3A_1836 : vector<16xf32>
      %get3A_1838 = arith.constant 2 : i32
      %get3A_1839 = arith.index_cast %get3A_1838 : i32 to index
      %get3A_1840 = arith.constant 208 : index
      %get3A_1841 = tpu.vector_load %arg8[%get3A_1839, %get3A_1840] {strides = array<i32>} : memref<16x384xf32, #tpu.memory_space<vmem>>, vector<1x16xf32>,
      %get3A_1842 = vector.shape_cast %get3A_1841 : vector<1x16xf32> to vector<16xf32>
      %mul3A_1843 = arith.mulf %div3A_104, %get3A_1842 : vector<16xf32>
      %add3A_1844 = arith.addf %add3A_1837, %mul3A_1843 : vector<16xf32>
      %get3A_1845 = arith.constant 3 : i32
      %get3A_1846 = arith.index_cast %get3A_1845 : i32 to index
      %get3A_1847 = arith.constant 208 : index
      %get3A_1848 = tpu.vector_load %arg8[%get3A_1846, %get3A_1847] {strides = array<i32>} : memref<16x384xf32, #tpu.memory_space<vmem>>, vector<1x16xf32>,
      %get3A_1849 = vector.shape_cast %get3A_1848 : vector<1x16xf32> to vector<16xf32>
      %mul3A_1850 = arith.mulf %div3A_129, %get3A_1849 : vector<16xf32>
      %add3A_1851 = arith.addf %add3A_1844, %mul3A_1850 : vector<16xf32>
      %get3A_1852 = arith.constant 4 : i32
      %get3A_1853 = arith.index_cast %get3A_1852 : i32 to index
      %get3A_1854 = arith.constant 208 : index
      %get3A_1855 = tpu.vector_load %arg8[%get3A_1853, %get3A_1854] {strides = array<i32>} : memref<16x384xf32, #tpu.memory_space<vmem>>, vector<1x16xf32>,
      %get3A_1856 = vector.shape_cast %get3A_1855 : vector<1x16xf32> to vector<16xf32>
      %mul3A_1857 = arith.mulf %div3A_154, %get3A_1856 : vector<16xf32>
      %add3A_1858 = arith.addf %add3A_1851, %mul3A_1857 : vector<16xf32>
      %get3A_1859 = arith.constant 5 : i32
      %get3A_1860 = arith.index_cast %get3A_1859 : i32 to index
      %get3A_1861 = arith.constant 208 : index
      %get3A_1862 = tpu.vector_load %arg8[%get3A_1860, %get3A_1861] {strides = array<i32>} : memref<16x384xf32, #tpu.memory_space<vmem>>, vector<1x16xf32>,
      %get3A_1863 = vector.shape_cast %get3A_1862 : vector<1x16xf32> to vector<16xf32>
      %mul3A_1864 = arith.mulf %div3A_179, %get3A_1863 : vector<16xf32>
      %add3A_1865 = arith.addf %add3A_1858, %mul3A_1864 : vector<16xf32>
      %get3A_1866 = arith.constant 6 : i32
      %get3A_1867 = arith.index_cast %get3A_1866 : i32 to index
      %get3A_1868 = arith.constant 208 : index
      %get3A_1869 = tpu.vector_load %arg8[%get3A_1867, %get3A_1868] {strides = array<i32>} : memref<16x384xf32, #tpu.memory_space<vmem>>, vector<1x16xf32>,
      %get3A_1870 = vector.shape_cast %get3A_1869 : vector<1x16xf32> to vector<16xf32>
      %mul3A_1871 = arith.mulf %div3A_204, %get3A_1870 : vector<16xf32>
      %add3A_1872 = arith.addf %add3A_1865, %mul3A_1871 : vector<16xf32>
      %get3A_1873 = arith.constant 7 : i32
      %get3A_1874 = arith.index_cast %get3A_1873 : i32 to index
      %get3A_1875 = arith.constant 208 : index
      %get3A_1876 = tpu.vector_load %arg8[%get3A_1874, %get3A_1875] {strides = array<i32>} : memref<16x384xf32, #tpu.memory_space<vmem>>, vector<1x16xf32>,
      %get3A_1877 = vector.shape_cast %get3A_1876 : vector<1x16xf32> to vector<16xf32>
      %mul3A_1878 = arith.mulf %div3A_229, %get3A_1877 : vector<16xf32>
      %add3A_1879 = arith.addf %add3A_1872, %mul3A_1878 : vector<16xf32>
      %get3A_1880 = arith.constant 8 : i32
      %get3A_1881 = arith.index_cast %get3A_1880 : i32 to index
      %get3A_1882 = arith.constant 208 : index
      %get3A_1883 = tpu.vector_load %arg8[%get3A_1881, %get3A_1882] {strides = array<i32>} : memref<16x384xf32, #tpu.memory_space<vmem>>, vector<1x16xf32>,
      %get3A_1884 = vector.shape_cast %get3A_1883 : vector<1x16xf32> to vector<16xf32>
      %mul3A_1885 = arith.mulf %div3A_254, %get3A_1884 : vector<16xf32>
      %add3A_1886 = arith.addf %add3A_1879, %mul3A_1885 : vector<16xf32>
      %get3A_1887 = arith.constant 9 : i32
      %get3A_1888 = arith.index_cast %get3A_1887 : i32 to index
      %get3A_1889 = arith.constant 208 : index
      %get3A_1890 = tpu.vector_load %arg8[%get3A_1888, %get3A_1889] {strides = array<i32>} : memref<16x384xf32, #tpu.memory_space<vmem>>, vector<1x16xf32>,
      %get3A_1891 = vector.shape_cast %get3A_1890 : vector<1x16xf32> to vector<16xf32>
      %mul3A_1892 = arith.mulf %div3A_279, %get3A_1891 : vector<16xf32>
      %add3A_1893 = arith.addf %add3A_1886, %mul3A_1892 : vector<16xf32>
      %get3A_1894 = arith.constant 10 : i32
      %get3A_1895 = arith.index_cast %get3A_1894 : i32 to index
      %get3A_1896 = arith.constant 208 : index
      %get3A_1897 = tpu.vector_load %arg8[%get3A_1895, %get3A_1896] {strides = array<i32>} : memref<16x384xf32, #tpu.memory_space<vmem>>, vector<1x16xf32>,
      %get3A_1898 = vector.shape_cast %get3A_1897 : vector<1x16xf32> to vector<16xf32>
      %mul3A_1899 = arith.mulf %div3A_304, %get3A_1898 : vector<16xf32>
      %add3A_1900 = arith.addf %add3A_1893, %mul3A_1899 : vector<16xf32>
      %get3A_1901 = arith.constant 11 : i32
      %get3A_1902 = arith.index_cast %get3A_1901 : i32 to index
      %get3A_1903 = arith.constant 208 : index
      %get3A_1904 = tpu.vector_load %arg8[%get3A_1902, %get3A_1903] {strides = array<i32>} : memref<16x384xf32, #tpu.memory_space<vmem>>, vector<1x16xf32>,
      %get3A_1905 = vector.shape_cast %get3A_1904 : vector<1x16xf32> to vector<16xf32>
      %mul3A_1906 = arith.mulf %div3A_329, %get3A_1905 : vector<16xf32>
      %add3A_1907 = arith.addf %add3A_1900, %mul3A_1906 : vector<16xf32>
      %get3A_1908 = arith.constant 12 : i32
      %get3A_1909 = arith.index_cast %get3A_1908 : i32 to index
      %get3A_1910 = arith.constant 208 : index
      %get3A_1911 = tpu.vector_load %arg8[%get3A_1909, %get3A_1910] {strides = array<i32>} : memref<16x384xf32, #tpu.memory_space<vmem>>, vector<1x16xf32>,
      %get3A_1912 = vector.shape_cast %get3A_1911 : vector<1x16xf32> to vector<16xf32>
      %mul3A_1913 = arith.mulf %div3A_354, %get3A_1912 : vector<16xf32>
      %add3A_1914 = arith.addf %add3A_1907, %mul3A_1913 : vector<16xf32>
      %get3A_1915 = arith.constant 13 : i32
      %get3A_1916 = arith.index_cast %get3A_1915 : i32 to index
      %get3A_1917 = arith.constant 208 : index
      %get3A_1918 = tpu.vector_load %arg8[%get3A_1916, %get3A_1917] {strides = array<i32>} : memref<16x384xf32, #tpu.memory_space<vmem>>, vector<1x16xf32>,
      %get3A_1919 = vector.shape_cast %get3A_1918 : vector<1x16xf32> to vector<16xf32>
      %mul3A_1920 = arith.mulf %div3A_379, %get3A_1919 : vector<16xf32>
      %add3A_1921 = arith.addf %add3A_1914, %mul3A_1920 : vector<16xf32>
      %get3A_1922 = arith.constant 14 : i32
      %get3A_1923 = arith.index_cast %get3A_1922 : i32 to index
      %get3A_1924 = arith.constant 208 : index
      %get3A_1925 = tpu.vector_load %arg8[%get3A_1923, %get3A_1924] {strides = array<i32>} : memref<16x384xf32, #tpu.memory_space<vmem>>, vector<1x16xf32>,
      %get3A_1926 = vector.shape_cast %get3A_1925 : vector<1x16xf32> to vector<16xf32>
      %mul3A_1927 = arith.mulf %div3A_404, %get3A_1926 : vector<16xf32>
      %add3A_1928 = arith.addf %add3A_1921, %mul3A_1927 : vector<16xf32>
      %get3A_1929 = arith.constant 15 : i32
      %get3A_1930 = arith.index_cast %get3A_1929 : i32 to index
      %get3A_1931 = arith.constant 208 : index
      %get3A_1932 = tpu.vector_load %arg8[%get3A_1930, %get3A_1931] {strides = array<i32>} : memref<16x384xf32, #tpu.memory_space<vmem>>, vector<1x16xf32>,
      %get3A_1933 = vector.shape_cast %get3A_1932 : vector<1x16xf32> to vector<16xf32>
      %mul3A_1934 = arith.mulf %div3A_429, %get3A_1933 : vector<16xf32>
      %add3A_1935 = arith.addf %add3A_1928, %mul3A_1934 : vector<16xf32>
      %mul3A_1936 = arith.mulf %add3A_1935, %div3A_433 : vector<16xf32>
      %swap3A_1937 = arith.constant 192 : index
      %swap3A_1938 = tpu.vector_load %arg9[%swap3A_1937] {strides = array<i32>} : memref<320xf32, #tpu.memory_space<vmem>>, vector<16xf32>,
      %swap3A_1939 = vector.shape_cast %swap3A_1938 : vector<16xf32> to vector<16xf32>
      %swap3A_1940 = vector.shape_cast %mul3A_1936 : vector<16xf32> to vector<16xf32>
      tpu.vector_store %arg9[%swap3A_1937], %swap3A_1940 {strides = array<i32>} : memref<320xf32, #tpu.memory_space<vmem>>, vector<16xf32>,
      %get3A_1941 = arith.constant 0 : i32
      %get3A_1942 = arith.index_cast %get3A_1941 : i32 to index
      %get3A_1943 = arith.constant 224 : index
      %get3A_1944 = tpu.vector_load %arg8[%get3A_1942, %get3A_1943] {strides = array<i32>} : memref<16x384xf32, #tpu.memory_space<vmem>>, vector<1x16xf32>,
      %get3A_1945 = vector.shape_cast %get3A_1944 : vector<1x16xf32> to vector<16xf32>
      %mul3A_1946 = arith.mulf %div3A_55, %get3A_1945 : vector<16xf32>
      %get3A_1947 = arith.constant 1 : i32
      %get3A_1948 = arith.index_cast %get3A_1947 : i32 to index
      %get3A_1949 = arith.constant 224 : index
      %get3A_1950 = tpu.vector_load %arg8[%get3A_1948, %get3A_1949] {strides = array<i32>} : memref<16x384xf32, #tpu.memory_space<vmem>>, vector<1x16xf32>,
      %get3A_1951 = vector.shape_cast %get3A_1950 : vector<1x16xf32> to vector<16xf32>
      %mul3A_1952 = arith.mulf %div3A_79, %get3A_1951 : vector<16xf32>
      %add3A_1953 = arith.addf %mul3A_1946, %mul3A_1952 : vector<16xf32>
      %get3A_1954 = arith.constant 2 : i32
      %get3A_1955 = arith.index_cast %get3A_1954 : i32 to index
      %get3A_1956 = arith.constant 224 : index
      %get3A_1957 = tpu.vector_load %arg8[%get3A_1955, %get3A_1956] {strides = array<i32>} : memref<16x384xf32, #tpu.memory_space<vmem>>, vector<1x16xf32>,
      %get3A_1958 = vector.shape_cast %get3A_1957 : vector<1x16xf32> to vector<16xf32>
      %mul3A_1959 = arith.mulf %div3A_104, %get3A_1958 : vector<16xf32>
      %add3A_1960 = arith.addf %add3A_1953, %mul3A_1959 : vector<16xf32>
      %get3A_1961 = arith.constant 3 : i32
      %get3A_1962 = arith.index_cast %get3A_1961 : i32 to index
      %get3A_1963 = arith.constant 224 : index
      %get3A_1964 = tpu.vector_load %arg8[%get3A_1962, %get3A_1963] {strides = array<i32>} : memref<16x384xf32, #tpu.memory_space<vmem>>, vector<1x16xf32>,
      %get3A_1965 = vector.shape_cast %get3A_1964 : vector<1x16xf32> to vector<16xf32>
      %mul3A_1966 = arith.mulf %div3A_129, %get3A_1965 : vector<16xf32>
      %add3A_1967 = arith.addf %add3A_1960, %mul3A_1966 : vector<16xf32>
      %get3A_1968 = arith.constant 4 : i32
      %get3A_1969 = arith.index_cast %get3A_1968 : i32 to index
      %get3A_1970 = arith.constant 224 : index
      %get3A_1971 = tpu.vector_load %arg8[%get3A_1969, %get3A_1970] {strides = array<i32>} : memref<16x384xf32, #tpu.memory_space<vmem>>, vector<1x16xf32>,
      %get3A_1972 = vector.shape_cast %get3A_1971 : vector<1x16xf32> to vector<16xf32>
      %mul3A_1973 = arith.mulf %div3A_154, %get3A_1972 : vector<16xf32>
      %add3A_1974 = arith.addf %add3A_1967, %mul3A_1973 : vector<16xf32>
      %get3A_1975 = arith.constant 5 : i32
      %get3A_1976 = arith.index_cast %get3A_1975 : i32 to index
      %get3A_1977 = arith.constant 224 : index
      %get3A_1978 = tpu.vector_load %arg8[%get3A_1976, %get3A_1977] {strides = array<i32>} : memref<16x384xf32, #tpu.memory_space<vmem>>, vector<1x16xf32>,
      %get3A_1979 = vector.shape_cast %get3A_1978 : vector<1x16xf32> to vector<16xf32>
      %mul3A_1980 = arith.mulf %div3A_179, %get3A_1979 : vector<16xf32>
      %add3A_1981 = arith.addf %add3A_1974, %mul3A_1980 : vector<16xf32>
      %get3A_1982 = arith.constant 6 : i32
      %get3A_1983 = arith.index_cast %get3A_1982 : i32 to index
      %get3A_1984 = arith.constant 224 : index
      %get3A_1985 = tpu.vector_load %arg8[%get3A_1983, %get3A_1984] {strides = array<i32>} : memref<16x384xf32, #tpu.memory_space<vmem>>, vector<1x16xf32>,
      %get3A_1986 = vector.shape_cast %get3A_1985 : vector<1x16xf32> to vector<16xf32>
      %mul3A_1987 = arith.mulf %div3A_204, %get3A_1986 : vector<16xf32>
      %add3A_1988 = arith.addf %add3A_1981, %mul3A_1987 : vector<16xf32>
      %get3A_1989 = arith.constant 7 : i32
      %get3A_1990 = arith.index_cast %get3A_1989 : i32 to index
      %get3A_1991 = arith.constant 224 : index
      %get3A_1992 = tpu.vector_load %arg8[%get3A_1990, %get3A_1991] {strides = array<i32>} : memref<16x384xf32, #tpu.memory_space<vmem>>, vector<1x16xf32>,
      %get3A_1993 = vector.shape_cast %get3A_1992 : vector<1x16xf32> to vector<16xf32>
      %mul3A_1994 = arith.mulf %div3A_229, %get3A_1993 : vector<16xf32>
      %add3A_1995 = arith.addf %add3A_1988, %mul3A_1994 : vector<16xf32>
      %get3A_1996 = arith.constant 8 : i32
      %get3A_1997 = arith.index_cast %get3A_1996 : i32 to index
      %get3A_1998 = arith.constant 224 : index
      %get3A_1999 = tpu.vector_load %arg8[%get3A_1997, %get3A_1998] {strides = array<i32>} : memref<16x384xf32, #tpu.memory_space<vmem>>, vector<1x16xf32>,
      %get3A_2000 = vector.shape_cast %get3A_1999 : vector<1x16xf32> to vector<16xf32>
      %mul3A_2001 = arith.mulf %div3A_254, %get3A_2000 : vector<16xf32>
      %add3A_2002 = arith.addf %add3A_1995, %mul3A_2001 : vector<16xf32>
      %get3A_2003 = arith.constant 9 : i32
      %get3A_2004 = arith.index_cast %get3A_2003 : i32 to index
      %get3A_2005 = arith.constant 224 : index
      %get3A_2006 = tpu.vector_load %arg8[%get3A_2004, %get3A_2005] {strides = array<i32>} : memref<16x384xf32, #tpu.memory_space<vmem>>, vector<1x16xf32>,
      %get3A_2007 = vector.shape_cast %get3A_2006 : vector<1x16xf32> to vector<16xf32>
      %mul3A_2008 = arith.mulf %div3A_279, %get3A_2007 : vector<16xf32>
      %add3A_2009 = arith.addf %add3A_2002, %mul3A_2008 : vector<16xf32>
      %get3A_2010 = arith.constant 10 : i32
      %get3A_2011 = arith.index_cast %get3A_2010 : i32 to index
      %get3A_2012 = arith.constant 224 : index
      %get3A_2013 = tpu.vector_load %arg8[%get3A_2011, %get3A_2012] {strides = array<i32>} : memref<16x384xf32, #tpu.memory_space<vmem>>, vector<1x16xf32>,
      %get3A_2014 = vector.shape_cast %get3A_2013 : vector<1x16xf32> to vector<16xf32>
      %mul3A_2015 = arith.mulf %div3A_304, %get3A_2014 : vector<16xf32>
      %add3A_2016 = arith.addf %add3A_2009, %mul3A_2015 : vector<16xf32>
      %get3A_2017 = arith.constant 11 : i32
      %get3A_2018 = arith.index_cast %get3A_2017 : i32 to index
      %get3A_2019 = arith.constant 224 : index
      %get3A_2020 = tpu.vector_load %arg8[%get3A_2018, %get3A_2019] {strides = array<i32>} : memref<16x384xf32, #tpu.memory_space<vmem>>, vector<1x16xf32>,
      %get3A_2021 = vector.shape_cast %get3A_2020 : vector<1x16xf32> to vector<16xf32>
      %mul3A_2022 = arith.mulf %div3A_329, %get3A_2021 : vector<16xf32>
      %add3A_2023 = arith.addf %add3A_2016, %mul3A_2022 : vector<16xf32>
      %get3A_2024 = arith.constant 12 : i32
      %get3A_2025 = arith.index_cast %get3A_2024 : i32 to index
      %get3A_2026 = arith.constant 224 : index
      %get3A_2027 = tpu.vector_load %arg8[%get3A_2025, %get3A_2026] {strides = array<i32>} : memref<16x384xf32, #tpu.memory_space<vmem>>, vector<1x16xf32>,
      %get3A_2028 = vector.shape_cast %get3A_2027 : vector<1x16xf32> to vector<16xf32>
      %mul3A_2029 = arith.mulf %div3A_354, %get3A_2028 : vector<16xf32>
      %add3A_2030 = arith.addf %add3A_2023, %mul3A_2029 : vector<16xf32>
      %get3A_2031 = arith.constant 13 : i32
      %get3A_2032 = arith.index_cast %get3A_2031 : i32 to index
      %get3A_2033 = arith.constant 224 : index
      %get3A_2034 = tpu.vector_load %arg8[%get3A_2032, %get3A_2033] {strides = array<i32>} : memref<16x384xf32, #tpu.memory_space<vmem>>, vector<1x16xf32>,
      %get3A_2035 = vector.shape_cast %get3A_2034 : vector<1x16xf32> to vector<16xf32>
      %mul3A_2036 = arith.mulf %div3A_379, %get3A_2035 : vector<16xf32>
      %add3A_2037 = arith.addf %add3A_2030, %mul3A_2036 : vector<16xf32>
      %get3A_2038 = arith.constant 14 : i32
      %get3A_2039 = arith.index_cast %get3A_2038 : i32 to index
      %get3A_2040 = arith.constant 224 : index
      %get3A_2041 = tpu.vector_load %arg8[%get3A_2039, %get3A_2040] {strides = array<i32>} : memref<16x384xf32, #tpu.memory_space<vmem>>, vector<1x16xf32>,
      %get3A_2042 = vector.shape_cast %get3A_2041 : vector<1x16xf32> to vector<16xf32>
      %mul3A_2043 = arith.mulf %div3A_404, %get3A_2042 : vector<16xf32>
      %add3A_2044 = arith.addf %add3A_2037, %mul3A_2043 : vector<16xf32>
      %get3A_2045 = arith.constant 15 : i32
      %get3A_2046 = arith.index_cast %get3A_2045 : i32 to index
      %get3A_2047 = arith.constant 224 : index
      %get3A_2048 = tpu.vector_load %arg8[%get3A_2046, %get3A_2047] {strides = array<i32>} : memref<16x384xf32, #tpu.memory_space<vmem>>, vector<1x16xf32>,
      %get3A_2049 = vector.shape_cast %get3A_2048 : vector<1x16xf32> to vector<16xf32>
      %mul3A_2050 = arith.mulf %div3A_429, %get3A_2049 : vector<16xf32>
      %add3A_2051 = arith.addf %add3A_2044, %mul3A_2050 : vector<16xf32>
      %mul3A_2052 = arith.mulf %add3A_2051, %div3A_433 : vector<16xf32>
      %swap3A_2053 = arith.constant 208 : index
      %swap3A_2054 = tpu.vector_load %arg9[%swap3A_2053] {strides = array<i32>} : memref<320xf32, #tpu.memory_space<vmem>>, vector<16xf32>,
      %swap3A_2055 = vector.shape_cast %swap3A_2054 : vector<16xf32> to vector<16xf32>
      %swap3A_2056 = vector.shape_cast %mul3A_2052 : vector<16xf32> to vector<16xf32>
      tpu.vector_store %arg9[%swap3A_2053], %swap3A_2056 {strides = array<i32>} : memref<320xf32, #tpu.memory_space<vmem>>, vector<16xf32>,
      %get3A_2057 = arith.constant 0 : i32
      %get3A_2058 = arith.index_cast %get3A_2057 : i32 to index
      %get3A_2059 = arith.constant 240 : index
      %get3A_2060 = tpu.vector_load %arg8[%get3A_2058, %get3A_2059] {strides = array<i32>} : memref<16x384xf32, #tpu.memory_space<vmem>>, vector<1x16xf32>,
      %get3A_2061 = vector.shape_cast %get3A_2060 : vector<1x16xf32> to vector<16xf32>
      %mul3A_2062 = arith.mulf %div3A_55, %get3A_2061 : vector<16xf32>
      %get3A_2063 = arith.constant 1 : i32
      %get3A_2064 = arith.index_cast %get3A_2063 : i32 to index
      %get3A_2065 = arith.constant 240 : index
      %get3A_2066 = tpu.vector_load %arg8[%get3A_2064, %get3A_2065] {strides = array<i32>} : memref<16x384xf32, #tpu.memory_space<vmem>>, vector<1x16xf32>,
      %get3A_2067 = vector.shape_cast %get3A_2066 : vector<1x16xf32> to vector<16xf32>
      %mul3A_2068 = arith.mulf %div3A_79, %get3A_2067 : vector<16xf32>
      %add3A_2069 = arith.addf %mul3A_2062, %mul3A_2068 : vector<16xf32>
      %get3A_2070 = arith.constant 2 : i32
      %get3A_2071 = arith.index_cast %get3A_2070 : i32 to index
      %get3A_2072 = arith.constant 240 : index
      %get3A_2073 = tpu.vector_load %arg8[%get3A_2071, %get3A_2072] {strides = array<i32>} : memref<16x384xf32, #tpu.memory_space<vmem>>, vector<1x16xf32>,
      %get3A_2074 = vector.shape_cast %get3A_2073 : vector<1x16xf32> to vector<16xf32>
      %mul3A_2075 = arith.mulf %div3A_104, %get3A_2074 : vector<16xf32>
      %add3A_2076 = arith.addf %add3A_2069, %mul3A_2075 : vector<16xf32>
      %get3A_2077 = arith.constant 3 : i32
      %get3A_2078 = arith.index_cast %get3A_2077 : i32 to index
      %get3A_2079 = arith.constant 240 : index
      %get3A_2080 = tpu.vector_load %arg8[%get3A_2078, %get3A_2079] {strides = array<i32>} : memref<16x384xf32, #tpu.memory_space<vmem>>, vector<1x16xf32>,
      %get3A_2081 = vector.shape_cast %get3A_2080 : vector<1x16xf32> to vector<16xf32>
      %mul3A_2082 = arith.mulf %div3A_129, %get3A_2081 : vector<16xf32>
      %add3A_2083 = arith.addf %add3A_2076, %mul3A_2082 : vector<16xf32>
      %get3A_2084 = arith.constant 4 : i32
      %get3A_2085 = arith.index_cast %get3A_2084 : i32 to index
      %get3A_2086 = arith.constant 240 : index
      %get3A_2087 = tpu.vector_load %arg8[%get3A_2085, %get3A_2086] {strides = array<i32>} : memref<16x384xf32, #tpu.memory_space<vmem>>, vector<1x16xf32>,
      %get3A_2088 = vector.shape_cast %get3A_2087 : vector<1x16xf32> to vector<16xf32>
      %mul3A_2089 = arith.mulf %div3A_154, %get3A_2088 : vector<16xf32>
      %add3A_2090 = arith.addf %add3A_2083, %mul3A_2089 : vector<16xf32>
      %get3A_2091 = arith.constant 5 : i32
      %get3A_2092 = arith.index_cast %get3A_2091 : i32 to index
      %get3A_2093 = arith.constant 240 : index
      %get3A_2094 = tpu.vector_load %arg8[%get3A_2092, %get3A_2093] {strides = array<i32>} : memref<16x384xf32, #tpu.memory_space<vmem>>, vector<1x16xf32>,
      %get3A_2095 = vector.shape_cast %get3A_2094 : vector<1x16xf32> to vector<16xf32>
      %mul3A_2096 = arith.mulf %div3A_179, %get3A_2095 : vector<16xf32>
      %add3A_2097 = arith.addf %add3A_2090, %mul3A_2096 : vector<16xf32>
      %get3A_2098 = arith.constant 6 : i32
      %get3A_2099 = arith.index_cast %get3A_2098 : i32 to index
      %get3A_2100 = arith.constant 240 : index
      %get3A_2101 = tpu.vector_load %arg8[%get3A_2099, %get3A_2100] {strides = array<i32>} : memref<16x384xf32, #tpu.memory_space<vmem>>, vector<1x16xf32>,
      %get3A_2102 = vector.shape_cast %get3A_2101 : vector<1x16xf32> to vector<16xf32>
      %mul3A_2103 = arith.mulf %div3A_204, %get3A_2102 : vector<16xf32>
      %add3A_2104 = arith.addf %add3A_2097, %mul3A_2103 : vector<16xf32>
      %get3A_2105 = arith.constant 7 : i32
      %get3A_2106 = arith.index_cast %get3A_2105 : i32 to index
      %get3A_2107 = arith.constant 240 : index
      %get3A_2108 = tpu.vector_load %arg8[%get3A_2106, %get3A_2107] {strides = array<i32>} : memref<16x384xf32, #tpu.memory_space<vmem>>, vector<1x16xf32>,
      %get3A_2109 = vector.shape_cast %get3A_2108 : vector<1x16xf32> to vector<16xf32>
      %mul3A_2110 = arith.mulf %div3A_229, %get3A_2109 : vector<16xf32>
      %add3A_2111 = arith.addf %add3A_2104, %mul3A_2110 : vector<16xf32>
      %get3A_2112 = arith.constant 8 : i32
      %get3A_2113 = arith.index_cast %get3A_2112 : i32 to index
      %get3A_2114 = arith.constant 240 : index
      %get3A_2115 = tpu.vector_load %arg8[%get3A_2113, %get3A_2114] {strides = array<i32>} : memref<16x384xf32, #tpu.memory_space<vmem>>, vector<1x16xf32>,
      %get3A_2116 = vector.shape_cast %get3A_2115 : vector<1x16xf32> to vector<16xf32>
      %mul3A_2117 = arith.mulf %div3A_254, %get3A_2116 : vector<16xf32>
      %add3A_2118 = arith.addf %add3A_2111, %mul3A_2117 : vector<16xf32>
      %get3A_2119 = arith.constant 9 : i32
      %get3A_2120 = arith.index_cast %get3A_2119 : i32 to index
      %get3A_2121 = arith.constant 240 : index
      %get3A_2122 = tpu.vector_load %arg8[%get3A_2120, %get3A_2121] {strides = array<i32>} : memref<16x384xf32, #tpu.memory_space<vmem>>, vector<1x16xf32>,
      %get3A_2123 = vector.shape_cast %get3A_2122 : vector<1x16xf32> to vector<16xf32>
      %mul3A_2124 = arith.mulf %div3A_279, %get3A_2123 : vector<16xf32>
      %add3A_2125 = arith.addf %add3A_2118, %mul3A_2124 : vector<16xf32>
      %get3A_2126 = arith.constant 10 : i32
      %get3A_2127 = arith.index_cast %get3A_2126 : i32 to index
      %get3A_2128 = arith.constant 240 : index
      %get3A_2129 = tpu.vector_load %arg8[%get3A_2127, %get3A_2128] {strides = array<i32>} : memref<16x384xf32, #tpu.memory_space<vmem>>, vector<1x16xf32>,
      %get3A_2130 = vector.shape_cast %get3A_2129 : vector<1x16xf32> to vector<16xf32>
      %mul3A_2131 = arith.mulf %div3A_304, %get3A_2130 : vector<16xf32>
      %add3A_2132 = arith.addf %add3A_2125, %mul3A_2131 : vector<16xf32>
      %get3A_2133 = arith.constant 11 : i32
      %get3A_2134 = arith.index_cast %get3A_2133 : i32 to index
      %get3A_2135 = arith.constant 240 : index
      %get3A_2136 = tpu.vector_load %arg8[%get3A_2134, %get3A_2135] {strides = array<i32>} : memref<16x384xf32, #tpu.memory_space<vmem>>, vector<1x16xf32>,
      %get3A_2137 = vector.shape_cast %get3A_2136 : vector<1x16xf32> to vector<16xf32>
      %mul3A_2138 = arith.mulf %div3A_329, %get3A_2137 : vector<16xf32>
      %add3A_2139 = arith.addf %add3A_2132, %mul3A_2138 : vector<16xf32>
      %get3A_2140 = arith.constant 12 : i32
      %get3A_2141 = arith.index_cast %get3A_2140 : i32 to index
      %get3A_2142 = arith.constant 240 : index
      %get3A_2143 = tpu.vector_load %arg8[%get3A_2141, %get3A_2142] {strides = array<i32>} : memref<16x384xf32, #tpu.memory_space<vmem>>, vector<1x16xf32>,
      %get3A_2144 = vector.shape_cast %get3A_2143 : vector<1x16xf32> to vector<16xf32>
      %mul3A_2145 = arith.mulf %div3A_354, %get3A_2144 : vector<16xf32>
      %add3A_2146 = arith.addf %add3A_2139, %mul3A_2145 : vector<16xf32>
      %get3A_2147 = arith.constant 13 : i32
      %get3A_2148 = arith.index_cast %get3A_2147 : i32 to index
      %get3A_2149 = arith.constant 240 : index
      %get3A_2150 = tpu.vector_load %arg8[%get3A_2148, %get3A_2149] {strides = array<i32>} : memref<16x384xf32, #tpu.memory_space<vmem>>, vector<1x16xf32>,
      %get3A_2151 = vector.shape_cast %get3A_2150 : vector<1x16xf32> to vector<16xf32>
      %mul3A_2152 = arith.mulf %div3A_379, %get3A_2151 : vector<16xf32>
      %add3A_2153 = arith.addf %add3A_2146, %mul3A_2152 : vector<16xf32>
      %get3A_2154 = arith.constant 14 : i32
      %get3A_2155 = arith.index_cast %get3A_2154 : i32 to index
      %get3A_2156 = arith.constant 240 : index
      %get3A_2157 = tpu.vector_load %arg8[%get3A_2155, %get3A_2156] {strides = array<i32>} : memref<16x384xf32, #tpu.memory_space<vmem>>, vector<1x16xf32>,
      %get3A_2158 = vector.shape_cast %get3A_2157 : vector<1x16xf32> to vector<16xf32>
      %mul3A_2159 = arith.mulf %div3A_404, %get3A_2158 : vector<16xf32>
      %add3A_2160 = arith.addf %add3A_2153, %mul3A_2159 : vector<16xf32>
      %get3A_2161 = arith.constant 15 : i32
      %get3A_2162 = arith.index_cast %get3A_2161 : i32 to index
      %get3A_2163 = arith.constant 240 : index
      %get3A_2164 = tpu.vector_load %arg8[%get3A_2162, %get3A_2163] {strides = array<i32>} : memref<16x384xf32, #tpu.memory_space<vmem>>, vector<1x16xf32>,
      %get3A_2165 = vector.shape_cast %get3A_2164 : vector<1x16xf32> to vector<16xf32>
      %mul3A_2166 = arith.mulf %div3A_429, %get3A_2165 : vector<16xf32>
      %add3A_2167 = arith.addf %add3A_2160, %mul3A_2166 : vector<16xf32>
      %mul3A_2168 = arith.mulf %add3A_2167, %div3A_433 : vector<16xf32>
      %swap3A_2169 = arith.constant 224 : index
      %swap3A_2170 = tpu.vector_load %arg9[%swap3A_2169] {strides = array<i32>} : memref<320xf32, #tpu.memory_space<vmem>>, vector<16xf32>,
      %swap3A_2171 = vector.shape_cast %swap3A_2170 : vector<16xf32> to vector<16xf32>
      %swap3A_2172 = vector.shape_cast %mul3A_2168 : vector<16xf32> to vector<16xf32>
      tpu.vector_store %arg9[%swap3A_2169], %swap3A_2172 {strides = array<i32>} : memref<320xf32, #tpu.memory_space<vmem>>, vector<16xf32>,
      %get3A_2173 = arith.constant 0 : i32
      %get3A_2174 = arith.index_cast %get3A_2173 : i32 to index
      %get3A_2175 = arith.constant 256 : index
      %get3A_2176 = tpu.vector_load %arg8[%get3A_2174, %get3A_2175] {strides = array<i32>} : memref<16x384xf32, #tpu.memory_space<vmem>>, vector<1x16xf32>,
      %get3A_2177 = vector.shape_cast %get3A_2176 : vector<1x16xf32> to vector<16xf32>
      %mul3A_2178 = arith.mulf %div3A_55, %get3A_2177 : vector<16xf32>
      %get3A_2179 = arith.constant 1 : i32
      %get3A_2180 = arith.index_cast %get3A_2179 : i32 to index
      %get3A_2181 = arith.constant 256 : index
      %get3A_2182 = tpu.vector_load %arg8[%get3A_2180, %get3A_2181] {strides = array<i32>} : memref<16x384xf32, #tpu.memory_space<vmem>>, vector<1x16xf32>,
      %get3A_2183 = vector.shape_cast %get3A_2182 : vector<1x16xf32> to vector<16xf32>
      %mul3A_2184 = arith.mulf %div3A_79, %get3A_2183 : vector<16xf32>
      %add3A_2185 = arith.addf %mul3A_2178, %mul3A_2184 : vector<16xf32>
      %get3A_2186 = arith.constant 2 : i32
      %get3A_2187 = arith.index_cast %get3A_2186 : i32 to index
      %get3A_2188 = arith.constant 256 : index
      %get3A_2189 = tpu.vector_load %arg8[%get3A_2187, %get3A_2188] {strides = array<i32>} : memref<16x384xf32, #tpu.memory_space<vmem>>, vector<1x16xf32>,
      %get3A_2190 = vector.shape_cast %get3A_2189 : vector<1x16xf32> to vector<16xf32>
      %mul3A_2191 = arith.mulf %div3A_104, %get3A_2190 : vector<16xf32>
      %add3A_2192 = arith.addf %add3A_2185, %mul3A_2191 : vector<16xf32>
      %get3A_2193 = arith.constant 3 : i32
      %get3A_2194 = arith.index_cast %get3A_2193 : i32 to index
      %get3A_2195 = arith.constant 256 : index
      %get3A_2196 = tpu.vector_load %arg8[%get3A_2194, %get3A_2195] {strides = array<i32>} : memref<16x384xf32, #tpu.memory_space<vmem>>, vector<1x16xf32>,
      %get3A_2197 = vector.shape_cast %get3A_2196 : vector<1x16xf32> to vector<16xf32>
      %mul3A_2198 = arith.mulf %div3A_129, %get3A_2197 : vector<16xf32>
      %add3A_2199 = arith.addf %add3A_2192, %mul3A_2198 : vector<16xf32>
      %get3A_2200 = arith.constant 4 : i32
      %get3A_2201 = arith.index_cast %get3A_2200 : i32 to index
      %get3A_2202 = arith.constant 256 : index
      %get3A_2203 = tpu.vector_load %arg8[%get3A_2201, %get3A_2202] {strides = array<i32>} : memref<16x384xf32, #tpu.memory_space<vmem>>, vector<1x16xf32>,
      %get3A_2204 = vector.shape_cast %get3A_2203 : vector<1x16xf32> to vector<16xf32>
      %mul3A_2205 = arith.mulf %div3A_154, %get3A_2204 : vector<16xf32>
      %add3A_2206 = arith.addf %add3A_2199, %mul3A_2205 : vector<16xf32>
      %get3A_2207 = arith.constant 5 : i32
      %get3A_2208 = arith.index_cast %get3A_2207 : i32 to index
      %get3A_2209 = arith.constant 256 : index
      %get3A_2210 = tpu.vector_load %arg8[%get3A_2208, %get3A_2209] {strides = array<i32>} : memref<16x384xf32, #tpu.memory_space<vmem>>, vector<1x16xf32>,
      %get3A_2211 = vector.shape_cast %get3A_2210 : vector<1x16xf32> to vector<16xf32>
      %mul3A_2212 = arith.mulf %div3A_179, %get3A_2211 : vector<16xf32>
      %add3A_2213 = arith.addf %add3A_2206, %mul3A_2212 : vector<16xf32>
      %get3A_2214 = arith.constant 6 : i32
      %get3A_2215 = arith.index_cast %get3A_2214 : i32 to index
      %get3A_2216 = arith.constant 256 : index
      %get3A_2217 = tpu.vector_load %arg8[%get3A_2215, %get3A_2216] {strides = array<i32>} : memref<16x384xf32, #tpu.memory_space<vmem>>, vector<1x16xf32>,
      %get3A_2218 = vector.shape_cast %get3A_2217 : vector<1x16xf32> to vector<16xf32>
      %mul3A_2219 = arith.mulf %div3A_204, %get3A_2218 : vector<16xf32>
      %add3A_2220 = arith.addf %add3A_2213, %mul3A_2219 : vector<16xf32>
      %get3A_2221 = arith.constant 7 : i32
      %get3A_2222 = arith.index_cast %get3A_2221 : i32 to index
      %get3A_2223 = arith.constant 256 : index
      %get3A_2224 = tpu.vector_load %arg8[%get3A_2222, %get3A_2223] {strides = array<i32>} : memref<16x384xf32, #tpu.memory_space<vmem>>, vector<1x16xf32>,
      %get3A_2225 = vector.shape_cast %get3A_2224 : vector<1x16xf32> to vector<16xf32>
      %mul3A_2226 = arith.mulf %div3A_229, %get3A_2225 : vector<16xf32>
      %add3A_2227 = arith.addf %add3A_2220, %mul3A_2226 : vector<16xf32>
      %get3A_2228 = arith.constant 8 : i32
      %get3A_2229 = arith.index_cast %get3A_2228 : i32 to index
      %get3A_2230 = arith.constant 256 : index
      %get3A_2231 = tpu.vector_load %arg8[%get3A_2229, %get3A_2230] {strides = array<i32>} : memref<16x384xf32, #tpu.memory_space<vmem>>, vector<1x16xf32>,
      %get3A_2232 = vector.shape_cast %get3A_2231 : vector<1x16xf32> to vector<16xf32>
      %mul3A_2233 = arith.mulf %div3A_254, %get3A_2232 : vector<16xf32>
      %add3A_2234 = arith.addf %add3A_2227, %mul3A_2233 : vector<16xf32>
      %get3A_2235 = arith.constant 9 : i32
      %get3A_2236 = arith.index_cast %get3A_2235 : i32 to index
      %get3A_2237 = arith.constant 256 : index
      %get3A_2238 = tpu.vector_load %arg8[%get3A_2236, %get3A_2237] {strides = array<i32>} : memref<16x384xf32, #tpu.memory_space<vmem>>, vector<1x16xf32>,
      %get3A_2239 = vector.shape_cast %get3A_2238 : vector<1x16xf32> to vector<16xf32>
      %mul3A_2240 = arith.mulf %div3A_279, %get3A_2239 : vector<16xf32>
      %add3A_2241 = arith.addf %add3A_2234, %mul3A_2240 : vector<16xf32>
      %get3A_2242 = arith.constant 10 : i32
      %get3A_2243 = arith.index_cast %get3A_2242 : i32 to index
      %get3A_2244 = arith.constant 256 : index
      %get3A_2245 = tpu.vector_load %arg8[%get3A_2243, %get3A_2244] {strides = array<i32>} : memref<16x384xf32, #tpu.memory_space<vmem>>, vector<1x16xf32>,
      %get3A_2246 = vector.shape_cast %get3A_2245 : vector<1x16xf32> to vector<16xf32>
      %mul3A_2247 = arith.mulf %div3A_304, %get3A_2246 : vector<16xf32>
      %add3A_2248 = arith.addf %add3A_2241, %mul3A_2247 : vector<16xf32>
      %get3A_2249 = arith.constant 11 : i32
      %get3A_2250 = arith.index_cast %get3A_2249 : i32 to index
      %get3A_2251 = arith.constant 256 : index
      %get3A_2252 = tpu.vector_load %arg8[%get3A_2250, %get3A_2251] {strides = array<i32>} : memref<16x384xf32, #tpu.memory_space<vmem>>, vector<1x16xf32>,
      %get3A_2253 = vector.shape_cast %get3A_2252 : vector<1x16xf32> to vector<16xf32>
      %mul3A_2254 = arith.mulf %div3A_329, %get3A_2253 : vector<16xf32>
      %add3A_2255 = arith.addf %add3A_2248, %mul3A_2254 : vector<16xf32>
      %get3A_2256 = arith.constant 12 : i32
      %get3A_2257 = arith.index_cast %get3A_2256 : i32 to index
      %get3A_2258 = arith.constant 256 : index
      %get3A_2259 = tpu.vector_load %arg8[%get3A_2257, %get3A_2258] {strides = array<i32>} : memref<16x384xf32, #tpu.memory_space<vmem>>, vector<1x16xf32>,
      %get3A_2260 = vector.shape_cast %get3A_2259 : vector<1x16xf32> to vector<16xf32>
      %mul3A_2261 = arith.mulf %div3A_354, %get3A_2260 : vector<16xf32>
      %add3A_2262 = arith.addf %add3A_2255, %mul3A_2261 : vector<16xf32>
      %get3A_2263 = arith.constant 13 : i32
      %get3A_2264 = arith.index_cast %get3A_2263 : i32 to index
      %get3A_2265 = arith.constant 256 : index
      %get3A_2266 = tpu.vector_load %arg8[%get3A_2264, %get3A_2265] {strides = array<i32>} : memref<16x384xf32, #tpu.memory_space<vmem>>, vector<1x16xf32>,
      %get3A_2267 = vector.shape_cast %get3A_2266 : vector<1x16xf32> to vector<16xf32>
      %mul3A_2268 = arith.mulf %div3A_379, %get3A_2267 : vector<16xf32>
      %add3A_2269 = arith.addf %add3A_2262, %mul3A_2268 : vector<16xf32>
      %get3A_2270 = arith.constant 14 : i32
      %get3A_2271 = arith.index_cast %get3A_2270 : i32 to index
      %get3A_2272 = arith.constant 256 : index
      %get3A_2273 = tpu.vector_load %arg8[%get3A_2271, %get3A_2272] {strides = array<i32>} : memref<16x384xf32, #tpu.memory_space<vmem>>, vector<1x16xf32>,
      %get3A_2274 = vector.shape_cast %get3A_2273 : vector<1x16xf32> to vector<16xf32>
      %mul3A_2275 = arith.mulf %div3A_404, %get3A_2274 : vector<16xf32>
      %add3A_2276 = arith.addf %add3A_2269, %mul3A_2275 : vector<16xf32>
      %get3A_2277 = arith.constant 15 : i32
      %get3A_2278 = arith.index_cast %get3A_2277 : i32 to index
      %get3A_2279 = arith.constant 256 : index
      %get3A_2280 = tpu.vector_load %arg8[%get3A_2278, %get3A_2279] {strides = array<i32>} : memref<16x384xf32, #tpu.memory_space<vmem>>, vector<1x16xf32>,
      %get3A_2281 = vector.shape_cast %get3A_2280 : vector<1x16xf32> to vector<16xf32>
      %mul3A_2282 = arith.mulf %div3A_429, %get3A_2281 : vector<16xf32>
      %add3A_2283 = arith.addf %add3A_2276, %mul3A_2282 : vector<16xf32>
      %mul3A_2284 = arith.mulf %add3A_2283, %div3A_433 : vector<16xf32>
      %swap3A_2285 = arith.constant 240 : index
      %swap3A_2286 = tpu.vector_load %arg9[%swap3A_2285] {strides = array<i32>} : memref<320xf32, #tpu.memory_space<vmem>>, vector<16xf32>,
      %swap3A_2287 = vector.shape_cast %swap3A_2286 : vector<16xf32> to vector<16xf32>
      %swap3A_2288 = vector.shape_cast %mul3A_2284 : vector<16xf32> to vector<16xf32>
      tpu.vector_store %arg9[%swap3A_2285], %swap3A_2288 {strides = array<i32>} : memref<320xf32, #tpu.memory_space<vmem>>, vector<16xf32>,
      %get3A_2289 = arith.constant 0 : i32
      %get3A_2290 = arith.index_cast %get3A_2289 : i32 to index
      %get3A_2291 = arith.constant 272 : index
      %get3A_2292 = tpu.vector_load %arg8[%get3A_2290, %get3A_2291] {strides = array<i32>} : memref<16x384xf32, #tpu.memory_space<vmem>>, vector<1x16xf32>,
      %get3A_2293 = vector.shape_cast %get3A_2292 : vector<1x16xf32> to vector<16xf32>
      %mul3A_2294 = arith.mulf %div3A_55, %get3A_2293 : vector<16xf32>
      %get3A_2295 = arith.constant 1 : i32
      %get3A_2296 = arith.index_cast %get3A_2295 : i32 to index
      %get3A_2297 = arith.constant 272 : index
      %get3A_2298 = tpu.vector_load %arg8[%get3A_2296, %get3A_2297] {strides = array<i32>} : memref<16x384xf32, #tpu.memory_space<vmem>>, vector<1x16xf32>,
      %get3A_2299 = vector.shape_cast %get3A_2298 : vector<1x16xf32> to vector<16xf32>
      %mul3A_2300 = arith.mulf %div3A_79, %get3A_2299 : vector<16xf32>
      %add3A_2301 = arith.addf %mul3A_2294, %mul3A_2300 : vector<16xf32>
      %get3A_2302 = arith.constant 2 : i32
      %get3A_2303 = arith.index_cast %get3A_2302 : i32 to index
      %get3A_2304 = arith.constant 272 : index
      %get3A_2305 = tpu.vector_load %arg8[%get3A_2303, %get3A_2304] {strides = array<i32>} : memref<16x384xf32, #tpu.memory_space<vmem>>, vector<1x16xf32>,
      %get3A_2306 = vector.shape_cast %get3A_2305 : vector<1x16xf32> to vector<16xf32>
      %mul3A_2307 = arith.mulf %div3A_104, %get3A_2306 : vector<16xf32>
      %add3A_2308 = arith.addf %add3A_2301, %mul3A_2307 : vector<16xf32>
      %get3A_2309 = arith.constant 3 : i32
      %get3A_2310 = arith.index_cast %get3A_2309 : i32 to index
      %get3A_2311 = arith.constant 272 : index
      %get3A_2312 = tpu.vector_load %arg8[%get3A_2310, %get3A_2311] {strides = array<i32>} : memref<16x384xf32, #tpu.memory_space<vmem>>, vector<1x16xf32>,
      %get3A_2313 = vector.shape_cast %get3A_2312 : vector<1x16xf32> to vector<16xf32>
      %mul3A_2314 = arith.mulf %div3A_129, %get3A_2313 : vector<16xf32>
      %add3A_2315 = arith.addf %add3A_2308, %mul3A_2314 : vector<16xf32>
      %get3A_2316 = arith.constant 4 : i32
      %get3A_2317 = arith.index_cast %get3A_2316 : i32 to index
      %get3A_2318 = arith.constant 272 : index
      %get3A_2319 = tpu.vector_load %arg8[%get3A_2317, %get3A_2318] {strides = array<i32>} : memref<16x384xf32, #tpu.memory_space<vmem>>, vector<1x16xf32>,
      %get3A_2320 = vector.shape_cast %get3A_2319 : vector<1x16xf32> to vector<16xf32>
      %mul3A_2321 = arith.mulf %div3A_154, %get3A_2320 : vector<16xf32>
      %add3A_2322 = arith.addf %add3A_2315, %mul3A_2321 : vector<16xf32>
      %get3A_2323 = arith.constant 5 : i32
      %get3A_2324 = arith.index_cast %get3A_2323 : i32 to index
      %get3A_2325 = arith.constant 272 : index
      %get3A_2326 = tpu.vector_load %arg8[%get3A_2324, %get3A_2325] {strides = array<i32>} : memref<16x384xf32, #tpu.memory_space<vmem>>, vector<1x16xf32>,
      %get3A_2327 = vector.shape_cast %get3A_2326 : vector<1x16xf32> to vector<16xf32>
      %mul3A_2328 = arith.mulf %div3A_179, %get3A_2327 : vector<16xf32>
      %add3A_2329 = arith.addf %add3A_2322, %mul3A_2328 : vector<16xf32>
      %get3A_2330 = arith.constant 6 : i32
      %get3A_2331 = arith.index_cast %get3A_2330 : i32 to index
      %get3A_2332 = arith.constant 272 : index
      %get3A_2333 = tpu.vector_load %arg8[%get3A_2331, %get3A_2332] {strides = array<i32>} : memref<16x384xf32, #tpu.memory_space<vmem>>, vector<1x16xf32>,
      %get3A_2334 = vector.shape_cast %get3A_2333 : vector<1x16xf32> to vector<16xf32>
      %mul3A_2335 = arith.mulf %div3A_204, %get3A_2334 : vector<16xf32>
      %add3A_2336 = arith.addf %add3A_2329, %mul3A_2335 : vector<16xf32>
      %get3A_2337 = arith.constant 7 : i32
      %get3A_2338 = arith.index_cast %get3A_2337 : i32 to index
      %get3A_2339 = arith.constant 272 : index
      %get3A_2340 = tpu.vector_load %arg8[%get3A_2338, %get3A_2339] {strides = array<i32>} : memref<16x384xf32, #tpu.memory_space<vmem>>, vector<1x16xf32>,
      %get3A_2341 = vector.shape_cast %get3A_2340 : vector<1x16xf32> to vector<16xf32>
      %mul3A_2342 = arith.mulf %div3A_229, %get3A_2341 : vector<16xf32>
      %add3A_2343 = arith.addf %add3A_2336, %mul3A_2342 : vector<16xf32>
      %get3A_2344 = arith.constant 8 : i32
      %get3A_2345 = arith.index_cast %get3A_2344 : i32 to index
      %get3A_2346 = arith.constant 272 : index
      %get3A_2347 = tpu.vector_load %arg8[%get3A_2345, %get3A_2346] {strides = array<i32>} : memref<16x384xf32, #tpu.memory_space<vmem>>, vector<1x16xf32>,
      %get3A_2348 = vector.shape_cast %get3A_2347 : vector<1x16xf32> to vector<16xf32>
      %mul3A_2349 = arith.mulf %div3A_254, %get3A_2348 : vector<16xf32>
      %add3A_2350 = arith.addf %add3A_2343, %mul3A_2349 : vector<16xf32>
      %get3A_2351 = arith.constant 9 : i32
      %get3A_2352 = arith.index_cast %get3A_2351 : i32 to index
      %get3A_2353 = arith.constant 272 : index
      %get3A_2354 = tpu.vector_load %arg8[%get3A_2352, %get3A_2353] {strides = array<i32>} : memref<16x384xf32, #tpu.memory_space<vmem>>, vector<1x16xf32>,
      %get3A_2355 = vector.shape_cast %get3A_2354 : vector<1x16xf32> to vector<16xf32>
      %mul3A_2356 = arith.mulf %div3A_279, %get3A_2355 : vector<16xf32>
      %add3A_2357 = arith.addf %add3A_2350, %mul3A_2356 : vector<16xf32>
      %get3A_2358 = arith.constant 10 : i32
      %get3A_2359 = arith.index_cast %get3A_2358 : i32 to index
      %get3A_2360 = arith.constant 272 : index
      %get3A_2361 = tpu.vector_load %arg8[%get3A_2359, %get3A_2360] {strides = array<i32>} : memref<16x384xf32, #tpu.memory_space<vmem>>, vector<1x16xf32>,
      %get3A_2362 = vector.shape_cast %get3A_2361 : vector<1x16xf32> to vector<16xf32>
      %mul3A_2363 = arith.mulf %div3A_304, %get3A_2362 : vector<16xf32>
      %add3A_2364 = arith.addf %add3A_2357, %mul3A_2363 : vector<16xf32>
      %get3A_2365 = arith.constant 11 : i32
      %get3A_2366 = arith.index_cast %get3A_2365 : i32 to index
      %get3A_2367 = arith.constant 272 : index
      %get3A_2368 = tpu.vector_load %arg8[%get3A_2366, %get3A_2367] {strides = array<i32>} : memref<16x384xf32, #tpu.memory_space<vmem>>, vector<1x16xf32>,
      %get3A_2369 = vector.shape_cast %get3A_2368 : vector<1x16xf32> to vector<16xf32>
      %mul3A_2370 = arith.mulf %div3A_329, %get3A_2369 : vector<16xf32>
      %add3A_2371 = arith.addf %add3A_2364, %mul3A_2370 : vector<16xf32>
      %get3A_2372 = arith.constant 12 : i32
      %get3A_2373 = arith.index_cast %get3A_2372 : i32 to index
      %get3A_2374 = arith.constant 272 : index
      %get3A_2375 = tpu.vector_load %arg8[%get3A_2373, %get3A_2374] {strides = array<i32>} : memref<16x384xf32, #tpu.memory_space<vmem>>, vector<1x16xf32>,
      %get3A_2376 = vector.shape_cast %get3A_2375 : vector<1x16xf32> to vector<16xf32>
      %mul3A_2377 = arith.mulf %div3A_354, %get3A_2376 : vector<16xf32>
      %add3A_2378 = arith.addf %add3A_2371, %mul3A_2377 : vector<16xf32>
      %get3A_2379 = arith.constant 13 : i32
      %get3A_2380 = arith.index_cast %get3A_2379 : i32 to index
      %get3A_2381 = arith.constant 272 : index
      %get3A_2382 = tpu.vector_load %arg8[%get3A_2380, %get3A_2381] {strides = array<i32>} : memref<16x384xf32, #tpu.memory_space<vmem>>, vector<1x16xf32>,
      %get3A_2383 = vector.shape_cast %get3A_2382 : vector<1x16xf32> to vector<16xf32>
      %mul3A_2384 = arith.mulf %div3A_379, %get3A_2383 : vector<16xf32>
      %add3A_2385 = arith.addf %add3A_2378, %mul3A_2384 : vector<16xf32>
      %get3A_2386 = arith.constant 14 : i32
      %get3A_2387 = arith.index_cast %get3A_2386 : i32 to index
      %get3A_2388 = arith.constant 272 : index
      %get3A_2389 = tpu.vector_load %arg8[%get3A_2387, %get3A_2388] {strides = array<i32>} : memref<16x384xf32, #tpu.memory_space<vmem>>, vector<1x16xf32>,
      %get3A_2390 = vector.shape_cast %get3A_2389 : vector<1x16xf32> to vector<16xf32>
      %mul3A_2391 = arith.mulf %div3A_404, %get3A_2390 : vector<16xf32>
      %add3A_2392 = arith.addf %add3A_2385, %mul3A_2391 : vector<16xf32>
      %get3A_2393 = arith.constant 15 : i32
      %get3A_2394 = arith.index_cast %get3A_2393 : i32 to index
      %get3A_2395 = arith.constant 272 : index
      %get3A_2396 = tpu.vector_load %arg8[%get3A_2394, %get3A_2395] {strides = array<i32>} : memref<16x384xf32, #tpu.memory_space<vmem>>, vector<1x16xf32>,
      %get3A_2397 = vector.shape_cast %get3A_2396 : vector<1x16xf32> to vector<16xf32>
      %mul3A_2398 = arith.mulf %div3A_429, %get3A_2397 : vector<16xf32>
      %add3A_2399 = arith.addf %add3A_2392, %mul3A_2398 : vector<16xf32>
      %mul3A_2400 = arith.mulf %add3A_2399, %div3A_433 : vector<16xf32>
      %swap3A_2401 = arith.constant 256 : index
      %swap3A_2402 = tpu.vector_load %arg9[%swap3A_2401] {strides = array<i32>} : memref<320xf32, #tpu.memory_space<vmem>>, vector<16xf32>,
      %swap3A_2403 = vector.shape_cast %swap3A_2402 : vector<16xf32> to vector<16xf32>
      %swap3A_2404 = vector.shape_cast %mul3A_2400 : vector<16xf32> to vector<16xf32>
      tpu.vector_store %arg9[%swap3A_2401], %swap3A_2404 {strides = array<i32>} : memref<320xf32, #tpu.memory_space<vmem>>, vector<16xf32>,
      %get3A_2405 = arith.constant 0 : i32
      %get3A_2406 = arith.index_cast %get3A_2405 : i32 to index
      %get3A_2407 = arith.constant 288 : index
      %get3A_2408 = tpu.vector_load %arg8[%get3A_2406, %get3A_2407] {strides = array<i32>} : memref<16x384xf32, #tpu.memory_space<vmem>>, vector<1x16xf32>,
      %get3A_2409 = vector.shape_cast %get3A_2408 : vector<1x16xf32> to vector<16xf32>
      %mul3A_2410 = arith.mulf %div3A_55, %get3A_2409 : vector<16xf32>
      %get3A_2411 = arith.constant 1 : i32
      %get3A_2412 = arith.index_cast %get3A_2411 : i32 to index
      %get3A_2413 = arith.constant 288 : index
      %get3A_2414 = tpu.vector_load %arg8[%get3A_2412, %get3A_2413] {strides = array<i32>} : memref<16x384xf32, #tpu.memory_space<vmem>>, vector<1x16xf32>,
      %get3A_2415 = vector.shape_cast %get3A_2414 : vector<1x16xf32> to vector<16xf32>
      %mul3A_2416 = arith.mulf %div3A_79, %get3A_2415 : vector<16xf32>
      %add3A_2417 = arith.addf %mul3A_2410, %mul3A_2416 : vector<16xf32>
      %get3A_2418 = arith.constant 2 : i32
      %get3A_2419 = arith.index_cast %get3A_2418 : i32 to index
      %get3A_2420 = arith.constant 288 : index
      %get3A_2421 = tpu.vector_load %arg8[%get3A_2419, %get3A_2420] {strides = array<i32>} : memref<16x384xf32, #tpu.memory_space<vmem>>, vector<1x16xf32>,
      %get3A_2422 = vector.shape_cast %get3A_2421 : vector<1x16xf32> to vector<16xf32>
      %mul3A_2423 = arith.mulf %div3A_104, %get3A_2422 : vector<16xf32>
      %add3A_2424 = arith.addf %add3A_2417, %mul3A_2423 : vector<16xf32>
      %get3A_2425 = arith.constant 3 : i32
      %get3A_2426 = arith.index_cast %get3A_2425 : i32 to index
      %get3A_2427 = arith.constant 288 : index
      %get3A_2428 = tpu.vector_load %arg8[%get3A_2426, %get3A_2427] {strides = array<i32>} : memref<16x384xf32, #tpu.memory_space<vmem>>, vector<1x16xf32>,
      %get3A_2429 = vector.shape_cast %get3A_2428 : vector<1x16xf32> to vector<16xf32>
      %mul3A_2430 = arith.mulf %div3A_129, %get3A_2429 : vector<16xf32>
      %add3A_2431 = arith.addf %add3A_2424, %mul3A_2430 : vector<16xf32>
      %get3A_2432 = arith.constant 4 : i32
      %get3A_2433 = arith.index_cast %get3A_2432 : i32 to index
      %get3A_2434 = arith.constant 288 : index
      %get3A_2435 = tpu.vector_load %arg8[%get3A_2433, %get3A_2434] {strides = array<i32>} : memref<16x384xf32, #tpu.memory_space<vmem>>, vector<1x16xf32>,
      %get3A_2436 = vector.shape_cast %get3A_2435 : vector<1x16xf32> to vector<16xf32>
      %mul3A_2437 = arith.mulf %div3A_154, %get3A_2436 : vector<16xf32>
      %add3A_2438 = arith.addf %add3A_2431, %mul3A_2437 : vector<16xf32>
      %get3A_2439 = arith.constant 5 : i32
      %get3A_2440 = arith.index_cast %get3A_2439 : i32 to index
      %get3A_2441 = arith.constant 288 : index
      %get3A_2442 = tpu.vector_load %arg8[%get3A_2440, %get3A_2441] {strides = array<i32>} : memref<16x384xf32, #tpu.memory_space<vmem>>, vector<1x16xf32>,
      %get3A_2443 = vector.shape_cast %get3A_2442 : vector<1x16xf32> to vector<16xf32>
      %mul3A_2444 = arith.mulf %div3A_179, %get3A_2443 : vector<16xf32>
      %add3A_2445 = arith.addf %add3A_2438, %mul3A_2444 : vector<16xf32>
      %get3A_2446 = arith.constant 6 : i32
      %get3A_2447 = arith.index_cast %get3A_2446 : i32 to index
      %get3A_2448 = arith.constant 288 : index
      %get3A_2449 = tpu.vector_load %arg8[%get3A_2447, %get3A_2448] {strides = array<i32>} : memref<16x384xf32, #tpu.memory_space<vmem>>, vector<1x16xf32>,
      %get3A_2450 = vector.shape_cast %get3A_2449 : vector<1x16xf32> to vector<16xf32>
      %mul3A_2451 = arith.mulf %div3A_204, %get3A_2450 : vector<16xf32>
      %add3A_2452 = arith.addf %add3A_2445, %mul3A_2451 : vector<16xf32>
      %get3A_2453 = arith.constant 7 : i32
      %get3A_2454 = arith.index_cast %get3A_2453 : i32 to index
      %get3A_2455 = arith.constant 288 : index
      %get3A_2456 = tpu.vector_load %arg8[%get3A_2454, %get3A_2455] {strides = array<i32>} : memref<16x384xf32, #tpu.memory_space<vmem>>, vector<1x16xf32>,
      %get3A_2457 = vector.shape_cast %get3A_2456 : vector<1x16xf32> to vector<16xf32>
      %mul3A_2458 = arith.mulf %div3A_229, %get3A_2457 : vector<16xf32>
      %add3A_2459 = arith.addf %add3A_2452, %mul3A_2458 : vector<16xf32>
      %get3A_2460 = arith.constant 8 : i32
      %get3A_2461 = arith.index_cast %get3A_2460 : i32 to index
      %get3A_2462 = arith.constant 288 : index
      %get3A_2463 = tpu.vector_load %arg8[%get3A_2461, %get3A_2462] {strides = array<i32>} : memref<16x384xf32, #tpu.memory_space<vmem>>, vector<1x16xf32>,
      %get3A_2464 = vector.shape_cast %get3A_2463 : vector<1x16xf32> to vector<16xf32>
      %mul3A_2465 = arith.mulf %div3A_254, %get3A_2464 : vector<16xf32>
      %add3A_2466 = arith.addf %add3A_2459, %mul3A_2465 : vector<16xf32>
      %get3A_2467 = arith.constant 9 : i32
      %get3A_2468 = arith.index_cast %get3A_2467 : i32 to index
      %get3A_2469 = arith.constant 288 : index
      %get3A_2470 = tpu.vector_load %arg8[%get3A_2468, %get3A_2469] {strides = array<i32>} : memref<16x384xf32, #tpu.memory_space<vmem>>, vector<1x16xf32>,
      %get3A_2471 = vector.shape_cast %get3A_2470 : vector<1x16xf32> to vector<16xf32>
      %mul3A_2472 = arith.mulf %div3A_279, %get3A_2471 : vector<16xf32>
      %add3A_2473 = arith.addf %add3A_2466, %mul3A_2472 : vector<16xf32>
      %get3A_2474 = arith.constant 10 : i32
      %get3A_2475 = arith.index_cast %get3A_2474 : i32 to index
      %get3A_2476 = arith.constant 288 : index
      %get3A_2477 = tpu.vector_load %arg8[%get3A_2475, %get3A_2476] {strides = array<i32>} : memref<16x384xf32, #tpu.memory_space<vmem>>, vector<1x16xf32>,
      %get3A_2478 = vector.shape_cast %get3A_2477 : vector<1x16xf32> to vector<16xf32>
      %mul3A_2479 = arith.mulf %div3A_304, %get3A_2478 : vector<16xf32>
      %add3A_2480 = arith.addf %add3A_2473, %mul3A_2479 : vector<16xf32>
      %get3A_2481 = arith.constant 11 : i32
      %get3A_2482 = arith.index_cast %get3A_2481 : i32 to index
      %get3A_2483 = arith.constant 288 : index
      %get3A_2484 = tpu.vector_load %arg8[%get3A_2482, %get3A_2483] {strides = array<i32>} : memref<16x384xf32, #tpu.memory_space<vmem>>, vector<1x16xf32>,
      %get3A_2485 = vector.shape_cast %get3A_2484 : vector<1x16xf32> to vector<16xf32>
      %mul3A_2486 = arith.mulf %div3A_329, %get3A_2485 : vector<16xf32>
      %add3A_2487 = arith.addf %add3A_2480, %mul3A_2486 : vector<16xf32>
      %get3A_2488 = arith.constant 12 : i32
      %get3A_2489 = arith.index_cast %get3A_2488 : i32 to index
      %get3A_2490 = arith.constant 288 : index
      %get3A_2491 = tpu.vector_load %arg8[%get3A_2489, %get3A_2490] {strides = array<i32>} : memref<16x384xf32, #tpu.memory_space<vmem>>, vector<1x16xf32>,
      %get3A_2492 = vector.shape_cast %get3A_2491 : vector<1x16xf32> to vector<16xf32>
      %mul3A_2493 = arith.mulf %div3A_354, %get3A_2492 : vector<16xf32>
      %add3A_2494 = arith.addf %add3A_2487, %mul3A_2493 : vector<16xf32>
      %get3A_2495 = arith.constant 13 : i32
      %get3A_2496 = arith.index_cast %get3A_2495 : i32 to index
      %get3A_2497 = arith.constant 288 : index
      %get3A_2498 = tpu.vector_load %arg8[%get3A_2496, %get3A_2497] {strides = array<i32>} : memref<16x384xf32, #tpu.memory_space<vmem>>, vector<1x16xf32>,
      %get3A_2499 = vector.shape_cast %get3A_2498 : vector<1x16xf32> to vector<16xf32>
      %mul3A_2500 = arith.mulf %div3A_379, %get3A_2499 : vector<16xf32>
      %add3A_2501 = arith.addf %add3A_2494, %mul3A_2500 : vector<16xf32>
      %get3A_2502 = arith.constant 14 : i32
      %get3A_2503 = arith.index_cast %get3A_2502 : i32 to index
      %get3A_2504 = arith.constant 288 : index
      %get3A_2505 = tpu.vector_load %arg8[%get3A_2503, %get3A_2504] {strides = array<i32>} : memref<16x384xf32, #tpu.memory_space<vmem>>, vector<1x16xf32>,
      %get3A_2506 = vector.shape_cast %get3A_2505 : vector<1x16xf32> to vector<16xf32>
      %mul3A_2507 = arith.mulf %div3A_404, %get3A_2506 : vector<16xf32>
      %add3A_2508 = arith.addf %add3A_2501, %mul3A_2507 : vector<16xf32>
      %get3A_2509 = arith.constant 15 : i32
      %get3A_2510 = arith.index_cast %get3A_2509 : i32 to index
      %get3A_2511 = arith.constant 288 : index
      %get3A_2512 = tpu.vector_load %arg8[%get3A_2510, %get3A_2511] {strides = array<i32>} : memref<16x384xf32, #tpu.memory_space<vmem>>, vector<1x16xf32>,
      %get3A_2513 = vector.shape_cast %get3A_2512 : vector<1x16xf32> to vector<16xf32>
      %mul3A_2514 = arith.mulf %div3A_429, %get3A_2513 : vector<16xf32>
      %add3A_2515 = arith.addf %add3A_2508, %mul3A_2514 : vector<16xf32>
      %mul3A_2516 = arith.mulf %add3A_2515, %div3A_433 : vector<16xf32>
      %swap3A_2517 = arith.constant 272 : index
      %swap3A_2518 = tpu.vector_load %arg9[%swap3A_2517] {strides = array<i32>} : memref<320xf32, #tpu.memory_space<vmem>>, vector<16xf32>,
      %swap3A_2519 = vector.shape_cast %swap3A_2518 : vector<16xf32> to vector<16xf32>
      %swap3A_2520 = vector.shape_cast %mul3A_2516 : vector<16xf32> to vector<16xf32>
      tpu.vector_store %arg9[%swap3A_2517], %swap3A_2520 {strides = array<i32>} : memref<320xf32, #tpu.memory_space<vmem>>, vector<16xf32>,
      %get3A_2521 = arith.constant 0 : i32
      %get3A_2522 = arith.index_cast %get3A_2521 : i32 to index
      %get3A_2523 = arith.constant 304 : index
      %get3A_2524 = tpu.vector_load %arg8[%get3A_2522, %get3A_2523] {strides = array<i32>} : memref<16x384xf32, #tpu.memory_space<vmem>>, vector<1x16xf32>,
      %get3A_2525 = vector.shape_cast %get3A_2524 : vector<1x16xf32> to vector<16xf32>
      %mul3A_2526 = arith.mulf %div3A_55, %get3A_2525 : vector<16xf32>
      %get3A_2527 = arith.constant 1 : i32
      %get3A_2528 = arith.index_cast %get3A_2527 : i32 to index
      %get3A_2529 = arith.constant 304 : index
      %get3A_2530 = tpu.vector_load %arg8[%get3A_2528, %get3A_2529] {strides = array<i32>} : memref<16x384xf32, #tpu.memory_space<vmem>>, vector<1x16xf32>,
      %get3A_2531 = vector.shape_cast %get3A_2530 : vector<1x16xf32> to vector<16xf32>
      %mul3A_2532 = arith.mulf %div3A_79, %get3A_2531 : vector<16xf32>
      %add3A_2533 = arith.addf %mul3A_2526, %mul3A_2532 : vector<16xf32>
      %get3A_2534 = arith.constant 2 : i32
      %get3A_2535 = arith.index_cast %get3A_2534 : i32 to index
      %get3A_2536 = arith.constant 304 : index
      %get3A_2537 = tpu.vector_load %arg8[%get3A_2535, %get3A_2536] {strides = array<i32>} : memref<16x384xf32, #tpu.memory_space<vmem>>, vector<1x16xf32>,
      %get3A_2538 = vector.shape_cast %get3A_2537 : vector<1x16xf32> to vector<16xf32>
      %mul3A_2539 = arith.mulf %div3A_104, %get3A_2538 : vector<16xf32>
      %add3A_2540 = arith.addf %add3A_2533, %mul3A_2539 : vector<16xf32>
      %get3A_2541 = arith.constant 3 : i32
      %get3A_2542 = arith.index_cast %get3A_2541 : i32 to index
      %get3A_2543 = arith.constant 304 : index
      %get3A_2544 = tpu.vector_load %arg8[%get3A_2542, %get3A_2543] {strides = array<i32>} : memref<16x384xf32, #tpu.memory_space<vmem>>, vector<1x16xf32>,
      %get3A_2545 = vector.shape_cast %get3A_2544 : vector<1x16xf32> to vector<16xf32>
      %mul3A_2546 = arith.mulf %div3A_129, %get3A_2545 : vector<16xf32>
      %add3A_2547 = arith.addf %add3A_2540, %mul3A_2546 : vector<16xf32>
      %get3A_2548 = arith.constant 4 : i32
      %get3A_2549 = arith.index_cast %get3A_2548 : i32 to index
      %get3A_2550 = arith.constant 304 : index
      %get3A_2551 = tpu.vector_load %arg8[%get3A_2549, %get3A_2550] {strides = array<i32>} : memref<16x384xf32, #tpu.memory_space<vmem>>, vector<1x16xf32>,
      %get3A_2552 = vector.shape_cast %get3A_2551 : vector<1x16xf32> to vector<16xf32>
      %mul3A_2553 = arith.mulf %div3A_154, %get3A_2552 : vector<16xf32>
      %add3A_2554 = arith.addf %add3A_2547, %mul3A_2553 : vector<16xf32>
      %get3A_2555 = arith.constant 5 : i32
      %get3A_2556 = arith.index_cast %get3A_2555 : i32 to index
      %get3A_2557 = arith.constant 304 : index
      %get3A_2558 = tpu.vector_load %arg8[%get3A_2556, %get3A_2557] {strides = array<i32>} : memref<16x384xf32, #tpu.memory_space<vmem>>, vector<1x16xf32>,
      %get3A_2559 = vector.shape_cast %get3A_2558 : vector<1x16xf32> to vector<16xf32>
      %mul3A_2560 = arith.mulf %div3A_179, %get3A_2559 : vector<16xf32>
      %add3A_2561 = arith.addf %add3A_2554, %mul3A_2560 : vector<16xf32>
      %get3A_2562 = arith.constant 6 : i32
      %get3A_2563 = arith.index_cast %get3A_2562 : i32 to index
      %get3A_2564 = arith.constant 304 : index
      %get3A_2565 = tpu.vector_load %arg8[%get3A_2563, %get3A_2564] {strides = array<i32>} : memref<16x384xf32, #tpu.memory_space<vmem>>, vector<1x16xf32>,
      %get3A_2566 = vector.shape_cast %get3A_2565 : vector<1x16xf32> to vector<16xf32>
      %mul3A_2567 = arith.mulf %div3A_204, %get3A_2566 : vector<16xf32>
      %add3A_2568 = arith.addf %add3A_2561, %mul3A_2567 : vector<16xf32>
      %get3A_2569 = arith.constant 7 : i32
      %get3A_2570 = arith.index_cast %get3A_2569 : i32 to index
      %get3A_2571 = arith.constant 304 : index
      %get3A_2572 = tpu.vector_load %arg8[%get3A_2570, %get3A_2571] {strides = array<i32>} : memref<16x384xf32, #tpu.memory_space<vmem>>, vector<1x16xf32>,
      %get3A_2573 = vector.shape_cast %get3A_2572 : vector<1x16xf32> to vector<16xf32>
      %mul3A_2574 = arith.mulf %div3A_229, %get3A_2573 : vector<16xf32>
      %add3A_2575 = arith.addf %add3A_2568, %mul3A_2574 : vector<16xf32>
      %get3A_2576 = arith.constant 8 : i32
      %get3A_2577 = arith.index_cast %get3A_2576 : i32 to index
      %get3A_2578 = arith.constant 304 : index
      %get3A_2579 = tpu.vector_load %arg8[%get3A_2577, %get3A_2578] {strides = array<i32>} : memref<16x384xf32, #tpu.memory_space<vmem>>, vector<1x16xf32>,
      %get3A_2580 = vector.shape_cast %get3A_2579 : vector<1x16xf32> to vector<16xf32>
      %mul3A_2581 = arith.mulf %div3A_254, %get3A_2580 : vector<16xf32>
      %add3A_2582 = arith.addf %add3A_2575, %mul3A_2581 : vector<16xf32>
      %get3A_2583 = arith.constant 9 : i32
      %get3A_2584 = arith.index_cast %get3A_2583 : i32 to index
      %get3A_2585 = arith.constant 304 : index
      %get3A_2586 = tpu.vector_load %arg8[%get3A_2584, %get3A_2585] {strides = array<i32>} : memref<16x384xf32, #tpu.memory_space<vmem>>, vector<1x16xf32>,
      %get3A_2587 = vector.shape_cast %get3A_2586 : vector<1x16xf32> to vector<16xf32>
      %mul3A_2588 = arith.mulf %div3A_279, %get3A_2587 : vector<16xf32>
      %add3A_2589 = arith.addf %add3A_2582, %mul3A_2588 : vector<16xf32>
      %get3A_2590 = arith.constant 10 : i32
      %get3A_2591 = arith.index_cast %get3A_2590 : i32 to index
      %get3A_2592 = arith.constant 304 : index
      %get3A_2593 = tpu.vector_load %arg8[%get3A_2591, %get3A_2592] {strides = array<i32>} : memref<16x384xf32, #tpu.memory_space<vmem>>, vector<1x16xf32>,
      %get3A_2594 = vector.shape_cast %get3A_2593 : vector<1x16xf32> to vector<16xf32>
      %mul3A_2595 = arith.mulf %div3A_304, %get3A_2594 : vector<16xf32>
      %add3A_2596 = arith.addf %add3A_2589, %mul3A_2595 : vector<16xf32>
      %get3A_2597 = arith.constant 11 : i32
      %get3A_2598 = arith.index_cast %get3A_2597 : i32 to index
      %get3A_2599 = arith.constant 304 : index
      %get3A_2600 = tpu.vector_load %arg8[%get3A_2598, %get3A_2599] {strides = array<i32>} : memref<16x384xf32, #tpu.memory_space<vmem>>, vector<1x16xf32>,
      %get3A_2601 = vector.shape_cast %get3A_2600 : vector<1x16xf32> to vector<16xf32>
      %mul3A_2602 = arith.mulf %div3A_329, %get3A_2601 : vector<16xf32>
      %add3A_2603 = arith.addf %add3A_2596, %mul3A_2602 : vector<16xf32>
      %get3A_2604 = arith.constant 12 : i32
      %get3A_2605 = arith.index_cast %get3A_2604 : i32 to index
      %get3A_2606 = arith.constant 304 : index
      %get3A_2607 = tpu.vector_load %arg8[%get3A_2605, %get3A_2606] {strides = array<i32>} : memref<16x384xf32, #tpu.memory_space<vmem>>, vector<1x16xf32>,
      %get3A_2608 = vector.shape_cast %get3A_2607 : vector<1x16xf32> to vector<16xf32>
      %mul3A_2609 = arith.mulf %div3A_354, %get3A_2608 : vector<16xf32>
      %add3A_2610 = arith.addf %add3A_2603, %mul3A_2609 : vector<16xf32>
      %get3A_2611 = arith.constant 13 : i32
      %get3A_2612 = arith.index_cast %get3A_2611 : i32 to index
      %get3A_2613 = arith.constant 304 : index
      %get3A_2614 = tpu.vector_load %arg8[%get3A_2612, %get3A_2613] {strides = array<i32>} : memref<16x384xf32, #tpu.memory_space<vmem>>, vector<1x16xf32>,
      %get3A_2615 = vector.shape_cast %get3A_2614 : vector<1x16xf32> to vector<16xf32>
      %mul3A_2616 = arith.mulf %div3A_379, %get3A_2615 : vector<16xf32>
      %add3A_2617 = arith.addf %add3A_2610, %mul3A_2616 : vector<16xf32>
      %get3A_2618 = arith.constant 14 : i32
      %get3A_2619 = arith.index_cast %get3A_2618 : i32 to index
      %get3A_2620 = arith.constant 304 : index
      %get3A_2621 = tpu.vector_load %arg8[%get3A_2619, %get3A_2620] {strides = array<i32>} : memref<16x384xf32, #tpu.memory_space<vmem>>, vector<1x16xf32>,
      %get3A_2622 = vector.shape_cast %get3A_2621 : vector<1x16xf32> to vector<16xf32>
      %mul3A_2623 = arith.mulf %div3A_404, %get3A_2622 : vector<16xf32>
      %add3A_2624 = arith.addf %add3A_2617, %mul3A_2623 : vector<16xf32>
      %get3A_2625 = arith.constant 15 : i32
      %get3A_2626 = arith.index_cast %get3A_2625 : i32 to index
      %get3A_2627 = arith.constant 304 : index
      %get3A_2628 = tpu.vector_load %arg8[%get3A_2626, %get3A_2627] {strides = array<i32>} : memref<16x384xf32, #tpu.memory_space<vmem>>, vector<1x16xf32>,
      %get3A_2629 = vector.shape_cast %get3A_2628 : vector<1x16xf32> to vector<16xf32>
      %mul3A_2630 = arith.mulf %div3A_429, %get3A_2629 : vector<16xf32>
      %add3A_2631 = arith.addf %add3A_2624, %mul3A_2630 : vector<16xf32>
      %mul3A_2632 = arith.mulf %add3A_2631, %div3A_433 : vector<16xf32>
      %swap3A_2633 = arith.constant 288 : index
      %swap3A_2634 = tpu.vector_load %arg9[%swap3A_2633] {strides = array<i32>} : memref<320xf32, #tpu.memory_space<vmem>>, vector<16xf32>,
      %swap3A_2635 = vector.shape_cast %swap3A_2634 : vector<16xf32> to vector<16xf32>
      %swap3A_2636 = vector.shape_cast %mul3A_2632 : vector<16xf32> to vector<16xf32>
      tpu.vector_store %arg9[%swap3A_2633], %swap3A_2636 {strides = array<i32>} : memref<320xf32, #tpu.memory_space<vmem>>, vector<16xf32>,
      %get3A_2637 = arith.constant 0 : i32
      %get3A_2638 = arith.index_cast %get3A_2637 : i32 to index
      %get3A_2639 = arith.constant 320 : index
      %get3A_2640 = tpu.vector_load %arg8[%get3A_2638, %get3A_2639] {strides = array<i32>} : memref<16x384xf32, #tpu.memory_space<vmem>>, vector<1x16xf32>,
      %get3A_2641 = vector.shape_cast %get3A_2640 : vector<1x16xf32> to vector<16xf32>
      %mul3A_2642 = arith.mulf %div3A_55, %get3A_2641 : vector<16xf32>
      %get3A_2643 = arith.constant 1 : i32
      %get3A_2644 = arith.index_cast %get3A_2643 : i32 to index
      %get3A_2645 = arith.constant 320 : index
      %get3A_2646 = tpu.vector_load %arg8[%get3A_2644, %get3A_2645] {strides = array<i32>} : memref<16x384xf32, #tpu.memory_space<vmem>>, vector<1x16xf32>,
      %get3A_2647 = vector.shape_cast %get3A_2646 : vector<1x16xf32> to vector<16xf32>
      %mul3A_2648 = arith.mulf %div3A_79, %get3A_2647 : vector<16xf32>
      %add3A_2649 = arith.addf %mul3A_2642, %mul3A_2648 : vector<16xf32>
      %get3A_2650 = arith.constant 2 : i32
      %get3A_2651 = arith.index_cast %get3A_2650 : i32 to index
      %get3A_2652 = arith.constant 320 : index
      %get3A_2653 = tpu.vector_load %arg8[%get3A_2651, %get3A_2652] {strides = array<i32>} : memref<16x384xf32, #tpu.memory_space<vmem>>, vector<1x16xf32>,
      %get3A_2654 = vector.shape_cast %get3A_2653 : vector<1x16xf32> to vector<16xf32>
      %mul3A_2655 = arith.mulf %div3A_104, %get3A_2654 : vector<16xf32>
      %add3A_2656 = arith.addf %add3A_2649, %mul3A_2655 : vector<16xf32>
      %get3A_2657 = arith.constant 3 : i32
      %get3A_2658 = arith.index_cast %get3A_2657 : i32 to index
      %get3A_2659 = arith.constant 320 : index
      %get3A_2660 = tpu.vector_load %arg8[%get3A_2658, %get3A_2659] {strides = array<i32>} : memref<16x384xf32, #tpu.memory_space<vmem>>, vector<1x16xf32>,
      %get3A_2661 = vector.shape_cast %get3A_2660 : vector<1x16xf32> to vector<16xf32>
      %mul3A_2662 = arith.mulf %div3A_129, %get3A_2661 : vector<16xf32>
      %add3A_2663 = arith.addf %add3A_2656, %mul3A_2662 : vector<16xf32>
      %get3A_2664 = arith.constant 4 : i32
      %get3A_2665 = arith.index_cast %get3A_2664 : i32 to index
      %get3A_2666 = arith.constant 320 : index
      %get3A_2667 = tpu.vector_load %arg8[%get3A_2665, %get3A_2666] {strides = array<i32>} : memref<16x384xf32, #tpu.memory_space<vmem>>, vector<1x16xf32>,
      %get3A_2668 = vector.shape_cast %get3A_2667 : vector<1x16xf32> to vector<16xf32>
      %mul3A_2669 = arith.mulf %div3A_154, %get3A_2668 : vector<16xf32>
      %add3A_2670 = arith.addf %add3A_2663, %mul3A_2669 : vector<16xf32>
      %get3A_2671 = arith.constant 5 : i32
      %get3A_2672 = arith.index_cast %get3A_2671 : i32 to index
      %get3A_2673 = arith.constant 320 : index
      %get3A_2674 = tpu.vector_load %arg8[%get3A_2672, %get3A_2673] {strides = array<i32>} : memref<16x384xf32, #tpu.memory_space<vmem>>, vector<1x16xf32>,
      %get3A_2675 = vector.shape_cast %get3A_2674 : vector<1x16xf32> to vector<16xf32>
      %mul3A_2676 = arith.mulf %div3A_179, %get3A_2675 : vector<16xf32>
      %add3A_2677 = arith.addf %add3A_2670, %mul3A_2676 : vector<16xf32>
      %get3A_2678 = arith.constant 6 : i32
      %get3A_2679 = arith.index_cast %get3A_2678 : i32 to index
      %get3A_2680 = arith.constant 320 : index
      %get3A_2681 = tpu.vector_load %arg8[%get3A_2679, %get3A_2680] {strides = array<i32>} : memref<16x384xf32, #tpu.memory_space<vmem>>, vector<1x16xf32>,
      %get3A_2682 = vector.shape_cast %get3A_2681 : vector<1x16xf32> to vector<16xf32>
      %mul3A_2683 = arith.mulf %div3A_204, %get3A_2682 : vector<16xf32>
      %add3A_2684 = arith.addf %add3A_2677, %mul3A_2683 : vector<16xf32>
      %get3A_2685 = arith.constant 7 : i32
      %get3A_2686 = arith.index_cast %get3A_2685 : i32 to index
      %get3A_2687 = arith.constant 320 : index
      %get3A_2688 = tpu.vector_load %arg8[%get3A_2686, %get3A_2687] {strides = array<i32>} : memref<16x384xf32, #tpu.memory_space<vmem>>, vector<1x16xf32>,
      %get3A_2689 = vector.shape_cast %get3A_2688 : vector<1x16xf32> to vector<16xf32>
      %mul3A_2690 = arith.mulf %div3A_229, %get3A_2689 : vector<16xf32>
      %add3A_2691 = arith.addf %add3A_2684, %mul3A_2690 : vector<16xf32>
      %get3A_2692 = arith.constant 8 : i32
      %get3A_2693 = arith.index_cast %get3A_2692 : i32 to index
      %get3A_2694 = arith.constant 320 : index
      %get3A_2695 = tpu.vector_load %arg8[%get3A_2693, %get3A_2694] {strides = array<i32>} : memref<16x384xf32, #tpu.memory_space<vmem>>, vector<1x16xf32>,
      %get3A_2696 = vector.shape_cast %get3A_2695 : vector<1x16xf32> to vector<16xf32>
      %mul3A_2697 = arith.mulf %div3A_254, %get3A_2696 : vector<16xf32>
      %add3A_2698 = arith.addf %add3A_2691, %mul3A_2697 : vector<16xf32>
      %get3A_2699 = arith.constant 9 : i32
      %get3A_2700 = arith.index_cast %get3A_2699 : i32 to index
      %get3A_2701 = arith.constant 320 : index
      %get3A_2702 = tpu.vector_load %arg8[%get3A_2700, %get3A_2701] {strides = array<i32>} : memref<16x384xf32, #tpu.memory_space<vmem>>, vector<1x16xf32>,
      %get3A_2703 = vector.shape_cast %get3A_2702 : vector<1x16xf32> to vector<16xf32>
      %mul3A_2704 = arith.mulf %div3A_279, %get3A_2703 : vector<16xf32>
      %add3A_2705 = arith.addf %add3A_2698, %mul3A_2704 : vector<16xf32>
      %get3A_2706 = arith.constant 10 : i32
      %get3A_2707 = arith.index_cast %get3A_2706 : i32 to index
      %get3A_2708 = arith.constant 320 : index
      %get3A_2709 = tpu.vector_load %arg8[%get3A_2707, %get3A_2708] {strides = array<i32>} : memref<16x384xf32, #tpu.memory_space<vmem>>, vector<1x16xf32>,
      %get3A_2710 = vector.shape_cast %get3A_2709 : vector<1x16xf32> to vector<16xf32>
      %mul3A_2711 = arith.mulf %div3A_304, %get3A_2710 : vector<16xf32>
      %add3A_2712 = arith.addf %add3A_2705, %mul3A_2711 : vector<16xf32>
      %get3A_2713 = arith.constant 11 : i32
      %get3A_2714 = arith.index_cast %get3A_2713 : i32 to index
      %get3A_2715 = arith.constant 320 : index
      %get3A_2716 = tpu.vector_load %arg8[%get3A_2714, %get3A_2715] {strides = array<i32>} : memref<16x384xf32, #tpu.memory_space<vmem>>, vector<1x16xf32>,
      %get3A_2717 = vector.shape_cast %get3A_2716 : vector<1x16xf32> to vector<16xf32>
      %mul3A_2718 = arith.mulf %div3A_329, %get3A_2717 : vector<16xf32>
      %add3A_2719 = arith.addf %add3A_2712, %mul3A_2718 : vector<16xf32>
      %get3A_2720 = arith.constant 12 : i32
      %get3A_2721 = arith.index_cast %get3A_2720 : i32 to index
      %get3A_2722 = arith.constant 320 : index
      %get3A_2723 = tpu.vector_load %arg8[%get3A_2721, %get3A_2722] {strides = array<i32>} : memref<16x384xf32, #tpu.memory_space<vmem>>, vector<1x16xf32>,
      %get3A_2724 = vector.shape_cast %get3A_2723 : vector<1x16xf32> to vector<16xf32>
      %mul3A_2725 = arith.mulf %div3A_354, %get3A_2724 : vector<16xf32>
      %add3A_2726 = arith.addf %add3A_2719, %mul3A_2725 : vector<16xf32>
      %get3A_2727 = arith.constant 13 : i32
      %get3A_2728 = arith.index_cast %get3A_2727 : i32 to index
      %get3A_2729 = arith.constant 320 : index
      %get3A_2730 = tpu.vector_load %arg8[%get3A_2728, %get3A_2729] {strides = array<i32>} : memref<16x384xf32, #tpu.memory_space<vmem>>, vector<1x16xf32>,
      %get3A_2731 = vector.shape_cast %get3A_2730 : vector<1x16xf32> to vector<16xf32>
      %mul3A_2732 = arith.mulf %div3A_379, %get3A_2731 : vector<16xf32>
      %add3A_2733 = arith.addf %add3A_2726, %mul3A_2732 : vector<16xf32>
      %get3A_2734 = arith.constant 14 : i32
      %get3A_2735 = arith.index_cast %get3A_2734 : i32 to index
      %get3A_2736 = arith.constant 320 : index
      %get3A_2737 = tpu.vector_load %arg8[%get3A_2735, %get3A_2736] {strides = array<i32>} : memref<16x384xf32, #tpu.memory_space<vmem>>, vector<1x16xf32>,
      %get3A_2738 = vector.shape_cast %get3A_2737 : vector<1x16xf32> to vector<16xf32>
      %mul3A_2739 = arith.mulf %div3A_404, %get3A_2738 : vector<16xf32>
      %add3A_2740 = arith.addf %add3A_2733, %mul3A_2739 : vector<16xf32>
      %get3A_2741 = arith.constant 15 : i32
      %get3A_2742 = arith.index_cast %get3A_2741 : i32 to index
      %get3A_2743 = arith.constant 320 : index
      %get3A_2744 = tpu.vector_load %arg8[%get3A_2742, %get3A_2743] {strides = array<i32>} : memref<16x384xf32, #tpu.memory_space<vmem>>, vector<1x16xf32>,
      %get3A_2745 = vector.shape_cast %get3A_2744 : vector<1x16xf32> to vector<16xf32>
      %mul3A_2746 = arith.mulf %div3A_429, %get3A_2745 : vector<16xf32>
      %add3A_2747 = arith.addf %add3A_2740, %mul3A_2746 : vector<16xf32>
      %mul3A_2748 = arith.mulf %add3A_2747, %div3A_433 : vector<16xf32>
      %swap3A_2749 = arith.constant 304 : index
      %swap3A_2750 = tpu.vector_load %arg9[%swap3A_2749] {strides = array<i32>} : memref<320xf32, #tpu.memory_space<vmem>>, vector<16xf32>,
      %swap3A_2751 = vector.shape_cast %swap3A_2750 : vector<16xf32> to vector<16xf32>
      %swap3A_2752 = vector.shape_cast %mul3A_2748 : vector<16xf32> to vector<16xf32>
      tpu.vector_store %arg9[%swap3A_2749], %swap3A_2752 {strides = array<i32>} : memref<320xf32, #tpu.memory_space<vmem>>, vector<16xf32>,
      %add3A_2753 = arith.addi %mul3A_2, %scan3A_22 : i32
      "tpu.region"() ({
        %run_scoped3A = tpu.sem_alloc : memref<!tpu.dma_semaphore, #tpu.memory_space<semaphore_mem>>
        %dma_start3A_2754 = arith.constant 0 : i32
        %dma_start3A_2755 = tpu.memref_slice %arg5[%add3A_2753, %dma_start3A_2754] : memref<8192x320xf32, #tpu.memory_space<hbm>> -> memref<1x320xf32, #tpu.memory_space<hbm>>
        %dma_start3A_2756 = tpu.memref_squeeze %dma_start3A_2755 : memref<1x320xf32, #tpu.memory_space<hbm>> -> memref<320xf32, #tpu.memory_space<hbm>>
        %dma_start3A_2757 = arith.constant 0 : i32
        %dma_start3A_2758 = tpu.memref_slice %arg5[%add3A_2753, %dma_start3A_2757] : memref<8192x320xf32, #tpu.memory_space<hbm>> -> memref<1x320xf32, #tpu.memory_space<hbm>>
        %dma_start3A_2759 = tpu.memref_squeeze %dma_start3A_2758 : memref<1x320xf32, #tpu.memory_space<hbm>> -> memref<320xf32, #tpu.memory_space<hbm>>
        tpu.enqueue_dma source(%arg9 : memref<320xf32, #tpu.memory_space<vmem>>) target(%dma_start3A_2759 : memref<320xf32, #tpu.memory_space<hbm>>) target_semaphore(%run_scoped3A : memref<!tpu.dma_semaphore, #tpu.memory_space<semaphore_mem>>)
        %dma_wait3A_2760 = arith.constant 0 : i32
        %dma_wait3A_2761 = tpu.memref_slice %arg5[%add3A_2753, %dma_wait3A_2760] : memref<8192x320xf32, #tpu.memory_space<hbm>> -> memref<1x320xf32, #tpu.memory_space<hbm>>
        %dma_wait3A_2762 = tpu.memref_squeeze %dma_wait3A_2761 : memref<1x320xf32, #tpu.memory_space<hbm>> -> memref<320xf32, #tpu.memory_space<hbm>>
        %dma_wait3A_2763 = arith.constant 0 : i32
        %dma_wait3A_2764 = tpu.memref_slice %arg5[%add3A_2753, %dma_wait3A_2763] : memref<8192x320xf32, #tpu.memory_space<hbm>> -> memref<1x320xf32, #tpu.memory_space<hbm>>
        %dma_wait3A_2765 = tpu.memref_squeeze %dma_wait3A_2764 : memref<1x320xf32, #tpu.memory_space<hbm>> -> memref<320xf32, #tpu.memory_space<hbm>>
        tpu.wait_dma2 semaphore(%run_scoped3A : memref<!tpu.dma_semaphore, #tpu.memory_space<semaphore_mem>>) src(%arg9 : memref<320xf32, #tpu.memory_space<vmem>>) dst(%dma_wait3A_2765 : memref<320xf32, #tpu.memory_space<hbm>>)
        tpu.yield
      }) : () -> ()
    }
    %scan3A_21 = arith.constant 256 : i32
    return
  }
}

module attributes {stable_mosaic.version = 14 : i64} {
  func.func @_tc_topk_body(%arg0: i32, %arg1: memref<3x1024xf32, #tpu.memory_space<vmem>>, %arg2: memref<4096x3xf32, #tpu.memory_space<vmem>>, %arg3: memref<16x1024xi32, #tpu.memory_space<vmem>>) attributes {dimension_semantics = [#tpu.dimension_semantics<arbitrary>], iteration_bounds = array<i64: 8>, scalar_prefetch = 0 : i64, scratch_operands = 0 : i64, tpu.core_type = #tpu.core_type<tc>, window_params = [{transform_indices = @transform_0, window_bounds = array<i64: 3, 1024>}, {pipeline_mode = #tpu.pipeline_mode<synchronous>, transform_indices = @transform_1, window_bounds = array<i64: 4096, 3>}, {transform_indices = @transform_2, window_bounds = array<i64: 16, 1024>}]} {
    %get3A = arith.constant 0 : index
    %get3A_0 = arith.constant 0 : index
    %get3A_1 = vector.load %arg1[%get3A, %get3A_0] : memref<3x1024xf32, #tpu.memory_space<vmem>>, vector<3x1024xf32>
    %get3A_2 = arith.constant 0 : index
    %get3A_3 = arith.constant 0 : index
    %get3A_4 = vector.load %arg2[%get3A_2, %get3A_3] : memref<4096x3xf32, #tpu.memory_space<vmem>>, vector<4096x3xf32>
    %convert_element_type3A = arith.truncf %get3A_4 : vector<4096x3xf32> to vector<4096x3xbf16>
    %convert_element_type3A_5 = arith.truncf %get3A_1 : vector<3x1024xf32> to vector<3x1024xbf16>
    %dot_general3A = arith.constant dense<0.000000e+00> : vector<4096x1024xf32>
    %dot_general3A_6 = tpu.matmul %convert_element_type3A, %convert_element_type3A_5, %dot_general3A {dimension_numbers = #tpu.dot_dimension_numbers<[1], [0], [0], [1], [0, 0, 1, 1], [], []>, transpose_lhs_hint = false} : vector<4096x3xbf16>, vector<3x1024xbf16>, vector<4096x1024xf32> -> vector<4096x1024xf32>
    %mul3A = arith.mulf %get3A_1, %get3A_1 : vector<3x1024xf32>
    %reduce_sum3A = arith.constant dense<0.000000e+00> : vector<1024xf32>
    %reduce_sum3A_7 = vector.multi_reduction <add>, %mul3A, %reduce_sum3A [0] : vector<3x1024xf32> to vector<1024xf32>
    %broadcast_in_dim3A = vector.shape_cast %reduce_sum3A_7 : vector<1024xf32> to vector<1x1024xf32>
    %mul3A_8 = arith.mulf %get3A_4, %get3A_4 : vector<4096x3xf32>
    %reduce_sum3A_9 = arith.constant dense<0.000000e+00> : vector<4096xf32>
    %reduce_sum3A_10 = vector.multi_reduction <add>, %mul3A_8, %reduce_sum3A_9 [1] : vector<4096x3xf32> to vector<4096xf32>
    %broadcast_in_dim3A_11 = vector.shape_cast %reduce_sum3A_10 : vector<4096xf32> to vector<4096x1xf32>
    %add3A = vector.broadcast %broadcast_in_dim3A : vector<1x1024xf32> to vector<4096x1024xf32>
    %add3A_12 = vector.broadcast %broadcast_in_dim3A_11 : vector<4096x1xf32> to vector<4096x1024xf32>
    %add3A_13 = arith.addf %add3A, %add3A_12 : vector<4096x1024xf32>
    %mul3A_14 = arith.constant 2.000000e+00 : f32
    %mul3A_15 = vector.broadcast %mul3A_14 : f32 to vector<4096x1024xf32>
    %mul3A_16 = arith.mulf %mul3A_15, %dot_general3A_6 : vector<4096x1024xf32>
    %sub3A = arith.subf %add3A_13, %mul3A_16 : vector<4096x1024xf32>
    %iota3A = tpu.iota {dimensions = array<i32: 0>} : vector<4096x1024xi32>
    %bitcast_convert_type3A = tpu.bitcast %sub3A : vector<4096x1024xf32> -> vector<4096x1024xi32>
    %and3A = arith.constant -4096 : i32
    %and3A_17 = vector.broadcast %and3A : i32 to vector<4096x1024xi32>
    %and3A_18 = arith.andi %bitcast_convert_type3A, %and3A_17 : vector<4096x1024xi32>
    %or3A = arith.ori %and3A_18, %iota3A : vector<4096x1024xi32>
    %broadcast_in_dim3A_19 = arith.constant -2147483648 : i32
    %broadcast_in_dim3A_20 = vector.broadcast %broadcast_in_dim3A_19 : i32 to vector<1x1024xi32>
    %scan3A = arith.constant 0 : i32
    %scan3A_21 = arith.constant 16 : i32
    %scan3A_22 = arith.addi %scan3A, %scan3A_21 : i32
    %scan3A_23 = arith.constant 1 : i32
    %scan3A_24 = scf.for %scan3A_26 = %scan3A to %scan3A_22 step %scan3A_23 iter_args(%scan3A_27 = %broadcast_in_dim3A_20) -> (vector<1x1024xi32>)  : i32 {
      %gt3A = vector.broadcast %scan3A_27 : vector<1x1024xi32> to vector<4096x1024xi32>
      %gt3A_28 = arith.cmpi sgt, %or3A, %gt3A : vector<4096x1024xi32>
      %jit3A = arith.constant 2147483647 : i32
      %broadcast_in_dim3A_29 = vector.broadcast %jit3A : i32 to vector<4096x1024xi32>
      %select_n3A = arith.select %gt3A_28, %or3A, %broadcast_in_dim3A_29 : vector<4096x1024xi1>, vector<4096x1024xi32>
      %reduce_min3A = arith.constant dense<2147483647> : vector<1024xi32>
      %reduce_min3A_30 = vector.multi_reduction <minsi>, %select_n3A, %reduce_min3A [0] : vector<4096x1024xi32> to vector<1024xi32>
      %broadcast_in_dim3A_31 = vector.shape_cast %reduce_min3A_30 : vector<1024xi32> to vector<1x1024xi32>
      %and3A_32 = arith.constant 4095 : i32
      %and3A_33 = vector.broadcast %and3A_32 : i32 to vector<1x1024xi32>
      %and3A_34 = arith.andi %broadcast_in_dim3A_31, %and3A_33 : vector<1x1024xi32>
      %swap3A = arith.index_cast %scan3A_26 : i32 to index
      %swap3A_35 = arith.constant 0 : index
      %swap3A_36 = vector.load %arg3[%swap3A, %swap3A_35] : memref<16x1024xi32, #tpu.memory_space<vmem>>, vector<1x1024xi32>
      tpu.vector_store %arg3[%swap3A, %swap3A_35], %and3A_34 {strides = array<i32>} : memref<16x1024xi32, #tpu.memory_space<vmem>>, vector<1x1024xi32>,
      scf.yield %broadcast_in_dim3A_31 : vector<1x1024xi32>
    }
    %scan3A_25 = arith.constant 16 : i32
    return
  }
  func.func @transform_0(%arg0: i32) -> (i32, i32) {
    %c0_i32 = arith.constant 0 : i32
    %c0_i32_0 = arith.constant 0 : i32
    return %c0_i32, %arg0 : i32, i32
  }
  func.func @transform_1(%arg0: i32) -> (i32, i32) {
    %c0_i32 = arith.constant 0 : i32
    %c0_i32_0 = arith.constant 0 : i32
    %c0_i32_1 = arith.constant 0 : i32
    return %c0_i32, %c0_i32_0 : i32, i32
  }
  func.func @transform_2(%arg0: i32) -> (i32, i32) {
    %c0_i32 = arith.constant 0 : i32
    %c0_i32_0 = arith.constant 0 : i32
    return %c0_i32, %arg0 : i32, i32
  }
}

module attributes {stable_mosaic.version = 14 : i64} {
  func.func @_tc_sh_body(%arg0: i32, %arg1: memref<288x1024xf32, #tpu.memory_space<vmem>>, %arg2: memref<3x1024xf32, #tpu.memory_space<vmem>>, %arg3: memref<32x288xf32, #tpu.memory_space<vmem>>, %arg4: memref<32x1024xf32, #tpu.memory_space<vmem>>) attributes {dimension_semantics = [#tpu.dimension_semantics<arbitrary>], iteration_bounds = array<i64: 8>, scalar_prefetch = 0 : i64, scratch_operands = 0 : i64, tpu.core_type = #tpu.core_type<tc>, window_params = [{transform_indices = @transform_0, window_bounds = array<i64: 288, 1024>}, {transform_indices = @transform_1, window_bounds = array<i64: 3, 1024>}, {pipeline_mode = #tpu.pipeline_mode<synchronous>, transform_indices = @transform_2, window_bounds = array<i64: 32, 288>}, {transform_indices = @transform_3, window_bounds = array<i64: 32, 1024>}]} {
    %get3A = arith.constant 0 : index
    %get3A_0 = arith.constant 0 : index
    %get3A_1 = vector.load %arg1[%get3A, %get3A_0] : memref<288x1024xf32, #tpu.memory_space<vmem>>, vector<288x1024xf32>
    %get3A_2 = arith.constant 0 : index
    %get3A_3 = arith.constant 0 : index
    %get3A_4 = vector.load %arg2[%get3A_2, %get3A_3] : memref<3x1024xf32, #tpu.memory_space<vmem>>, vector<3x1024xf32>
    %slice3A = vector.extract_strided_slice %get3A_4 {offsets = [0, 0], sizes = [1, 1024], strides = [1, 1]} : vector<3x1024xf32> to vector<1x1024xf32>
    %slice3A_5 = vector.extract_strided_slice %get3A_4 {offsets = [1, 0], sizes = [1, 1024], strides = [1, 1]} : vector<3x1024xf32> to vector<1x1024xf32>
    %slice3A_6 = vector.extract_strided_slice %get3A_4 {offsets = [2, 0], sizes = [1, 1024], strides = [1, 1]} : vector<3x1024xf32> to vector<1x1024xf32>
    %mul3A = arith.mulf %slice3A, %slice3A : vector<1x1024xf32>
    %mul3A_7 = arith.mulf %slice3A_5, %slice3A_5 : vector<1x1024xf32>
    %mul3A_8 = arith.mulf %slice3A_6, %slice3A_6 : vector<1x1024xf32>
    %broadcast_in_dim3A = arith.constant 0.282094806 : f32
    %broadcast_in_dim3A_9 = vector.broadcast %broadcast_in_dim3A : f32 to vector<1x1024xf32>
    %mul3A_10 = arith.constant -0.488602519 : f32
    %mul3A_11 = vector.broadcast %mul3A_10 : f32 to vector<1x1024xf32>
    %mul3A_12 = arith.mulf %mul3A_11, %slice3A_5 : vector<1x1024xf32>
    %mul3A_13 = arith.constant 0.488602519 : f32
    %mul3A_14 = vector.broadcast %mul3A_13 : f32 to vector<1x1024xf32>
    %mul3A_15 = arith.mulf %mul3A_14, %slice3A_6 : vector<1x1024xf32>
    %mul3A_16 = arith.constant -0.488602519 : f32
    %mul3A_17 = vector.broadcast %mul3A_16 : f32 to vector<1x1024xf32>
    %mul3A_18 = arith.mulf %mul3A_17, %slice3A : vector<1x1024xf32>
    %mul3A_19 = arith.mulf %slice3A, %slice3A_5 : vector<1x1024xf32>
    %mul3A_20 = arith.constant 1.09254849 : f32
    %mul3A_21 = vector.broadcast %mul3A_20 : f32 to vector<1x1024xf32>
    %mul3A_22 = arith.mulf %mul3A_21, %mul3A_19 : vector<1x1024xf32>
    %mul3A_23 = arith.mulf %slice3A_5, %slice3A_6 : vector<1x1024xf32>
    %mul3A_24 = arith.constant -1.09254849 : f32
    %mul3A_25 = vector.broadcast %mul3A_24 : f32 to vector<1x1024xf32>
    %mul3A_26 = arith.mulf %mul3A_25, %mul3A_23 : vector<1x1024xf32>
    %mul3A_27 = arith.constant 2.000000e+00 : f32
    %mul3A_28 = vector.broadcast %mul3A_27 : f32 to vector<1x1024xf32>
    %mul3A_29 = arith.mulf %mul3A_28, %mul3A_8 : vector<1x1024xf32>
    %sub3A = arith.subf %mul3A_29, %mul3A : vector<1x1024xf32>
    %sub3A_30 = arith.subf %sub3A, %mul3A_7 : vector<1x1024xf32>
    %mul3A_31 = arith.constant 0.31539157 : f32
    %mul3A_32 = vector.broadcast %mul3A_31 : f32 to vector<1x1024xf32>
    %mul3A_33 = arith.mulf %mul3A_32, %sub3A_30 : vector<1x1024xf32>
    %mul3A_34 = arith.mulf %slice3A, %slice3A_6 : vector<1x1024xf32>
    %mul3A_35 = arith.constant -1.09254849 : f32
    %mul3A_36 = vector.broadcast %mul3A_35 : f32 to vector<1x1024xf32>
    %mul3A_37 = arith.mulf %mul3A_36, %mul3A_34 : vector<1x1024xf32>
    %sub3A_38 = arith.subf %mul3A, %mul3A_7 : vector<1x1024xf32>
    %mul3A_39 = arith.constant 0.546274245 : f32
    %mul3A_40 = vector.broadcast %mul3A_39 : f32 to vector<1x1024xf32>
    %mul3A_41 = arith.mulf %mul3A_40, %sub3A_38 : vector<1x1024xf32>
    %iota3A = tpu.iota {dimensions = array<i32: 0>} : vector<288x1024xi32>
    %jit3A = arith.constant 9 : i32
    %eq3A = arith.constant 0 : i32
    %eq3A_42 = arith.cmpi eq, %jit3A, %eq3A : i32
    %jit3A_43 = arith.constant 1 : i32
    %select_n3A = arith.select %eq3A_42, %jit3A_43, %jit3A : i32
    %rem3A = vector.broadcast %select_n3A : i32 to vector<288x1024xi32>
    %rem3A_44 = arith.remsi %iota3A, %rem3A : vector<288x1024xi32>
    %ne3A = arith.constant 0 : i32
    %ne3A_45 = vector.broadcast %ne3A : i32 to vector<288x1024xi32>
    %ne3A_46 = arith.cmpi ne, %rem3A_44, %ne3A_45 : vector<288x1024xi32>
    %lt3A = arith.constant 0 : i32
    %lt3A_47 = vector.broadcast %lt3A : i32 to vector<288x1024xi32>
    %lt3A_48 = arith.cmpi slt, %rem3A_44, %lt3A_47 : vector<288x1024xi32>
    %lt3A_49 = arith.constant 0 : i32
    %lt3A_50 = arith.cmpi slt, %select_n3A, %lt3A_49 : i32
    %ne3A_51 = vector.broadcast %lt3A_50 : i1 to vector<288x1024xi1>
    %ne3A_52 = vector.broadcast %ne3A_51 : vector<288x1024xi1> to vector<288x1024xi1>
    %ne3A_53 = arith.xori %lt3A_48, %ne3A_52 : vector<288x1024xi1>
    %and3A = arith.andi %ne3A_53, %ne3A_46 : vector<288x1024xi1>
    %add3A = vector.broadcast %select_n3A : i32 to vector<288x1024xi32>
    %add3A_54 = arith.addi %rem3A_44, %add3A : vector<288x1024xi32>
    %select_n3A_55 = arith.select %and3A, %add3A_54, %rem3A_44 : vector<288x1024xi1>, vector<288x1024xi32>
    %broadcast_in_dim3A_56 = arith.constant 0.000000e+00 : f32
    %broadcast_in_dim3A_57 = vector.broadcast %broadcast_in_dim3A_56 : f32 to vector<288x1024xf32>
    %eq3A_58 = arith.constant 0 : i32
    %eq3A_59 = vector.broadcast %eq3A_58 : i32 to vector<288x1024xi32>
    %eq3A_60 = arith.cmpi eq, %select_n3A_55, %eq3A_59 : vector<288x1024xi32>
    %broadcast_in_dim3A_61 = vector.shape_cast %broadcast_in_dim3A_9 : vector<1x1024xf32> to vector<1x1024xf32>
    %broadcast_in_dim3A_62 = vector.broadcast %broadcast_in_dim3A_61 : vector<1x1024xf32> to vector<288x1024xf32>
    %select_n3A_63 = arith.select %eq3A_60, %broadcast_in_dim3A_62, %broadcast_in_dim3A_57 : vector<288x1024xi1>, vector<288x1024xf32>
    %eq3A_64 = arith.constant 1 : i32
    %eq3A_65 = vector.broadcast %eq3A_64 : i32 to vector<288x1024xi32>
    %eq3A_66 = arith.cmpi eq, %select_n3A_55, %eq3A_65 : vector<288x1024xi32>
    %broadcast_in_dim3A_67 = vector.shape_cast %mul3A_12 : vector<1x1024xf32> to vector<1x1024xf32>
    %broadcast_in_dim3A_68 = vector.broadcast %broadcast_in_dim3A_67 : vector<1x1024xf32> to vector<288x1024xf32>
    %select_n3A_69 = arith.select %eq3A_66, %broadcast_in_dim3A_68, %select_n3A_63 : vector<288x1024xi1>, vector<288x1024xf32>
    %eq3A_70 = arith.constant 2 : i32
    %eq3A_71 = vector.broadcast %eq3A_70 : i32 to vector<288x1024xi32>
    %eq3A_72 = arith.cmpi eq, %select_n3A_55, %eq3A_71 : vector<288x1024xi32>
    %broadcast_in_dim3A_73 = vector.shape_cast %mul3A_15 : vector<1x1024xf32> to vector<1x1024xf32>
    %broadcast_in_dim3A_74 = vector.broadcast %broadcast_in_dim3A_73 : vector<1x1024xf32> to vector<288x1024xf32>
    %select_n3A_75 = arith.select %eq3A_72, %broadcast_in_dim3A_74, %select_n3A_69 : vector<288x1024xi1>, vector<288x1024xf32>
    %eq3A_76 = arith.constant 3 : i32
    %eq3A_77 = vector.broadcast %eq3A_76 : i32 to vector<288x1024xi32>
    %eq3A_78 = arith.cmpi eq, %select_n3A_55, %eq3A_77 : vector<288x1024xi32>
    %broadcast_in_dim3A_79 = vector.shape_cast %mul3A_18 : vector<1x1024xf32> to vector<1x1024xf32>
    %broadcast_in_dim3A_80 = vector.broadcast %broadcast_in_dim3A_79 : vector<1x1024xf32> to vector<288x1024xf32>
    %select_n3A_81 = arith.select %eq3A_78, %broadcast_in_dim3A_80, %select_n3A_75 : vector<288x1024xi1>, vector<288x1024xf32>
    %eq3A_82 = arith.constant 4 : i32
    %eq3A_83 = vector.broadcast %eq3A_82 : i32 to vector<288x1024xi32>
    %eq3A_84 = arith.cmpi eq, %select_n3A_55, %eq3A_83 : vector<288x1024xi32>
    %broadcast_in_dim3A_85 = vector.shape_cast %mul3A_22 : vector<1x1024xf32> to vector<1x1024xf32>
    %broadcast_in_dim3A_86 = vector.broadcast %broadcast_in_dim3A_85 : vector<1x1024xf32> to vector<288x1024xf32>
    %select_n3A_87 = arith.select %eq3A_84, %broadcast_in_dim3A_86, %select_n3A_81 : vector<288x1024xi1>, vector<288x1024xf32>
    %eq3A_88 = arith.constant 5 : i32
    %eq3A_89 = vector.broadcast %eq3A_88 : i32 to vector<288x1024xi32>
    %eq3A_90 = arith.cmpi eq, %select_n3A_55, %eq3A_89 : vector<288x1024xi32>
    %broadcast_in_dim3A_91 = vector.shape_cast %mul3A_26 : vector<1x1024xf32> to vector<1x1024xf32>
    %broadcast_in_dim3A_92 = vector.broadcast %broadcast_in_dim3A_91 : vector<1x1024xf32> to vector<288x1024xf32>
    %select_n3A_93 = arith.select %eq3A_90, %broadcast_in_dim3A_92, %select_n3A_87 : vector<288x1024xi1>, vector<288x1024xf32>
    %eq3A_94 = arith.constant 6 : i32
    %eq3A_95 = vector.broadcast %eq3A_94 : i32 to vector<288x1024xi32>
    %eq3A_96 = arith.cmpi eq, %select_n3A_55, %eq3A_95 : vector<288x1024xi32>
    %broadcast_in_dim3A_97 = vector.shape_cast %mul3A_33 : vector<1x1024xf32> to vector<1x1024xf32>
    %broadcast_in_dim3A_98 = vector.broadcast %broadcast_in_dim3A_97 : vector<1x1024xf32> to vector<288x1024xf32>
    %select_n3A_99 = arith.select %eq3A_96, %broadcast_in_dim3A_98, %select_n3A_93 : vector<288x1024xi1>, vector<288x1024xf32>
    %eq3A_100 = arith.constant 7 : i32
    %eq3A_101 = vector.broadcast %eq3A_100 : i32 to vector<288x1024xi32>
    %eq3A_102 = arith.cmpi eq, %select_n3A_55, %eq3A_101 : vector<288x1024xi32>
    %broadcast_in_dim3A_103 = vector.shape_cast %mul3A_37 : vector<1x1024xf32> to vector<1x1024xf32>
    %broadcast_in_dim3A_104 = vector.broadcast %broadcast_in_dim3A_103 : vector<1x1024xf32> to vector<288x1024xf32>
    %select_n3A_105 = arith.select %eq3A_102, %broadcast_in_dim3A_104, %select_n3A_99 : vector<288x1024xi1>, vector<288x1024xf32>
    %eq3A_106 = arith.constant 8 : i32
    %eq3A_107 = vector.broadcast %eq3A_106 : i32 to vector<288x1024xi32>
    %eq3A_108 = arith.cmpi eq, %select_n3A_55, %eq3A_107 : vector<288x1024xi32>
    %broadcast_in_dim3A_109 = vector.shape_cast %mul3A_41 : vector<1x1024xf32> to vector<1x1024xf32>
    %broadcast_in_dim3A_110 = vector.broadcast %broadcast_in_dim3A_109 : vector<1x1024xf32> to vector<288x1024xf32>
    %select_n3A_111 = arith.select %eq3A_108, %broadcast_in_dim3A_110, %select_n3A_105 : vector<288x1024xi1>, vector<288x1024xf32>
    %get3A_112 = arith.constant 0 : index
    %get3A_113 = arith.constant 0 : index
    %get3A_114 = vector.load %arg3[%get3A_112, %get3A_113] : memref<32x288xf32, #tpu.memory_space<vmem>>, vector<32x288xf32>
    %mul3A_115 = arith.mulf %get3A_1, %select_n3A_111 : vector<288x1024xf32>
    %dot_general3A = arith.constant dense<0.000000e+00> : vector<32x1024xf32>
    %dot_general3A_116 = tpu.matmul %get3A_114, %mul3A_115, %dot_general3A {dimension_numbers = #tpu.dot_dimension_numbers<[1], [0], [0], [1], [0, 0, 1, 1], [], []>, transpose_lhs_hint = false} : vector<32x288xf32>, vector<288x1024xf32>, vector<32x1024xf32> -> vector<32x1024xf32>
    %swap3A = arith.constant 0 : index
    %swap3A_117 = arith.constant 0 : index
    %swap3A_118 = vector.load %arg4[%swap3A, %swap3A_117] : memref<32x1024xf32, #tpu.memory_space<vmem>>, vector<32x1024xf32>
    tpu.vector_store %arg4[%swap3A, %swap3A_117], %dot_general3A_116 {strides = array<i32>} : memref<32x1024xf32, #tpu.memory_space<vmem>>, vector<32x1024xf32>,
    return
  }
  func.func @transform_0(%arg0: i32) -> (i32, i32) {
    %c0_i32 = arith.constant 0 : i32
    %c0_i32_0 = arith.constant 0 : i32
    return %c0_i32, %arg0 : i32, i32
  }
  func.func @transform_1(%arg0: i32) -> (i32, i32) {
    %c0_i32 = arith.constant 0 : i32
    %c0_i32_0 = arith.constant 0 : i32
    return %c0_i32, %arg0 : i32, i32
  }
  func.func @transform_2(%arg0: i32) -> (i32, i32) {
    %c0_i32 = arith.constant 0 : i32
    %c0_i32_0 = arith.constant 0 : i32
    %c0_i32_1 = arith.constant 0 : i32
    return %c0_i32, %c0_i32_0 : i32, i32
  }
  func.func @transform_3(%arg0: i32) -> (i32, i32) {
    %c0_i32 = arith.constant 0 : i32
    %c0_i32_0 = arith.constant 0 : i32
    return %c0_i32, %arg0 : i32, i32
  }
}

</mosaic_0001>

<sc_bundles>
// kernel: kernel.5.cloned.1.call-start
scs
__scs_entry_jumppad:
0x0: {  	(pc) =	sbr.rel $0x88, $3  }
0x1: {  	(tag) =	ssettag $0x0;
	lr =	simm.s32 $0x1  }
0x2: {  	[smem:$0x3F9B] =	sst lr;
	_ =	strace $0xD0000000  }
0x3: {  	_ = 	snop  }
0x4: {  	_ = 	snop  }
0x5: {  	_ = 	snop  }
0x6: {  	_ = 	snop  }
0x7: {  	_ = 	snop  }
__scs_overlays_trampoline_lowered:
0x8: {  	[smem:$0x3FAA] =	sst s0  }
0x9: {  	[smem:$0x3FAB] =	sst s1  }
0xa: {  	[smem:$0x3FAC] =	sst s2  }
0xb: {  	[smem:$0x3FAD] =	sst s3  }
0xc: {  	[smem:$0x3FAE] =	sst s4  }
0xd: {  	[smem:$0x3FAF] =	sst s5  }
0xe: {  	[smem:$0x3FB0] =	sst s6  }
0xf: {  	[smem:$0x3FB1] =	sst s7  }
0x10: {  	[smem:$0x3FB2] =	sst s8  }
0x11: {  	[smem:$0x3FB3] =	sst s9;
	s0 =	simm.s32 @!p0 $0x0  }
0x12: {  	s1 =	sld [smem:$0x3F99];
	s0 =	simm.s32 @p0 $0x1  }
0x13: {  	[smem:$0x3FB4] =	sst s0;
	s0 =	simm.s32 @!p1 $0x0  }
0x14: {  	s2 =	sld [smem:$0x3F98];
	s0 =	simm.s32 @p1 $0x1  }
0x15: {  	[smem:$0x3FB5] =	sst s0;
	s0 =	simm.s32 @!p2 $0x0  }
0x16: {  	s3 =	sld [smem:$0x3FDB];
	s0 =	simm.s32 @p2 $0x1  }
0x17: {  	s4 =	simm.s32 $0x1BF5;
	[smem:$0x3FB7] =	sst s0  }
0x18: {  	s0 =	sld [smem:$0x3F9A];
	_ =	swait.ge [sflag:s4], $0x0  }
0x19: {  	s7 =	sld [smem:$0x3F9B]  }
0x1a: {  	s8 =	sadd.s32 $0xFFFFE003, lr  }
0x1b: {  	s9 =	sadd.s32 $0xFFFFFEF7, lr;
	s5 =	simm.s32 $0xFFFFFFFF;
	p2 =	slt.u32 s8, $0xFFFFF086  }
0x1c: {  	p1 =	slt.u32 s9, $0xF7A;
	s5 =	simm.s32 @!p2 $0x0  }
0x1d: {  	s5 =	simm.s32 @p1 $0x1;
	p0 =	seq.s32 s7, s2  }
0x1e: {  	s7 =	smul.u32 @!p0 $0xF7A, s2;
	p2 =	seq.s32 @!p0 s5, $0x0  }
0x1f: {  	s9 =	smul.u32 $0xF7A, s1;
	s8 =	simm.s32 @!p0 $0x1BF5;
	p2 =	por !p2, p0  }
0x20: {  	[sflag:s8] =	ssyncset.s32 @!p0 $0xFFFFF086;
	s6 =	sadd.s32 @!p0 s3, s7;
	s7 =	simm.s32 @!p0 $0x108  }
0x21: {  	s3 =	sadd.s32 s3, s9;
	s6 =	sadd.s32 @!p0 $0x88, s6;
	s7 =	simm.s32 @p2 $0x1082  }
0x22: {  	[simem:s7], [sflag:s8] =	dma.local @!p0 [hbm:s6], $0xF7A  }
0x23: {  	s9 =	sor.u32 $0xD0000000, s2;
	s6 =	simm.s32 $0x108;
	_ =	swait.ge @!p0 [sflag:s8], $0x0  }
0x24: {  	s3 =	sadd.s32 $0x88, s3;
	s6 =	simm.s32 @!p1 $0x1082;
	[sflag:s4] =	ssyncset.s32 $0xFFFFF086  }
0x25: {  	[simem:s6], [sflag:s4] =	dma.local [hbm:s3], $0xF7A  }
0x26: {  	[smem:$0x3F9B] =	sst s1;
	(tag) =	ssettag s2;
	_ =	strace s9  }
0x27: {  	s1 =	sld [smem:$0x3FAB]  }
0x28: {  	s2 =	sld [smem:$0x3FAC]  }
0x29: {  	s4 =	sld [smem:$0x3FAE]  }
0x2a: {  	p0 =	seq.s32 s5, $0x0;
	s5 =	sld [smem:$0x3FAF]  }
0x2b: {  	s6 =	sld [smem:$0x3FB0]  }
0x2c: {  	s7 =	sld [smem:$0x3FB1]  }
0x2d: {  	s3 =	simm.s32 $0x108;
	s8 =	sld [smem:$0x3FB2]  }
0x2e: {  	s3 =	simm.s32 @!p0 $0x1082;
	s9 =	sld [smem:$0x3FB3]  }
0x2f: {  	lr =	sadd.s32 s0, s3;
	s0 =	sld [smem:$0x3FAA]  }
0x30: {  	s3 =	sld [smem:$0x3FAD]  }
0x31: {  	[smem:$0x3FB6] =	sst s10  }
0x32: {  	s10 =	sld [smem:$0x3FB4];
	_ =	sdelay $0x3  }
0x33: {  	p0 =	seq.s32 s10, $0x1;
	s10 =	sld [smem:$0x3FB6];
	_ =	sdelay $0x3  }
0x34: {  	[smem:$0x3FB6] =	sst s10  }
0x35: {  	s10 =	sld [smem:$0x3FB5];
	_ =	sdelay $0x3  }
0x36: {  	p1 =	seq.s32 s10, $0x1;
	s10 =	sld [smem:$0x3FB6];
	_ =	sdelay $0x3  }
0x37: {  	[smem:$0x3FB6] =	sst s10  }
0x38: {  	s10 =	sld [smem:$0x3FB7]  }
0x39: {  	_ = 	snop;
	(pc) =	sbr.ind lr, $3  }
0x3a: {  	_ = 	snop  }
0x3b: {  	_ = 	snop  }
0x3c: {  	p2 =	seq.s32 s10, $0x1;
	s10 =	sld [smem:$0x3FB6]  }
0x3d: {  	_ =	shalt  }
0x3e: {  	_ =	shalt  }
0x3f: {  	_ =	shalt  }
0x40: {  	_ =	shalt  }
0x41: {  	_ =	shalt  }
0x42: {  	_ =	shalt  }
0x43: {  	_ =	shalt  }
0x44: {  	_ =	shalt  }
0x45: {  	_ =	shalt  }
0x46: {  	_ =	shalt  }
0x47: {  	_ =	shalt  }
0x48: {  	_ =	shalt  }
0x49: {  	_ =	shalt  }
0x4a: {  	_ =	shalt  }
0x4b: {  	_ =	shalt  }
0x4c: {  	_ =	shalt  }
0x4d: {  	_ =	shalt  }
0x4e: {  	_ =	shalt  }
0x4f: {  	_ =	shalt  }
0x50: {  	_ =	shalt  }
0x51: {  	_ =	shalt  }
0x52: {  	_ =	shalt  }
0x53: {  	_ =	shalt  }
0x54: {  	_ =	shalt  }
0x55: {  	_ =	shalt  }
0x56: {  	_ =	shalt  }
0x57: {  	_ =	shalt  }
0x58: {  	_ =	shalt  }
0x59: {  	_ =	shalt  }
0x5a: {  	_ =	shalt  }
0x5b: {  	_ =	shalt  }
0x5c: {  	_ =	shalt  }
0x5d: {  	_ =	shalt  }
0x5e: {  	_ =	shalt  }
0x5f: {  	_ =	shalt  }
0x60: {  	_ =	shalt  }
0x61: {  	_ =	shalt  }
0x62: {  	_ =	shalt  }
0x63: {  	_ =	shalt  }
0x64: {  	_ =	shalt  }
0x65: {  	_ =	shalt  }
0x66: {  	_ =	shalt  }
0x67: {  	_ =	shalt  }
0x68: {  	_ =	shalt  }
0x69: {  	_ =	shalt  }
0x6a: {  	_ =	shalt  }
0x6b: {  	_ =	shalt  }
0x6c: {  	_ =	shalt  }
0x6d: {  	_ =	shalt  }
0x6e: {  	_ =	shalt  }
0x6f: {  	_ =	shalt  }
0x70: {  	_ =	shalt  }
0x71: {  	_ =	shalt  }
0x72: {  	_ =	shalt  }
0x73: {  	_ =	shalt  }
0x74: {  	_ =	shalt  }
0x75: {  	_ =	shalt  }
0x76: {  	_ =	shalt  }
0x77: {  	_ =	shalt  }
0x78: {  	_ =	shalt  }
0x79: {  	_ =	shalt  }
0x7a: {  	_ =	shalt  }
0x7b: {  	_ =	shalt  }
0x7c: {  	_ =	shalt  }
0x7d: {  	_ =	shalt  }
0x7e: {  	_ =	shalt  }
0x7f: {  	_ =	shalt  }
0x80: {  	_ =	shalt  }
0x81: {  	_ =	shalt  }
0x82: {  	_ =	shalt  }
0x83: {  	_ =	shalt  }
0x84: {  	_ =	shalt  }
0x85: {  	_ =	shalt  }
0x86: {  	_ =	shalt  }
0x87: {  	_ =	shalt  }
.Lfunc_end0:
.L_simem_size_0:
called_computation_lowered:
.L_overlay_start_0:
0x88: {  	s2 =	sld [smem:$0x3FD9]  }
0x89: {  	s3 =	sld [smem:$0x3FFE];
	_ =	sdelay $0x1  }
0x8a: {  	s1 =	srdreg.scid  }
0x8b: {  	s0 =	sand.u32 $0x1, s1  }
0x8c: {  	s16 =	sshll.u32 s0, $0xA;
	s2 =	sadd.s32 s3, s2  }
0x8d: {  	s2 =	sadd.s32 s2, s16  }
0x8e: {  	[smem:$0x3FC2] =	sst s2  }
0x8f: {  	_ = 	snop  }
0x90: {  	(tm) =	ssettm $0x1  }
0x91: {  	s17 =	sld [smem:$0x3FFB];
	_ =	sdelay $0x3  }
0x92: {  	_ =	strace s17  }
0x93: {  	s2 =	sld [smem:$0x3FFC];
	_ =	sdelay $0x3  }
0x94: {  	_ =	strace s2  }
0x95: {  	s2 =	sld [smem:$0x3FFD];
	_ =	sdelay $0x3  }
0x96: {  	_ =	strace s2  }
0x97: {  	_ =	strace $0x8FFFFFFF  }
0x98: {  	s18 =	sld [smem:$0x3FDB];
	_ =	sdelay $0x1  }
0x99: {  	s19 =	simm.s32 $_scs_section_size  }
0x9a: {  	s4 =	simm.s32 $_size__tile_overlayer_lowered;
	s5 =	simm.s32 $_tile_overlayer_lowered  }
0x9b: {  	s22 =	simm.s32 $0x1BFF;
	s21 =	sshll.u32 s5, $0x1;
	s2 =	sadd.s32 s19, s18  }
0x9c: {  	s6 =	simm.s32 $0x0;
	s20 =	sshll.u32 s4, $0x1;
	s4 =	sadd.s32 s21, s2  }
0x9d: {  	[timem:s6], [sflag:s22] =	dma.local [hbm:s4], s20  }
0x9e: {  	_ =	swait.ge [sflag:s22], s20  }
0x9f: {  	s3 =	ssub.s32 $0x0, s20;
	[sflag:s22] =	ssyncset.done $0x0  }
0xa0: {  	[sflag:s22] =	ssyncadd.s32 s3;
	_ =	sdelay $0x1  }
0xa1: {  	s23 =	simm.s32 $0x1B8B  }
0xa2: {  	_ =	swait.ge [sflag:s23], $0x1  }
0xa3: {  	[sflag:s23] =	ssyncset.done $0x0  }
0xa4: {  	s25 =	simm.s32 $0x1B8E;
	s24 =	sld [smem:$0x3FFE];
	[sflag:s23] =	ssyncadd.s32 $0xFFFFFFFF  }
0xa5: {  	s26 =	simm.s32 $execute0_lowered;
	[smem:$0x3FD2] =	sst s25  }
0xa6: {  	s4 =	sshll.u32 s26, $0x1;
	_ =	strace $0x80000046;
	[dreg:$0x1] =	wrdreg $0xFFFFFFFF  }
0xa7: {  	s28 =	simm.s32 $_size_execute0_lowered;
	s2 =	sadd.s32 s2, s4;
	[dreg:$0x0] =	wrdreg $0x0  }
0xa8: {  	s4 =	sshll.u32 s28, $0x1;
	[dreg:$0x2] =	wrdreg s2  }
0xa9: {  	[dreg:$0x3] =	wrdreg s4  }
0xaa: {  	[dreg:$0x4] =	wrdreg $0xC0  }
0xab: {  	_ =	task [dreg:s6], $0x5FFFF  }
0xac: {  	[dreg:$0x1] =	wrdreg $0xFFFFFFFF  }
0xad: {  	[dreg:$0x0] =	wrdreg $0x60  }
0xae: {  	[dreg:$0x2] =	wrdreg s24  }
0xaf: {  	[dreg:$0x3] =	wrdreg $0x9  }
0xb0: {  	_ =	task.clear_ibuf [dreg:s6], $0x4FFFF;
	_ =	strace $0x90000046  }
0xb1: {  	s29 =	simm.s32 $0x9;
	_ =	strace $0x80000048  }
0xb2: {  	_ =	swait.ge [sflag:s29], $0x1  }
0xb3: {  	[sflag:s29] =	ssyncadd.s32 $0xFFFFFFFF  }
0xb4: {  	_ =	strace $0x90000048  }
0xb5: {  	_ =	sfence  }
0xb6: {  	s30 =	sld [smem:$0x0];
	_ =	sdelay $0x2  }
0xb7: {  	s31 =	sshll.u32 s1, $0xD;
	s1 =	sshrl.u32 s1, $0x2  }
0xb8: {  	s3 =	sand.u32 $0x4000, s31;
	s1 =	sadd.s32 s1, s30  }
0xb9: {  	s0 =	sor.u32 s3, s0;
	s1 =	sshll.u32 s1, $0x11  }
0xba: {  	s0 =	sor.u32 s1, s0  }
0xbb: {  	s0 =	sadd.s32 $0x8F2B, s0  }
0xbc: {  	[sflag:s0] =	ssyncadd.remote.s32 $0x1  }
0xbd: {  	_ =	sfence.sel $0xFFFF  }
0xbe: {  	[dreg:$0x0] =	wrdreg $0xFFFFFFFF;
	(pc) =	sbr.abs _section_cstart, $3  }
0xbf: {  	[dreg:$0x1] =	wrdreg $0xFFFFFFFF  }
0xc0: {  	_ =	task.clear_ibuf [dreg:s6], $0x2FFFF;
	_ =	strace $0x9FFFFFFF  }
0xc1: {  	(tm) =	ssettm $0x7FFFFFFF  }
tec
execute0_lowered:
.L_overlay_start_1:
0x0: {  	(tag) =	ssettag $0x1  }
0x1: {  	s8 =	rddreg [dreg:$0x0]  }
0x2: {  	s0 =	rddreg [dreg:$0x1];
	v0 =	vimm.s32 $0xFEDCBA9  }
0x3: {  	s3 =	srdreg.scid;
	s2 =	simm.s32 $0x0;
	s1 =	stileid.u32;
	v1 =	vimm.s32 $0x87654321;
	v2 =	vimm.s32 $0x10FEDCBA;
	v3 =	vimm.s32 $0x98765432  }
0x4: {  	v4 =	vlaneseq.u32;
	s11 =	simm.s32 $0x10000;
	s12 =	simm.s32 $0x10800;
	s13 =	simm.s32 $0x10C00;
	v0 =	vunpack.c.l.s4.s8 v0;
	v1 =	vunpack.c.l.s4.s8 v1  }
0x5: {  	s14 =	simm.s32 $0x11400;
	s15 =	simm.s32 $0x1;
	s16 =	simm.s32 $0x80;
	v2 =	vunpack.c.l.s4.s8 v2;
	v3 =	vunpack.c.l.s4.s8 v3;
	v5 =	vshrl.u32 v4, $0x3  }
0x6: {  	s17 =	simm.s32 $0x400;
	s18 =	simm.s32 $0x11800;
	s5 =	sand.u32 $0x1, s3;
	v6 =	vand.u32 $0x7, v4;
	v0 =	vunpack.c.0.s8.s32 v0;
	v1 =	vunpack.c.0.s8.s32 v1  }
0x7: {  	[smem:$0x7FF] =	sst s2;
	s30 =	sshll.u32 s1, $0x9;
	s4 =	sshll.u32 s5, $0x8;
	v5 =	vmul.u32 $0x8, v5;
	v2 =	vunpack.c.0.s8.s32 v2;
	v3 =	vunpack.c.0.s8.s32 v3  }
0x8: {  	s19 =	simm.s32 $0x0;
	_ =	strace $0x80000047;
	[tilespmem:$0x1FFB0] =	vst v6;
	s3 =	sor.u32 s4, s30;
	v0 =	vcombine.low v1, v0  }
0x9: {  	s7 =	ssub.s32 $0x2, s5;
	s5 =	sadd.s32 $0x71200, s8;
	s6 =	sshll.u32 s3, $0x4;
	[tilespmem:$0x1FFC0] =	vst v5;
	v1 =	vcombine.low v3, v2;
	v2 =	vor.u32 $0x8, v4  }
0xa: {  	s4 =	sadd.s32 $0x41200, s8;
	s31 =	sshrl.u32 s7, $0x1;
	s9 =	sadd.s32 s6, s8;
	[tilespmem:$0x1FFD0] =	vst v2;
	v4 =	vand.u32 $0xF, v0  }
0xb: {  	s10 =	ssub.s32 s7, s31;
	s8 =	sadd.s32 $0x41300, s8;
	s6 =	sadd.s32 $0x1200, s9;
	v50 =	vand.u32 $0xF, v1;
	[tilespmem:$0x1FFE0] =	vst v4  }
0xc: {  	vm0 =	vmmov $0xffff;
	vm1 =	vmmov $0xff;
	v52 =	vimm.s32 $0x0;
	s7 =	sadd.s32 $0x21200, s9;
	s9 =	smax.u32 s10, $0x1;
	s10 =	simm.s32 $0x2;
	[tilespmem:$0x1FFF0] =	vst v50  }
.LBB2_1:
0xd: {  	[tilespmem:s2], [sflag:$0x2] =	stream.linear.gather [hbm4b:s6+s2], $0x8000, $0x38;
	[tilespmem:$0x11980] =	vst v63  }
0xe: {  	_ =	swait.ge [sflag:s10], $0x8000  }
0xf: {  	[sflag:s10] =	ssyncset.done $0x0  }
0x10: {  	s20 =	simm.s32 $0x8000;
	[sflag:s10] =	ssyncadd.s32 $0xFFFF8000  }
0x11: {  	[tilespmem:s20], [sflag:$0x2] =	stream.linear.gather [hbm4b:s7+s2], $0x8000, $0x38;
	[tilespmem:$0x11980] =	vst v63  }
0x12: {  	_ =	swait.ge [sflag:s10], $0x8000  }
0x13: {  	s21 =	smov.u32 s3;
	[sflag:s10] =	ssyncset.done $0x0  }
0x14: {  	s22 =	simm.s32 $0x0;
	s23 =	simm.s32 $0x0;
	[sflag:s10] =	ssyncadd.s32 $0xFFFF8000  }
.LBB2_2:
0x15: {  	v0 =	vld [tilespmem:s22+$0x0];
	_ =	sdelay $0x4  }
0x16: {  	v1 =	vshrl.u32 v0, $0x3  }
0x17: {  	v1 =	vmul.u32 $0x18, v1  }
0x18: {  	v0 =	vand.u32 $0x7, v0  }
0x19: {  	v0 =	vor.u32 v0, v1  }
0x1a: {  	v1 =	vperm.xlane v0, v6;
	_ =	sdelay $0x1  }
0x1b: {  	v1 =	vadd.s32 v5, v1;
	_ =	sdelay $0x1  }
0x1c: {  	v0 =	vperm.xlane v0, v2;
	_ =	sdelay $0x1  }
0x1d: {  	v0 =	vadd.s32 v5, v0  }
0x1e: {  	[tilespmem:s11], [sflag:$0x1] =	stream.indirect_vreg.gather [hbm4b:s4+s2], $0x80, v1, vm0, $0xb8;
	[tilespmem:$0x11980] =	vst v63  }
0x1f: {  	_ = 	snop  }
0x20: {  	[tilespmem:s12], [sflag:$0x1] =	stream.indirect_vreg.gather [hbm4b:s8+s2], $0x80, v1, vm1, $0xb8;
	[tilespmem:$0x11980] =	vst v63  }
0x21: {  	_ = 	snop  }
0x22: {  	[tilespmem:s13], [sflag:$0x1] =	stream.indirect_vreg.gather [hbm4b:s4+s2], $0x80, v0, vm0, $0xb8;
	[tilespmem:$0x11980] =	vst v63  }
0x23: {  	_ = 	snop  }
0x24: {  	[tilespmem:s14], [sflag:$0x1] =	stream.indirect_vreg.gather [hbm4b:s8+s2], $0x80, v0, vm1, $0xb8;
	[tilespmem:$0x11980] =	vst v63  }
0x25: {  	_ =	swait.ge [sflag:s15], $0x1800  }
0x26: {  	[sflag:s15] =	ssyncset.done $0x0  }
0x27: {  	[sflag:s15] =	ssyncadd.s32 $0xFFFFE800  }
0x28: {  	v3 =	vld [tilespmem:$0x10E20];
	_ =	sdelay $0x4  }
0x29: {  	[tilespmem:$0x1F8A0] =	vst v3;
	v3 =	vld [tilespmem:$0x10EA0];
	_ =	sdelay $0x4  }
0x2a: {  	[tilespmem:$0x1F8F0] =	vst v3;
	v3 =	vld [tilespmem:$0x10F20];
	_ =	sdelay $0x4  }
0x2b: {  	[tilespmem:$0x1F950] =	vst v3;
	v3 =	vld [tilespmem:$0x10230];
	_ =	sdelay $0x4  }
0x2c: {  	[tilespmem:$0x1F890] =	vst v3;
	v3 =	vld [tilespmem:$0x102B0];
	_ =	sdelay $0x4  }
0x2d: {  	[tilespmem:$0x1F8B0] =	vst v3;
	v3 =	vld [tilespmem:$0x10330];
	_ =	sdelay $0x4  }
0x2e: {  	[tilespmem:$0x1F8E0] =	vst v3;
	v3 =	vld [tilespmem:$0x103B0];
	_ =	sdelay $0x4  }
0x2f: {  	[tilespmem:$0x1F910] =	vst v3;
	v3 =	vld [tilespmem:$0x10C30];
	_ =	sdelay $0x4  }
0x30: {  	[tilespmem:$0x1F940] =	vst v3;
	v3 =	vld [tilespmem:$0x10CB0];
	_ =	sdelay $0x4  }
0x31: {  	[tilespmem:$0x1F970] =	vst v3;
	v3 =	vld [tilespmem:$0x10D30];
	_ =	sdelay $0x4  }
0x32: {  	[tilespmem:$0x1F990] =	vst v3;
	v3 =	vld [tilespmem:$0x10DB0];
	_ =	sdelay $0x4  }
0x33: {  	[tilespmem:$0x1F9B0] =	vst v3;
	v3 =	vld [tilespmem:$0x10E30];
	_ =	sdelay $0x4  }
0x34: {  	[tilespmem:$0x1F9F0] =	vst v3;
	v3 =	vld [tilespmem:$0x10EB0];
	_ =	sdelay $0x4  }
0x35: {  	[tilespmem:$0x1FA30] =	vst v3;
	v3 =	vld [tilespmem:$0x10F30];
	_ =	sdelay $0x4  }
0x36: {  	[tilespmem:$0x1FA70] =	vst v3;
	v3 =	vld [tilespmem:$0x102C0];
	_ =	sdelay $0x4  }
0x37: {  	[tilespmem:$0x1F8C0] =	vst v3;
	v3 =	vld [tilespmem:$0x10340];
	_ =	sdelay $0x4  }
0x38: {  	[tilespmem:$0x1F900] =	vst v3;
	v3 =	vld [tilespmem:$0x103C0];
	_ =	sdelay $0x4  }
0x39: {  	[tilespmem:$0x1F920] =	vst v3;
	v3 =	vld [tilespmem:$0x10C40];
	_ =	sdelay $0x4  }
0x3a: {  	[tilespmem:$0x1F960] =	vst v3;
	v3 =	vld [tilespmem:$0x10CC0];
	_ =	sdelay $0x4  }
0x3b: {  	[tilespmem:$0x1F980] =	vst v3;
	v3 =	vld [tilespmem:$0x10D40];
	_ =	sdelay $0x4  }
0x3c: {  	[tilespmem:$0x1F9A0] =	vst v3;
	v3 =	vld [tilespmem:$0x10DC0];
	_ =	sdelay $0x1  }
0x3d: {  	v13 =	vld [tilespmem:s20+$0x0]  }
0x3e: {  	v24 =	vld [tilespmem:$0x10000]  }
0x3f: {  	v30 =	vld [tilespmem:$0x10080]  }
0x40: {  	[tilespmem:$0x1F9C0] =	vst v3;
	v3 =	vld [tilespmem:$0x10E40]  }
0x41: {  	v31 =	vld [tilespmem:$0x10100]  }
0x42: {  	v34 =	vld [tilespmem:$0x10180]  }
0x43: {  	v35 =	vld [tilespmem:$0x10200]  }
0x44: {  	v37 =	vld [tilespmem:$0x10280]  }
0x45: {  	[tilespmem:$0x1FA10] =	vst v3;
	v3 =	vld [tilespmem:$0x10EC0]  }
0x46: {  	v38 =	vld [tilespmem:$0x10300]  }
0x47: {  	v22 =	vld [tilespmem:$0x10380]  }
0x48: {  	v18 =	vld [tilespmem:$0x10C00]  }
0x49: {  	v2 =	vld [tilespmem:$0x10C80]  }
0x4a: {  	[tilespmem:$0x1FA50] =	vst v3;
	v3 =	vld [tilespmem:$0x10F40]  }
0x4b: {  	v0 =	vld [tilespmem:$0x10D00]  }
0x4c: {  	v16 =	vld [tilespmem:$0x10D80]  }
0x4d: {  	v11 =	vld [tilespmem:$0x10E00]  }
0x4e: {  	v9 =	vld [tilespmem:$0x10E80]  }
0x4f: {  	[tilespmem:$0x1FA90] =	vst v3;
	v3 =	vld [tilespmem:$0x10FC0]  }
0x50: {  	v6 =	vld [tilespmem:$0x10F00]  }
0x51: {  	v14 =	vld [tilespmem:$0x10F80]  }
0x52: {  	v19 =	vld [tilespmem:$0x10010]  }
0x53: {  	v58 =	vld [tilespmem:$0x10090]  }
0x54: {  	[tilespmem:$0x1FAC0] =	vst v3;
	v3 =	vld [tilespmem:$0x10050]  }
0x55: {  	v21 =	vld [tilespmem:$0x10110]  }
0x56: {  	v20 =	vld [tilespmem:$0x10190]  }
0x57: {  	v17 =	vld [tilespmem:$0x10210]  }
0x58: {  	v12 =	vld [tilespmem:$0x10290]  }
0x59: {  	[tilespmem:$0x1F9D0] =	vst v3;
	v3 =	vld [tilespmem:$0x100D0]  }
0x5a: {  	v10 =	vld [tilespmem:$0x10310]  }
0x5b: {  	v15 =	vld [tilespmem:$0x10390]  }
0x5c: {  	v36 =	vld [tilespmem:$0x10C10]  }
0x5d: {  	v25 =	vld [tilespmem:$0x10C90]  }
0x5e: {  	[tilespmem:$0x1F9E0] =	vst v3;
	v3 =	vld [tilespmem:$0x10150]  }
0x5f: {  	v43 =	vld [tilespmem:$0x10D10]  }
0x60: {  	v1 =	vld [tilespmem:$0x10D90]  }
0x61: {  	v55 =	vld [tilespmem:$0x10F90]  }
0x62: {  	v54 =	vld [tilespmem:$0x10020]  }
0x63: {  	[tilespmem:$0x1FA00] =	vst v3;
	v3 =	vld [tilespmem:$0x101D0]  }
0x64: {  	v42 =	vld [tilespmem:$0x100A0]  }
0x65: {  	v45 =	vld [tilespmem:$0x10120]  }
0x66: {  	v44 =	vld [tilespmem:$0x101A0]  }
0x67: {  	v60 =	vld [tilespmem:$0x10220];
	v24 =	vsub.f32 v13, v24;
	v30 =	vsub.f32 v13, v30  }
0x68: {  	v31 =	vsub.f32 v13, v31;
	v34 =	vsub.f32 v13, v34;
	[tilespmem:$0x1FA20] =	vst v3;
	v3 =	vld [tilespmem:$0x10250]  }
0x69: {  	v46 =	vld [tilespmem:$0x102A0];
	v35 =	vsub.f32 v13, v35;
	v22 =	vsub.f32 v13, v22  }
0x6a: {  	v27 =	vld [tilespmem:$0x10320];
	v18 =	vsub.f32 v13, v18;
	v24 =	vmul.f32 v24, v24;
	v30 =	vmul.f32 v30, v30  }
0x6b: {  	v7 =	vld [tilespmem:$0x103A0];
	v2 =	vsub.f32 v13, v2;
	v31 =	vmul.f32 v31, v31;
	v34 =	vmul.f32 v34, v34  }
0x6c: {  	v8 =	vld [tilespmem:$0x10C20];
	v0 =	vsub.f32 v13, v0;
	v35 =	vmul.f32 v35, v35;
	v22 =	vmul.f32 v22, v22  }
0x6d: {  	v18 =	vmul.f32 v18, v18;
	v2 =	vmul.f32 v2, v2;
	[tilespmem:$0x1FA40] =	vst v3;
	v3 =	vld [tilespmem:$0x102D0]  }
0x6e: {  	v48 =	vld [tilespmem:$0x10D20];
	v0 =	vmul.f32 v0, v0;
	v39 =	vperm.xlane v24, v4  }
0x6f: {  	v57 =	vld [tilespmem:$0x10DA0];
	v37 =	vsub.f32 v13, v37;
	v40 =	vperm.xlane v30, v4;
	v41 =	vperm.xlane v31, v4  }
0x70: {  	v59 =	vld [tilespmem:$0x10FA0];
	v63 =	vperm.xlane v34, v4;
	v49 =	vperm.xlane v35, v4;
	v39 =	vadd.f32 v24, v39  }
0x71: {  	[tilespmem:$0x1F870] =	vst v1;
	v1 =	vld [tilespmem:$0x10E10];
	v24 =	vperm.xlane v24, v50;
	v40 =	vadd.f32 v30, v40;
	v30 =	vperm.xlane v30, v50  }
0x72: {  	v47 =	vadd.f32 v31, v41;
	v31 =	vperm.xlane v31, v50;
	v56 =	vadd.f32 v35, v49;
	[tilespmem:$0x1FA60] =	vst v3;
	v3 =	vld [tilespmem:$0x10350]  }
0x73: {  	v28 =	vld [tilespmem:$0x10030];
	v35 =	vperm.xlane v35, v50;
	v24 =	vadd.f32 v39, v24;
	v30 =	vadd.f32 v40, v30  }
0x74: {  	v51 =	vld [tilespmem:$0x100B0];
	v39 =	vadd.f32 v34, v63;
	v34 =	vperm.xlane v34, v50;
	v31 =	vadd.f32 v47, v31  }
0x75: {  	v23 =	vld [tilespmem:$0x10130];
	v62 =	vadd.f32 v56, v35;
	v40 =	vsub.f32 v13, v38;
	v24 =	vperm.xlane v24, v52  }
0x76: {  	[tilespmem:$0x1F880] =	vst v1;
	v1 =	vld [tilespmem:$0x10E90];
	v38 =	vperm.xlane v0, v4;
	v34 =	vadd.f32 v39, v34;
	v30 =	vperm.xlane v30, v52  }
0x77: {  	v31 =	vperm.xlane v31, v52;
	v39 =	vmul.f32 v37, v37;
	v24 =	vadd.f32 $1.000000020e-16, v24;
	[tilespmem:$0x1FA80] =	vst v3;
	v3 =	vld [tilespmem:$0x103D0]  }
0x78: {  	v53 =	vld [tilespmem:$0x101B0];
	v37 =	vperm.xlane v2, v4;
	v30 =	vadd.f32 $1.000000020e-16, v30;
	v34 =	vperm.xlane v34, v52  }
0x79: {  	v61 =	vld [tilespmem:$0x10FB0];
	v31 =	vadd.f32 $1.000000020e-16, v31;
	v41 =	vperm.xlane v39, v4;
	(erf) = vrcp.f32 v24  }
0x7a: {  	v32 =	vld [tilespmem:$0x10040];
	v63 =	vadd.f32 $1.000000020e-16, v34;
	v34 =	vperm.xlane v39, v50;
	(erf) = vrcp.f32 v30  }
0x7b: {  	[tilespmem:$0x1F8D0] =	vst v1;
	v1 =	vld [tilespmem:$0x10F10];
	v30 =	vadd.f32 v39, v41;
	(erf) = vrcp.f32 v31;
	v31 =	vmul.f32 v40, v40  }
0x7c: {  	v16 =	vsub.f32 v13, v16;
	v24 =	vperm.xlane v62, v52;
	v62 =	vperm.xlane v22, v4;
	[tilespmem:$0x1FAA0] =	vst v3;
	v3 =	vld [tilespmem:$0x10C50]  }
0x7d: {  	v26 =	vld [tilespmem:$0x100C0];
	(erf) = vrcp.f32 v63;
	v49 =	vadd.f32 v30, v34;
	v47 =	vperm.xlane v31, v4  }
0x7e: {  	v33 =	vld [tilespmem:$0x10140];
	v63 =	vperm.xlane v18, v4;
	v34 =	vadd.f32 v22, v62;
	v22 =	vperm.xlane v22, v50  }
0x7f: {  	v29 =	vld [tilespmem:$0x101C0];
	v24 =	vadd.f32 $1.000000020e-16, v24;
	v56 =	vadd.f32 v31, v47;
	v31 =	vperm.xlane v31, v50  }
0x80: {  	v5 =	vld [tilespmem:$0x10240];
	[tilespmem:$0x1F930] =	vst v1;
	v35 =	vadd.f32 v18, v63;
	v18 =	vperm.xlane v18, v50;
	v22 =	vadd.f32 v34, v22  }
0x81: {  	v1 =	vld [tilespmem:$0x10CA0];
	v30 =	vadd.f32 v56, v31;
	v31 =	vadd.f32 v2, v37;
	v2 =	vperm.xlane v2, v50;
	[tilespmem:$0x1FAB0] =	vst v3  }
0x82: {  	v18 =	vadd.f32 v35, v18;
	(erf) = vrcp.f32 v24;
	v24 =	vperm.xlane v49, v52  }
0x83: {  	v35 =	vadd.f32 v0, v38;
	v0 =	vperm.xlane v0, v50;
	v30 =	vperm.xlane v30, v52  }
0x84: {  	v22 =	vperm.xlane v22, v52;
	v2 =	vadd.f32 v31, v2;
	v24 =	vadd.f32 $1.000000020e-16, v24  }
0x85: {  	v0 =	vadd.f32 v35, v0;
	v18 =	vperm.xlane v18, v52;
	v30 =	vadd.f32 $1.000000020e-16, v30  }
0x86: {  	v22 =	vadd.f32 $1.000000020e-16, v22;
	v2 =	vperm.xlane v2, v52;
	(erf) = vrcp.f32 v24  }
0x87: {  	v18 =	vadd.f32 $1.000000020e-16, v18;
	v0 =	vperm.xlane v0, v52;
	(erf) = vrcp.f32 v30  }
0x88: {  	v2 =	vadd.f32 $1.000000020e-16, v2;
	(erf) = vrcp.f32 v22  }
0x89: {  	v16 =	vmul.f32 v16, v16;
	v0 =	vadd.f32 $1.000000020e-16, v0;
	v41 =	vld [tilespmem:$0x10C60];
	(erf) = vrcp.f32 v18  }
0x8a: {  	v11 =	vsub.f32 v13, v11;
	v9 =	vsub.f32 v13, v9;
	v56 =	vld [tilespmem:$0x10CE0];
	(erf) = vrcp.f32 v2  }
0x8b: {  	v38 =	vld [tilespmem:$0x10EE0];
	(erf) = vrcp.f32 v0;
	v0 =	vsub.f32 v13, v6;
	v6 =	vperm.xlane v16, v4  }
0x8c: {  	v24 =	vld [tilespmem:$0x10D60];
	v2 =	vmul.f32 v11, v11  }
0x8d: {  	v11 =	vmul.f32 v9, v9  }
0x8e: {  	[tilespmem:$0x1FAD0] =	vst v41;
	v35 =	vperm.xlane v2, v4;
	v39 =	vadd.f32 v16, v6;
	v16 =	vperm.xlane v16, v50  }
0x8f: {  	[tilespmem:$0x1FAF0] =	vst v56;
	v30 =	vld [tilespmem:$0x10DE0];
	v56 =	vperm.xlane v11, v4;
	v0 =	vmul.f32 v0, v0;
	v6 =	vpop (erf)  }
0x90: {  	[tilespmem:$0x1FBD0] =	vst v38;
	v41 =	vld [tilespmem:$0x10F60];
	v22 =	vadd.f32 v2, v35;
	v2 =	vperm.xlane v2, v50;
	v16 =	vadd.f32 v39, v16;
	v9 =	vpop (erf)  }
0x91: {  	[tilespmem:$0x1FB20] =	vst v24;
	v24 =	vadd.f32 v11, v56;
	v56 =	vperm.xlane v11, v50;
	v38 =	vadd.f32 v9, v6  }
0x92: {  	v39 =	vperm.xlane v0, v4;
	v11 =	vpop (erf);
	v16 =	vperm.xlane v16, v52  }
0x93: {  	v14 =	vsub.f32 v13, v14;
	v18 =	vadd.f32 v11, v38  }
0x94: {  	[tilespmem:$0x1FB30] =	vst v30;
	v35 =	vld [tilespmem:$0x10FE0];
	v2 =	vadd.f32 v22, v2;
	v30 =	vadd.f32 v0, v39;
	v0 =	vperm.xlane v0, v50;
	v13 =	vpop (erf)  }
0x95: {  	[tilespmem:$0x1FC10] =	vst v41;
	v41 =	vld [tilespmem:$0x10070];
	v24 =	vadd.f32 v24, v56;
	v18 =	vadd.f32 v13, v18  }
0x96: {  	v2 =	vperm.xlane v2, v52;
	v0 =	vadd.f32 v30, v0;
	v56 =	vadd.f32 $1.000000020e-16, v16;
	v16 =	vpop (erf)  }
0x97: {  	v24 =	vperm.xlane v24, v52;
	v18 =	vadd.f32 v16, v18  }
0x98: {  	v39 =	vld [tilespmem:$0x101F0];
	v2 =	vadd.f32 $1.000000020e-16, v2;
	v0 =	vperm.xlane v0, v52  }
0x99: {  	v22 =	vmul.f32 v14, v14;
	[tilespmem:$0x1FC50] =	vst v35;
	v35 =	vld [tilespmem:$0x100F0];
	v24 =	vadd.f32 $1.000000020e-16, v24;
	(erf) = vrcp.f32 v56;
	v14 =	vpop (erf)  }
0x9a: {  	[tilespmem:$0x1FB40] =	vst v41;
	v41 =	vld [tilespmem:$0x10270];
	(erf) = vrcp.f32 v2;
	v0 =	vadd.f32 $1.000000020e-16, v0;
	v2 =	vadd.f32 v14, v18  }
0x9b: {  	(erf) = vrcp.f32 v24;
	v18 =	vpop (erf)  }
0x9c: {  	(erf) = vrcp.f32 v0;
	v0 =	vadd.f32 v18, v2;
	v2 =	vld [tilespmem:$0x10D70]  }
0x9d: {  	[tilespmem:$0x1FB80] =	vst v39;
	v39 =	vperm.xlane v22, v4  }
0x9e: {  	[tilespmem:$0x1FB50] =	vst v35;
	v35 =	vld [tilespmem:$0x102F0]  }
0x9f: {  	v56 =	vperm.xlane v22, v50;
	[tilespmem:$0x1FBA0] =	vst v41;
	v41 =	vadd.f32 v22, v39;
	v22 =	vmul.f32 v19, v6;
	v19 =	vpop (erf)  }
0xa0: {  	v0 =	vadd.f32 v19, v0  }
0xa1: {  	[tilespmem:$0x1FC60] =	vst v2;
	v2 =	vadd.f32 v41, v56;
	v41 =	vmul.f32 v54, v6;
	v54 =	vmul.f32 v21, v11;
	v21 =	vpop (erf)  }
0xa2: {  	v0 =	vadd.f32 v21, v0  }
0xa3: {  	[tilespmem:$0x1FBC0] =	vst v35;
	v35 =	vmul.f32 v58, v9;
	v58 =	vmul.f32 v20, v13;
	v20 =	vpop (erf)  }
0xa4: {  	v0 =	vadd.f32 v20, v0  }
0xa5: {  	v24 =	vadd.f32 v35, v22;
	v35 =	vmul.f32 v44, v13;
	v44 =	vmul.f32 v17, v16;
	v17 =	vpop (erf)  }
0xa6: {  	v0 =	vadd.f32 v17, v0  }
0xa7: {  	v2 =	vperm.xlane v2, v52;
	v52 =	vmul.f32 v12, v14;
	v12 =	vpop (erf)  }
0xa8: {  	v24 =	vadd.f32 v54, v24;
	v54 =	vadd.f32 v12, v0;
	v0 =	vld [tilespmem:$0x11180];
	_ =	sdelay $0x4  }
0xa9: {  	[tilespmem:$0x1FC80] =	vst v0;
	v0 =	vld [tilespmem:$0x11280];
	_ =	sdelay $0x4  }
0xaa: {  	[tilespmem:$0x1FCD0] =	vst v0;
	v0 =	vld [tilespmem:$0x11300];
	_ =	sdelay $0x4  }
0xab: {  	[tilespmem:$0x1FD10] =	vst v0;
	v0 =	vld [tilespmem:$0x11380];
	_ =	sdelay $0x4  }
0xac: {  	[tilespmem:$0x1FD50] =	vst v0;
	v0 =	vld [tilespmem:$0x1F870];
	_ =	sdelay $0x1  }
0xad: {  	v31 =	vld [tilespmem:$0x10E60];
	_ =	sdelay $0x2  }
0xae: {  	v50 =	vmul.f32 v42, v9;
	v24 =	vadd.f32 v58, v24;
	v39 =	vmul.f32 v0, v12;
	v0 =	vld [tilespmem:$0x1F880];
	_ =	sdelay $0x1  }
0xaf: {  	[tilespmem:$0x1FB90] =	vst v31;
	v56 =	vmul.f32 v45, v11;
	v31 =	vadd.f32 v50, v41;
	v41 =	vadd.f32 v44, v24;
	_ =	sdelay $0x1  }
0xb0: {  	v31 =	vadd.f32 v56, v31;
	v58 =	vmul.f32 v10, v18;
	v10 =	vpop (erf);
	v41 =	vadd.f32 v52, v41  }
0xb1: {  	v42 =	vmul.f32 v53, v13;
	v53 =	vmul.f32 v0, v10;
	v0 =	vld [tilespmem:$0x1F890]  }
0xb2: {  	v31 =	vadd.f32 v35, v31;
	v35 =	vmul.f32 v15, v19;
	v41 =	vadd.f32 v58, v41;
	_ =	sdelay $0x1  }
0xb3: {  	v36 =	vmul.f32 v36, v21;
	v41 =	vadd.f32 v35, v41  }
0xb4: {  	v38 =	vld [tilespmem:$0x10170]  }
0xb5: {  	v36 =	vadd.f32 v36, v41;
	v41 =	vmul.f32 v57, v12;
	v57 =	vmul.f32 v0, v16;
	v0 =	vld [tilespmem:$0x10690];
	_ =	sdelay $0x3  }
0xb6: {  	[tilespmem:$0x1FB60] =	vst v38;
	v38 =	vld [tilespmem:$0x10370];
	v2 =	vadd.f32 $1.000000020e-16, v2  }
0xb7: {  	[tilespmem:$0x1FCA0] =	vst v0;
	v0 =	vld [tilespmem:$0x1F8A0]  }
0xb8: {  	(erf) = vrcp.f32 v2  }
0xb9: {  	v45 =	vmul.f32 v60, v16  }
0xba: {  	v25 =	vmul.f32 v25, v20  }
0xbb: {  	v56 =	vmul.f32 v46, v14;
	v31 =	vadd.f32 v45, v31  }
0xbc: {  	[tilespmem:$0x1FBE0] =	vst v38;
	v38 =	vadd.f32 v10, v54;
	v25 =	vadd.f32 v25, v36;
	v36 =	vmul.f32 v0, v10;
	v0 =	vld [tilespmem:$0x10710]  }
0xbd: {  	v60 =	vmul.f32 v27, v18;
	v15 =	vpop (erf);
	v31 =	vadd.f32 v56, v31  }
0xbe: {  	v38 =	vadd.f32 v15, v38  }
0xbf: {  	v31 =	vadd.f32 v60, v31;
	v60 =	vmul.f32 v7, v19;
	v7 =	vpop (erf)  }
0xc0: {  	v38 =	vadd.f32 v7, v38  }
0xc1: {  	v35 =	vmul.f32 v8, v21;
	v8 =	vpop (erf);
	[tilespmem:$0x1FCC0] =	vst v0;
	v0 =	vld [tilespmem:$0x1F8B0]  }
0xc2: {  	v38 =	vadd.f32 v8, v38  }
0xc3: {  	v26 =	vmul.f32 v26, v9  }
0xc4: {  	(erf) = vrcp.f32 v38;
	v38 =	vmul.f32 v32, v6;
	_ =	sdelay $0x1  }
0xc5: {  	v26 =	vadd.f32 v26, v38;
	v38 =	vmul.f32 v0, v14;
	v0 =	vld [tilespmem:$0x10790];
	_ =	sdelay $0x4  }
0xc6: {  	[tilespmem:$0x1FCE0] =	vst v0;
	v0 =	vld [tilespmem:$0x1F8C0]  }
0xc7: {  	v58 =	vmul.f32 v43, v17;
	_ =	sdelay $0x1  }
0xc8: {  	v25 =	vadd.f32 v58, v25;
	_ =	sdelay $0x1  }
0xc9: {  	v25 =	vadd.f32 v39, v25;
	v39 =	vmul.f32 v0, v14;
	v0 =	vld [tilespmem:$0x11010];
	_ =	sdelay $0x1  }
0xca: {  	v31 =	vadd.f32 v60, v31;
	_ =	sdelay $0x1  }
0xcb: {  	v1 =	vmul.f32 v1, v20;
	v31 =	vadd.f32 v35, v31  }
0xcc: {  	[tilespmem:$0x1FD00] =	vst v0;
	v0 =	vld [tilespmem:$0x1F8D0]  }
0xcd: {  	v60 =	vmul.f32 v48, v17;
	v1 =	vadd.f32 v1, v31;
	_ =	sdelay $0x1  }
0xce: {  	v1 =	vadd.f32 v60, v1  }
0xcf: {  	v28 =	vmul.f32 v28, v6;
	v35 =	vmul.f32 v51, v9  }
0xd0: {  	v1 =	vadd.f32 v41, v1;
	v41 =	vmul.f32 v0, v15;
	v0 =	vld [tilespmem:$0x1F8E0]  }
0xd1: {  	v23 =	vmul.f32 v23, v11;
	v28 =	vadd.f32 v35, v28;
	_ =	sdelay $0x1  }
0xd2: {  	v23 =	vadd.f32 v23, v28;
	_ =	sdelay $0x1  }
0xd3: {  	v23 =	vadd.f32 v42, v23;
	v42 =	vmul.f32 v0, v18;
	v0 =	vld [tilespmem:$0x11090];
	_ =	sdelay $0x4  }
0xd4: {  	[tilespmem:$0x1FD20] =	vst v0;
	v0 =	vld [tilespmem:$0x1F8F0];
	_ =	sdelay $0x4  }
0xd5: {  	v25 =	vadd.f32 v53, v25;
	v53 =	vmul.f32 v0, v15;
	v0 =	vld [tilespmem:$0x1F900];
	_ =	sdelay $0x4  }
0xd6: {  	v23 =	vadd.f32 v57, v23;
	v57 =	vmul.f32 v0, v18;
	v0 =	vld [tilespmem:$0x11110];
	_ =	sdelay $0x4  }
0xd7: {  	[tilespmem:$0x1FD40] =	vst v0;
	v0 =	vld [tilespmem:$0x1F910];
	_ =	sdelay $0x2  }
0xd8: {  	v33 =	vmul.f32 v33, v11;
	_ =	sdelay $0x1  }
0xd9: {  	v26 =	vadd.f32 v33, v26;
	v33 =	vmul.f32 v0, v19;
	v0 =	vld [tilespmem:$0x11190];
	_ =	sdelay $0x4  }
0xda: {  	[tilespmem:$0x1FD70] =	vst v0;
	v0 =	vld [tilespmem:$0x1F920];
	_ =	sdelay $0x4  }
0xdb: {  	v35 =	vmul.f32 v0, v19;
	v0 =	vld [tilespmem:$0x11210];
	_ =	sdelay $0x4  }
0xdc: {  	[tilespmem:$0x1FD90] =	vst v0;
	v0 =	vld [tilespmem:$0x1F930];
	_ =	sdelay $0x4  }
0xdd: {  	v1 =	vadd.f32 v36, v1;
	v36 =	vmul.f32 v0, v7;
	v0 =	vld [tilespmem:$0x1F940];
	_ =	sdelay $0x4  }
0xde: {  	v23 =	vadd.f32 v38, v23;
	v38 =	vmul.f32 v0, v21;
	v0 =	vld [tilespmem:$0x11290];
	_ =	sdelay $0x3  }
0xdf: {  	v29 =	vmul.f32 v29, v13  }
0xe0: {  	[tilespmem:$0x1FDD0] =	vst v0;
	v0 =	vld [tilespmem:$0x1F950]  }
0xe1: {  	v5 =	vmul.f32 v5, v16;
	v26 =	vadd.f32 v29, v26;
	_ =	sdelay $0x1  }
0xe2: {  	v5 =	vadd.f32 v5, v26;
	_ =	sdelay $0x1  }
0xe3: {  	v5 =	vadd.f32 v39, v5;
	v39 =	vmul.f32 v0, v7;
	v0 =	vld [tilespmem:$0x1F960];
	_ =	sdelay $0x4  }
0xe4: {  	v25 =	vadd.f32 v41, v25;
	v41 =	vmul.f32 v0, v21;
	v0 =	vld [tilespmem:$0x11310];
	_ =	sdelay $0x4  }
0xe5: {  	[tilespmem:$0x1FE10] =	vst v0;
	v0 =	vld [tilespmem:$0x1F970];
	_ =	sdelay $0x4  }
0xe6: {  	v23 =	vadd.f32 v42, v23;
	v42 =	vmul.f32 v0, v20;
	v0 =	vld [tilespmem:$0x11390];
	_ =	sdelay $0x4  }
0xe7: {  	[tilespmem:$0x1FE50] =	vst v0;
	v0 =	vld [tilespmem:$0x1F980];
	_ =	sdelay $0x4  }
0xe8: {  	v1 =	vadd.f32 v53, v1;
	v53 =	vmul.f32 v0, v20;
	v0 =	vld [tilespmem:$0x1F990];
	_ =	sdelay $0x4  }
0xe9: {  	v5 =	vadd.f32 v57, v5;
	v57 =	vmul.f32 v0, v17;
	v0 =	vld [tilespmem:$0x1F9A0]  }
0xea: {  	v3 =	vld [tilespmem:$0x10CD0];
	v23 =	vadd.f32 v33, v23;
	_ =	sdelay $0x1  }
0xeb: {  	v55 =	vmul.f32 v55, v8;
	v25 =	vadd.f32 v36, v25;
	v23 =	vadd.f32 v38, v23;
	_ =	sdelay $0x1  }
0xec: {  	v29 =	vadd.f32 v42, v23;
	v23 =	vmul.f32 v0, v17;
	v0 =	vadd.f32 v55, v25  }
0xed: {  	[tilespmem:$0x1FAE0] =	vst v3;
	v3 =	vld [tilespmem:$0x10D50]  }
0xee: {  	[tilespmem:$0x1FF40] =	vst v0;
	v0 =	vld [tilespmem:$0x1F9B0];
	_ =	sdelay $0x2  }
0xef: {  	v59 =	vmul.f32 v59, v8;
	v1 =	vadd.f32 v39, v1;
	_ =	sdelay $0x1  }
0xf0: {  	[tilespmem:$0x1FB00] =	vst v3;
	v3 =	vld [tilespmem:$0x10DD0];
	v25 =	vmul.f32 v0, v12;
	v0 =	vadd.f32 v59, v1  }
0xf1: {  	v5 =	vadd.f32 v35, v5  }
0xf2: {  	[tilespmem:$0x1FF50] =	vst v0;
	v0 =	vld [tilespmem:$0x1F9C0]  }
0xf3: {  	v5 =	vadd.f32 v41, v5;
	_ =	sdelay $0x1  }
0xf4: {  	[tilespmem:$0x1FB10] =	vst v3;
	v3 =	vld [tilespmem:$0x10E50];
	v5 =	vadd.f32 v53, v5;
	_ =	sdelay $0x1  }
0xf5: {  	v1 =	vadd.f32 v23, v5;
	v5 =	vmul.f32 v0, v12;
	v0 =	vld [tilespmem:$0x1F9D0];
	_ =	sdelay $0x2  }
0xf6: {  	[tilespmem:$0x1FB70] =	vst v3;
	v3 =	vld [tilespmem:$0x10ED0];
	_ =	sdelay $0x1  }
0xf7: {  	v53 =	vmul.f32 v0, v6;
	v0 =	vld [tilespmem:$0x1F9E0];
	_ =	sdelay $0x2  }
0xf8: {  	[tilespmem:$0x1FBB0] =	vst v3;
	v3 =	vld [tilespmem:$0x10F50];
	_ =	sdelay $0x1  }
0xf9: {  	v55 =	vmul.f32 v0, v9;
	v0 =	vld [tilespmem:$0x1F9F0];
	_ =	sdelay $0x2  }
0xfa: {  	[tilespmem:$0x1FBF0] =	vst v3;
	v3 =	vld [tilespmem:$0x10FD0];
	v29 =	vadd.f32 v57, v29  }
0xfb: {  	v62 =	vld [tilespmem:$0x10060]  }
0xfc: {  	v26 =	vadd.f32 v25, v29;
	v25 =	vmul.f32 v0, v10;
	v0 =	vld [tilespmem:$0x1FA00];
	_ =	sdelay $0x2  }
0xfd: {  	[tilespmem:$0x1FC30] =	vst v3;
	v3 =	vld [tilespmem:$0x100E0];
	_ =	sdelay $0x1  }
0xfe: {  	v1 =	vadd.f32 v5, v1;
	v5 =	vmul.f32 v62, v6;
	v62 =	vmul.f32 v0, v11;
	v0 =	vld [tilespmem:$0x1FA10];
	_ =	sdelay $0x2  }
0xff: {  	v23 =	vmul.f32 v3, v9;
	_ =	sdelay $0x1  }
0x100: {  	v5 =	vadd.f32 v23, v5;
	v23 =	vmul.f32 v0, v10;
	v0 =	vld [tilespmem:$0x1FA20];
	_ =	sdelay $0x4  }
0x101: {  	v38 =	vmul.f32 v0, v13;
	v0 =	vld [tilespmem:$0x11120];
	_ =	sdelay $0x4  }
0x102: {  	[tilespmem:$0x1FD60] =	vst v0;
	v0 =	vld [tilespmem:$0x1FA30];
	_ =	sdelay $0x2  }
0x103: {  	v29 =	vadd.f32 v55, v53;
	_ =	sdelay $0x1  }
0x104: {  	v29 =	vadd.f32 v62, v29;
	v62 =	vmul.f32 v0, v15;
	v0 =	vld [tilespmem:$0x1FA40];
	_ =	sdelay $0x4  }
0x105: {  	v1 =	vadd.f32 v23, v1;
	v23 =	vmul.f32 v0, v16;
	v0 =	vld [tilespmem:$0x111A0]  }
0x106: {  	v40 =	vld [tilespmem:$0x10160];
	_ =	sdelay $0x1  }
0x107: {  	v34 =	vld [tilespmem:$0x101E0];
	_ =	sdelay $0x1  }
0x108: {  	[tilespmem:$0x1FD80] =	vst v0;
	v0 =	vld [tilespmem:$0x1FA50]  }
0x109: {  	v40 =	vmul.f32 v40, v11;
	_ =	sdelay $0x1  }
0x10a: {  	v5 =	vadd.f32 v40, v5;
	v40 =	vmul.f32 v34, v13;
	_ =	sdelay $0x1  }
0x10b: {  	v5 =	vadd.f32 v40, v5;
	v40 =	vmul.f32 v0, v15;
	v0 =	vld [tilespmem:$0x11220];
	_ =	sdelay $0x4  }
0x10c: {  	[tilespmem:$0x1FDB0] =	vst v0;
	v0 =	vld [tilespmem:$0x1FA60];
	_ =	sdelay $0x2  }
0x10d: {  	v26 =	vadd.f32 v25, v26;
	_ =	sdelay $0x1  }
0x10e: {  	v26 =	vadd.f32 v62, v26;
	v62 =	vmul.f32 v0, v14;
	v0 =	vld [tilespmem:$0x112A0];
	_ =	sdelay $0x4  }
0x10f: {  	[tilespmem:$0x1FDF0] =	vst v0;
	v0 =	vld [tilespmem:$0x11320];
	_ =	sdelay $0x4  }
0x110: {  	[tilespmem:$0x1FE30] =	vst v0;
	v0 =	vld [tilespmem:$0x1FA70];
	_ =	sdelay $0x2  }
0x111: {  	v47 =	vld [tilespmem:$0x10260];
	_ =	sdelay $0x1  }
0x112: {  	v25 =	vmul.f32 v0, v7;
	v0 =	vld [tilespmem:$0x1FA80];
	_ =	sdelay $0x2  }
0x113: {  	v47 =	vmul.f32 v47, v16;
	_ =	sdelay $0x1  }
0x114: {  	v5 =	vadd.f32 v47, v5;
	v47 =	vmul.f32 v0, v18;
	v0 =	vld [tilespmem:$0x113A0];
	_ =	sdelay $0x2  }
0x115: {  	v37 =	vld [tilespmem:$0x102E0];
	_ =	sdelay $0x1  }
0x116: {  	[tilespmem:$0x1FE60] =	vst v0;
	v0 =	vld [tilespmem:$0x1FA90]  }
0x117: {  	v29 =	vadd.f32 v38, v29;
	_ =	sdelay $0x1  }
0x118: {  	v29 =	vadd.f32 v23, v29;
	v23 =	vmul.f32 v37, v14;
	_ =	sdelay $0x1  }
0x119: {  	v5 =	vadd.f32 v23, v5;
	v23 =	vmul.f32 v0, v7;
	v0 =	vld [tilespmem:$0x1FAA0];
	_ =	sdelay $0x2  }
0x11a: {  	v29 =	vadd.f32 v62, v29;
	_ =	sdelay $0x1  }
0x11b: {  	v29 =	vadd.f32 v47, v29;
	v47 =	vmul.f32 v0, v19;
	v0 =	vld [tilespmem:$0x10530];
	_ =	sdelay $0x2  }
0x11c: {  	v49 =	vld [tilespmem:$0x10360]  }
0x11d: {  	v63 =	vld [tilespmem:$0x103E0]  }
0x11e: {  	[tilespmem:$0x1FDA0] =	vst v0;
	v0 =	vld [tilespmem:$0x1FAB0];
	_ =	sdelay $0x3  }
0x11f: {  	v1 =	vadd.f32 v40, v1;
	v40 =	vmul.f32 v49, v18  }
0x120: {  	v49 =	vmul.f32 v63, v19;
	v63 =	vmul.f32 v0, v21;
	v0 =	vld [tilespmem:$0x105B0];
	_ =	sdelay $0x4  }
0x121: {  	[tilespmem:$0x1FDC0] =	vst v0;
	v0 =	vld [tilespmem:$0x1FAC0];
	_ =	sdelay $0x4  }
0x122: {  	v1 =	vadd.f32 v23, v1;
	v23 =	vmul.f32 v0, v8;
	v0 =	vld [tilespmem:$0x1FAD0];
	_ =	sdelay $0x4  }
0x123: {  	v36 =	vmul.f32 v0, v21;
	v0 =	vld [tilespmem:$0x10630];
	_ =	sdelay $0x2  }
0x124: {  	v61 =	vmul.f32 v61, v8;
	v26 =	vadd.f32 v25, v26;
	_ =	sdelay $0x1  }
0x125: {  	[tilespmem:$0x1FDE0] =	vst v0;
	v0 =	vadd.f32 v61, v26;
	_ =	sdelay $0x1  }
0x126: {  	[tilespmem:$0x1FF60] =	vst v0;
	v0 =	vld [tilespmem:$0x1FAE0];
	_ =	sdelay $0x4  }
0x127: {  	v5 =	vadd.f32 v40, v5;
	v40 =	vmul.f32 v0, v20;
	v0 =	vld [tilespmem:$0x106B0];
	_ =	sdelay $0x4  }
0x128: {  	[tilespmem:$0x1FE00] =	vst v0;
	v0 =	vadd.f32 v23, v1;
	_ =	sdelay $0x1  }
0x129: {  	[tilespmem:$0x1FF70] =	vst v0;
	v0 =	vld [tilespmem:$0x1FAF0];
	_ =	sdelay $0x2  }
0x12a: {  	v5 =	vadd.f32 v49, v5;
	_ =	sdelay $0x1  }
0x12b: {  	v1 =	vadd.f32 v36, v5;
	v5 =	vmul.f32 v0, v20;
	v0 =	vld [tilespmem:$0x10730];
	_ =	sdelay $0x4  }
0x12c: {  	[tilespmem:$0x1FE20] =	vst v0;
	v0 =	vld [tilespmem:$0x1FB00];
	_ =	sdelay $0x4  }
0x12d: {  	v29 =	vadd.f32 v47, v29;
	v47 =	vmul.f32 v0, v17;
	v0 =	vld [tilespmem:$0x1FB10];
	_ =	sdelay $0x4  }
0x12e: {  	v49 =	vmul.f32 v0, v12;
	v0 =	vld [tilespmem:$0x107B0];
	_ =	sdelay $0x4  }
0x12f: {  	[tilespmem:$0x1FE40] =	vst v0;
	v0 =	vld [tilespmem:$0x1FB20];
	_ =	sdelay $0x2  }
0x130: {  	v30 =	vld [tilespmem:$0x10400]  }
0x131: {  	v50 =	vld [tilespmem:$0x10480]  }
0x132: {  	v1 =	vadd.f32 v5, v1;
	v5 =	vmul.f32 v0, v17;
	v0 =	vld [tilespmem:$0x1FB30];
	_ =	sdelay $0x1  }
0x133: {  	v2 =	vld [tilespmem:$0x10500];
	_ =	sdelay $0x1  }
0x134: {  	v37 =	vmul.f32 v50, v9  }
0x135: {  	v1 =	vadd.f32 v5, v1;
	v5 =	vmul.f32 v30, v6;
	v0 =	vmul.f32 v0, v12;
	_ =	sdelay $0x1  }
0x136: {  	v2 =	vmul.f32 v2, v11;
	v0 =	vadd.f32 v0, v1;
	v1 =	vadd.f32 v37, v5  }
0x137: {  	v4 =	vld [tilespmem:$0x103F0]  }
0x138: {  	v1 =	vadd.f32 v2, v1;
	v2 =	vld [tilespmem:$0x1FB90];
	_ =	sdelay $0x1  }
0x139: {  	v36 =	vld [tilespmem:$0x110B0];
	_ =	sdelay $0x1  }
0x13a: {  	[tilespmem:$0x1FC00] =	vst v4;
	v4 =	vld [tilespmem:$0x10C70]  }
0x13b: {  	v22 =	vld [tilespmem:$0x10600];
	v2 =	vmul.f32 v2, v10  }
0x13c: {  	v24 =	vld [tilespmem:$0x10580]  }
0x13d: {  	[tilespmem:$0x1FE70] =	vst v36;
	v36 =	vadd.f32 v2, v0;
	v0 =	vld [tilespmem:$0x1FBB0]  }
0x13e: {  	v3 =	vld [tilespmem:$0x1FB40];
	v38 =	vadd.f32 v63, v29  }
0x13f: {  	v27 =	vld [tilespmem:$0x10700]  }
0x140: {  	v45 =	vld [tilespmem:$0x10680];
	v26 =	vadd.f32 v40, v38  }
0x141: {  	v38 =	vld [tilespmem:$0x11130]  }
0x142: {  	v26 =	vadd.f32 v47, v26;
	v37 =	vmul.f32 v0, v15;
	v0 =	vld [tilespmem:$0x1FBC0]  }
0x143: {  	v24 =	vmul.f32 v24, v13;
	v34 =	vmul.f32 v3, v6;
	v3 =	vld [tilespmem:$0x1FB50]  }
0x144: {  	v26 =	vadd.f32 v49, v26;
	v49 =	vld [tilespmem:$0x111B0]  }
0x145: {  	[tilespmem:$0x1FC20] =	vst v4;
	v22 =	vmul.f32 v22, v16;
	v40 =	vld [tilespmem:$0x1FB60];
	v2 =	vadd.f32 v24, v1  }
0x146: {  	v1 =	vld [tilespmem:$0x1FC20]  }
0x147: {  	v45 =	vmul.f32 v45, v14;
	[tilespmem:$0x1FE80] =	vst v38;
	v22 =	vadd.f32 v22, v2;
	v38 =	vmul.f32 v0, v14;
	v0 =	vld [tilespmem:$0x1FBD0]  }
0x148: {  	v5 =	vld [tilespmem:$0x11230]  }
0x149: {  	v27 =	vmul.f32 v27, v18;
	[tilespmem:$0x1FE90] =	vst v49;
	v49 =	vadd.f32 v45, v22  }
0x14a: {  	v4 =	vld [tilespmem:$0x10CF0]  }
0x14b: {  	v29 =	vadd.f32 v27, v49;
	v49 =	vmul.f32 v1, v21;
	v1 =	vld [tilespmem:$0x1FC30]  }
0x14c: {  	v47 =	vmul.f32 v40, v11;
	v40 =	vmul.f32 v0, v15;
	v0 =	vld [tilespmem:$0x1FBE0]  }
0x14d: {  	v3 =	vmul.f32 v3, v9;
	[tilespmem:$0x1FEA0] =	vst v5;
	v5 =	vld [tilespmem:$0x1FB70];
	_ =	sdelay $0x1  }
0x14e: {  	[tilespmem:$0x1FC40] =	vst v4;
	v3 =	vadd.f32 v3, v34;
	v50 =	vld [tilespmem:$0x1FB80]  }
0x14f: {  	v45 =	vmul.f32 v1, v8;
	v1 =	vld [tilespmem:$0x1FC40]  }
0x150: {  	v3 =	vadd.f32 v47, v3;
	v47 =	vmul.f32 v0, v18;
	v0 =	vld [tilespmem:$0x1FBF0]  }
0x151: {  	v32 =	vld [tilespmem:$0x1FBA0];
	v5 =	vmul.f32 v5, v10;
	_ =	sdelay $0x1  }
0x152: {  	v56 =	vld [tilespmem:$0x11000];
	v5 =	vadd.f32 v5, v26  }
0x153: {  	v63 =	vmul.f32 v50, v13;
	v26 =	vmul.f32 v1, v20;
	v1 =	vld [tilespmem:$0x1FC50]  }
0x154: {  	v24 =	vadd.f32 v37, v5;
	v50 =	vmul.f32 v0, v7  }
0x155: {  	v33 =	vmul.f32 v32, v16;
	v3 =	vadd.f32 v63, v3  }
0x156: {  	v0 =	vld [tilespmem:$0x1FC00];
	v24 =	vadd.f32 v50, v24  }
0x157: {  	v3 =	vadd.f32 v33, v3  }
0x158: {  	v30 =	vld [tilespmem:$0x11330];
	v50 =	vmul.f32 v56, v21;
	v56 =	vmul.f32 v1, v8;
	v1 =	vadd.f32 v45, v24  }
0x159: {  	v52 =	vld [tilespmem:$0x11080];
	v3 =	vadd.f32 v38, v3  }
0x15a: {  	[tilespmem:$0x1FF80] =	vst v1;
	v1 =	vld [tilespmem:$0x1FC60]  }
0x15b: {  	v3 =	vadd.f32 v47, v3;
	v63 =	vmul.f32 v0, v19  }
0x15c: {  	v54 =	vld [tilespmem:$0x10780]  }
0x15d: {  	[tilespmem:$0x1FEE0] =	vst v30;
	v30 =	vadd.f32 v40, v36;
	v0 =	vld [tilespmem:$0x1FC10];
	v40 =	vadd.f32 v63, v3;
	_ =	sdelay $0x1  }
0x15e: {  	v33 =	vadd.f32 v49, v40;
	v40 =	vmul.f32 v52, v20;
	v52 =	vmul.f32 v1, v17;
	v1 =	vld [tilespmem:$0x11240]  }
0x15f: {  	v4 =	vld [tilespmem:$0x10DF0]  }
0x160: {  	v46 =	vld [tilespmem:$0x11100]  }
0x161: {  	v43 =	vld [tilespmem:$0x10410];
	v54 =	vmul.f32 v54, v19;
	v0 =	vmul.f32 v0, v7  }
0x162: {  	v31 =	vld [tilespmem:$0x10420]  }
0x163: {  	v29 =	vadd.f32 v54, v29;
	v0 =	vadd.f32 v0, v30;
	[tilespmem:$0x1FEB0] =	vst v1;
	v1 =	vld [tilespmem:$0x112C0]  }
0x164: {  	v28 =	vld [tilespmem:$0x104A0]  }
0x165: {  	v29 =	vadd.f32 v50, v29;
	v0 =	vadd.f32 v56, v0;
	_ =	sdelay $0x1  }
0x166: {  	v56 =	vmul.f32 v46, v17;
	[tilespmem:$0x1FF90] =	vst v0;
	v0 =	vadd.f32 v40, v29  }
0x167: {  	v63 =	vmul.f32 v43, v6;
	[tilespmem:$0x1FED0] =	vst v1;
	v1 =	vld [tilespmem:$0x11340]  }
0x168: {  	[tilespmem:$0x1FC70] =	vst v4;
	v4 =	vld [tilespmem:$0x10E70];
	v43 =	vmul.f32 v28, v9;
	v29 =	vadd.f32 v56, v0;
	v0 =	vmul.f32 v31, v6  }
0x169: {  	v51 =	vld [tilespmem:$0x10490]  }
0x16a: {  	v31 =	vadd.f32 v43, v0;
	v0 =	vld [tilespmem:$0x1FC80]  }
0x16b: {  	v48 =	vld [tilespmem:$0x10510]  }
0x16c: {  	[tilespmem:$0x1FEF0] =	vst v1;
	v1 =	vld [tilespmem:$0x1FC70]  }
0x16d: {  	[tilespmem:$0x1FC90] =	vst v4;
	v4 =	vld [tilespmem:$0x10EF0];
	v49 =	vadd.f32 v26, v33  }
0x16e: {  	v58 =	vld [tilespmem:$0x10590]  }
0x16f: {  	v30 =	vadd.f32 v52, v49;
	v40 =	vmul.f32 v51, v9;
	v52 =	vmul.f32 v0, v12;
	v0 =	vld [tilespmem:$0x1FC90]  }
0x170: {  	v60 =	vld [tilespmem:$0x10610]  }
0x171: {  	v48 =	vmul.f32 v48, v11;
	v33 =	vadd.f32 v40, v63;
	v46 =	vmul.f32 v1, v12;
	v1 =	vld [tilespmem:$0x113C0];
	_ =	sdelay $0x1  }
0x172: {  	v39 =	vld [tilespmem:$0x105A0];
	v40 =	vadd.f32 v48, v33  }
0x173: {  	v43 =	vmul.f32 v58, v13;
	v29 =	vadd.f32 v52, v29;
	v52 =	vmul.f32 v0, v10;
	v0 =	vld [tilespmem:$0x1FCA0]  }
0x174: {  	[tilespmem:$0x1FCB0] =	vst v4;
	v4 =	vld [tilespmem:$0x10F70]  }
0x175: {  	v60 =	vmul.f32 v60, v16;
	v33 =	vadd.f32 v43, v40;
	[tilespmem:$0x1FF10] =	vst v1;
	v1 =	vld [tilespmem:$0x1FCE0];
	_ =	sdelay $0x1  }
0x176: {  	v35 =	vld [tilespmem:$0x10520];
	v33 =	vadd.f32 v60, v33  }
0x177: {  	v50 =	vadd.f32 v46, v30;
	v46 =	vmul.f32 v39, v13;
	v39 =	vmul.f32 v0, v14  }
0x178: {  	[tilespmem:$0x1FCF0] =	vst v4;
	v59 =	vld [tilespmem:$0x106A0]  }
0x179: {  	v33 =	vadd.f32 v39, v33;
	v39 =	vmul.f32 v1, v19;
	v1 =	vld [tilespmem:$0x1FCF0]  }
0x17a: {  	v41 =	vld [tilespmem:$0x10620]  }
0x17b: {  	v56 =	vmul.f32 v35, v11  }
0x17c: {  	v0 =	vld [tilespmem:$0x1FCB0]  }
0x17d: {  	v31 =	vadd.f32 v56, v31  }
0x17e: {  	v50 =	vadd.f32 v52, v50;
	v52 =	vmul.f32 v59, v14;
	v59 =	vmul.f32 v1, v7;
	v1 =	vld [tilespmem:$0x1FD00]  }
0x17f: {  	v24 =	vmul.f32 v41, v16;
	v31 =	vadd.f32 v46, v31;
	_ =	sdelay $0x1  }
0x180: {  	v31 =	vadd.f32 v24, v31;
	v24 =	vmul.f32 v0, v15;
	_ =	sdelay $0x1  }
0x181: {  	v50 =	vadd.f32 v24, v50;
	v24 =	vmul.f32 v1, v21;
	v1 =	vld [tilespmem:$0x111D0];
	_ =	sdelay $0x2  }
0x182: {  	v57 =	vld [tilespmem:$0x10720];
	_ =	sdelay $0x1  }
0x183: {  	[tilespmem:$0x1FF20] =	vst v1;
	v1 =	vld [tilespmem:$0x1FD10]  }
0x184: {  	v0 =	vld [tilespmem:$0x1FCC0];
	_ =	sdelay $0x1  }
0x185: {  	v44 =	vld [tilespmem:$0x11200];
	v57 =	vmul.f32 v57, v18;
	v31 =	vadd.f32 v52, v31  }
0x186: {  	v4 =	vld [tilespmem:$0x10FF0]  }
0x187: {  	v43 =	vadd.f32 v57, v31;
	v31 =	vmul.f32 v1, v7;
	v1 =	vld [tilespmem:$0x1FD20]  }
0x188: {  	v35 =	vmul.f32 v0, v18;
	_ =	sdelay $0x1  }
0x189: {  	v56 =	vmul.f32 v44, v10;
	v33 =	vadd.f32 v35, v33  }
0x18a: {  	[tilespmem:$0x1FD30] =	vst v4  }
0x18b: {  	v29 =	vadd.f32 v56, v29;
	v56 =	vadd.f32 v39, v33;
	v39 =	vmul.f32 v1, v20;
	v1 =	vld [tilespmem:$0x1FD30];
	_ =	sdelay $0x4  }
0x18c: {  	v50 =	vadd.f32 v59, v50;
	v59 =	vmul.f32 v1, v8;
	v1 =	vld [tilespmem:$0x1FD40];
	_ =	sdelay $0x2  }
0x18d: {  	v4 =	vld [tilespmem:$0x104B0]  }
0x18e: {  	v2 =	vld [tilespmem:$0x1FD70]  }
0x18f: {  	v51 =	vadd.f32 v24, v56;
	v24 =	vmul.f32 v1, v17;
	v1 =	vld [tilespmem:$0x113D0]  }
0x190: {  	v42 =	vld [tilespmem:$0x11020]  }
0x191: {  	v53 =	vld [tilespmem:$0x107A0]  }
0x192: {  	v0 =	vld [tilespmem:$0x1FCD0]  }
0x193: {  	v50 =	vadd.f32 v59, v50;
	v59 =	vmul.f32 v2, v12;
	v2 =	vld [tilespmem:$0x1FD80]  }
0x194: {  	[tilespmem:$0x1FF30] =	vst v1;
	v1 =	vld [tilespmem:$0x1FD50]  }
0x195: {  	v25 =	vld [tilespmem:$0x112B0]  }
0x196: {  	v55 =	vld [tilespmem:$0x110A0];
	v51 =	vadd.f32 v39, v51  }
0x197: {  	v34 =	vld [tilespmem:$0x113B0];
	v46 =	vmul.f32 v53, v19;
	v0 =	vmul.f32 v0, v15  }
0x198: {  	v42 =	vmul.f32 v42, v21;
	v39 =	vadd.f32 v24, v51;
	v24 =	vmul.f32 v2, v12;
	v2 =	vld [tilespmem:$0x1FD90]  }
0x199: {  	v0 =	vadd.f32 v0, v29;
	v29 =	vadd.f32 v46, v43;
	v30 =	vmul.f32 v1, v8;
	v1 =	vld [tilespmem:$0x1FD60]  }
0x19a: {  	[tilespmem:$0x1FEC0] =	vst v25;
	v25 =	vld [tilespmem:$0x10440]  }
0x19b: {  	v23 =	vld [tilespmem:$0x104C0];
	v46 =	vmul.f32 v55, v20;
	v29 =	vadd.f32 v42, v29  }
0x19c: {  	v62 =	vld [tilespmem:$0x10430];
	v0 =	vadd.f32 v31, v0  }
0x19d: {  	v32 =	vld [tilespmem:$0x10540];
	v29 =	vadd.f32 v46, v29  }
0x19e: {  	v56 =	vmul.f32 v2, v10;
	v2 =	vld [tilespmem:$0x1FDA0];
	v0 =	vadd.f32 v30, v0;
	v31 =	vmul.f32 v1, v17  }
0x19f: {  	v25 =	vmul.f32 v25, v6  }
0x1a0: {  	v23 =	vmul.f32 v23, v9;
	[tilespmem:$0x1FFA0] =	vst v0;
	v0 =	vadd.f32 v31, v29;
	v31 =	vmul.f32 v4, v9;
	v4 =	vld [tilespmem:$0x1FDC0]  }
0x1a1: {  	[tilespmem:$0x1FF00] =	vst v34;
	v34 =	vld [tilespmem:$0x106C0];
	v30 =	vmul.f32 v62, v6  }
0x1a2: {  	v32 =	vmul.f32 v32, v11;
	v61 =	vld [tilespmem:$0x11030];
	v23 =	vadd.f32 v23, v25  }
0x1a3: {  	v3 =	vld [tilespmem:$0x1FDB0];
	v35 =	vadd.f32 v59, v39;
	v59 =	vmul.f32 v2, v11;
	v52 =	vadd.f32 v31, v30  }
0x1a4: {  	v23 =	vadd.f32 v32, v23;
	v32 =	vld [tilespmem:$0x11060]  }
0x1a5: {  	v29 =	vadd.f32 v59, v52;
	v52 =	vmul.f32 v4, v13;
	v4 =	vld [tilespmem:$0x1FDD0]  }
0x1a6: {  	v5 =	vld [tilespmem:$0x105C0]  }
0x1a7: {  	v22 =	vld [tilespmem:$0x10640]  }
0x1a8: {  	v27 =	vld [tilespmem:$0x10450];
	v62 =	vmul.f32 v3, v10;
	v0 =	vadd.f32 v24, v0  }
0x1a9: {  	v37 =	vld [tilespmem:$0x107C0]  }
0x1aa: {  	v0 =	vadd.f32 v62, v0;
	v62 =	vmul.f32 v4, v15;
	v4 =	vld [tilespmem:$0x1FDE0]  }
0x1ab: {  	v54 =	vld [tilespmem:$0x11040];
	v5 =	vmul.f32 v5, v13  }
0x1ac: {  	v38 =	vld [tilespmem:$0x110C0]  }
0x1ad: {  	v5 =	vadd.f32 v5, v23;
	v23 =	vld [tilespmem:$0x11260]  }
0x1ae: {  	v36 =	vld [tilespmem:$0x10740]  }
0x1af: {  	v24 =	vmul.f32 v4, v16;
	v4 =	vld [tilespmem:$0x1FDF0]  }
0x1b0: {  	v47 =	vld [tilespmem:$0x11140]  }
0x1b1: {  	v26 =	vld [tilespmem:$0x104D0]  }
0x1b2: {  	v45 =	vld [tilespmem:$0x111C0]  }
0x1b3: {  	v41 =	vld [tilespmem:$0x10650]  }
0x1b4: {  	v42 =	vmul.f32 v4, v15;
	v4 =	vld [tilespmem:$0x1FE00]  }
0x1b5: {  	v28 =	vld [tilespmem:$0x10550]  }
0x1b6: {  	v27 =	vmul.f32 v27, v6;
	v49 =	vld [tilespmem:$0x107D0];
	v26 =	vmul.f32 v26, v9  }
0x1b7: {  	v63 =	vld [tilespmem:$0x10560]  }
0x1b8: {  	v26 =	vadd.f32 v26, v27;
	v27 =	vld [tilespmem:$0x111F0]  }
0x1b9: {  	v39 =	vmul.f32 v4, v14;
	v4 =	vld [tilespmem:$0x1FE10]  }
0x1ba: {  	v58 =	vld [tilespmem:$0x10750]  }
0x1bb: {  	v48 =	vld [tilespmem:$0x11050]  }
0x1bc: {  	v40 =	vld [tilespmem:$0x105D0]  }
0x1bd: {  	v44 =	vld [tilespmem:$0x106D0]  }
0x1be: {  	v0 =	vadd.f32 v42, v0;
	v42 =	vmul.f32 v34, v14;
	v34 =	vmul.f32 v4, v7;
	v4 =	vld [tilespmem:$0x1FE20]  }
0x1bf: {  	v60 =	vld [tilespmem:$0x110D0]  }
0x1c0: {  	v53 =	vld [tilespmem:$0x112D0]  }
0x1c1: {  	v57 =	vld [tilespmem:$0x11150];
	v25 =	vadd.f32 v52, v29  }
0x1c2: {  	v33 =	vld [tilespmem:$0x11250]  }
0x1c3: {  	v25 =	vadd.f32 v24, v25;
	v24 =	vmul.f32 v4, v18;
	v4 =	vld [tilespmem:$0x1FE30]  }
0x1c4: {  	v43 =	vld [tilespmem:$0x11350]  }
0x1c5: {  	v55 =	vld [tilespmem:$0x104E0]  }
0x1c6: {  	v22 =	vmul.f32 v22, v16;
	v46 =	vld [tilespmem:$0x10660]  }
0x1c7: {  	v51 =	vld [tilespmem:$0x105E0]  }
0x1c8: {  	v5 =	vadd.f32 v22, v5;
	v22 =	vmul.f32 v4, v7;
	v4 =	vld [tilespmem:$0x1FE40]  }
0x1c9: {  	v35 =	vadd.f32 v56, v35;
	v56 =	vld [tilespmem:$0x11160]  }
0x1ca: {  	v2 =	vld [tilespmem:$0x106E0]  }
0x1cb: {  	v3 =	vld [tilespmem:$0x10760];
	v25 =	vadd.f32 v39, v25  }
0x1cc: {  	v39 =	vld [tilespmem:$0x1FE70]  }
0x1cd: {  	v25 =	vadd.f32 v24, v25;
	v24 =	vmul.f32 v4, v19;
	v4 =	vld [tilespmem:$0x1FE50]  }
0x1ce: {  	v1 =	vld [tilespmem:$0x10460]  }
0x1cf: {  	v30 =	vld [tilespmem:$0x11360];
	v25 =	vadd.f32 v24, v25;
	v24 =	vmul.f32 v61, v21  }
0x1d0: {  	v36 =	vmul.f32 v36, v18;
	v31 =	vld [tilespmem:$0x113E0]  }
0x1d1: {  	v5 =	vadd.f32 v42, v5;
	v25 =	vadd.f32 v24, v25;
	v24 =	vmul.f32 v39, v20;
	v39 =	vld [tilespmem:$0x1FE80]  }
0x1d2: {  	v29 =	vadd.f32 v62, v35;
	v0 =	vadd.f32 v22, v0;
	v22 =	vmul.f32 v4, v8;
	v4 =	vld [tilespmem:$0x1FE60]  }
0x1d3: {  	v59 =	vld [tilespmem:$0x107E0];
	v42 =	vmul.f32 v37, v19;
	v5 =	vadd.f32 v36, v5  }
0x1d4: {  	v52 =	vld [tilespmem:$0x110E0];
	v29 =	vadd.f32 v34, v29  }
0x1d5: {  	v62 =	vld [tilespmem:$0x111E0];
	v5 =	vadd.f32 v42, v5;
	v42 =	vmul.f32 v54, v21  }
0x1d6: {  	v35 =	vld [tilespmem:$0x112E0];
	v25 =	vadd.f32 v24, v25;
	v54 =	vadd.f32 v22, v29;
	v29 =	vmul.f32 v39, v17  }
0x1d7: {  	v37 =	vld [tilespmem:$0x10470];
	v36 =	vmul.f32 v4, v8  }
0x1d8: {  	v61 =	vld [tilespmem:$0x104F0];
	v25 =	vadd.f32 v29, v25;
	v29 =	vmul.f32 v55, v9;
	v55 =	vmul.f32 v28, v11  }
0x1d9: {  	v24 =	vld [tilespmem:$0x106F0];
	v34 =	vadd.f32 v36, v0  }
0x1da: {  	v0 =	vadd.f32 v42, v5;
	v5 =	vmul.f32 v38, v20;
	v26 =	vadd.f32 v55, v26;
	v55 =	vld [tilespmem:$0x1FEA0]  }
0x1db: {  	v22 =	vld [tilespmem:$0x105F0]  }
0x1dc: {  	v42 =	vld [tilespmem:$0x1FE90];
	v0 =	vadd.f32 v5, v0;
	v5 =	vmul.f32 v47, v17  }
0x1dd: {  	v39 =	vld [tilespmem:$0x107F0]  }
0x1de: {  	v4 =	vld [tilespmem:$0x10570];
	v0 =	vadd.f32 v5, v0;
	v5 =	vmul.f32 v1, v6  }
0x1df: {  	v28 =	vmul.f32 v63, v11;
	v63 =	vmul.f32 v55, v10;
	v55 =	vld [tilespmem:$0x1FEB0]  }
0x1e0: {  	v36 =	vld [tilespmem:$0x10670];
	v5 =	vadd.f32 v29, v5  }
0x1e1: {  	v1 =	vld [tilespmem:$0x11070];
	v38 =	vmul.f32 v42, v12  }
0x1e2: {  	v45 =	vmul.f32 v45, v12;
	v51 =	vmul.f32 v51, v13;
	v42 =	vld [tilespmem:$0x10770];
	v5 =	vadd.f32 v28, v5  }
0x1e3: {  	v40 =	vmul.f32 v40, v13;
	v46 =	vmul.f32 v46, v16;
	v29 =	vld [tilespmem:$0x11270];
	v47 =	vadd.f32 v38, v25  }
0x1e4: {  	v0 =	vadd.f32 v45, v0;
	v25 =	vld [tilespmem:$0x110F0];
	v28 =	vmul.f32 v55, v10;
	v55 =	vadd.f32 v51, v5  }
0x1e5: {  	v38 =	vld [tilespmem:$0x11170];
	v45 =	vadd.f32 v63, v47;
	v63 =	vadd.f32 v40, v26  }
0x1e6: {  	v2 =	vmul.f32 v2, v14;
	v26 =	vld [tilespmem:$0x112F0];
	v0 =	vadd.f32 v28, v0;
	v28 =	vadd.f32 v46, v55  }
0x1e7: {  	v5 =	vld [tilespmem:$0x1FEC0]  }
0x1e8: {  	v41 =	vmul.f32 v41, v16;
	v3 =	vmul.f32 v3, v18;
	v51 =	vld [tilespmem:$0x1FED0];
	v2 =	vadd.f32 v2, v28  }
0x1e9: {  	v40 =	vld [tilespmem:$0x11370]  }
0x1ea: {  	v44 =	vmul.f32 v44, v14;
	v41 =	vadd.f32 v41, v63;
	v2 =	vadd.f32 v3, v2;
	v3 =	vld [tilespmem:$0x1FEF0]  }
0x1eb: {  	v47 =	vld [tilespmem:$0x10880]  }
0x1ec: {  	v41 =	vadd.f32 v44, v41;
	v55 =	vmul.f32 v58, v18;
	v58 =	vld [tilespmem:$0x1FEE0];
	v63 =	vmul.f32 v5, v15  }
0x1ed: {  	v44 =	vmul.f32 v49, v19;
	v49 =	vld [tilespmem:$0x10980];
	v46 =	vmul.f32 v51, v15  }
0x1ee: {  	v28 =	vadd.f32 v55, v41;
	v55 =	vld [tilespmem:$0x1FF00];
	v45 =	vadd.f32 v63, v45  }
0x1ef: {  	v5 =	vld [tilespmem:$0x113F0];
	v0 =	vadd.f32 v46, v0;
	v63 =	vmul.f32 v59, v19;
	v3 =	vmul.f32 v3, v7  }
0x1f0: {  	v51 =	vld [tilespmem:$0x10800]  }
0x1f1: {  	v46 =	vld [tilespmem:$0x10900];
	v2 =	vadd.f32 v63, v2;
	v0 =	vadd.f32 v3, v0;
	v3 =	vmul.f32 v32, v21  }
0x1f2: {  	v48 =	vmul.f32 v48, v21;
	v28 =	vadd.f32 v44, v28;
	v41 =	vmul.f32 v58, v7;
	v58 =	vld [tilespmem:$0x10A00]  }
0x1f3: {  	v3 =	vadd.f32 v3, v2;
	v2 =	vld [tilespmem:$0x1FF10]  }
0x1f4: {  	v28 =	vadd.f32 v48, v28;
	v48 =	vmul.f32 v60, v20;
	v60 =	vld [tilespmem:$0x11400]  }
0x1f5: {  	v41 =	vadd.f32 v41, v45;
	v45 =	vld [tilespmem:$0x10A80]  }
0x1f6: {  	v52 =	vmul.f32 v52, v20;
	v44 =	vmul.f32 v55, v8;
	v55 =	vld [tilespmem:$0x10B80]  }
0x1f7: {  	v63 =	vmul.f32 v56, v17;
	v56 =	vld [tilespmem:$0x11580]  }
0x1f8: {  	v32 =	vld [tilespmem:$0x10B00];
	v3 =	vadd.f32 v52, v3;
	v59 =	vmul.f32 v2, v8  }
0x1f9: {  	v57 =	vmul.f32 v57, v17;
	v47 =	vmul.f32 v47, v9;
	v28 =	vadd.f32 v48, v28;
	v52 =	vld [tilespmem:$0x11500]  }
0x1fa: {  	v48 =	vmul.f32 v62, v12;
	v3 =	vadd.f32 v63, v3;
	v0 =	vadd.f32 v59, v0;
	v59 =	vld [tilespmem:$0x1FF20]  }
0x1fb: {  	v28 =	vadd.f32 v57, v28;
	v63 =	vmul.f32 v51, v6;
	v51 =	vmul.f32 v36, v16;
	v36 =	vld [tilespmem:$0x10990]  }
0x1fc: {  	v57 =	vmul.f32 v23, v10;
	v2 =	vadd.f32 v44, v41;
	v44 =	vld [tilespmem:$0x11480];
	v3 =	vadd.f32 v48, v3  }
0x1fd: {  	v48 =	vld [tilespmem:$0x10890]  }
0x1fe: {  	v33 =	vmul.f32 v33, v10;
	v3 =	vadd.f32 v57, v3;
	v57 =	vadd.f32 v47, v63;
	v47 =	vld [tilespmem:$0x10810]  }
0x1ff: {  	v63 =	vmul.f32 v49, v13;
	v49 =	vld [tilespmem:$0x10910];
	v41 =	vmul.f32 v59, v12  }
0x200: {  	v30 =	vmul.f32 v30, v7;
	v35 =	vmul.f32 v35, v15;
	v59 =	vld [tilespmem:$0x11600]  }
0x201: {  	v37 =	vmul.f32 v37, v6;
	v23 =	vadd.f32 v41, v28;
	v41 =	vmul.f32 v61, v9;
	v61 =	vld [tilespmem:$0x11680]  }
0x202: {  	v4 =	vmul.f32 v4, v11;
	v46 =	vmul.f32 v46, v11;
	v28 =	vld [tilespmem:$0x11700]  }
0x203: {  	v62 =	vmul.f32 v53, v15;
	v33 =	vadd.f32 v33, v23;
	v37 =	vadd.f32 v41, v37;
	v23 =	vld [tilespmem:$0x11780]  }
0x204: {  	v41 =	vadd.f32 v46, v57;
	v57 =	vmul.f32 v58, v16;
	v58 =	vmul.f32 v43, v7;
	v43 =	vld [tilespmem:$0x10A90]  }
0x205: {  	v22 =	vmul.f32 v22, v13;
	v3 =	vadd.f32 v35, v3;
	v46 =	vld [tilespmem:$0x1FF30];
	v4 =	vadd.f32 v4, v37  }
0x206: {  	v31 =	vmul.f32 v31, v8;
	v33 =	vadd.f32 v62, v33;
	v53 =	vadd.f32 v63, v41;
	v41 =	vld [tilespmem:$0x10A10]  }
0x207: {  	v3 =	vadd.f32 v30, v3;
	v62 =	vmul.f32 v45, v14;
	v45 =	vld [tilespmem:$0x10B10];
	v4 =	vadd.f32 v22, v4  }
0x208: {  	v35 =	vadd.f32 v57, v53;
	v22 =	vadd.f32 v58, v33;
	v33 =	vld [tilespmem:$0x10B90]  }
0x209: {  	v53 =	vmul.f32 v55, v19;
	v55 =	vmul.f32 v1, v21;
	v1 =	vadd.f32 v31, v3;
	v31 =	vld [tilespmem:$0x11510]  }
0x20a: {  	v57 =	vmul.f32 v60, v21;
	v60 =	vmul.f32 v38, v17;
	v38 =	vld [tilespmem:$0x11690]  }
0x20b: {  	v58 =	vmul.f32 v25, v20;
	v25 =	vld [tilespmem:$0x11790]  }
0x20c: {  	v24 =	vmul.f32 v24, v14;
	v63 =	vmul.f32 v42, v18;
	v42 =	vadd.f32 v62, v35;
	v35 =	vld [tilespmem:$0x11410]  }
0x20d: {  	v37 =	vmul.f32 v46, v8;
	v4 =	vadd.f32 v51, v4;
	v51 =	vmul.f32 v39, v19;
	v39 =	vld [tilespmem:$0x11490]  }
0x20e: {  	v32 =	vmul.f32 v32, v18;
	v62 =	vmul.f32 v44, v20;
	v44 =	vld [tilespmem:$0x11590]  }
0x20f: {  	v22 =	vadd.f32 v37, v22;
	v37 =	vld [tilespmem:$0x108A0]  }
0x210: {  	v4 =	vadd.f32 v24, v4;
	v30 =	vadd.f32 v32, v42;
	v42 =	vld [tilespmem:$0x10820]  }
0x211: {  	v32 =	vld [tilespmem:$0x10920]  }
0x212: {  	v4 =	vadd.f32 v63, v4;
	v3 =	vadd.f32 v53, v30;
	v30 =	vld [tilespmem:$0x11610]  }
0x213: {  	v53 =	vld [tilespmem:$0x10B20];
	v46 =	vmul.f32 v44, v12  }
0x214: {  	v44 =	vld [tilespmem:$0x10BB0];
	v4 =	vadd.f32 v51, v4;
	v3 =	vadd.f32 v57, v3;
	v57 =	vmul.f32 v48, v9  }
0x215: {  	v37 =	vmul.f32 v37, v9;
	v48 =	vld [tilespmem:$0x10AA0];
	v42 =	vmul.f32 v42, v6  }
0x216: {  	v4 =	vadd.f32 v55, v4;
	v3 =	vadd.f32 v62, v3;
	v62 =	vld [tilespmem:$0x10A20]  }
0x217: {  	v27 =	vmul.f32 v27, v12;
	v55 =	vmul.f32 v47, v6;
	v37 =	vadd.f32 v37, v42;
	v42 =	vld [tilespmem:$0x10AC0]  }
0x218: {  	v63 =	vmul.f32 v52, v17;
	v32 =	vmul.f32 v32, v11;
	v4 =	vadd.f32 v58, v4;
	v58 =	vld [tilespmem:$0x109A0]  }
0x219: {  	v29 =	vmul.f32 v29, v10;
	v26 =	vmul.f32 v26, v15;
	v24 =	vadd.f32 v57, v55;
	v57 =	vld [tilespmem:$0x10BA0]  }
0x21a: {  	v3 =	vadd.f32 v63, v3;
	v63 =	vmul.f32 v36, v13;
	v32 =	vadd.f32 v32, v37;
	v37 =	vld [tilespmem:$0x11710]  }
0x21b: {  	v36 =	vmul.f32 v48, v14;
	v48 =	vld [tilespmem:$0x11520];
	v4 =	vadd.f32 v60, v4;
	v60 =	vmul.f32 v49, v11  }
0x21c: {  	v49 =	vmul.f32 v56, v12;
	v56 =	vmul.f32 v43, v14;
	v43 =	vld [tilespmem:$0x11620]  }
0x21d: {  	v51 =	vmul.f32 v41, v16;
	v55 =	vmul.f32 v62, v16;
	v62 =	vld [tilespmem:$0x114A0]  }
0x21e: {  	v24 =	vadd.f32 v60, v24;
	v4 =	vadd.f32 v27, v4;
	v60 =	vmul.f32 v45, v18;
	v27 =	vld [tilespmem:$0x116A0]  }
0x21f: {  	v3 =	vadd.f32 v49, v3;
	v45 =	vld [tilespmem:$0x10840];
	v47 =	vmul.f32 v58, v13;
	v58 =	vmul.f32 v59, v10  }
0x220: {  	v59 =	vld [tilespmem:$0x11420];
	v24 =	vadd.f32 v63, v24;
	v4 =	vadd.f32 v29, v4;
	v63 =	vmul.f32 v53, v18  }
0x221: {  	v53 =	vmul.f32 v61, v15;
	v61 =	vmul.f32 v31, v17;
	v31 =	vld [tilespmem:$0x10930];
	v32 =	vadd.f32 v47, v32  }
0x222: {  	v3 =	vadd.f32 v58, v3;
	v47 =	vld [tilespmem:$0x108C0];
	v24 =	vadd.f32 v51, v24  }
0x223: {  	v51 =	vld [tilespmem:$0x115A0];
	v4 =	vadd.f32 v26, v4;
	v32 =	vadd.f32 v55, v32  }
0x224: {  	v40 =	vmul.f32 v40, v7;
	v3 =	vadd.f32 v53, v3;
	v53 =	vld [tilespmem:$0x10940];
	v24 =	vadd.f32 v56, v24  }
0x225: {  	v55 =	vmul.f32 v57, v19;
	v57 =	vmul.f32 v59, v21;
	v59 =	vld [tilespmem:$0x10830];
	v32 =	vadd.f32 v36, v32  }
0x226: {  	v49 =	vmul.f32 v33, v19;
	v4 =	vadd.f32 v40, v4;
	v40 =	vld [tilespmem:$0x10B30];
	v24 =	vadd.f32 v60, v24  }
0x227: {  	v5 =	vmul.f32 v5, v8;
	v28 =	vmul.f32 v28, v7;
	v60 =	vld [tilespmem:$0x108B0];
	v32 =	vadd.f32 v63, v32  }
0x228: {  	v23 =	vmul.f32 v23, v8;
	v56 =	vmul.f32 v35, v21;
	v35 =	vld [tilespmem:$0x1FF70];
	v24 =	vadd.f32 v49, v24  }
0x229: {  	v58 =	vmul.f32 v39, v20;
	v29 =	vmul.f32 v62, v20;
	v36 =	vld [tilespmem:$0x11720];
	v32 =	vadd.f32 v55, v32  }
0x22a: {  	v39 =	vmul.f32 v27, v15;
	v3 =	vadd.f32 v28, v3;
	v49 =	vld [tilespmem:$0x109B0];
	v24 =	vadd.f32 v56, v24  }
0x22b: {  	v63 =	vmul.f32 v48, v17;
	v48 =	vmul.f32 v51, v12;
	v32 =	vadd.f32 v57, v32;
	v57 =	vld [tilespmem:$0x10A30]  }
0x22c: {  	v24 =	vadd.f32 v58, v24;
	v58 =	vmul.f32 v59, v6;
	v59 =	vmul.f32 v60, v9;
	v60 =	vld [tilespmem:$0x109C0]  }
0x22d: {  	v4 =	vadd.f32 v5, v4;
	v51 =	vmul.f32 v30, v10;
	v9 =	vmul.f32 v47, v9;
	v47 =	vld [tilespmem:$0x10B40]  }
0x22e: {  	v6 =	vmul.f32 v45, v6;
	v45 =	vmul.f32 v37, v7;
	v37 =	vld [tilespmem:$0x1FF80];
	v62 =	vadd.f32 v29, v32  }
0x22f: {  	v3 =	vadd.f32 v23, v3;
	v41 =	vmul.f32 v49, v13;
	v49 =	vld [tilespmem:$0x11430];
	v24 =	vadd.f32 v61, v24  }
0x230: {  	v56 =	vmul.f32 v43, v10;
	v61 =	vld [tilespmem:$0x10AB0];
	v28 =	vadd.f32 v63, v62;
	v62 =	vmul.f32 v38, v15  }
0x231: {  	v63 =	vmul.f32 v31, v11;
	v38 =	vld [tilespmem:$0x10A40];
	v5 =	vadd.f32 v46, v24;
	v24 =	vadd.f32 v59, v58  }
0x232: {  	v6 =	vadd.f32 v9, v6;
	v11 =	vmul.f32 v53, v11;
	v46 =	vmul.f32 v57, v16;
	v57 =	vld [tilespmem:$0x1FF40]  }
0x233: {  	v58 =	vmul.f32 v40, v18;
	v59 =	vld [tilespmem:$0x11440];
	v55 =	vadd.f32 v48, v28;
	v24 =	vadd.f32 v63, v24  }
0x234: {  	v40 =	vld [tilespmem:$0x1FF90];
	v6 =	vadd.f32 v11, v6;
	v43 =	vmul.f32 v60, v13;
	v48 =	vmul.f32 v36, v7  }
0x235: {  	v60 =	vld [tilespmem:$0x1FF50];
	v18 =	vmul.f32 v47, v18;
	v13 =	vmul.f32 v44, v19;
	v24 =	vadd.f32 v41, v24  }
0x236: {  	v36 =	vld [tilespmem:$0x115B0];
	v5 =	vadd.f32 v51, v5;
	v6 =	vadd.f32 v43, v6;
	v16 =	vmul.f32 v38, v16  }
0x237: {  	v23 =	vadd.f32 v56, v55;
	v53 =	vmul.f32 v61, v14;
	v55 =	vld [tilespmem:$0x10BC0];
	v51 =	vadd.f32 v46, v24  }
0x238: {  	v44 =	vld [tilespmem:$0x1FFA0];
	v11 =	vpop (erf);
	v14 =	vmul.f32 v42, v14;
	v5 =	vadd.f32 v62, v5;
	v6 =	vadd.f32 v16, v6  }
0x239: {  	v63 =	vld [tilespmem:$0x114C0];
	v32 =	vmul.f32 v37, v11;
	v9 =	vadd.f32 v39, v23;
	v23 =	vadd.f32 v53, v51  }
0x23a: {  	v56 =	vld [tilespmem:$0x114B0];
	v38 =	vmul.f32 v49, v21;
	v42 =	vmul.f32 v50, v11;
	v6 =	vadd.f32 v14, v6  }
0x23b: {  	v61 =	vld [tilespmem:$0x11530];
	v49 =	vmul.f32 v34, v11;
	v2 =	vmul.f32 v2, v11;
	v23 =	vadd.f32 v58, v23  }
0x23c: {  	v43 =	vld [tilespmem:$0x115C0];
	v0 =	vmul.f32 v0, v11;
	v19 =	vmul.f32 v55, v19;
	v6 =	vadd.f32 v18, v6  }
0x23d: {  	v1 =	vmul.f32 v1, v11;
	v4 =	vmul.f32 v4, v11;
	v39 =	vld [tilespmem:$0x11540];
	v13 =	vadd.f32 v13, v23  }
0x23e: {  	v62 =	vld [tilespmem:$0x1FF60];
	v3 =	vmul.f32 v3, v11;
	v21 =	vmul.f32 v59, v21;
	v6 =	vadd.f32 v19, v6  }
0x23f: {  	v41 =	vld [tilespmem:$0x11630];
	v28 =	vmul.f32 v57, v11;
	[tilespmem:$0x11840] =	vst v32;
	v16 =	vmul.f32 v56, v20;
	v13 =	vadd.f32 v38, v13  }
0x240: {  	v57 =	vld [tilespmem:$0x11740];
	v5 =	vadd.f32 v45, v5;
	[tilespmem:$0x11860] =	vst v42;
	v20 =	vmul.f32 v63, v20;
	v6 =	vadd.f32 v21, v6  }
0x241: {  	[tilespmem:$0x11890] =	vst v49;
	v9 =	vadd.f32 v48, v9;
	v48 =	vld [tilespmem:$0x11640];
	v47 =	vmul.f32 v61, v17;
	v13 =	vadd.f32 v16, v13  }
0x242: {  	v45 =	vld [tilespmem:$0x116B0];
	v46 =	vmul.f32 v54, v11;
	[tilespmem:$0x118A0] =	vst v2;
	v17 =	vmul.f32 v39, v17;
	v6 =	vadd.f32 v20, v6  }
0x243: {  	v27 =	vmul.f32 v36, v12;
	[tilespmem:$0x118B0] =	vst v0;
	v14 =	vmul.f32 v60, v11;
	v51 =	vld [tilespmem:$0x116C0];
	v13 =	vadd.f32 v47, v13  }
0x244: {  	v54 =	vld [tilespmem:$0x11730];
	[tilespmem:$0x118D0] =	vst v1;
	v12 =	vmul.f32 v43, v12;
	v55 =	vmul.f32 v22, v11;
	v6 =	vadd.f32 v17, v6  }
0x245: {  	[tilespmem:$0x118E0] =	vst v4;
	v53 =	vld [tilespmem:$0x117A0];
	v61 =	vmul.f32 v25, v8;
	v56 =	vmul.f32 v41, v10;
	v13 =	vadd.f32 v27, v13  }
0x246: {  	[tilespmem:$0x118F0] =	vst v3;
	v30 =	vmul.f32 v62, v11;
	v58 =	vld [tilespmem:$0x117B0];
	v10 =	vmul.f32 v48, v10;
	v6 =	vadd.f32 v12, v6  }
0x247: {  	[tilespmem:$0x11800] =	vst v28;
	v60 =	vld [tilespmem:$0x117C0];
	v18 =	vmul.f32 v35, v11;
	v59 =	vmul.f32 v45, v15;
	v13 =	vadd.f32 v56, v13  }
0x248: {  	[tilespmem:$0x11810] =	vst v14;
	v14 =	vmul.f32 v44, v11;
	v15 =	vmul.f32 v51, v15;
	v6 =	vadd.f32 v10, v6  }
0x249: {  	[tilespmem:$0x11880] =	vst v46;
	v5 =	vadd.f32 v61, v5;
	v62 =	vmul.f32 v54, v7;
	v2 =	vadd.f32 v59, v13  }
0x24a: {  	[tilespmem:$0x118C0] =	vst v55;
	v7 =	vmul.f32 v57, v7;
	v0 =	vmul.f32 v53, v8;
	v6 =	vadd.f32 v15, v6  }
0x24b: {  	[tilespmem:$0x11820] =	vst v30;
	v19 =	vmul.f32 v40, v11;
	v63 =	vmul.f32 v58, v8;
	v2 =	vadd.f32 v62, v2  }
0x24c: {  	[tilespmem:$0x11830] =	vst v18;
	v0 =	vadd.f32 v0, v9;
	v1 =	vadd.f32 v7, v6;
	v6 =	vmul.f32 v60, v8  }
0x24d: {  	s24 =	sshrl.u32 s21, $0x3;
	[tilespmem:$0x11870] =	vst v14;
	v4 =	vmul.f32 v5, v11;
	v2 =	vadd.f32 v63, v2  }
0x24e: {  	s24 =	smul.u32 $0xC00, s24;
	[tilespmem:$0x11850] =	vst v19;
	v0 =	vmul.f32 v0, v11;
	v1 =	vadd.f32 v6, v1  }
0x24f: {  	s25 =	sand.u32 $0x380, s23;
	[tilespmem:$0x11900] =	vst v4;
	v2 =	vmul.f32 v2, v11  }
0x250: {  	s24 =	sor.u32 s25, s24;
	v50 =	vld [tilespmem:$0x1FFF0];
	[tilespmem:$0x11910] =	vst v0;
	v0 =	vmul.f32 v1, v11  }
0x251: {  	p0 =	sne.s32 s23, $0x7F80;
	s24 =	sshrl.u32 s24, $0x3;
	v5 =	vld [tilespmem:$0x1FFC0];
	[tilespmem:$0x11920] =	vst v2  }
.Ltmp0:
0x252: {  	s24 =	sadd.s32 s5, s24;
	v4 =	vld [tilespmem:$0x1FFE0];
	[tilespmem:$0x11930] =	vst v0;
	(pc) =	sbr.rel @p0 .LBB2_2-.Ltmp0, $4  }
0x253: {  	v6 =	vld [tilespmem:$0x1FFB0];
	[hbm4b:s24+s16] =	stream.strided.scatter [tilespmem:s18], [sflag:$0x2], $0x180, s17, s16, $0x38  }
0x254: {  	v2 =	vld [tilespmem:$0x1FFD0];
	_ =	swait.ge [sflag:s10], $0x180  }
0x255: {  	s22 =	sadd.s32 $0x80, s22;
	s21 =	sadd.s32 $0x1, s21;
	[sflag:s10] =	ssyncset.done $0x0  }
0x256: {  	s23 =	sadd.s32 $0x80, s23;
	s20 =	sadd.s32 $0x80, s20;
	v52 =	vimm.s32 $0x0;
	[sflag:s10] =	ssyncadd.s32 $0xFFFFFE80  }
0x257: {  	s19 =	sadd.s32 $0x1, s19  }
0x258: {  	p0 =	sne.s32 s19, s9  }
.Ltmp1:
0x259: {  	_ = 	snop;
	(pc) =	sbr.rel @p0 .LBB2_1-.Ltmp1, $1  }
0x25a: {  	_ =	sdelay $0x3  }
0x25b: {  	_ =	sfence.sel $0x180000  }
0x25c: {  	[bflag:$0x0] =	sbarrier.arrive $0xFFFF  }
0x25d: {  	p0 =	sne.s32 s1, $0x0;
	_ =	strace $0x90000047  }
0x25e: {  	s0 =	sadd.s32 @!p0 $0x100000, s0;
	[bflag:$0x2] =	sbarrier.arrive $0xFFFF  }
0x25f: {  	[sflag:s0] =	ssyncadd.tile.s32 @!p0 $0x1;
	_ =	shalt  }
.Lfunc_end2:
_tile_overlayer_lowered:
.L_overlay_start_2:
0x260: {  	(tag) =	ssettag $0x2  }
0x261: {  	s0 =	rddreg [dreg:$0x0];
	s2 =	stileid.u32  }
0x262: {  	s1 =	rddreg [dreg:$0x1];
	p0 =	sne.s32 s2, $0x0  }
0x263: {  	s3 =	rddreg [dreg:$0x2];
	[bflag:$0x3] =	sbarrier.arrive $0xFFFF;
	s2 =	simm.s32 @!p0 $0x1C02  }
0x264: {  	[timem:s3], [sflag:s2] =	dma.local @!p0 [hbm:s0], s1  }
0x265: {  	s0 =	simm.s32 @!p0 $0x2  }
0x266: {  	_ =	swait.ge @!p0 [sflag:s0], s1  }
0x267: {  	s1 =	ssub.s32 @!p0 $0x0, s1;
	[sflag:s0] =	ssyncset.done @!p0 $0x0  }
0x268: {  	[sflag:s0] =	ssyncadd.s32 @!p0 s1  }
0x269: {  	[bflag:$0x3] =	sbarrier.arrive $0xFFFF  }
0x26a: {  	_ =	shalt  }

</sc_bundles>
